<compile_context>
chip_gen: v7x
topology: tpu7x:2x2x1
jax: 0.10.2.dev20260603
libtpu: 0.0.44.dev20260713+nightly
codegen_flags: <defaults>
</compile_context>

<pallas_src>
import functools

import jax
import jax.numpy as jnp
from jax import lax
from jax.experimental import pallas as pl
from jax.experimental.pallas import tpu as pltpu
from jax.experimental.pallas import tpu_sc as plsc

N = 100000
E = 1600000
IDXW = 128
SUPR = 4
EPAD = 1605632
NROWS = EPAD // IDXW
PADE = EPAD - E
ANODES = N + 8
RB = 5000
GRID = N // RB

def _mesh():
    return plsc.VectorSubcoreMesh(core_axis_name="c", subcore_axis_name="s")

ANODES1 = 16 * 6272
DEG_CH = 6272
ACC_CH = 6256
ACC_LAST = N - 15 * ACC_CH




def _sc_degree(idxp, zeros1d):

    @functools.partial(
        pl.kernel,
        out_type=(jax.ShapeDtypeStruct((ANODES1,), jnp.float32),
                  jax.ShapeDtypeStruct((ANODES1,), jnp.float32)),
        scratch_types=[
            pltpu.VMEM((SUPR, IDXW), jnp.int32),
            pltpu.VMEM((SUPR, IDXW), jnp.int32),
            pltpu.VMEM((IDXW,), jnp.float32),
            pltpu.VMEM_SHARED((ANODES1,), jnp.float32),
            pltpu.SemaphoreType.DMA,
            pltpu.SemaphoreType.DMA,
        ],
        mesh=_mesh(),
        compiler_params=pltpu.CompilerParams(use_tc_tiling_on_sc=False),
    )
    def deg_kernel(idx_ref, z_ref, o0_ref, o1_ref, idx0_v, idx1_v, ones_v,
                   acc, ssem0, ssem1):
        c = lax.axis_index("c")
        s = lax.axis_index("s")

        pltpu.sync_copy(z_ref.at[pl.ds(s * DEG_CH, DEG_CH)],
                        acc.at[pl.ds(s * DEG_CH, DEG_CH)])
        for i in range(IDXW // 16):
            ones_v[pl.ds(i * 16, 16)] = jnp.ones((16,), jnp.float32)
        plsc.subcore_barrier()

        base = c * (NROWS // 2) + s * (NROWS // 32)
        bufs = ((idx0_v, ssem0), (idx1_v, ssem1))

        def scat(idx_v, ssem, j):
            return pltpu.make_async_copy(ones_v, acc.at[idx_v.at[j]], ssem)

        def body(g, carry):
            for b, (idx_v, ssem) in enumerate(bufs):
                @pl.when(g > 0)
                def _():
                    for j in range(SUPR):
                        scat(idx_v, ssem, j).wait()

                rb = base + (2 * g + b) * SUPR
                pltpu.sync_copy(idx_ref.at[2, pl.ds(rb, SUPR)], idx_v)
                for j in range(SUPR):
                    scat(idx_v, ssem, j).start(add=True)
            return carry

        lax.fori_loop(0, NROWS // 32 // SUPR // 2, body, 0)
        for idx_v, ssem in bufs:
            for j in range(SUPR):
                scat(idx_v, ssem, j).wait()
        plsc.subcore_barrier()

        @pl.when(c == 0)
        def _():
            pltpu.sync_copy(acc.at[pl.ds(s * DEG_CH, DEG_CH)],
                            o0_ref.at[pl.ds(s * DEG_CH, DEG_CH)])

        @pl.when(c == 1)
        def _():
            pltpu.sync_copy(acc.at[pl.ds(s * DEG_CH, DEG_CH)],
                            o1_ref.at[pl.ds(s * DEG_CH, DEG_CH)])

    return deg_kernel(idxp, zeros1d)


def _sc_edge_sum(idxp, ytab, zeros2d, feature_split):
    npairs = (NROWS // 16 if feature_split else NROWS // 32) // SUPR // 2

    @functools.partial(
        pl.kernel,
        out_type=jax.ShapeDtypeStruct((2, N, 16), jnp.float32),
        scratch_types=[
            pltpu.VMEM((SUPR, IDXW), jnp.int32),
            pltpu.VMEM((SUPR, IDXW), jnp.int32),
            pltpu.VMEM((SUPR, IDXW), jnp.int32),
            pltpu.VMEM((SUPR, IDXW), jnp.int32),
            pltpu.VMEM((SUPR, IDXW, 16), jnp.float32),
            pltpu.VMEM((SUPR, IDXW, 16), jnp.float32),
            pltpu.VMEM_SHARED((ANODES, 16), jnp.float32),
            pltpu.SemaphoreType.DMA,
            pltpu.SemaphoreType.DMA,
            pltpu.SemaphoreType.DMA,
            pltpu.SemaphoreType.DMA,
        ],
        mesh=_mesh(),
        compiler_params=pltpu.CompilerParams(use_tc_tiling_on_sc=False),
    )
    def conv_kernel(idx_ref, tab_ref, z_ref, out_ref,
                    src0_v, src1_v, dst0_v, dst1_v, rows0_v, rows1_v, acc,
                    gsem0, gsem1, ssem0, ssem1):
        c = lax.axis_index("c")
        s = lax.axis_index("s")

        @pl.when(s < 15)
        def _():
            pltpu.sync_copy(z_ref.at[pl.ds(s * ACC_CH, ACC_CH)],
                            acc.at[pl.ds(s * ACC_CH, ACC_CH)])

        @pl.when(s == 15)
        def _():
            pltpu.sync_copy(z_ref.at[pl.ds(15 * ACC_CH, ACC_LAST)],
                            acc.at[pl.ds(15 * ACC_CH, ACC_LAST)])

        plsc.subcore_barrier()

        if feature_split:
            base = s * (NROWS // 16)
        else:
            base = c * (NROWS // 2) + s * (NROWS // 32)

        bufs = ((src0_v, dst0_v, rows0_v, gsem0, ssem0),
                (src1_v, dst1_v, rows1_v, gsem1, ssem1))

        def scat(dst_v, rows_v, ssem, j):
            return pltpu.make_async_copy(
                rows_v.at[j], acc.at[dst_v.at[j]], ssem)

        def body(g, carry):
            gd = []
            for b, (src_v, dst_v, rows_v, gsem, ssem) in enumerate(bufs):
                @pl.when(g > 0)
                def _():
                    for j in range(SUPR):
                        scat(dst_v, rows_v, ssem, j).wait()

                rb = base + (2 * g + b) * SUPR
                if feature_split:
                    pltpu.sync_copy(idx_ref.at[c, pl.ds(rb, SUPR)], src_v)
                else:
                    pltpu.sync_copy(idx_ref.at[0, pl.ds(rb, SUPR)], src_v)
                pltpu.sync_copy(idx_ref.at[2, pl.ds(rb, SUPR)], dst_v)
                gd.append([
                    pltpu.async_copy(tab_ref.at[src_v.at[j]],
                                     rows_v.at[j], gsem)
                    for j in range(SUPR)
                ])
            for b, (src_v, dst_v, rows_v, gsem, ssem) in enumerate(bufs):
                for d in gd[b]:
                    d.wait()
                for j in range(SUPR):
                    scat(dst_v, rows_v, ssem, j).start(add=True)
            return carry

        lax.fori_loop(0, npairs, body, 0)
        for src_v, dst_v, rows_v, gsem, ssem in bufs:
            for j in range(SUPR):
                scat(dst_v, rows_v, ssem, j).wait()
        plsc.subcore_barrier()

        @pl.when(s < 15)
        def _():
            pltpu.sync_copy(acc.at[pl.ds(s * ACC_CH, ACC_CH)],
                            out_ref.at[c, pl.ds(s * ACC_CH, ACC_CH)])

        @pl.when(s == 15)
        def _():
            pltpu.sync_copy(acc.at[pl.ds(15 * ACC_CH, ACC_LAST)],
                            out_ref.at[c, pl.ds(15 * ACC_CH, ACC_LAST)])

    return conv_kernel(idxp, ytab, zeros2d)




def _elu(z):
    return jnp.where(z > 0, z, jnp.exp(jnp.minimum(z, 0.0)) - 1.0)


def _full(shape):
    return pl.BlockSpec(shape, lambda i: tuple(0 for _ in shape))


def _rows(cols):
    return pl.BlockSpec((RB, cols), lambda i: (i, 0))


def _halves():
    return pl.BlockSpec((2, RB, 16), lambda i: (0, i, 0))


_DEG = pl.BlockSpec((1, 1, RB), lambda i: (i, 0, 0))


def _dinv_of(d0_ref, d1_ref, i):
    del i
    deg = d0_ref[0, 0] + d1_ref[0, 0] + 1.0
    return lax.rsqrt(deg)[:, None]


def _accumulate(i, acc_ref, st_ref, *stats):
    @pl.when(i == 0)
    def _():
        acc_ref[...] = jnp.zeros_like(acc_ref)

    acc_ref[...] = acc_ref[...] + jnp.stack(stats).reshape(acc_ref.shape)

    @pl.when(i == GRID - 1)
    def _():
        st_ref[...] = acc_ref[...]


def _k_linear(xb, w, b, kin, kout):

    def body(x_ref, w_ref, b_ref, z_ref, st_ref, acc_ref):
        i = pl.program_id(0)
        z = jnp.dot(x_ref[...], w_ref[...],
                    preferred_element_type=jnp.float32) + b_ref[...]
        z_ref[...] = z
        _accumulate(i, acc_ref, st_ref, jnp.sum(z, 0), jnp.sum(z * z, 0))

    return pl.pallas_call(
        body,
        grid=(GRID,),
        in_specs=[_rows(kin), _full((kin, kout)), _full((1, kout))],
        out_specs=[_rows(kout), _full((2, kout))],
        out_shape=[jax.ShapeDtypeStruct((N, kout), jnp.float32),
                   jax.ShapeDtypeStruct((2, kout), jnp.float32)],
        scratch_shapes=[pltpu.VMEM((2, kout), jnp.float32)],
    )(xb, w, b)


def _k_norm_linear(zb, sc, sh, w, b, kin, kout):

    def body(z_ref, sc_ref, sh_ref, w_ref, b_ref, z2_ref, st_ref, acc_ref):
        i = pl.program_id(0)
        a = _elu(z_ref[...] * sc_ref[...] + sh_ref[...])
        z2 = jnp.dot(a, w_ref[...], preferred_element_type=jnp.float32) + b_ref[...]
        z2_ref[...] = z2
        _accumulate(i, acc_ref, st_ref, jnp.sum(z2, 0), jnp.sum(z2 * z2, 0))

    return pl.pallas_call(
        body,
        grid=(GRID,),
        in_specs=[_rows(kin), _full((1, kin)), _full((1, kin)),
                  _full((kin, kout)), _full((1, kout))],
        out_specs=[_rows(kout), _full((2, kout))],
        out_shape=[jax.ShapeDtypeStruct((N, kout), jnp.float32),
                   jax.ShapeDtypeStruct((2, kout), jnp.float32)],
        scratch_shapes=[pltpu.VMEM((2, kout), jnp.float32)],
    )(zb, sc, sh, w, b)


def _k_ytab1(z2, sc, sh, wg1r, d0, d1):

    def body(z_ref, sc_ref, sh_ref, w_ref, d0_ref, d1_ref, y_ref):
        h2 = _elu(z_ref[...] * sc_ref[...] + sh_ref[...])
        dinv = _dinv_of(d0_ref, d1_ref, pl.program_id(0))
        y_ref[0] = dinv * jnp.dot(h2, w_ref[0], preferred_element_type=jnp.float32)
        y_ref[1] = dinv * jnp.dot(h2, w_ref[1], preferred_element_type=jnp.float32)

    return pl.pallas_call(
        body,
        grid=(GRID,),
        in_specs=[_rows(32), _full((1, 32)), _full((1, 32)),
                  _full((2, 32, 16)), _DEG, _DEG],
        out_specs=_halves(),
        out_shape=jax.ShapeDtypeStruct((2, N, 16), jnp.float32),
    )(z2, sc, sh, wg1r, d0, d1)


def _k_combine1(acc1, ytab1, d0, d1, bg1h):

    def body(a_ref, y_ref, d0_ref, d1_ref, b_ref, u_ref, st_ref, acc_ref):
        i = pl.program_id(0)
        dinv = _dinv_of(d0_ref, d1_ref, i)
        u0 = dinv * (y_ref[0] + a_ref[0]) + b_ref[0]
        u1 = dinv * (y_ref[1] + a_ref[1]) + b_ref[1]
        u_ref[0] = u0
        u_ref[1] = u1
        _accumulate(i, acc_ref, st_ref,
                    jnp.sum(u0, 0), jnp.sum(u1, 0),
                    jnp.sum(u0 * u0, 0), jnp.sum(u1 * u1, 0))

    return pl.pallas_call(
        body,
        grid=(GRID,),
        in_specs=[_halves(), _halves(), _DEG, _DEG, _full((2, 1, 16))],
        out_specs=[_halves(), _full((2, 2, 16))],
        out_shape=[jax.ShapeDtypeStruct((2, N, 16), jnp.float32),
                   jax.ShapeDtypeStruct((2, 2, 16), jnp.float32)],
        scratch_shapes=[pltpu.VMEM((2, 2, 16), jnp.float32)],
    )(acc1, ytab1, d0, d1, bg1h)


def _k_y2(u, sc3h, sh3h, wg2r, d0, d1):

    def body(u_ref, sc_ref, sh_ref, w_ref, d0_ref, d1_ref, y_ref):
        h0 = jnp.maximum(u_ref[0] * sc_ref[0] + sh_ref[0], 0.0)
        h1 = jnp.maximum(u_ref[1] * sc_ref[1] + sh_ref[1], 0.0)
        xw = (jnp.dot(h0, w_ref[0], preferred_element_type=jnp.float32)
              + jnp.dot(h1, w_ref[1], preferred_element_type=jnp.float32))
        y_ref[...] = _dinv_of(d0_ref, d1_ref, pl.program_id(0)) * xw

    return pl.pallas_call(
        body,
        grid=(GRID,),
        in_specs=[_halves(), _full((2, 1, 16)), _full((2, 1, 16)),
                  _full((2, 16, 16)), _DEG, _DEG],
        out_specs=_rows(16),
        out_shape=jax.ShapeDtypeStruct((N, 16), jnp.float32),
    )(u, sc3h, sh3h, wg2r, d0, d1)


def _k_combine2(acc2, y2, d0, d1, bg2):

    def body(a_ref, y_ref, d0_ref, d1_ref, b_ref, v_ref, st_ref, acc_ref):
        i = pl.program_id(0)
        dinv = _dinv_of(d0_ref, d1_ref, i)
        v = dinv * (y_ref[...] + a_ref[0] + a_ref[1]) + b_ref[...]
        v_ref[...] = v
        _accumulate(i, acc_ref, st_ref, jnp.sum(v, 0), jnp.sum(v * v, 0))

    return pl.pallas_call(
        body,
        grid=(GRID,),
        in_specs=[_halves(), _rows(16), _DEG, _DEG, _full((1, 16))],
        out_specs=[_rows(16), _full((2, 16))],
        out_shape=[jax.ShapeDtypeStruct((N, 16), jnp.float32),
                   jax.ShapeDtypeStruct((2, 16), jnp.float32)],
        scratch_shapes=[pltpu.VMEM((2, 16), jnp.float32)],
    )(acc2, y2, d0, d1, bg2)


def _k_norm(v, sc, sh):
    def body(v_ref, sc_ref, sh_ref, o_ref):
        o_ref[...] = v_ref[...] * sc_ref[...] + sh_ref[...]

    return pl.pallas_call(
        body,
        grid=(GRID,),
        in_specs=[_rows(16), _full((1, 16)), _full((1, 16))],
        out_specs=_rows(16),
        out_shape=jax.ShapeDtypeStruct((N, 16), jnp.float32),
    )(v, sc, sh)


def _bn_fold(st, gamma, beta, eps):
    mu = st[0] / N
    var = st[1] / N - mu * mu
    scale = gamma / jnp.sqrt(var + eps)
    shift = beta - mu * scale
    return scale, shift




def kernel(x, edge_index, W1, b1, g1, be1, W2, b2, g2, be2,
           Wg1, bg1, gg1, gb1, Wg2, bg2, gg2, gb2):
    src = edge_index[0].astype(jnp.int32)
    dst = edge_index[1].astype(jnp.int32)
    srcp = jnp.concatenate([src, jnp.zeros((PADE,), jnp.int32)])
    idxp = jnp.stack([
        srcp,
        srcp + N,
        jnp.concatenate([dst, jnp.full((PADE,), N, jnp.int32)]),
    ]).reshape(3, NROWS, IDXW)
    zeros1d = jnp.zeros((ANODES1,), jnp.float32)
    zeros2d = jnp.zeros((N, 16), jnp.float32)

    d0, d1 = _sc_degree(idxp, zeros1d)
    d0 = d0[:N].reshape(GRID, 1, RB)
    d1 = d1[:N].reshape(GRID, 1, RB)

    z1, st1 = _k_linear(x, W1, b1.reshape(1, 64), 128, 64)
    sc1, sh1 = _bn_fold(st1, g1, be1, 1e-3)
    z2, st2 = _k_norm_linear(z1, sc1.reshape(1, 64), sh1.reshape(1, 64),
                             W2, b2.reshape(1, 32), 64, 32)
    sc2, sh2 = _bn_fold(st2, g2, be2, 1e-3)

    ytab1 = _k_ytab1(z2, sc2.reshape(1, 32), sh2.reshape(1, 32),
                     Wg1.reshape(32, 2, 16).transpose(1, 0, 2), d0, d1)
    acc1 = _sc_edge_sum(idxp, ytab1.reshape(2 * N, 16), zeros2d,
                        feature_split=True)
    u, st3h = _k_combine1(acc1, ytab1, d0, d1, bg1.reshape(2, 1, 16))
    st3 = st3h.reshape(2, 32)
    sc3, sh3 = _bn_fold(st3, gg1, gb1, 1e-5)

    y2 = _k_y2(u, sc3.reshape(2, 1, 16), sh3.reshape(2, 1, 16),
               Wg2.reshape(2, 16, 16), d0, d1)
    acc2 = _sc_edge_sum(idxp, y2, zeros2d, feature_split=False)
    v, st4 = _k_combine2(acc2, y2, d0, d1, bg2.reshape(1, 16))
    sc4, sh4 = _bn_fold(st4, gg2, gb2, 1e-5)
    return _k_norm(v, sc4.reshape(1, 16), sh4.reshape(1, 16))

# --- scband reference (transcript-rebuilt; emitter-appended) ---
"""Pipeline reference for scband-encoder-352187318911 (READ-ONLY COPY).

The authoritative reference and input builder live on the scoring server;
editing this copy changes nothing except your own understanding.
"""

import jax, jax.numpy as jnp
import numpy as np

N = 100000
E = 1600000
IN_DIM = 128
H1 = 64
H2 = 32
GH = 32
LAT = 16


def setup_inputs(seed: int = 0) -> dict:
    key = jax.random.key(seed)
    ks = jax.random.split(key, 20)
    inp = {}
    inp["x"] = jax.random.normal(ks[0], (N, IN_DIM), dtype=jnp.float32)
    inp["edge_index"] = jax.random.randint(ks[1], (2, E), 0, N, dtype=jnp.int32)
    # encoder L1: Linear(128 -> 64) + BN(64)
    inp["W1"] = jax.random.normal(ks[2], (IN_DIM, H1), dtype=jnp.float32) * 0.05
    inp["b1"] = jnp.zeros((H1,), dtype=jnp.float32)
    inp["g1"] = jnp.ones((H1,), dtype=jnp.float32)
    inp["be1"] = jnp.zeros((H1,), dtype=jnp.float32)
    # encoder L2: Linear(64 -> 32) + BN(32)
    inp["W2"] = jax.random.normal(ks[3], (H1, H2), dtype=jnp.float32) * 0.05
    inp["b2"] = jnp.zeros((H2,), dtype=jnp.float32)
    inp["g2"] = jnp.ones((H2,), dtype=jnp.float32)
    inp["be2"] = jnp.zeros((H2,), dtype=jnp.float32)
    # gc1: GCNConv(32 -> 32) + BN(32)
    inp["Wg1"] = jax.random.normal(ks[4], (H2, GH), dtype=jnp.float32) * 0.05
    inp["bg1"] = jnp.zeros((GH,), dtype=jnp.float32)
    inp["gg1"] = jnp.ones((GH,), dtype=jnp.float32)
    inp["gb1"] = jnp.zeros((GH,), dtype=jnp.float32)
    # gc2: GCNConv(32 -> 16) + BN(16)
    inp["Wg2"] = jax.random.normal(ks[5], (GH, LAT), dtype=jnp.float32) * 0.05
    inp["bg2"] = jnp.zeros((LAT,), dtype=jnp.float32)
    inp["gg2"] = jnp.ones((LAT,), dtype=jnp.float32)
    inp["gb2"] = jnp.zeros((LAT,), dtype=jnp.float32)
    return inp


def _batchnorm(x, gamma, beta, eps):
    mu = jnp.mean(x, axis=0)
    var = jnp.var(x, axis=0)
    return (x - mu) / jnp.sqrt(var + eps) * gamma + beta


def _gcn_conv(x, edge_index, W, b):
    n = x.shape[0]
    xw = x @ W
    loop = jnp.arange(n, dtype=edge_index.dtype)
    src = jnp.concatenate([edge_index[0], loop])
    dst = jnp.concatenate([edge_index[1], loop])
    deg = jnp.zeros((n,), dtype=xw.dtype).at[dst].add(1.0)
    dinv = jnp.where(deg > 0, 1.0 / jnp.sqrt(deg), 0.0)
    norm = dinv[src] * dinv[dst]
    msg = xw[src] * norm[:, None]
    out = jnp.zeros((n, W.shape[1]), dtype=xw.dtype).at[dst].add(msg)
    return out + b


def reference(x, edge_index, W1, b1, g1, be1, W2, b2, g2, be2, Wg1, bg1, gg1, gb1, Wg2, bg2, gg2, gb2):
    # encoder: full_block x2 (Linear -> BN(eps=1e-3) -> ELU; dropout is identity in eval)
    h = jax.nn.elu(_batchnorm(x @ W1 + b1, g1, be1, 1e-3))
    h = jax.nn.elu(_batchnorm(h @ W2 + b2, g2, be2, 1e-3))
    # gc1: GCNConv -> BN(eps=1e-5) -> relu
    h = jax.nn.relu(_batchnorm(_gcn_conv(h, edge_index, Wg1, bg1), gg1, gb1, 1e-5))
    # gc2: GCNConv -> BN(eps=1e-5) -> identity act
    h = _batchnorm(_gcn_conv(h, edge_index, Wg2, bg2), gg2, gb2, 1e-5)
    return h

if __name__ == "__main__":
    import jax
    _d = setup_inputs()
    print(jax.jit(kernel)(*tuple(_d.values())))

</pallas_src>

<mosaic_0001>
#map = affine_map<(d0, d1) -> (0, 0, 0)>
#map1 = affine_map<(d0, d1) -> (0, 0)>
module attributes {stable_mosaic.version = 14 : i64} {
  func.func @conv_kernel(%arg0: i32, %arg1: i32, %arg2: memref<3x12544x128xi32, #tpu.memory_space<hbm>>, %arg3: memref<200000x16xf32, #tpu.memory_space<hbm>>, %arg4: memref<100000x16xf32, #tpu.memory_space<hbm>>, %arg5: memref<2x100000x16xf32, #tpu.memory_space<hbm>>, %arg6: memref<4x128xi32, #tpu.memory_space<vmem>>, %arg7: memref<4x128xi32, #tpu.memory_space<vmem>>, %arg8: memref<4x128xi32, #tpu.memory_space<vmem>>, %arg9: memref<4x128xi32, #tpu.memory_space<vmem>>, %arg10: memref<4x128x16xf32, #tpu.memory_space<vmem>>, %arg11: memref<4x128x16xf32, #tpu.memory_space<vmem>>, %arg12: memref<100008x16xf32, #tpu.memory_space<vmem_shared>>, %arg13: memref<!tpu.dma_semaphore, #tpu.memory_space<semaphore_mem>>, %arg14: memref<!tpu.dma_semaphore, #tpu.memory_space<semaphore_mem>>, %arg15: memref<!tpu.dma_semaphore, #tpu.memory_space<semaphore_mem>>, %arg16: memref<!tpu.dma_semaphore, #tpu.memory_space<semaphore_mem>>) attributes {dimension_semantics = [#tpu.dimension_semantics<core_parallel>, #tpu.dimension_semantics<subcore_parallel>], iteration_bounds = array<i64: 2, 16>, scalar_prefetch = 0 : i64, scratch_operands = 11 : i64, tpu.core_type = #tpu.core_type<sc_vector_subcore>, window_params = [{transform_indices = #map}, {transform_indices = #map1}, {transform_indices = #map1}, {transform_indices = #map}]} {
    %lt3A = arith.constant 15 : i32
    %lt3A_0 = arith.cmpi slt, %arg1, %lt3A : i32
    %convert_element_type3A = arith.extui %lt3A_0 : i1 to i32
    %cond3A = arith.constant 0 : i32
    %cond3A_1 = arith.cmpi ne, %convert_element_type3A, %cond3A : i32
    scf.if %cond3A_1 {
      %mul3A_118 = arith.constant 6256 : i32
      %mul3A_119 = arith.muli %arg1, %mul3A_118 : i32
      %mul3A_120 = arith.constant 6256 : i32
      %mul3A_121 = arith.muli %arg1, %mul3A_120 : i32
      "tpu.region"() ({
        %run_scoped3A = tpu.sem_alloc : memref<!tpu.dma_semaphore, #tpu.memory_space<semaphore_mem>>
        %dma_start3A = arith.constant 0 : i32
        %dma_start3A_122 = tpu.memref_slice %arg12[%mul3A_121, %dma_start3A] : memref<100008x16xf32, #tpu.memory_space<vmem_shared>> -> memref<6256x16xf32, #tpu.memory_space<vmem_shared>>
        %dma_start3A_123 = arith.constant 0 : i32
        %dma_start3A_124 = tpu.memref_slice %arg4[%mul3A_119, %dma_start3A_123] : memref<100000x16xf32, #tpu.memory_space<hbm>> -> memref<6256x16xf32, #tpu.memory_space<hbm>>
        tpu.enqueue_dma source(%dma_start3A_124 : memref<6256x16xf32, #tpu.memory_space<hbm>>) target(%dma_start3A_122 : memref<6256x16xf32, #tpu.memory_space<vmem_shared>>) target_semaphore(%run_scoped3A : memref<!tpu.dma_semaphore, #tpu.memory_space<semaphore_mem>>)
        %dma_wait3A_125 = arith.constant 0 : i32
        %dma_wait3A_126 = tpu.memref_slice %arg12[%mul3A_121, %dma_wait3A_125] : memref<100008x16xf32, #tpu.memory_space<vmem_shared>> -> memref<6256x16xf32, #tpu.memory_space<vmem_shared>>
        %dma_wait3A_127 = arith.constant 0 : i32
        %dma_wait3A_128 = tpu.memref_slice %arg4[%mul3A_119, %dma_wait3A_127] : memref<100000x16xf32, #tpu.memory_space<hbm>> -> memref<6256x16xf32, #tpu.memory_space<hbm>>
        tpu.wait_dma2 semaphore(%run_scoped3A : memref<!tpu.dma_semaphore, #tpu.memory_space<semaphore_mem>>) src(%dma_wait3A_128 : memref<6256x16xf32, #tpu.memory_space<hbm>>) dst(%dma_wait3A_126 : memref<6256x16xf32, #tpu.memory_space<vmem_shared>>)
        tpu.yield
      }) : () -> ()
    } else {
    }
    %eq3A = arith.constant 15 : i32
    %eq3A_2 = arith.cmpi eq, %arg1, %eq3A : i32
    %convert_element_type3A_3 = arith.extui %eq3A_2 : i1 to i32
    %cond3A_4 = arith.constant 0 : i32
    %cond3A_5 = arith.cmpi ne, %convert_element_type3A_3, %cond3A_4 : i32
    scf.if %cond3A_5 {
      "tpu.region"() ({
        %run_scoped3A = tpu.sem_alloc : memref<!tpu.dma_semaphore, #tpu.memory_space<semaphore_mem>>
        %dma_start3A = arith.constant 93840 : i32
        %dma_start3A_118 = arith.constant 0 : i32
        %dma_start3A_119 = tpu.memref_slice %arg12[%dma_start3A, %dma_start3A_118] : memref<100008x16xf32, #tpu.memory_space<vmem_shared>> -> memref<6160x16xf32, #tpu.memory_space<vmem_shared>>
        %dma_start3A_120 = arith.constant 93840 : i32
        %dma_start3A_121 = arith.constant 0 : i32
        %dma_start3A_122 = tpu.memref_slice %arg4[%dma_start3A_120, %dma_start3A_121] : memref<100000x16xf32, #tpu.memory_space<hbm>> -> memref<6160x16xf32, #tpu.memory_space<hbm>>
        tpu.enqueue_dma source(%dma_start3A_122 : memref<6160x16xf32, #tpu.memory_space<hbm>>) target(%dma_start3A_119 : memref<6160x16xf32, #tpu.memory_space<vmem_shared>>) target_semaphore(%run_scoped3A : memref<!tpu.dma_semaphore, #tpu.memory_space<semaphore_mem>>)
        %dma_wait3A_123 = arith.constant 93840 : i32
        %dma_wait3A_124 = arith.constant 0 : i32
        %dma_wait3A_125 = tpu.memref_slice %arg12[%dma_wait3A_123, %dma_wait3A_124] : memref<100008x16xf32, #tpu.memory_space<vmem_shared>> -> memref<6160x16xf32, #tpu.memory_space<vmem_shared>>
        %dma_wait3A_126 = arith.constant 93840 : i32
        %dma_wait3A_127 = arith.constant 0 : i32
        %dma_wait3A_128 = tpu.memref_slice %arg4[%dma_wait3A_126, %dma_wait3A_127] : memref<100000x16xf32, #tpu.memory_space<hbm>> -> memref<6160x16xf32, #tpu.memory_space<hbm>>
        tpu.wait_dma2 semaphore(%run_scoped3A : memref<!tpu.dma_semaphore, #tpu.memory_space<semaphore_mem>>) src(%dma_wait3A_128 : memref<6160x16xf32, #tpu.memory_space<hbm>>) dst(%dma_wait3A_125 : memref<6160x16xf32, #tpu.memory_space<vmem_shared>>)
        tpu.yield
      }) : () -> ()
    } else {
    }
    %barrier3A = arith.constant 0 : index
    tpu.barrier barrier_id(%barrier3A)
    %mul3A = arith.constant 784 : i32
    %mul3A_6 = arith.muli %arg1, %mul3A : i32
    %scan3A = arith.constant 0 : i32
    %scan3A_7 = arith.constant 0 : i32
    %scan3A_8 = arith.constant 98 : i32
    %scan3A_9 = arith.addi %scan3A_7, %scan3A_8 : i32
    %scan3A_10 = arith.constant 1 : i32
    scf.for %scan3A_118 = %scan3A_7 to %scan3A_9 step %scan3A_10  : i32 {
      %gt3A = arith.constant 0 : i32
      %gt3A_119 = arith.cmpi sgt, %scan3A_118, %gt3A : i32
      %convert_element_type3A_120 = arith.extui %gt3A_119 : i1 to i32
      %cond3A_121 = arith.constant 0 : i32
      %cond3A_122 = arith.cmpi ne, %convert_element_type3A_120, %cond3A_121 : i32
      scf.if %cond3A_122 {
        %dma_wait3A_429 = arith.constant 0 : i32
        %dma_wait3A_430 = arith.constant 0 : i32
        %dma_wait3A_431 = arith.constant 0 : i32
        %dma_wait3A_432 = arith.constant 0 : i32
        %dma_wait3A_433 = tpu.memref_slice %arg10[%dma_wait3A_429, %dma_wait3A_431, %dma_wait3A_432] : memref<4x128x16xf32, #tpu.memory_space<vmem>> -> memref<1x128x16xf32, #tpu.memory_space<vmem>>
        %dma_wait3A_434 = tpu.memref_squeeze %dma_wait3A_433 : memref<1x128x16xf32, #tpu.memory_space<vmem>> -> memref<128x16xf32, #tpu.memory_space<vmem>>
        %dma_wait3A_435 = arith.constant 0 : i32
        %dma_wait3A_436 = tpu.memref_slice %arg8[%dma_wait3A_430, %dma_wait3A_435] : memref<4x128xi32, #tpu.memory_space<vmem>> -> memref<1x128xi32, #tpu.memory_space<vmem>>
        %dma_wait3A_437 = tpu.memref_squeeze %dma_wait3A_436 : memref<1x128xi32, #tpu.memory_space<vmem>> -> memref<128xi32, #tpu.memory_space<vmem>>
        %dma_wait3A_438 = arith.constant 0 : i32
        %dma_wait3A_439 = arith.constant 0 : i32
        %dma_wait3A_440 = tpu.memref_slice %arg12[%dma_wait3A_438, %dma_wait3A_439] : memref<100008x16xf32, #tpu.memory_space<vmem_shared>> -> memref<100008x16xf32, #tpu.memory_space<vmem_shared>>
        tpu.wait_indirect_dma semaphore(%arg15 : memref<!tpu.dma_semaphore, #tpu.memory_space<semaphore_mem>>) src(%dma_wait3A_434 : memref<128x16xf32, #tpu.memory_space<vmem>>) dst(%dma_wait3A_440 : memref<100008x16xf32, #tpu.memory_space<vmem_shared>>)
        %dma_wait3A_441 = arith.constant 1 : i32
        %dma_wait3A_442 = arith.constant 1 : i32
        %dma_wait3A_443 = arith.constant 0 : i32
        %dma_wait3A_444 = arith.constant 0 : i32
        %dma_wait3A_445 = tpu.memref_slice %arg10[%dma_wait3A_441, %dma_wait3A_443, %dma_wait3A_444] : memref<4x128x16xf32, #tpu.memory_space<vmem>> -> memref<1x128x16xf32, #tpu.memory_space<vmem>>
        %dma_wait3A_446 = tpu.memref_squeeze %dma_wait3A_445 : memref<1x128x16xf32, #tpu.memory_space<vmem>> -> memref<128x16xf32, #tpu.memory_space<vmem>>
        %dma_wait3A_447 = arith.constant 0 : i32
        %dma_wait3A_448 = tpu.memref_slice %arg8[%dma_wait3A_442, %dma_wait3A_447] : memref<4x128xi32, #tpu.memory_space<vmem>> -> memref<1x128xi32, #tpu.memory_space<vmem>>
        %dma_wait3A_449 = tpu.memref_squeeze %dma_wait3A_448 : memref<1x128xi32, #tpu.memory_space<vmem>> -> memref<128xi32, #tpu.memory_space<vmem>>
        %dma_wait3A_450 = arith.constant 0 : i32
        %dma_wait3A_451 = arith.constant 0 : i32
        %dma_wait3A_452 = tpu.memref_slice %arg12[%dma_wait3A_450, %dma_wait3A_451] : memref<100008x16xf32, #tpu.memory_space<vmem_shared>> -> memref<100008x16xf32, #tpu.memory_space<vmem_shared>>
        tpu.wait_indirect_dma semaphore(%arg15 : memref<!tpu.dma_semaphore, #tpu.memory_space<semaphore_mem>>) src(%dma_wait3A_446 : memref<128x16xf32, #tpu.memory_space<vmem>>) dst(%dma_wait3A_452 : memref<100008x16xf32, #tpu.memory_space<vmem_shared>>)
        %dma_wait3A_453 = arith.constant 2 : i32
        %dma_wait3A_454 = arith.constant 2 : i32
        %dma_wait3A_455 = arith.constant 0 : i32
        %dma_wait3A_456 = arith.constant 0 : i32
        %dma_wait3A_457 = tpu.memref_slice %arg10[%dma_wait3A_453, %dma_wait3A_455, %dma_wait3A_456] : memref<4x128x16xf32, #tpu.memory_space<vmem>> -> memref<1x128x16xf32, #tpu.memory_space<vmem>>
        %dma_wait3A_458 = tpu.memref_squeeze %dma_wait3A_457 : memref<1x128x16xf32, #tpu.memory_space<vmem>> -> memref<128x16xf32, #tpu.memory_space<vmem>>
        %dma_wait3A_459 = arith.constant 0 : i32
        %dma_wait3A_460 = tpu.memref_slice %arg8[%dma_wait3A_454, %dma_wait3A_459] : memref<4x128xi32, #tpu.memory_space<vmem>> -> memref<1x128xi32, #tpu.memory_space<vmem>>
        %dma_wait3A_461 = tpu.memref_squeeze %dma_wait3A_460 : memref<1x128xi32, #tpu.memory_space<vmem>> -> memref<128xi32, #tpu.memory_space<vmem>>
        %dma_wait3A_462 = arith.constant 0 : i32
        %dma_wait3A_463 = arith.constant 0 : i32
        %dma_wait3A_464 = tpu.memref_slice %arg12[%dma_wait3A_462, %dma_wait3A_463] : memref<100008x16xf32, #tpu.memory_space<vmem_shared>> -> memref<100008x16xf32, #tpu.memory_space<vmem_shared>>
        tpu.wait_indirect_dma semaphore(%arg15 : memref<!tpu.dma_semaphore, #tpu.memory_space<semaphore_mem>>) src(%dma_wait3A_458 : memref<128x16xf32, #tpu.memory_space<vmem>>) dst(%dma_wait3A_464 : memref<100008x16xf32, #tpu.memory_space<vmem_shared>>)
        %dma_wait3A_465 = arith.constant 3 : i32
        %dma_wait3A_466 = arith.constant 3 : i32
        %dma_wait3A_467 = arith.constant 0 : i32
        %dma_wait3A_468 = arith.constant 0 : i32
        %dma_wait3A_469 = tpu.memref_slice %arg10[%dma_wait3A_465, %dma_wait3A_467, %dma_wait3A_468] : memref<4x128x16xf32, #tpu.memory_space<vmem>> -> memref<1x128x16xf32, #tpu.memory_space<vmem>>
        %dma_wait3A_470 = tpu.memref_squeeze %dma_wait3A_469 : memref<1x128x16xf32, #tpu.memory_space<vmem>> -> memref<128x16xf32, #tpu.memory_space<vmem>>
        %dma_wait3A_471 = arith.constant 0 : i32
        %dma_wait3A_472 = tpu.memref_slice %arg8[%dma_wait3A_466, %dma_wait3A_471] : memref<4x128xi32, #tpu.memory_space<vmem>> -> memref<1x128xi32, #tpu.memory_space<vmem>>
        %dma_wait3A_473 = tpu.memref_squeeze %dma_wait3A_472 : memref<1x128xi32, #tpu.memory_space<vmem>> -> memref<128xi32, #tpu.memory_space<vmem>>
        %dma_wait3A_474 = arith.constant 0 : i32
        %dma_wait3A_475 = arith.constant 0 : i32
        %dma_wait3A_476 = tpu.memref_slice %arg12[%dma_wait3A_474, %dma_wait3A_475] : memref<100008x16xf32, #tpu.memory_space<vmem_shared>> -> memref<100008x16xf32, #tpu.memory_space<vmem_shared>>
        tpu.wait_indirect_dma semaphore(%arg15 : memref<!tpu.dma_semaphore, #tpu.memory_space<semaphore_mem>>) src(%dma_wait3A_470 : memref<128x16xf32, #tpu.memory_space<vmem>>) dst(%dma_wait3A_476 : memref<100008x16xf32, #tpu.memory_space<vmem_shared>>)
      } else {
      }
      %mul3A_123 = arith.constant 2 : i32
      %mul3A_124 = arith.muli %mul3A_123, %scan3A_118 : i32
      %add3A = arith.constant 0 : i32
      %add3A_125 = arith.addi %mul3A_124, %add3A : i32
      %mul3A_126 = arith.constant 4 : i32
      %mul3A_127 = arith.muli %add3A_125, %mul3A_126 : i32
      %add3A_128 = arith.addi %mul3A_6, %mul3A_127 : i32
      "tpu.region"() ({
        %run_scoped3A_429 = tpu.sem_alloc : memref<!tpu.dma_semaphore, #tpu.memory_space<semaphore_mem>>
        %dma_start3A_430 = arith.constant 0 : i32
        %dma_start3A_431 = tpu.memref_slice %arg2[%arg0, %add3A_128, %dma_start3A_430] : memref<3x12544x128xi32, #tpu.memory_space<hbm>> -> memref<1x4x128xi32, #tpu.memory_space<hbm>>
        %dma_start3A_432 = tpu.memref_squeeze %dma_start3A_431 : memref<1x4x128xi32, #tpu.memory_space<hbm>> -> memref<4x128xi32, #tpu.memory_space<hbm>>
        %dma_start3A_433 = arith.constant 0 : i32
        %dma_start3A_434 = tpu.memref_slice %arg2[%arg0, %add3A_128, %dma_start3A_433] : memref<3x12544x128xi32, #tpu.memory_space<hbm>> -> memref<1x4x128xi32, #tpu.memory_space<hbm>>
        %dma_start3A_435 = tpu.memref_squeeze %dma_start3A_434 : memref<1x4x128xi32, #tpu.memory_space<hbm>> -> memref<4x128xi32, #tpu.memory_space<hbm>>
        tpu.enqueue_dma source(%dma_start3A_435 : memref<4x128xi32, #tpu.memory_space<hbm>>) target(%arg6 : memref<4x128xi32, #tpu.memory_space<vmem>>) target_semaphore(%run_scoped3A_429 : memref<!tpu.dma_semaphore, #tpu.memory_space<semaphore_mem>>)
        %dma_wait3A_436 = arith.constant 0 : i32
        %dma_wait3A_437 = tpu.memref_slice %arg2[%arg0, %add3A_128, %dma_wait3A_436] : memref<3x12544x128xi32, #tpu.memory_space<hbm>> -> memref<1x4x128xi32, #tpu.memory_space<hbm>>
        %dma_wait3A_438 = tpu.memref_squeeze %dma_wait3A_437 : memref<1x4x128xi32, #tpu.memory_space<hbm>> -> memref<4x128xi32, #tpu.memory_space<hbm>>
        %dma_wait3A_439 = arith.constant 0 : i32
        %dma_wait3A_440 = tpu.memref_slice %arg2[%arg0, %add3A_128, %dma_wait3A_439] : memref<3x12544x128xi32, #tpu.memory_space<hbm>> -> memref<1x4x128xi32, #tpu.memory_space<hbm>>
        %dma_wait3A_441 = tpu.memref_squeeze %dma_wait3A_440 : memref<1x4x128xi32, #tpu.memory_space<hbm>> -> memref<4x128xi32, #tpu.memory_space<hbm>>
        tpu.wait_dma2 semaphore(%run_scoped3A_429 : memref<!tpu.dma_semaphore, #tpu.memory_space<semaphore_mem>>) src(%dma_wait3A_441 : memref<4x128xi32, #tpu.memory_space<hbm>>) dst(%arg6 : memref<4x128xi32, #tpu.memory_space<vmem>>)
        tpu.yield
      }) : () -> ()
      %run_scoped3A = arith.constant 2 : i32
      "tpu.region"() ({
        %run_scoped3A_429 = tpu.sem_alloc : memref<!tpu.dma_semaphore, #tpu.memory_space<semaphore_mem>>
        %dma_start3A_430 = arith.constant 0 : i32
        %dma_start3A_431 = tpu.memref_slice %arg2[%run_scoped3A, %add3A_128, %dma_start3A_430] : memref<3x12544x128xi32, #tpu.memory_space<hbm>> -> memref<1x4x128xi32, #tpu.memory_space<hbm>>
        %dma_start3A_432 = tpu.memref_squeeze %dma_start3A_431 : memref<1x4x128xi32, #tpu.memory_space<hbm>> -> memref<4x128xi32, #tpu.memory_space<hbm>>
        %dma_start3A_433 = arith.constant 0 : i32
        %dma_start3A_434 = tpu.memref_slice %arg2[%run_scoped3A, %add3A_128, %dma_start3A_433] : memref<3x12544x128xi32, #tpu.memory_space<hbm>> -> memref<1x4x128xi32, #tpu.memory_space<hbm>>
        %dma_start3A_435 = tpu.memref_squeeze %dma_start3A_434 : memref<1x4x128xi32, #tpu.memory_space<hbm>> -> memref<4x128xi32, #tpu.memory_space<hbm>>
        tpu.enqueue_dma source(%dma_start3A_435 : memref<4x128xi32, #tpu.memory_space<hbm>>) target(%arg8 : memref<4x128xi32, #tpu.memory_space<vmem>>) target_semaphore(%run_scoped3A_429 : memref<!tpu.dma_semaphore, #tpu.memory_space<semaphore_mem>>)
        %dma_wait3A_436 = arith.constant 0 : i32
        %dma_wait3A_437 = tpu.memref_slice %arg2[%run_scoped3A, %add3A_128, %dma_wait3A_436] : memref<3x12544x128xi32, #tpu.memory_space<hbm>> -> memref<1x4x128xi32, #tpu.memory_space<hbm>>
        %dma_wait3A_438 = tpu.memref_squeeze %dma_wait3A_437 : memref<1x4x128xi32, #tpu.memory_space<hbm>> -> memref<4x128xi32, #tpu.memory_space<hbm>>
        %dma_wait3A_439 = arith.constant 0 : i32
        %dma_wait3A_440 = tpu.memref_slice %arg2[%run_scoped3A, %add3A_128, %dma_wait3A_439] : memref<3x12544x128xi32, #tpu.memory_space<hbm>> -> memref<1x4x128xi32, #tpu.memory_space<hbm>>
        %dma_wait3A_441 = tpu.memref_squeeze %dma_wait3A_440 : memref<1x4x128xi32, #tpu.memory_space<hbm>> -> memref<4x128xi32, #tpu.memory_space<hbm>>
        tpu.wait_dma2 semaphore(%run_scoped3A_429 : memref<!tpu.dma_semaphore, #tpu.memory_space<semaphore_mem>>) src(%dma_wait3A_441 : memref<4x128xi32, #tpu.memory_space<hbm>>) dst(%arg8 : memref<4x128xi32, #tpu.memory_space<vmem>>)
        tpu.yield
      }) : () -> ()
      %dma_start3A = arith.constant 0 : i32
      %dma_start3A_129 = arith.constant 0 : i32
      %dma_start3A_130 = arith.constant 0 : i32
      %dma_start3A_131 = arith.constant 0 : i32
      %dma_start3A_132 = tpu.memref_slice %arg10[%dma_start3A_129, %dma_start3A_130, %dma_start3A_131] : memref<4x128x16xf32, #tpu.memory_space<vmem>> -> memref<1x128x16xf32, #tpu.memory_space<vmem>>
      %dma_start3A_133 = tpu.memref_squeeze %dma_start3A_132 : memref<1x128x16xf32, #tpu.memory_space<vmem>> -> memref<128x16xf32, #tpu.memory_space<vmem>>
      %dma_start3A_134 = arith.constant 0 : i32
      %dma_start3A_135 = tpu.memref_slice %arg6[%dma_start3A, %dma_start3A_134] : memref<4x128xi32, #tpu.memory_space<vmem>> -> memref<1x128xi32, #tpu.memory_space<vmem>>
      %dma_start3A_136 = tpu.memref_squeeze %dma_start3A_135 : memref<1x128xi32, #tpu.memory_space<vmem>> -> memref<128xi32, #tpu.memory_space<vmem>>
      %dma_start3A_137 = arith.constant 0 : i32
      %dma_start3A_138 = arith.constant 0 : i32
      %dma_start3A_139 = tpu.memref_slice %arg3[%dma_start3A_137, %dma_start3A_138] : memref<200000x16xf32, #tpu.memory_space<hbm>> -> memref<200000x16xf32, #tpu.memory_space<hbm>>
      tpu.enqueue_indirect_dma source(%dma_start3A_139 : memref<200000x16xf32, #tpu.memory_space<hbm>>) target(%dma_start3A_133 : memref<128x16xf32, #tpu.memory_space<vmem>>) offsets(%dma_start3A_136 : memref<128xi32, #tpu.memory_space<vmem>>) semaphore(%arg13 : memref<!tpu.dma_semaphore, #tpu.memory_space<semaphore_mem>>)
      %dma_start3A_140 = arith.constant 1 : i32
      %dma_start3A_141 = arith.constant 1 : i32
      %dma_start3A_142 = arith.constant 0 : i32
      %dma_start3A_143 = arith.constant 0 : i32
      %dma_start3A_144 = tpu.memref_slice %arg10[%dma_start3A_141, %dma_start3A_142, %dma_start3A_143] : memref<4x128x16xf32, #tpu.memory_space<vmem>> -> memref<1x128x16xf32, #tpu.memory_space<vmem>>
      %dma_start3A_145 = tpu.memref_squeeze %dma_start3A_144 : memref<1x128x16xf32, #tpu.memory_space<vmem>> -> memref<128x16xf32, #tpu.memory_space<vmem>>
      %dma_start3A_146 = arith.constant 0 : i32
      %dma_start3A_147 = tpu.memref_slice %arg6[%dma_start3A_140, %dma_start3A_146] : memref<4x128xi32, #tpu.memory_space<vmem>> -> memref<1x128xi32, #tpu.memory_space<vmem>>
      %dma_start3A_148 = tpu.memref_squeeze %dma_start3A_147 : memref<1x128xi32, #tpu.memory_space<vmem>> -> memref<128xi32, #tpu.memory_space<vmem>>
      %dma_start3A_149 = arith.constant 0 : i32
      %dma_start3A_150 = arith.constant 0 : i32
      %dma_start3A_151 = tpu.memref_slice %arg3[%dma_start3A_149, %dma_start3A_150] : memref<200000x16xf32, #tpu.memory_space<hbm>> -> memref<200000x16xf32, #tpu.memory_space<hbm>>
      tpu.enqueue_indirect_dma source(%dma_start3A_151 : memref<200000x16xf32, #tpu.memory_space<hbm>>) target(%dma_start3A_145 : memref<128x16xf32, #tpu.memory_space<vmem>>) offsets(%dma_start3A_148 : memref<128xi32, #tpu.memory_space<vmem>>) semaphore(%arg13 : memref<!tpu.dma_semaphore, #tpu.memory_space<semaphore_mem>>)
      %dma_start3A_152 = arith.constant 2 : i32
      %dma_start3A_153 = arith.constant 2 : i32
      %dma_start3A_154 = arith.constant 0 : i32
      %dma_start3A_155 = arith.constant 0 : i32
      %dma_start3A_156 = tpu.memref_slice %arg10[%dma_start3A_153, %dma_start3A_154, %dma_start3A_155] : memref<4x128x16xf32, #tpu.memory_space<vmem>> -> memref<1x128x16xf32, #tpu.memory_space<vmem>>
      %dma_start3A_157 = tpu.memref_squeeze %dma_start3A_156 : memref<1x128x16xf32, #tpu.memory_space<vmem>> -> memref<128x16xf32, #tpu.memory_space<vmem>>
      %dma_start3A_158 = arith.constant 0 : i32
      %dma_start3A_159 = tpu.memref_slice %arg6[%dma_start3A_152, %dma_start3A_158] : memref<4x128xi32, #tpu.memory_space<vmem>> -> memref<1x128xi32, #tpu.memory_space<vmem>>
      %dma_start3A_160 = tpu.memref_squeeze %dma_start3A_159 : memref<1x128xi32, #tpu.memory_space<vmem>> -> memref<128xi32, #tpu.memory_space<vmem>>
      %dma_start3A_161 = arith.constant 0 : i32
      %dma_start3A_162 = arith.constant 0 : i32
      %dma_start3A_163 = tpu.memref_slice %arg3[%dma_start3A_161, %dma_start3A_162] : memref<200000x16xf32, #tpu.memory_space<hbm>> -> memref<200000x16xf32, #tpu.memory_space<hbm>>
      tpu.enqueue_indirect_dma source(%dma_start3A_163 : memref<200000x16xf32, #tpu.memory_space<hbm>>) target(%dma_start3A_157 : memref<128x16xf32, #tpu.memory_space<vmem>>) offsets(%dma_start3A_160 : memref<128xi32, #tpu.memory_space<vmem>>) semaphore(%arg13 : memref<!tpu.dma_semaphore, #tpu.memory_space<semaphore_mem>>)
      %dma_start3A_164 = arith.constant 3 : i32
      %dma_start3A_165 = arith.constant 3 : i32
      %dma_start3A_166 = arith.constant 0 : i32
      %dma_start3A_167 = arith.constant 0 : i32
      %dma_start3A_168 = tpu.memref_slice %arg10[%dma_start3A_165, %dma_start3A_166, %dma_start3A_167] : memref<4x128x16xf32, #tpu.memory_space<vmem>> -> memref<1x128x16xf32, #tpu.memory_space<vmem>>
      %dma_start3A_169 = tpu.memref_squeeze %dma_start3A_168 : memref<1x128x16xf32, #tpu.memory_space<vmem>> -> memref<128x16xf32, #tpu.memory_space<vmem>>
      %dma_start3A_170 = arith.constant 0 : i32
      %dma_start3A_171 = tpu.memref_slice %arg6[%dma_start3A_164, %dma_start3A_170] : memref<4x128xi32, #tpu.memory_space<vmem>> -> memref<1x128xi32, #tpu.memory_space<vmem>>
      %dma_start3A_172 = tpu.memref_squeeze %dma_start3A_171 : memref<1x128xi32, #tpu.memory_space<vmem>> -> memref<128xi32, #tpu.memory_space<vmem>>
      %dma_start3A_173 = arith.constant 0 : i32
      %dma_start3A_174 = arith.constant 0 : i32
      %dma_start3A_175 = tpu.memref_slice %arg3[%dma_start3A_173, %dma_start3A_174] : memref<200000x16xf32, #tpu.memory_space<hbm>> -> memref<200000x16xf32, #tpu.memory_space<hbm>>
      tpu.enqueue_indirect_dma source(%dma_start3A_175 : memref<200000x16xf32, #tpu.memory_space<hbm>>) target(%dma_start3A_169 : memref<128x16xf32, #tpu.memory_space<vmem>>) offsets(%dma_start3A_172 : memref<128xi32, #tpu.memory_space<vmem>>) semaphore(%arg13 : memref<!tpu.dma_semaphore, #tpu.memory_space<semaphore_mem>>)
      %gt3A_176 = arith.constant 0 : i32
      %gt3A_177 = arith.cmpi sgt, %scan3A_118, %gt3A_176 : i32
      %convert_element_type3A_178 = arith.extui %gt3A_177 : i1 to i32
      %cond3A_179 = arith.constant 0 : i32
      %cond3A_180 = arith.cmpi ne, %convert_element_type3A_178, %cond3A_179 : i32
      scf.if %cond3A_180 {
        %dma_wait3A_429 = arith.constant 0 : i32
        %dma_wait3A_430 = arith.constant 0 : i32
        %dma_wait3A_431 = arith.constant 0 : i32
        %dma_wait3A_432 = arith.constant 0 : i32
        %dma_wait3A_433 = tpu.memref_slice %arg11[%dma_wait3A_429, %dma_wait3A_431, %dma_wait3A_432] : memref<4x128x16xf32, #tpu.memory_space<vmem>> -> memref<1x128x16xf32, #tpu.memory_space<vmem>>
        %dma_wait3A_434 = tpu.memref_squeeze %dma_wait3A_433 : memref<1x128x16xf32, #tpu.memory_space<vmem>> -> memref<128x16xf32, #tpu.memory_space<vmem>>
        %dma_wait3A_435 = arith.constant 0 : i32
        %dma_wait3A_436 = tpu.memref_slice %arg9[%dma_wait3A_430, %dma_wait3A_435] : memref<4x128xi32, #tpu.memory_space<vmem>> -> memref<1x128xi32, #tpu.memory_space<vmem>>
        %dma_wait3A_437 = tpu.memref_squeeze %dma_wait3A_436 : memref<1x128xi32, #tpu.memory_space<vmem>> -> memref<128xi32, #tpu.memory_space<vmem>>
        %dma_wait3A_438 = arith.constant 0 : i32
        %dma_wait3A_439 = arith.constant 0 : i32
        %dma_wait3A_440 = tpu.memref_slice %arg12[%dma_wait3A_438, %dma_wait3A_439] : memref<100008x16xf32, #tpu.memory_space<vmem_shared>> -> memref<100008x16xf32, #tpu.memory_space<vmem_shared>>
        tpu.wait_indirect_dma semaphore(%arg16 : memref<!tpu.dma_semaphore, #tpu.memory_space<semaphore_mem>>) src(%dma_wait3A_434 : memref<128x16xf32, #tpu.memory_space<vmem>>) dst(%dma_wait3A_440 : memref<100008x16xf32, #tpu.memory_space<vmem_shared>>)
        %dma_wait3A_441 = arith.constant 1 : i32
        %dma_wait3A_442 = arith.constant 1 : i32
        %dma_wait3A_443 = arith.constant 0 : i32
        %dma_wait3A_444 = arith.constant 0 : i32
        %dma_wait3A_445 = tpu.memref_slice %arg11[%dma_wait3A_441, %dma_wait3A_443, %dma_wait3A_444] : memref<4x128x16xf32, #tpu.memory_space<vmem>> -> memref<1x128x16xf32, #tpu.memory_space<vmem>>
        %dma_wait3A_446 = tpu.memref_squeeze %dma_wait3A_445 : memref<1x128x16xf32, #tpu.memory_space<vmem>> -> memref<128x16xf32, #tpu.memory_space<vmem>>
        %dma_wait3A_447 = arith.constant 0 : i32
        %dma_wait3A_448 = tpu.memref_slice %arg9[%dma_wait3A_442, %dma_wait3A_447] : memref<4x128xi32, #tpu.memory_space<vmem>> -> memref<1x128xi32, #tpu.memory_space<vmem>>
        %dma_wait3A_449 = tpu.memref_squeeze %dma_wait3A_448 : memref<1x128xi32, #tpu.memory_space<vmem>> -> memref<128xi32, #tpu.memory_space<vmem>>
        %dma_wait3A_450 = arith.constant 0 : i32
        %dma_wait3A_451 = arith.constant 0 : i32
        %dma_wait3A_452 = tpu.memref_slice %arg12[%dma_wait3A_450, %dma_wait3A_451] : memref<100008x16xf32, #tpu.memory_space<vmem_shared>> -> memref<100008x16xf32, #tpu.memory_space<vmem_shared>>
        tpu.wait_indirect_dma semaphore(%arg16 : memref<!tpu.dma_semaphore, #tpu.memory_space<semaphore_mem>>) src(%dma_wait3A_446 : memref<128x16xf32, #tpu.memory_space<vmem>>) dst(%dma_wait3A_452 : memref<100008x16xf32, #tpu.memory_space<vmem_shared>>)
        %dma_wait3A_453 = arith.constant 2 : i32
        %dma_wait3A_454 = arith.constant 2 : i32
        %dma_wait3A_455 = arith.constant 0 : i32
        %dma_wait3A_456 = arith.constant 0 : i32
        %dma_wait3A_457 = tpu.memref_slice %arg11[%dma_wait3A_453, %dma_wait3A_455, %dma_wait3A_456] : memref<4x128x16xf32, #tpu.memory_space<vmem>> -> memref<1x128x16xf32, #tpu.memory_space<vmem>>
        %dma_wait3A_458 = tpu.memref_squeeze %dma_wait3A_457 : memref<1x128x16xf32, #tpu.memory_space<vmem>> -> memref<128x16xf32, #tpu.memory_space<vmem>>
        %dma_wait3A_459 = arith.constant 0 : i32
        %dma_wait3A_460 = tpu.memref_slice %arg9[%dma_wait3A_454, %dma_wait3A_459] : memref<4x128xi32, #tpu.memory_space<vmem>> -> memref<1x128xi32, #tpu.memory_space<vmem>>
        %dma_wait3A_461 = tpu.memref_squeeze %dma_wait3A_460 : memref<1x128xi32, #tpu.memory_space<vmem>> -> memref<128xi32, #tpu.memory_space<vmem>>
        %dma_wait3A_462 = arith.constant 0 : i32
        %dma_wait3A_463 = arith.constant 0 : i32
        %dma_wait3A_464 = tpu.memref_slice %arg12[%dma_wait3A_462, %dma_wait3A_463] : memref<100008x16xf32, #tpu.memory_space<vmem_shared>> -> memref<100008x16xf32, #tpu.memory_space<vmem_shared>>
        tpu.wait_indirect_dma semaphore(%arg16 : memref<!tpu.dma_semaphore, #tpu.memory_space<semaphore_mem>>) src(%dma_wait3A_458 : memref<128x16xf32, #tpu.memory_space<vmem>>) dst(%dma_wait3A_464 : memref<100008x16xf32, #tpu.memory_space<vmem_shared>>)
        %dma_wait3A_465 = arith.constant 3 : i32
        %dma_wait3A_466 = arith.constant 3 : i32
        %dma_wait3A_467 = arith.constant 0 : i32
        %dma_wait3A_468 = arith.constant 0 : i32
        %dma_wait3A_469 = tpu.memref_slice %arg11[%dma_wait3A_465, %dma_wait3A_467, %dma_wait3A_468] : memref<4x128x16xf32, #tpu.memory_space<vmem>> -> memref<1x128x16xf32, #tpu.memory_space<vmem>>
        %dma_wait3A_470 = tpu.memref_squeeze %dma_wait3A_469 : memref<1x128x16xf32, #tpu.memory_space<vmem>> -> memref<128x16xf32, #tpu.memory_space<vmem>>
        %dma_wait3A_471 = arith.constant 0 : i32
        %dma_wait3A_472 = tpu.memref_slice %arg9[%dma_wait3A_466, %dma_wait3A_471] : memref<4x128xi32, #tpu.memory_space<vmem>> -> memref<1x128xi32, #tpu.memory_space<vmem>>
        %dma_wait3A_473 = tpu.memref_squeeze %dma_wait3A_472 : memref<1x128xi32, #tpu.memory_space<vmem>> -> memref<128xi32, #tpu.memory_space<vmem>>
        %dma_wait3A_474 = arith.constant 0 : i32
        %dma_wait3A_475 = arith.constant 0 : i32
        %dma_wait3A_476 = tpu.memref_slice %arg12[%dma_wait3A_474, %dma_wait3A_475] : memref<100008x16xf32, #tpu.memory_space<vmem_shared>> -> memref<100008x16xf32, #tpu.memory_space<vmem_shared>>
        tpu.wait_indirect_dma semaphore(%arg16 : memref<!tpu.dma_semaphore, #tpu.memory_space<semaphore_mem>>) src(%dma_wait3A_470 : memref<128x16xf32, #tpu.memory_space<vmem>>) dst(%dma_wait3A_476 : memref<100008x16xf32, #tpu.memory_space<vmem_shared>>)
      } else {
      }
      %mul3A_181 = arith.constant 2 : i32
      %mul3A_182 = arith.muli %mul3A_181, %scan3A_118 : i32
      %add3A_183 = arith.constant 1 : i32
      %add3A_184 = arith.addi %mul3A_182, %add3A_183 : i32
      %mul3A_185 = arith.constant 4 : i32
      %mul3A_186 = arith.muli %add3A_184, %mul3A_185 : i32
      %add3A_187 = arith.addi %mul3A_6, %mul3A_186 : i32
      "tpu.region"() ({
        %run_scoped3A_429 = tpu.sem_alloc : memref<!tpu.dma_semaphore, #tpu.memory_space<semaphore_mem>>
        %dma_start3A_430 = arith.constant 0 : i32
        %dma_start3A_431 = tpu.memref_slice %arg2[%arg0, %add3A_187, %dma_start3A_430] : memref<3x12544x128xi32, #tpu.memory_space<hbm>> -> memref<1x4x128xi32, #tpu.memory_space<hbm>>
        %dma_start3A_432 = tpu.memref_squeeze %dma_start3A_431 : memref<1x4x128xi32, #tpu.memory_space<hbm>> -> memref<4x128xi32, #tpu.memory_space<hbm>>
        %dma_start3A_433 = arith.constant 0 : i32
        %dma_start3A_434 = tpu.memref_slice %arg2[%arg0, %add3A_187, %dma_start3A_433] : memref<3x12544x128xi32, #tpu.memory_space<hbm>> -> memref<1x4x128xi32, #tpu.memory_space<hbm>>
        %dma_start3A_435 = tpu.memref_squeeze %dma_start3A_434 : memref<1x4x128xi32, #tpu.memory_space<hbm>> -> memref<4x128xi32, #tpu.memory_space<hbm>>
        tpu.enqueue_dma source(%dma_start3A_435 : memref<4x128xi32, #tpu.memory_space<hbm>>) target(%arg7 : memref<4x128xi32, #tpu.memory_space<vmem>>) target_semaphore(%run_scoped3A_429 : memref<!tpu.dma_semaphore, #tpu.memory_space<semaphore_mem>>)
        %dma_wait3A_436 = arith.constant 0 : i32
        %dma_wait3A_437 = tpu.memref_slice %arg2[%arg0, %add3A_187, %dma_wait3A_436] : memref<3x12544x128xi32, #tpu.memory_space<hbm>> -> memref<1x4x128xi32, #tpu.memory_space<hbm>>
        %dma_wait3A_438 = tpu.memref_squeeze %dma_wait3A_437 : memref<1x4x128xi32, #tpu.memory_space<hbm>> -> memref<4x128xi32, #tpu.memory_space<hbm>>
        %dma_wait3A_439 = arith.constant 0 : i32
        %dma_wait3A_440 = tpu.memref_slice %arg2[%arg0, %add3A_187, %dma_wait3A_439] : memref<3x12544x128xi32, #tpu.memory_space<hbm>> -> memref<1x4x128xi32, #tpu.memory_space<hbm>>
        %dma_wait3A_441 = tpu.memref_squeeze %dma_wait3A_440 : memref<1x4x128xi32, #tpu.memory_space<hbm>> -> memref<4x128xi32, #tpu.memory_space<hbm>>
        tpu.wait_dma2 semaphore(%run_scoped3A_429 : memref<!tpu.dma_semaphore, #tpu.memory_space<semaphore_mem>>) src(%dma_wait3A_441 : memref<4x128xi32, #tpu.memory_space<hbm>>) dst(%arg7 : memref<4x128xi32, #tpu.memory_space<vmem>>)
        tpu.yield
      }) : () -> ()
      %run_scoped3A_188 = arith.constant 2 : i32
      "tpu.region"() ({
        %run_scoped3A_429 = tpu.sem_alloc : memref<!tpu.dma_semaphore, #tpu.memory_space<semaphore_mem>>
        %dma_start3A_430 = arith.constant 0 : i32
        %dma_start3A_431 = tpu.memref_slice %arg2[%run_scoped3A_188, %add3A_187, %dma_start3A_430] : memref<3x12544x128xi32, #tpu.memory_space<hbm>> -> memref<1x4x128xi32, #tpu.memory_space<hbm>>
        %dma_start3A_432 = tpu.memref_squeeze %dma_start3A_431 : memref<1x4x128xi32, #tpu.memory_space<hbm>> -> memref<4x128xi32, #tpu.memory_space<hbm>>
        %dma_start3A_433 = arith.constant 0 : i32
        %dma_start3A_434 = tpu.memref_slice %arg2[%run_scoped3A_188, %add3A_187, %dma_start3A_433] : memref<3x12544x128xi32, #tpu.memory_space<hbm>> -> memref<1x4x128xi32, #tpu.memory_space<hbm>>
        %dma_start3A_435 = tpu.memref_squeeze %dma_start3A_434 : memref<1x4x128xi32, #tpu.memory_space<hbm>> -> memref<4x128xi32, #tpu.memory_space<hbm>>
        tpu.enqueue_dma source(%dma_start3A_435 : memref<4x128xi32, #tpu.memory_space<hbm>>) target(%arg9 : memref<4x128xi32, #tpu.memory_space<vmem>>) target_semaphore(%run_scoped3A_429 : memref<!tpu.dma_semaphore, #tpu.memory_space<semaphore_mem>>)
        %dma_wait3A_436 = arith.constant 0 : i32
        %dma_wait3A_437 = tpu.memref_slice %arg2[%run_scoped3A_188, %add3A_187, %dma_wait3A_436] : memref<3x12544x128xi32, #tpu.memory_space<hbm>> -> memref<1x4x128xi32, #tpu.memory_space<hbm>>
        %dma_wait3A_438 = tpu.memref_squeeze %dma_wait3A_437 : memref<1x4x128xi32, #tpu.memory_space<hbm>> -> memref<4x128xi32, #tpu.memory_space<hbm>>
        %dma_wait3A_439 = arith.constant 0 : i32
        %dma_wait3A_440 = tpu.memref_slice %arg2[%run_scoped3A_188, %add3A_187, %dma_wait3A_439] : memref<3x12544x128xi32, #tpu.memory_space<hbm>> -> memref<1x4x128xi32, #tpu.memory_space<hbm>>
        %dma_wait3A_441 = tpu.memref_squeeze %dma_wait3A_440 : memref<1x4x128xi32, #tpu.memory_space<hbm>> -> memref<4x128xi32, #tpu.memory_space<hbm>>
        tpu.wait_dma2 semaphore(%run_scoped3A_429 : memref<!tpu.dma_semaphore, #tpu.memory_space<semaphore_mem>>) src(%dma_wait3A_441 : memref<4x128xi32, #tpu.memory_space<hbm>>) dst(%arg9 : memref<4x128xi32, #tpu.memory_space<vmem>>)
        tpu.yield
      }) : () -> ()
      %dma_start3A_189 = arith.constant 0 : i32
      %dma_start3A_190 = arith.constant 0 : i32
      %dma_start3A_191 = arith.constant 0 : i32
      %dma_start3A_192 = arith.constant 0 : i32
      %dma_start3A_193 = tpu.memref_slice %arg11[%dma_start3A_190, %dma_start3A_191, %dma_start3A_192] : memref<4x128x16xf32, #tpu.memory_space<vmem>> -> memref<1x128x16xf32, #tpu.memory_space<vmem>>
      %dma_start3A_194 = tpu.memref_squeeze %dma_start3A_193 : memref<1x128x16xf32, #tpu.memory_space<vmem>> -> memref<128x16xf32, #tpu.memory_space<vmem>>
      %dma_start3A_195 = arith.constant 0 : i32
      %dma_start3A_196 = tpu.memref_slice %arg7[%dma_start3A_189, %dma_start3A_195] : memref<4x128xi32, #tpu.memory_space<vmem>> -> memref<1x128xi32, #tpu.memory_space<vmem>>
      %dma_start3A_197 = tpu.memref_squeeze %dma_start3A_196 : memref<1x128xi32, #tpu.memory_space<vmem>> -> memref<128xi32, #tpu.memory_space<vmem>>
      %dma_start3A_198 = arith.constant 0 : i32
      %dma_start3A_199 = arith.constant 0 : i32
      %dma_start3A_200 = tpu.memref_slice %arg3[%dma_start3A_198, %dma_start3A_199] : memref<200000x16xf32, #tpu.memory_space<hbm>> -> memref<200000x16xf32, #tpu.memory_space<hbm>>
      tpu.enqueue_indirect_dma source(%dma_start3A_200 : memref<200000x16xf32, #tpu.memory_space<hbm>>) target(%dma_start3A_194 : memref<128x16xf32, #tpu.memory_space<vmem>>) offsets(%dma_start3A_197 : memref<128xi32, #tpu.memory_space<vmem>>) semaphore(%arg14 : memref<!tpu.dma_semaphore, #tpu.memory_space<semaphore_mem>>)
      %dma_start3A_201 = arith.constant 1 : i32
      %dma_start3A_202 = arith.constant 1 : i32
      %dma_start3A_203 = arith.constant 0 : i32
      %dma_start3A_204 = arith.constant 0 : i32
      %dma_start3A_205 = tpu.memref_slice %arg11[%dma_start3A_202, %dma_start3A_203, %dma_start3A_204] : memref<4x128x16xf32, #tpu.memory_space<vmem>> -> memref<1x128x16xf32, #tpu.memory_space<vmem>>
      %dma_start3A_206 = tpu.memref_squeeze %dma_start3A_205 : memref<1x128x16xf32, #tpu.memory_space<vmem>> -> memref<128x16xf32, #tpu.memory_space<vmem>>
      %dma_start3A_207 = arith.constant 0 : i32
      %dma_start3A_208 = tpu.memref_slice %arg7[%dma_start3A_201, %dma_start3A_207] : memref<4x128xi32, #tpu.memory_space<vmem>> -> memref<1x128xi32, #tpu.memory_space<vmem>>
      %dma_start3A_209 = tpu.memref_squeeze %dma_start3A_208 : memref<1x128xi32, #tpu.memory_space<vmem>> -> memref<128xi32, #tpu.memory_space<vmem>>
      %dma_start3A_210 = arith.constant 0 : i32
      %dma_start3A_211 = arith.constant 0 : i32
      %dma_start3A_212 = tpu.memref_slice %arg3[%dma_start3A_210, %dma_start3A_211] : memref<200000x16xf32, #tpu.memory_space<hbm>> -> memref<200000x16xf32, #tpu.memory_space<hbm>>
      tpu.enqueue_indirect_dma source(%dma_start3A_212 : memref<200000x16xf32, #tpu.memory_space<hbm>>) target(%dma_start3A_206 : memref<128x16xf32, #tpu.memory_space<vmem>>) offsets(%dma_start3A_209 : memref<128xi32, #tpu.memory_space<vmem>>) semaphore(%arg14 : memref<!tpu.dma_semaphore, #tpu.memory_space<semaphore_mem>>)
      %dma_start3A_213 = arith.constant 2 : i32
      %dma_start3A_214 = arith.constant 2 : i32
      %dma_start3A_215 = arith.constant 0 : i32
      %dma_start3A_216 = arith.constant 0 : i32
      %dma_start3A_217 = tpu.memref_slice %arg11[%dma_start3A_214, %dma_start3A_215, %dma_start3A_216] : memref<4x128x16xf32, #tpu.memory_space<vmem>> -> memref<1x128x16xf32, #tpu.memory_space<vmem>>
      %dma_start3A_218 = tpu.memref_squeeze %dma_start3A_217 : memref<1x128x16xf32, #tpu.memory_space<vmem>> -> memref<128x16xf32, #tpu.memory_space<vmem>>
      %dma_start3A_219 = arith.constant 0 : i32
      %dma_start3A_220 = tpu.memref_slice %arg7[%dma_start3A_213, %dma_start3A_219] : memref<4x128xi32, #tpu.memory_space<vmem>> -> memref<1x128xi32, #tpu.memory_space<vmem>>
      %dma_start3A_221 = tpu.memref_squeeze %dma_start3A_220 : memref<1x128xi32, #tpu.memory_space<vmem>> -> memref<128xi32, #tpu.memory_space<vmem>>
      %dma_start3A_222 = arith.constant 0 : i32
      %dma_start3A_223 = arith.constant 0 : i32
      %dma_start3A_224 = tpu.memref_slice %arg3[%dma_start3A_222, %dma_start3A_223] : memref<200000x16xf32, #tpu.memory_space<hbm>> -> memref<200000x16xf32, #tpu.memory_space<hbm>>
      tpu.enqueue_indirect_dma source(%dma_start3A_224 : memref<200000x16xf32, #tpu.memory_space<hbm>>) target(%dma_start3A_218 : memref<128x16xf32, #tpu.memory_space<vmem>>) offsets(%dma_start3A_221 : memref<128xi32, #tpu.memory_space<vmem>>) semaphore(%arg14 : memref<!tpu.dma_semaphore, #tpu.memory_space<semaphore_mem>>)
      %dma_start3A_225 = arith.constant 3 : i32
      %dma_start3A_226 = arith.constant 3 : i32
      %dma_start3A_227 = arith.constant 0 : i32
      %dma_start3A_228 = arith.constant 0 : i32
      %dma_start3A_229 = tpu.memref_slice %arg11[%dma_start3A_226, %dma_start3A_227, %dma_start3A_228] : memref<4x128x16xf32, #tpu.memory_space<vmem>> -> memref<1x128x16xf32, #tpu.memory_space<vmem>>
      %dma_start3A_230 = tpu.memref_squeeze %dma_start3A_229 : memref<1x128x16xf32, #tpu.memory_space<vmem>> -> memref<128x16xf32, #tpu.memory_space<vmem>>
      %dma_start3A_231 = arith.constant 0 : i32
      %dma_start3A_232 = tpu.memref_slice %arg7[%dma_start3A_225, %dma_start3A_231] : memref<4x128xi32, #tpu.memory_space<vmem>> -> memref<1x128xi32, #tpu.memory_space<vmem>>
      %dma_start3A_233 = tpu.memref_squeeze %dma_start3A_232 : memref<1x128xi32, #tpu.memory_space<vmem>> -> memref<128xi32, #tpu.memory_space<vmem>>
      %dma_start3A_234 = arith.constant 0 : i32
      %dma_start3A_235 = arith.constant 0 : i32
      %dma_start3A_236 = tpu.memref_slice %arg3[%dma_start3A_234, %dma_start3A_235] : memref<200000x16xf32, #tpu.memory_space<hbm>> -> memref<200000x16xf32, #tpu.memory_space<hbm>>
      tpu.enqueue_indirect_dma source(%dma_start3A_236 : memref<200000x16xf32, #tpu.memory_space<hbm>>) target(%dma_start3A_230 : memref<128x16xf32, #tpu.memory_space<vmem>>) offsets(%dma_start3A_233 : memref<128xi32, #tpu.memory_space<vmem>>) semaphore(%arg14 : memref<!tpu.dma_semaphore, #tpu.memory_space<semaphore_mem>>)
      %dma_wait3A_237 = arith.constant 0 : i32
      %dma_wait3A_238 = arith.constant 0 : i32
      %dma_wait3A_239 = arith.constant 0 : i32
      %dma_wait3A_240 = arith.constant 0 : i32
      %dma_wait3A_241 = tpu.memref_slice %arg10[%dma_wait3A_238, %dma_wait3A_239, %dma_wait3A_240] : memref<4x128x16xf32, #tpu.memory_space<vmem>> -> memref<1x128x16xf32, #tpu.memory_space<vmem>>
      %dma_wait3A_242 = tpu.memref_squeeze %dma_wait3A_241 : memref<1x128x16xf32, #tpu.memory_space<vmem>> -> memref<128x16xf32, #tpu.memory_space<vmem>>
      %dma_wait3A_243 = arith.constant 0 : i32
      %dma_wait3A_244 = tpu.memref_slice %arg6[%dma_wait3A_237, %dma_wait3A_243] : memref<4x128xi32, #tpu.memory_space<vmem>> -> memref<1x128xi32, #tpu.memory_space<vmem>>
      %dma_wait3A_245 = tpu.memref_squeeze %dma_wait3A_244 : memref<1x128xi32, #tpu.memory_space<vmem>> -> memref<128xi32, #tpu.memory_space<vmem>>
      %dma_wait3A_246 = arith.constant 0 : i32
      %dma_wait3A_247 = arith.constant 0 : i32
      %dma_wait3A_248 = tpu.memref_slice %arg3[%dma_wait3A_246, %dma_wait3A_247] : memref<200000x16xf32, #tpu.memory_space<hbm>> -> memref<200000x16xf32, #tpu.memory_space<hbm>>
      tpu.wait_indirect_dma semaphore(%arg13 : memref<!tpu.dma_semaphore, #tpu.memory_space<semaphore_mem>>) src(%dma_wait3A_248 : memref<200000x16xf32, #tpu.memory_space<hbm>>) dst(%dma_wait3A_242 : memref<128x16xf32, #tpu.memory_space<vmem>>)
      %dma_wait3A_249 = arith.constant 1 : i32
      %dma_wait3A_250 = arith.constant 1 : i32
      %dma_wait3A_251 = arith.constant 0 : i32
      %dma_wait3A_252 = arith.constant 0 : i32
      %dma_wait3A_253 = tpu.memref_slice %arg10[%dma_wait3A_250, %dma_wait3A_251, %dma_wait3A_252] : memref<4x128x16xf32, #tpu.memory_space<vmem>> -> memref<1x128x16xf32, #tpu.memory_space<vmem>>
      %dma_wait3A_254 = tpu.memref_squeeze %dma_wait3A_253 : memref<1x128x16xf32, #tpu.memory_space<vmem>> -> memref<128x16xf32, #tpu.memory_space<vmem>>
      %dma_wait3A_255 = arith.constant 0 : i32
      %dma_wait3A_256 = tpu.memref_slice %arg6[%dma_wait3A_249, %dma_wait3A_255] : memref<4x128xi32, #tpu.memory_space<vmem>> -> memref<1x128xi32, #tpu.memory_space<vmem>>
      %dma_wait3A_257 = tpu.memref_squeeze %dma_wait3A_256 : memref<1x128xi32, #tpu.memory_space<vmem>> -> memref<128xi32, #tpu.memory_space<vmem>>
      %dma_wait3A_258 = arith.constant 0 : i32
      %dma_wait3A_259 = arith.constant 0 : i32
      %dma_wait3A_260 = tpu.memref_slice %arg3[%dma_wait3A_258, %dma_wait3A_259] : memref<200000x16xf32, #tpu.memory_space<hbm>> -> memref<200000x16xf32, #tpu.memory_space<hbm>>
      tpu.wait_indirect_dma semaphore(%arg13 : memref<!tpu.dma_semaphore, #tpu.memory_space<semaphore_mem>>) src(%dma_wait3A_260 : memref<200000x16xf32, #tpu.memory_space<hbm>>) dst(%dma_wait3A_254 : memref<128x16xf32, #tpu.memory_space<vmem>>)
      %dma_wait3A_261 = arith.constant 2 : i32
      %dma_wait3A_262 = arith.constant 2 : i32
      %dma_wait3A_263 = arith.constant 0 : i32
      %dma_wait3A_264 = arith.constant 0 : i32
      %dma_wait3A_265 = tpu.memref_slice %arg10[%dma_wait3A_262, %dma_wait3A_263, %dma_wait3A_264] : memref<4x128x16xf32, #tpu.memory_space<vmem>> -> memref<1x128x16xf32, #tpu.memory_space<vmem>>
      %dma_wait3A_266 = tpu.memref_squeeze %dma_wait3A_265 : memref<1x128x16xf32, #tpu.memory_space<vmem>> -> memref<128x16xf32, #tpu.memory_space<vmem>>
      %dma_wait3A_267 = arith.constant 0 : i32
      %dma_wait3A_268 = tpu.memref_slice %arg6[%dma_wait3A_261, %dma_wait3A_267] : memref<4x128xi32, #tpu.memory_space<vmem>> -> memref<1x128xi32, #tpu.memory_space<vmem>>
      %dma_wait3A_269 = tpu.memref_squeeze %dma_wait3A_268 : memref<1x128xi32, #tpu.memory_space<vmem>> -> memref<128xi32, #tpu.memory_space<vmem>>
      %dma_wait3A_270 = arith.constant 0 : i32
      %dma_wait3A_271 = arith.constant 0 : i32
      %dma_wait3A_272 = tpu.memref_slice %arg3[%dma_wait3A_270, %dma_wait3A_271] : memref<200000x16xf32, #tpu.memory_space<hbm>> -> memref<200000x16xf32, #tpu.memory_space<hbm>>
      tpu.wait_indirect_dma semaphore(%arg13 : memref<!tpu.dma_semaphore, #tpu.memory_space<semaphore_mem>>) src(%dma_wait3A_272 : memref<200000x16xf32, #tpu.memory_space<hbm>>) dst(%dma_wait3A_266 : memref<128x16xf32, #tpu.memory_space<vmem>>)
      %dma_wait3A_273 = arith.constant 3 : i32
      %dma_wait3A_274 = arith.constant 3 : i32
      %dma_wait3A_275 = arith.constant 0 : i32
      %dma_wait3A_276 = arith.constant 0 : i32
      %dma_wait3A_277 = tpu.memref_slice %arg10[%dma_wait3A_274, %dma_wait3A_275, %dma_wait3A_276] : memref<4x128x16xf32, #tpu.memory_space<vmem>> -> memref<1x128x16xf32, #tpu.memory_space<vmem>>
      %dma_wait3A_278 = tpu.memref_squeeze %dma_wait3A_277 : memref<1x128x16xf32, #tpu.memory_space<vmem>> -> memref<128x16xf32, #tpu.memory_space<vmem>>
      %dma_wait3A_279 = arith.constant 0 : i32
      %dma_wait3A_280 = tpu.memref_slice %arg6[%dma_wait3A_273, %dma_wait3A_279] : memref<4x128xi32, #tpu.memory_space<vmem>> -> memref<1x128xi32, #tpu.memory_space<vmem>>
      %dma_wait3A_281 = tpu.memref_squeeze %dma_wait3A_280 : memref<1x128xi32, #tpu.memory_space<vmem>> -> memref<128xi32, #tpu.memory_space<vmem>>
      %dma_wait3A_282 = arith.constant 0 : i32
      %dma_wait3A_283 = arith.constant 0 : i32
      %dma_wait3A_284 = tpu.memref_slice %arg3[%dma_wait3A_282, %dma_wait3A_283] : memref<200000x16xf32, #tpu.memory_space<hbm>> -> memref<200000x16xf32, #tpu.memory_space<hbm>>
      tpu.wait_indirect_dma semaphore(%arg13 : memref<!tpu.dma_semaphore, #tpu.memory_space<semaphore_mem>>) src(%dma_wait3A_284 : memref<200000x16xf32, #tpu.memory_space<hbm>>) dst(%dma_wait3A_278 : memref<128x16xf32, #tpu.memory_space<vmem>>)
      %dma_start3A_285 = arith.constant 0 : i32
      %dma_start3A_286 = arith.constant 0 : i32
      %dma_start3A_287 = arith.constant 0 : i32
      %dma_start3A_288 = arith.constant 0 : i32
      %dma_start3A_289 = tpu.memref_slice %arg10[%dma_start3A_285, %dma_start3A_287, %dma_start3A_288] : memref<4x128x16xf32, #tpu.memory_space<vmem>> -> memref<1x128x16xf32, #tpu.memory_space<vmem>>
      %dma_start3A_290 = tpu.memref_squeeze %dma_start3A_289 : memref<1x128x16xf32, #tpu.memory_space<vmem>> -> memref<128x16xf32, #tpu.memory_space<vmem>>
      %dma_start3A_291 = arith.constant 0 : i32
      %dma_start3A_292 = tpu.memref_slice %arg8[%dma_start3A_286, %dma_start3A_291] : memref<4x128xi32, #tpu.memory_space<vmem>> -> memref<1x128xi32, #tpu.memory_space<vmem>>
      %dma_start3A_293 = tpu.memref_squeeze %dma_start3A_292 : memref<1x128xi32, #tpu.memory_space<vmem>> -> memref<128xi32, #tpu.memory_space<vmem>>
      %dma_start3A_294 = arith.constant 0 : i32
      %dma_start3A_295 = arith.constant 0 : i32
      %dma_start3A_296 = tpu.memref_slice %arg12[%dma_start3A_294, %dma_start3A_295] : memref<100008x16xf32, #tpu.memory_space<vmem_shared>> -> memref<100008x16xf32, #tpu.memory_space<vmem_shared>>
      tpu.enqueue_indirect_dma source(%dma_start3A_290 : memref<128x16xf32, #tpu.memory_space<vmem>>) target(%dma_start3A_296 : memref<100008x16xf32, #tpu.memory_space<vmem_shared>>) offsets(%dma_start3A_293 : memref<128xi32, #tpu.memory_space<vmem>>) semaphore(%arg15 : memref<!tpu.dma_semaphore, #tpu.memory_space<semaphore_mem>>) {add = true}
      %dma_start3A_297 = arith.constant 1 : i32
      %dma_start3A_298 = arith.constant 1 : i32
      %dma_start3A_299 = arith.constant 0 : i32
      %dma_start3A_300 = arith.constant 0 : i32
      %dma_start3A_301 = tpu.memref_slice %arg10[%dma_start3A_297, %dma_start3A_299, %dma_start3A_300] : memref<4x128x16xf32, #tpu.memory_space<vmem>> -> memref<1x128x16xf32, #tpu.memory_space<vmem>>
      %dma_start3A_302 = tpu.memref_squeeze %dma_start3A_301 : memref<1x128x16xf32, #tpu.memory_space<vmem>> -> memref<128x16xf32, #tpu.memory_space<vmem>>
      %dma_start3A_303 = arith.constant 0 : i32
      %dma_start3A_304 = tpu.memref_slice %arg8[%dma_start3A_298, %dma_start3A_303] : memref<4x128xi32, #tpu.memory_space<vmem>> -> memref<1x128xi32, #tpu.memory_space<vmem>>
      %dma_start3A_305 = tpu.memref_squeeze %dma_start3A_304 : memref<1x128xi32, #tpu.memory_space<vmem>> -> memref<128xi32, #tpu.memory_space<vmem>>
      %dma_start3A_306 = arith.constant 0 : i32
      %dma_start3A_307 = arith.constant 0 : i32
      %dma_start3A_308 = tpu.memref_slice %arg12[%dma_start3A_306, %dma_start3A_307] : memref<100008x16xf32, #tpu.memory_space<vmem_shared>> -> memref<100008x16xf32, #tpu.memory_space<vmem_shared>>
      tpu.enqueue_indirect_dma source(%dma_start3A_302 : memref<128x16xf32, #tpu.memory_space<vmem>>) target(%dma_start3A_308 : memref<100008x16xf32, #tpu.memory_space<vmem_shared>>) offsets(%dma_start3A_305 : memref<128xi32, #tpu.memory_space<vmem>>) semaphore(%arg15 : memref<!tpu.dma_semaphore, #tpu.memory_space<semaphore_mem>>) {add = true}
      %dma_start3A_309 = arith.constant 2 : i32
      %dma_start3A_310 = arith.constant 2 : i32
      %dma_start3A_311 = arith.constant 0 : i32
      %dma_start3A_312 = arith.constant 0 : i32
      %dma_start3A_313 = tpu.memref_slice %arg10[%dma_start3A_309, %dma_start3A_311, %dma_start3A_312] : memref<4x128x16xf32, #tpu.memory_space<vmem>> -> memref<1x128x16xf32, #tpu.memory_space<vmem>>
      %dma_start3A_314 = tpu.memref_squeeze %dma_start3A_313 : memref<1x128x16xf32, #tpu.memory_space<vmem>> -> memref<128x16xf32, #tpu.memory_space<vmem>>
      %dma_start3A_315 = arith.constant 0 : i32
      %dma_start3A_316 = tpu.memref_slice %arg8[%dma_start3A_310, %dma_start3A_315] : memref<4x128xi32, #tpu.memory_space<vmem>> -> memref<1x128xi32, #tpu.memory_space<vmem>>
      %dma_start3A_317 = tpu.memref_squeeze %dma_start3A_316 : memref<1x128xi32, #tpu.memory_space<vmem>> -> memref<128xi32, #tpu.memory_space<vmem>>
      %dma_start3A_318 = arith.constant 0 : i32
      %dma_start3A_319 = arith.constant 0 : i32
      %dma_start3A_320 = tpu.memref_slice %arg12[%dma_start3A_318, %dma_start3A_319] : memref<100008x16xf32, #tpu.memory_space<vmem_shared>> -> memref<100008x16xf32, #tpu.memory_space<vmem_shared>>
      tpu.enqueue_indirect_dma source(%dma_start3A_314 : memref<128x16xf32, #tpu.memory_space<vmem>>) target(%dma_start3A_320 : memref<100008x16xf32, #tpu.memory_space<vmem_shared>>) offsets(%dma_start3A_317 : memref<128xi32, #tpu.memory_space<vmem>>) semaphore(%arg15 : memref<!tpu.dma_semaphore, #tpu.memory_space<semaphore_mem>>) {add = true}
      %dma_start3A_321 = arith.constant 3 : i32
      %dma_start3A_322 = arith.constant 3 : i32
      %dma_start3A_323 = arith.constant 0 : i32
      %dma_start3A_324 = arith.constant 0 : i32
      %dma_start3A_325 = tpu.memref_slice %arg10[%dma_start3A_321, %dma_start3A_323, %dma_start3A_324] : memref<4x128x16xf32, #tpu.memory_space<vmem>> -> memref<1x128x16xf32, #tpu.memory_space<vmem>>
      %dma_start3A_326 = tpu.memref_squeeze %dma_start3A_325 : memref<1x128x16xf32, #tpu.memory_space<vmem>> -> memref<128x16xf32, #tpu.memory_space<vmem>>
      %dma_start3A_327 = arith.constant 0 : i32
      %dma_start3A_328 = tpu.memref_slice %arg8[%dma_start3A_322, %dma_start3A_327] : memref<4x128xi32, #tpu.memory_space<vmem>> -> memref<1x128xi32, #tpu.memory_space<vmem>>
      %dma_start3A_329 = tpu.memref_squeeze %dma_start3A_328 : memref<1x128xi32, #tpu.memory_space<vmem>> -> memref<128xi32, #tpu.memory_space<vmem>>
      %dma_start3A_330 = arith.constant 0 : i32
      %dma_start3A_331 = arith.constant 0 : i32
      %dma_start3A_332 = tpu.memref_slice %arg12[%dma_start3A_330, %dma_start3A_331] : memref<100008x16xf32, #tpu.memory_space<vmem_shared>> -> memref<100008x16xf32, #tpu.memory_space<vmem_shared>>
      tpu.enqueue_indirect_dma source(%dma_start3A_326 : memref<128x16xf32, #tpu.memory_space<vmem>>) target(%dma_start3A_332 : memref<100008x16xf32, #tpu.memory_space<vmem_shared>>) offsets(%dma_start3A_329 : memref<128xi32, #tpu.memory_space<vmem>>) semaphore(%arg15 : memref<!tpu.dma_semaphore, #tpu.memory_space<semaphore_mem>>) {add = true}
      %dma_wait3A_333 = arith.constant 0 : i32
      %dma_wait3A_334 = arith.constant 0 : i32
      %dma_wait3A_335 = arith.constant 0 : i32
      %dma_wait3A_336 = arith.constant 0 : i32
      %dma_wait3A_337 = tpu.memref_slice %arg11[%dma_wait3A_334, %dma_wait3A_335, %dma_wait3A_336] : memref<4x128x16xf32, #tpu.memory_space<vmem>> -> memref<1x128x16xf32, #tpu.memory_space<vmem>>
      %dma_wait3A_338 = tpu.memref_squeeze %dma_wait3A_337 : memref<1x128x16xf32, #tpu.memory_space<vmem>> -> memref<128x16xf32, #tpu.memory_space<vmem>>
      %dma_wait3A_339 = arith.constant 0 : i32
      %dma_wait3A_340 = tpu.memref_slice %arg7[%dma_wait3A_333, %dma_wait3A_339] : memref<4x128xi32, #tpu.memory_space<vmem>> -> memref<1x128xi32, #tpu.memory_space<vmem>>
      %dma_wait3A_341 = tpu.memref_squeeze %dma_wait3A_340 : memref<1x128xi32, #tpu.memory_space<vmem>> -> memref<128xi32, #tpu.memory_space<vmem>>
      %dma_wait3A_342 = arith.constant 0 : i32
      %dma_wait3A_343 = arith.constant 0 : i32
      %dma_wait3A_344 = tpu.memref_slice %arg3[%dma_wait3A_342, %dma_wait3A_343] : memref<200000x16xf32, #tpu.memory_space<hbm>> -> memref<200000x16xf32, #tpu.memory_space<hbm>>
      tpu.wait_indirect_dma semaphore(%arg14 : memref<!tpu.dma_semaphore, #tpu.memory_space<semaphore_mem>>) src(%dma_wait3A_344 : memref<200000x16xf32, #tpu.memory_space<hbm>>) dst(%dma_wait3A_338 : memref<128x16xf32, #tpu.memory_space<vmem>>)
      %dma_wait3A_345 = arith.constant 1 : i32
      %dma_wait3A_346 = arith.constant 1 : i32
      %dma_wait3A_347 = arith.constant 0 : i32
      %dma_wait3A_348 = arith.constant 0 : i32
      %dma_wait3A_349 = tpu.memref_slice %arg11[%dma_wait3A_346, %dma_wait3A_347, %dma_wait3A_348] : memref<4x128x16xf32, #tpu.memory_space<vmem>> -> memref<1x128x16xf32, #tpu.memory_space<vmem>>
      %dma_wait3A_350 = tpu.memref_squeeze %dma_wait3A_349 : memref<1x128x16xf32, #tpu.memory_space<vmem>> -> memref<128x16xf32, #tpu.memory_space<vmem>>
      %dma_wait3A_351 = arith.constant 0 : i32
      %dma_wait3A_352 = tpu.memref_slice %arg7[%dma_wait3A_345, %dma_wait3A_351] : memref<4x128xi32, #tpu.memory_space<vmem>> -> memref<1x128xi32, #tpu.memory_space<vmem>>
      %dma_wait3A_353 = tpu.memref_squeeze %dma_wait3A_352 : memref<1x128xi32, #tpu.memory_space<vmem>> -> memref<128xi32, #tpu.memory_space<vmem>>
      %dma_wait3A_354 = arith.constant 0 : i32
      %dma_wait3A_355 = arith.constant 0 : i32
      %dma_wait3A_356 = tpu.memref_slice %arg3[%dma_wait3A_354, %dma_wait3A_355] : memref<200000x16xf32, #tpu.memory_space<hbm>> -> memref<200000x16xf32, #tpu.memory_space<hbm>>
      tpu.wait_indirect_dma semaphore(%arg14 : memref<!tpu.dma_semaphore, #tpu.memory_space<semaphore_mem>>) src(%dma_wait3A_356 : memref<200000x16xf32, #tpu.memory_space<hbm>>) dst(%dma_wait3A_350 : memref<128x16xf32, #tpu.memory_space<vmem>>)
      %dma_wait3A_357 = arith.constant 2 : i32
      %dma_wait3A_358 = arith.constant 2 : i32
      %dma_wait3A_359 = arith.constant 0 : i32
      %dma_wait3A_360 = arith.constant 0 : i32
      %dma_wait3A_361 = tpu.memref_slice %arg11[%dma_wait3A_358, %dma_wait3A_359, %dma_wait3A_360] : memref<4x128x16xf32, #tpu.memory_space<vmem>> -> memref<1x128x16xf32, #tpu.memory_space<vmem>>
      %dma_wait3A_362 = tpu.memref_squeeze %dma_wait3A_361 : memref<1x128x16xf32, #tpu.memory_space<vmem>> -> memref<128x16xf32, #tpu.memory_space<vmem>>
      %dma_wait3A_363 = arith.constant 0 : i32
      %dma_wait3A_364 = tpu.memref_slice %arg7[%dma_wait3A_357, %dma_wait3A_363] : memref<4x128xi32, #tpu.memory_space<vmem>> -> memref<1x128xi32, #tpu.memory_space<vmem>>
      %dma_wait3A_365 = tpu.memref_squeeze %dma_wait3A_364 : memref<1x128xi32, #tpu.memory_space<vmem>> -> memref<128xi32, #tpu.memory_space<vmem>>
      %dma_wait3A_366 = arith.constant 0 : i32
      %dma_wait3A_367 = arith.constant 0 : i32
      %dma_wait3A_368 = tpu.memref_slice %arg3[%dma_wait3A_366, %dma_wait3A_367] : memref<200000x16xf32, #tpu.memory_space<hbm>> -> memref<200000x16xf32, #tpu.memory_space<hbm>>
      tpu.wait_indirect_dma semaphore(%arg14 : memref<!tpu.dma_semaphore, #tpu.memory_space<semaphore_mem>>) src(%dma_wait3A_368 : memref<200000x16xf32, #tpu.memory_space<hbm>>) dst(%dma_wait3A_362 : memref<128x16xf32, #tpu.memory_space<vmem>>)
      %dma_wait3A_369 = arith.constant 3 : i32
      %dma_wait3A_370 = arith.constant 3 : i32
      %dma_wait3A_371 = arith.constant 0 : i32
      %dma_wait3A_372 = arith.constant 0 : i32
      %dma_wait3A_373 = tpu.memref_slice %arg11[%dma_wait3A_370, %dma_wait3A_371, %dma_wait3A_372] : memref<4x128x16xf32, #tpu.memory_space<vmem>> -> memref<1x128x16xf32, #tpu.memory_space<vmem>>
      %dma_wait3A_374 = tpu.memref_squeeze %dma_wait3A_373 : memref<1x128x16xf32, #tpu.memory_space<vmem>> -> memref<128x16xf32, #tpu.memory_space<vmem>>
      %dma_wait3A_375 = arith.constant 0 : i32
      %dma_wait3A_376 = tpu.memref_slice %arg7[%dma_wait3A_369, %dma_wait3A_375] : memref<4x128xi32, #tpu.memory_space<vmem>> -> memref<1x128xi32, #tpu.memory_space<vmem>>
      %dma_wait3A_377 = tpu.memref_squeeze %dma_wait3A_376 : memref<1x128xi32, #tpu.memory_space<vmem>> -> memref<128xi32, #tpu.memory_space<vmem>>
      %dma_wait3A_378 = arith.constant 0 : i32
      %dma_wait3A_379 = arith.constant 0 : i32
      %dma_wait3A_380 = tpu.memref_slice %arg3[%dma_wait3A_378, %dma_wait3A_379] : memref<200000x16xf32, #tpu.memory_space<hbm>> -> memref<200000x16xf32, #tpu.memory_space<hbm>>
      tpu.wait_indirect_dma semaphore(%arg14 : memref<!tpu.dma_semaphore, #tpu.memory_space<semaphore_mem>>) src(%dma_wait3A_380 : memref<200000x16xf32, #tpu.memory_space<hbm>>) dst(%dma_wait3A_374 : memref<128x16xf32, #tpu.memory_space<vmem>>)
      %dma_start3A_381 = arith.constant 0 : i32
      %dma_start3A_382 = arith.constant 0 : i32
      %dma_start3A_383 = arith.constant 0 : i32
      %dma_start3A_384 = arith.constant 0 : i32
      %dma_start3A_385 = tpu.memref_slice %arg11[%dma_start3A_381, %dma_start3A_383, %dma_start3A_384] : memref<4x128x16xf32, #tpu.memory_space<vmem>> -> memref<1x128x16xf32, #tpu.memory_space<vmem>>
      %dma_start3A_386 = tpu.memref_squeeze %dma_start3A_385 : memref<1x128x16xf32, #tpu.memory_space<vmem>> -> memref<128x16xf32, #tpu.memory_space<vmem>>
      %dma_start3A_387 = arith.constant 0 : i32
      %dma_start3A_388 = tpu.memref_slice %arg9[%dma_start3A_382, %dma_start3A_387] : memref<4x128xi32, #tpu.memory_space<vmem>> -> memref<1x128xi32, #tpu.memory_space<vmem>>
      %dma_start3A_389 = tpu.memref_squeeze %dma_start3A_388 : memref<1x128xi32, #tpu.memory_space<vmem>> -> memref<128xi32, #tpu.memory_space<vmem>>
      %dma_start3A_390 = arith.constant 0 : i32
      %dma_start3A_391 = arith.constant 0 : i32
      %dma_start3A_392 = tpu.memref_slice %arg12[%dma_start3A_390, %dma_start3A_391] : memref<100008x16xf32, #tpu.memory_space<vmem_shared>> -> memref<100008x16xf32, #tpu.memory_space<vmem_shared>>
      tpu.enqueue_indirect_dma source(%dma_start3A_386 : memref<128x16xf32, #tpu.memory_space<vmem>>) target(%dma_start3A_392 : memref<100008x16xf32, #tpu.memory_space<vmem_shared>>) offsets(%dma_start3A_389 : memref<128xi32, #tpu.memory_space<vmem>>) semaphore(%arg16 : memref<!tpu.dma_semaphore, #tpu.memory_space<semaphore_mem>>) {add = true}
      %dma_start3A_393 = arith.constant 1 : i32
      %dma_start3A_394 = arith.constant 1 : i32
      %dma_start3A_395 = arith.constant 0 : i32
      %dma_start3A_396 = arith.constant 0 : i32
      %dma_start3A_397 = tpu.memref_slice %arg11[%dma_start3A_393, %dma_start3A_395, %dma_start3A_396] : memref<4x128x16xf32, #tpu.memory_space<vmem>> -> memref<1x128x16xf32, #tpu.memory_space<vmem>>
      %dma_start3A_398 = tpu.memref_squeeze %dma_start3A_397 : memref<1x128x16xf32, #tpu.memory_space<vmem>> -> memref<128x16xf32, #tpu.memory_space<vmem>>
      %dma_start3A_399 = arith.constant 0 : i32
      %dma_start3A_400 = tpu.memref_slice %arg9[%dma_start3A_394, %dma_start3A_399] : memref<4x128xi32, #tpu.memory_space<vmem>> -> memref<1x128xi32, #tpu.memory_space<vmem>>
      %dma_start3A_401 = tpu.memref_squeeze %dma_start3A_400 : memref<1x128xi32, #tpu.memory_space<vmem>> -> memref<128xi32, #tpu.memory_space<vmem>>
      %dma_start3A_402 = arith.constant 0 : i32
      %dma_start3A_403 = arith.constant 0 : i32
      %dma_start3A_404 = tpu.memref_slice %arg12[%dma_start3A_402, %dma_start3A_403] : memref<100008x16xf32, #tpu.memory_space<vmem_shared>> -> memref<100008x16xf32, #tpu.memory_space<vmem_shared>>
      tpu.enqueue_indirect_dma source(%dma_start3A_398 : memref<128x16xf32, #tpu.memory_space<vmem>>) target(%dma_start3A_404 : memref<100008x16xf32, #tpu.memory_space<vmem_shared>>) offsets(%dma_start3A_401 : memref<128xi32, #tpu.memory_space<vmem>>) semaphore(%arg16 : memref<!tpu.dma_semaphore, #tpu.memory_space<semaphore_mem>>) {add = true}
      %dma_start3A_405 = arith.constant 2 : i32
      %dma_start3A_406 = arith.constant 2 : i32
      %dma_start3A_407 = arith.constant 0 : i32
      %dma_start3A_408 = arith.constant 0 : i32
      %dma_start3A_409 = tpu.memref_slice %arg11[%dma_start3A_405, %dma_start3A_407, %dma_start3A_408] : memref<4x128x16xf32, #tpu.memory_space<vmem>> -> memref<1x128x16xf32, #tpu.memory_space<vmem>>
      %dma_start3A_410 = tpu.memref_squeeze %dma_start3A_409 : memref<1x128x16xf32, #tpu.memory_space<vmem>> -> memref<128x16xf32, #tpu.memory_space<vmem>>
      %dma_start3A_411 = arith.constant 0 : i32
      %dma_start3A_412 = tpu.memref_slice %arg9[%dma_start3A_406, %dma_start3A_411] : memref<4x128xi32, #tpu.memory_space<vmem>> -> memref<1x128xi32, #tpu.memory_space<vmem>>
      %dma_start3A_413 = tpu.memref_squeeze %dma_start3A_412 : memref<1x128xi32, #tpu.memory_space<vmem>> -> memref<128xi32, #tpu.memory_space<vmem>>
      %dma_start3A_414 = arith.constant 0 : i32
      %dma_start3A_415 = arith.constant 0 : i32
      %dma_start3A_416 = tpu.memref_slice %arg12[%dma_start3A_414, %dma_start3A_415] : memref<100008x16xf32, #tpu.memory_space<vmem_shared>> -> memref<100008x16xf32, #tpu.memory_space<vmem_shared>>
      tpu.enqueue_indirect_dma source(%dma_start3A_410 : memref<128x16xf32, #tpu.memory_space<vmem>>) target(%dma_start3A_416 : memref<100008x16xf32, #tpu.memory_space<vmem_shared>>) offsets(%dma_start3A_413 : memref<128xi32, #tpu.memory_space<vmem>>) semaphore(%arg16 : memref<!tpu.dma_semaphore, #tpu.memory_space<semaphore_mem>>) {add = true}
      %dma_start3A_417 = arith.constant 3 : i32
      %dma_start3A_418 = arith.constant 3 : i32
      %dma_start3A_419 = arith.constant 0 : i32
      %dma_start3A_420 = arith.constant 0 : i32
      %dma_start3A_421 = tpu.memref_slice %arg11[%dma_start3A_417, %dma_start3A_419, %dma_start3A_420] : memref<4x128x16xf32, #tpu.memory_space<vmem>> -> memref<1x128x16xf32, #tpu.memory_space<vmem>>
      %dma_start3A_422 = tpu.memref_squeeze %dma_start3A_421 : memref<1x128x16xf32, #tpu.memory_space<vmem>> -> memref<128x16xf32, #tpu.memory_space<vmem>>
      %dma_start3A_423 = arith.constant 0 : i32
      %dma_start3A_424 = tpu.memref_slice %arg9[%dma_start3A_418, %dma_start3A_423] : memref<4x128xi32, #tpu.memory_space<vmem>> -> memref<1x128xi32, #tpu.memory_space<vmem>>
      %dma_start3A_425 = tpu.memref_squeeze %dma_start3A_424 : memref<1x128xi32, #tpu.memory_space<vmem>> -> memref<128xi32, #tpu.memory_space<vmem>>
      %dma_start3A_426 = arith.constant 0 : i32
      %dma_start3A_427 = arith.constant 0 : i32
      %dma_start3A_428 = tpu.memref_slice %arg12[%dma_start3A_426, %dma_start3A_427] : memref<100008x16xf32, #tpu.memory_space<vmem_shared>> -> memref<100008x16xf32, #tpu.memory_space<vmem_shared>>
      tpu.enqueue_indirect_dma source(%dma_start3A_422 : memref<128x16xf32, #tpu.memory_space<vmem>>) target(%dma_start3A_428 : memref<100008x16xf32, #tpu.memory_space<vmem_shared>>) offsets(%dma_start3A_425 : memref<128xi32, #tpu.memory_space<vmem>>) semaphore(%arg16 : memref<!tpu.dma_semaphore, #tpu.memory_space<semaphore_mem>>) {add = true}
    }
    %scan3A_11 = arith.constant 98 : i32
    %dma_wait3A = arith.constant 0 : i32
    %dma_wait3A_12 = arith.constant 0 : i32
    %dma_wait3A_13 = arith.constant 0 : i32
    %dma_wait3A_14 = arith.constant 0 : i32
    %dma_wait3A_15 = tpu.memref_slice %arg10[%dma_wait3A, %dma_wait3A_13, %dma_wait3A_14] : memref<4x128x16xf32, #tpu.memory_space<vmem>> -> memref<1x128x16xf32, #tpu.memory_space<vmem>>
    %dma_wait3A_16 = tpu.memref_squeeze %dma_wait3A_15 : memref<1x128x16xf32, #tpu.memory_space<vmem>> -> memref<128x16xf32, #tpu.memory_space<vmem>>
    %dma_wait3A_17 = arith.constant 0 : i32
    %dma_wait3A_18 = tpu.memref_slice %arg8[%dma_wait3A_12, %dma_wait3A_17] : memref<4x128xi32, #tpu.memory_space<vmem>> -> memref<1x128xi32, #tpu.memory_space<vmem>>
    %dma_wait3A_19 = tpu.memref_squeeze %dma_wait3A_18 : memref<1x128xi32, #tpu.memory_space<vmem>> -> memref<128xi32, #tpu.memory_space<vmem>>
    %dma_wait3A_20 = arith.constant 0 : i32
    %dma_wait3A_21 = arith.constant 0 : i32
    %dma_wait3A_22 = tpu.memref_slice %arg12[%dma_wait3A_20, %dma_wait3A_21] : memref<100008x16xf32, #tpu.memory_space<vmem_shared>> -> memref<100008x16xf32, #tpu.memory_space<vmem_shared>>
    tpu.wait_indirect_dma semaphore(%arg15 : memref<!tpu.dma_semaphore, #tpu.memory_space<semaphore_mem>>) src(%dma_wait3A_16 : memref<128x16xf32, #tpu.memory_space<vmem>>) dst(%dma_wait3A_22 : memref<100008x16xf32, #tpu.memory_space<vmem_shared>>)
    %dma_wait3A_23 = arith.constant 1 : i32
    %dma_wait3A_24 = arith.constant 1 : i32
    %dma_wait3A_25 = arith.constant 0 : i32
    %dma_wait3A_26 = arith.constant 0 : i32
    %dma_wait3A_27 = tpu.memref_slice %arg10[%dma_wait3A_23, %dma_wait3A_25, %dma_wait3A_26] : memref<4x128x16xf32, #tpu.memory_space<vmem>> -> memref<1x128x16xf32, #tpu.memory_space<vmem>>
    %dma_wait3A_28 = tpu.memref_squeeze %dma_wait3A_27 : memref<1x128x16xf32, #tpu.memory_space<vmem>> -> memref<128x16xf32, #tpu.memory_space<vmem>>
    %dma_wait3A_29 = arith.constant 0 : i32
    %dma_wait3A_30 = tpu.memref_slice %arg8[%dma_wait3A_24, %dma_wait3A_29] : memref<4x128xi32, #tpu.memory_space<vmem>> -> memref<1x128xi32, #tpu.memory_space<vmem>>
    %dma_wait3A_31 = tpu.memref_squeeze %dma_wait3A_30 : memref<1x128xi32, #tpu.memory_space<vmem>> -> memref<128xi32, #tpu.memory_space<vmem>>
    %dma_wait3A_32 = arith.constant 0 : i32
    %dma_wait3A_33 = arith.constant 0 : i32
    %dma_wait3A_34 = tpu.memref_slice %arg12[%dma_wait3A_32, %dma_wait3A_33] : memref<100008x16xf32, #tpu.memory_space<vmem_shared>> -> memref<100008x16xf32, #tpu.memory_space<vmem_shared>>
    tpu.wait_indirect_dma semaphore(%arg15 : memref<!tpu.dma_semaphore, #tpu.memory_space<semaphore_mem>>) src(%dma_wait3A_28 : memref<128x16xf32, #tpu.memory_space<vmem>>) dst(%dma_wait3A_34 : memref<100008x16xf32, #tpu.memory_space<vmem_shared>>)
    %dma_wait3A_35 = arith.constant 2 : i32
    %dma_wait3A_36 = arith.constant 2 : i32
    %dma_wait3A_37 = arith.constant 0 : i32
    %dma_wait3A_38 = arith.constant 0 : i32
    %dma_wait3A_39 = tpu.memref_slice %arg10[%dma_wait3A_35, %dma_wait3A_37, %dma_wait3A_38] : memref<4x128x16xf32, #tpu.memory_space<vmem>> -> memref<1x128x16xf32, #tpu.memory_space<vmem>>
    %dma_wait3A_40 = tpu.memref_squeeze %dma_wait3A_39 : memref<1x128x16xf32, #tpu.memory_space<vmem>> -> memref<128x16xf32, #tpu.memory_space<vmem>>
    %dma_wait3A_41 = arith.constant 0 : i32
    %dma_wait3A_42 = tpu.memref_slice %arg8[%dma_wait3A_36, %dma_wait3A_41] : memref<4x128xi32, #tpu.memory_space<vmem>> -> memref<1x128xi32, #tpu.memory_space<vmem>>
    %dma_wait3A_43 = tpu.memref_squeeze %dma_wait3A_42 : memref<1x128xi32, #tpu.memory_space<vmem>> -> memref<128xi32, #tpu.memory_space<vmem>>
    %dma_wait3A_44 = arith.constant 0 : i32
    %dma_wait3A_45 = arith.constant 0 : i32
    %dma_wait3A_46 = tpu.memref_slice %arg12[%dma_wait3A_44, %dma_wait3A_45] : memref<100008x16xf32, #tpu.memory_space<vmem_shared>> -> memref<100008x16xf32, #tpu.memory_space<vmem_shared>>
    tpu.wait_indirect_dma semaphore(%arg15 : memref<!tpu.dma_semaphore, #tpu.memory_space<semaphore_mem>>) src(%dma_wait3A_40 : memref<128x16xf32, #tpu.memory_space<vmem>>) dst(%dma_wait3A_46 : memref<100008x16xf32, #tpu.memory_space<vmem_shared>>)
    %dma_wait3A_47 = arith.constant 3 : i32
    %dma_wait3A_48 = arith.constant 3 : i32
    %dma_wait3A_49 = arith.constant 0 : i32
    %dma_wait3A_50 = arith.constant 0 : i32
    %dma_wait3A_51 = tpu.memref_slice %arg10[%dma_wait3A_47, %dma_wait3A_49, %dma_wait3A_50] : memref<4x128x16xf32, #tpu.memory_space<vmem>> -> memref<1x128x16xf32, #tpu.memory_space<vmem>>
    %dma_wait3A_52 = tpu.memref_squeeze %dma_wait3A_51 : memref<1x128x16xf32, #tpu.memory_space<vmem>> -> memref<128x16xf32, #tpu.memory_space<vmem>>
    %dma_wait3A_53 = arith.constant 0 : i32
    %dma_wait3A_54 = tpu.memref_slice %arg8[%dma_wait3A_48, %dma_wait3A_53] : memref<4x128xi32, #tpu.memory_space<vmem>> -> memref<1x128xi32, #tpu.memory_space<vmem>>
    %dma_wait3A_55 = tpu.memref_squeeze %dma_wait3A_54 : memref<1x128xi32, #tpu.memory_space<vmem>> -> memref<128xi32, #tpu.memory_space<vmem>>
    %dma_wait3A_56 = arith.constant 0 : i32
    %dma_wait3A_57 = arith.constant 0 : i32
    %dma_wait3A_58 = tpu.memref_slice %arg12[%dma_wait3A_56, %dma_wait3A_57] : memref<100008x16xf32, #tpu.memory_space<vmem_shared>> -> memref<100008x16xf32, #tpu.memory_space<vmem_shared>>
    tpu.wait_indirect_dma semaphore(%arg15 : memref<!tpu.dma_semaphore, #tpu.memory_space<semaphore_mem>>) src(%dma_wait3A_52 : memref<128x16xf32, #tpu.memory_space<vmem>>) dst(%dma_wait3A_58 : memref<100008x16xf32, #tpu.memory_space<vmem_shared>>)
    %dma_wait3A_59 = arith.constant 0 : i32
    %dma_wait3A_60 = arith.constant 0 : i32
    %dma_wait3A_61 = arith.constant 0 : i32
    %dma_wait3A_62 = arith.constant 0 : i32
    %dma_wait3A_63 = tpu.memref_slice %arg11[%dma_wait3A_59, %dma_wait3A_61, %dma_wait3A_62] : memref<4x128x16xf32, #tpu.memory_space<vmem>> -> memref<1x128x16xf32, #tpu.memory_space<vmem>>
    %dma_wait3A_64 = tpu.memref_squeeze %dma_wait3A_63 : memref<1x128x16xf32, #tpu.memory_space<vmem>> -> memref<128x16xf32, #tpu.memory_space<vmem>>
    %dma_wait3A_65 = arith.constant 0 : i32
    %dma_wait3A_66 = tpu.memref_slice %arg9[%dma_wait3A_60, %dma_wait3A_65] : memref<4x128xi32, #tpu.memory_space<vmem>> -> memref<1x128xi32, #tpu.memory_space<vmem>>
    %dma_wait3A_67 = tpu.memref_squeeze %dma_wait3A_66 : memref<1x128xi32, #tpu.memory_space<vmem>> -> memref<128xi32, #tpu.memory_space<vmem>>
    %dma_wait3A_68 = arith.constant 0 : i32
    %dma_wait3A_69 = arith.constant 0 : i32
    %dma_wait3A_70 = tpu.memref_slice %arg12[%dma_wait3A_68, %dma_wait3A_69] : memref<100008x16xf32, #tpu.memory_space<vmem_shared>> -> memref<100008x16xf32, #tpu.memory_space<vmem_shared>>
    tpu.wait_indirect_dma semaphore(%arg16 : memref<!tpu.dma_semaphore, #tpu.memory_space<semaphore_mem>>) src(%dma_wait3A_64 : memref<128x16xf32, #tpu.memory_space<vmem>>) dst(%dma_wait3A_70 : memref<100008x16xf32, #tpu.memory_space<vmem_shared>>)
    %dma_wait3A_71 = arith.constant 1 : i32
    %dma_wait3A_72 = arith.constant 1 : i32
    %dma_wait3A_73 = arith.constant 0 : i32
    %dma_wait3A_74 = arith.constant 0 : i32
    %dma_wait3A_75 = tpu.memref_slice %arg11[%dma_wait3A_71, %dma_wait3A_73, %dma_wait3A_74] : memref<4x128x16xf32, #tpu.memory_space<vmem>> -> memref<1x128x16xf32, #tpu.memory_space<vmem>>
    %dma_wait3A_76 = tpu.memref_squeeze %dma_wait3A_75 : memref<1x128x16xf32, #tpu.memory_space<vmem>> -> memref<128x16xf32, #tpu.memory_space<vmem>>
    %dma_wait3A_77 = arith.constant 0 : i32
    %dma_wait3A_78 = tpu.memref_slice %arg9[%dma_wait3A_72, %dma_wait3A_77] : memref<4x128xi32, #tpu.memory_space<vmem>> -> memref<1x128xi32, #tpu.memory_space<vmem>>
    %dma_wait3A_79 = tpu.memref_squeeze %dma_wait3A_78 : memref<1x128xi32, #tpu.memory_space<vmem>> -> memref<128xi32, #tpu.memory_space<vmem>>
    %dma_wait3A_80 = arith.constant 0 : i32
    %dma_wait3A_81 = arith.constant 0 : i32
    %dma_wait3A_82 = tpu.memref_slice %arg12[%dma_wait3A_80, %dma_wait3A_81] : memref<100008x16xf32, #tpu.memory_space<vmem_shared>> -> memref<100008x16xf32, #tpu.memory_space<vmem_shared>>
    tpu.wait_indirect_dma semaphore(%arg16 : memref<!tpu.dma_semaphore, #tpu.memory_space<semaphore_mem>>) src(%dma_wait3A_76 : memref<128x16xf32, #tpu.memory_space<vmem>>) dst(%dma_wait3A_82 : memref<100008x16xf32, #tpu.memory_space<vmem_shared>>)
    %dma_wait3A_83 = arith.constant 2 : i32
    %dma_wait3A_84 = arith.constant 2 : i32
    %dma_wait3A_85 = arith.constant 0 : i32
    %dma_wait3A_86 = arith.constant 0 : i32
    %dma_wait3A_87 = tpu.memref_slice %arg11[%dma_wait3A_83, %dma_wait3A_85, %dma_wait3A_86] : memref<4x128x16xf32, #tpu.memory_space<vmem>> -> memref<1x128x16xf32, #tpu.memory_space<vmem>>
    %dma_wait3A_88 = tpu.memref_squeeze %dma_wait3A_87 : memref<1x128x16xf32, #tpu.memory_space<vmem>> -> memref<128x16xf32, #tpu.memory_space<vmem>>
    %dma_wait3A_89 = arith.constant 0 : i32
    %dma_wait3A_90 = tpu.memref_slice %arg9[%dma_wait3A_84, %dma_wait3A_89] : memref<4x128xi32, #tpu.memory_space<vmem>> -> memref<1x128xi32, #tpu.memory_space<vmem>>
    %dma_wait3A_91 = tpu.memref_squeeze %dma_wait3A_90 : memref<1x128xi32, #tpu.memory_space<vmem>> -> memref<128xi32, #tpu.memory_space<vmem>>
    %dma_wait3A_92 = arith.constant 0 : i32
    %dma_wait3A_93 = arith.constant 0 : i32
    %dma_wait3A_94 = tpu.memref_slice %arg12[%dma_wait3A_92, %dma_wait3A_93] : memref<100008x16xf32, #tpu.memory_space<vmem_shared>> -> memref<100008x16xf32, #tpu.memory_space<vmem_shared>>
    tpu.wait_indirect_dma semaphore(%arg16 : memref<!tpu.dma_semaphore, #tpu.memory_space<semaphore_mem>>) src(%dma_wait3A_88 : memref<128x16xf32, #tpu.memory_space<vmem>>) dst(%dma_wait3A_94 : memref<100008x16xf32, #tpu.memory_space<vmem_shared>>)
    %dma_wait3A_95 = arith.constant 3 : i32
    %dma_wait3A_96 = arith.constant 3 : i32
    %dma_wait3A_97 = arith.constant 0 : i32
    %dma_wait3A_98 = arith.constant 0 : i32
    %dma_wait3A_99 = tpu.memref_slice %arg11[%dma_wait3A_95, %dma_wait3A_97, %dma_wait3A_98] : memref<4x128x16xf32, #tpu.memory_space<vmem>> -> memref<1x128x16xf32, #tpu.memory_space<vmem>>
    %dma_wait3A_100 = tpu.memref_squeeze %dma_wait3A_99 : memref<1x128x16xf32, #tpu.memory_space<vmem>> -> memref<128x16xf32, #tpu.memory_space<vmem>>
    %dma_wait3A_101 = arith.constant 0 : i32
    %dma_wait3A_102 = tpu.memref_slice %arg9[%dma_wait3A_96, %dma_wait3A_101] : memref<4x128xi32, #tpu.memory_space<vmem>> -> memref<1x128xi32, #tpu.memory_space<vmem>>
    %dma_wait3A_103 = tpu.memref_squeeze %dma_wait3A_102 : memref<1x128xi32, #tpu.memory_space<vmem>> -> memref<128xi32, #tpu.memory_space<vmem>>
    %dma_wait3A_104 = arith.constant 0 : i32
    %dma_wait3A_105 = arith.constant 0 : i32
    %dma_wait3A_106 = tpu.memref_slice %arg12[%dma_wait3A_104, %dma_wait3A_105] : memref<100008x16xf32, #tpu.memory_space<vmem_shared>> -> memref<100008x16xf32, #tpu.memory_space<vmem_shared>>
    tpu.wait_indirect_dma semaphore(%arg16 : memref<!tpu.dma_semaphore, #tpu.memory_space<semaphore_mem>>) src(%dma_wait3A_100 : memref<128x16xf32, #tpu.memory_space<vmem>>) dst(%dma_wait3A_106 : memref<100008x16xf32, #tpu.memory_space<vmem_shared>>)
    %barrier3A_107 = arith.constant 0 : index
    tpu.barrier barrier_id(%barrier3A_107)
    %lt3A_108 = arith.constant 15 : i32
    %lt3A_109 = arith.cmpi slt, %arg1, %lt3A_108 : i32
    %convert_element_type3A_110 = arith.extui %lt3A_109 : i1 to i32
    %cond3A_111 = arith.constant 0 : i32
    %cond3A_112 = arith.cmpi ne, %convert_element_type3A_110, %cond3A_111 : i32
    scf.if %cond3A_112 {
      %mul3A_118 = arith.constant 6256 : i32
      %mul3A_119 = arith.muli %arg1, %mul3A_118 : i32
      %mul3A_120 = arith.constant 6256 : i32
      %mul3A_121 = arith.muli %arg1, %mul3A_120 : i32
      "tpu.region"() ({
        %run_scoped3A = tpu.sem_alloc : memref<!tpu.dma_semaphore, #tpu.memory_space<semaphore_mem>>
        %dma_start3A = arith.constant 0 : i32
        %dma_start3A_122 = tpu.memref_slice %arg5[%arg0, %mul3A_121, %dma_start3A] : memref<2x100000x16xf32, #tpu.memory_space<hbm>> -> memref<1x6256x16xf32, #tpu.memory_space<hbm>>
        %dma_start3A_123 = tpu.memref_squeeze %dma_start3A_122 : memref<1x6256x16xf32, #tpu.memory_space<hbm>> -> memref<6256x16xf32, #tpu.memory_space<hbm>>
        %dma_start3A_124 = arith.constant 0 : i32
        %dma_start3A_125 = tpu.memref_slice %arg12[%mul3A_119, %dma_start3A_124] : memref<100008x16xf32, #tpu.memory_space<vmem_shared>> -> memref<6256x16xf32, #tpu.memory_space<vmem_shared>>
        tpu.enqueue_dma source(%dma_start3A_125 : memref<6256x16xf32, #tpu.memory_space<vmem_shared>>) target(%dma_start3A_123 : memref<6256x16xf32, #tpu.memory_space<hbm>>) target_semaphore(%run_scoped3A : memref<!tpu.dma_semaphore, #tpu.memory_space<semaphore_mem>>)
        %dma_wait3A_126 = arith.constant 0 : i32
        %dma_wait3A_127 = tpu.memref_slice %arg5[%arg0, %mul3A_121, %dma_wait3A_126] : memref<2x100000x16xf32, #tpu.memory_space<hbm>> -> memref<1x6256x16xf32, #tpu.memory_space<hbm>>
        %dma_wait3A_128 = tpu.memref_squeeze %dma_wait3A_127 : memref<1x6256x16xf32, #tpu.memory_space<hbm>> -> memref<6256x16xf32, #tpu.memory_space<hbm>>
        %dma_wait3A_129 = arith.constant 0 : i32
        %dma_wait3A_130 = tpu.memref_slice %arg12[%mul3A_119, %dma_wait3A_129] : memref<100008x16xf32, #tpu.memory_space<vmem_shared>> -> memref<6256x16xf32, #tpu.memory_space<vmem_shared>>
        tpu.wait_dma2 semaphore(%run_scoped3A : memref<!tpu.dma_semaphore, #tpu.memory_space<semaphore_mem>>) src(%dma_wait3A_130 : memref<6256x16xf32, #tpu.memory_space<vmem_shared>>) dst(%dma_wait3A_128 : memref<6256x16xf32, #tpu.memory_space<hbm>>)
        tpu.yield
      }) : () -> ()
    } else {
    }
    %eq3A_113 = arith.constant 15 : i32
    %eq3A_114 = arith.cmpi eq, %arg1, %eq3A_113 : i32
    %convert_element_type3A_115 = arith.extui %eq3A_114 : i1 to i32
    %cond3A_116 = arith.constant 0 : i32
    %cond3A_117 = arith.cmpi ne, %convert_element_type3A_115, %cond3A_116 : i32
    scf.if %cond3A_117 {
      "tpu.region"() ({
        %run_scoped3A = tpu.sem_alloc : memref<!tpu.dma_semaphore, #tpu.memory_space<semaphore_mem>>
        %dma_start3A = arith.constant 93840 : i32
        %dma_start3A_118 = arith.constant 0 : i32
        %dma_start3A_119 = tpu.memref_slice %arg5[%arg0, %dma_start3A, %dma_start3A_118] : memref<2x100000x16xf32, #tpu.memory_space<hbm>> -> memref<1x6160x16xf32, #tpu.memory_space<hbm>>
        %dma_start3A_120 = tpu.memref_squeeze %dma_start3A_119 : memref<1x6160x16xf32, #tpu.memory_space<hbm>> -> memref<6160x16xf32, #tpu.memory_space<hbm>>
        %dma_start3A_121 = arith.constant 93840 : i32
        %dma_start3A_122 = arith.constant 0 : i32
        %dma_start3A_123 = tpu.memref_slice %arg12[%dma_start3A_121, %dma_start3A_122] : memref<100008x16xf32, #tpu.memory_space<vmem_shared>> -> memref<6160x16xf32, #tpu.memory_space<vmem_shared>>
        tpu.enqueue_dma source(%dma_start3A_123 : memref<6160x16xf32, #tpu.memory_space<vmem_shared>>) target(%dma_start3A_120 : memref<6160x16xf32, #tpu.memory_space<hbm>>) target_semaphore(%run_scoped3A : memref<!tpu.dma_semaphore, #tpu.memory_space<semaphore_mem>>)
        %dma_wait3A_124 = arith.constant 93840 : i32
        %dma_wait3A_125 = arith.constant 0 : i32
        %dma_wait3A_126 = tpu.memref_slice %arg5[%arg0, %dma_wait3A_124, %dma_wait3A_125] : memref<2x100000x16xf32, #tpu.memory_space<hbm>> -> memref<1x6160x16xf32, #tpu.memory_space<hbm>>
        %dma_wait3A_127 = tpu.memref_squeeze %dma_wait3A_126 : memref<1x6160x16xf32, #tpu.memory_space<hbm>> -> memref<6160x16xf32, #tpu.memory_space<hbm>>
        %dma_wait3A_128 = arith.constant 93840 : i32
        %dma_wait3A_129 = arith.constant 0 : i32
        %dma_wait3A_130 = tpu.memref_slice %arg12[%dma_wait3A_128, %dma_wait3A_129] : memref<100008x16xf32, #tpu.memory_space<vmem_shared>> -> memref<6160x16xf32, #tpu.memory_space<vmem_shared>>
        tpu.wait_dma2 semaphore(%run_scoped3A : memref<!tpu.dma_semaphore, #tpu.memory_space<semaphore_mem>>) src(%dma_wait3A_130 : memref<6160x16xf32, #tpu.memory_space<vmem_shared>>) dst(%dma_wait3A_127 : memref<6160x16xf32, #tpu.memory_space<hbm>>)
        tpu.yield
      }) : () -> ()
    } else {
    }
    return
  }
}

#map = affine_map<(d0, d1) -> (0, 0, 0)>
#map1 = affine_map<(d0, d1) -> (0, 0)>
module attributes {stable_mosaic.version = 14 : i64} {
  func.func @conv_kernel(%arg0: i32, %arg1: i32, %arg2: memref<3x12544x128xi32, #tpu.memory_space<hbm>>, %arg3: memref<100000x16xf32, #tpu.memory_space<hbm>>, %arg4: memref<100000x16xf32, #tpu.memory_space<hbm>>, %arg5: memref<2x100000x16xf32, #tpu.memory_space<hbm>>, %arg6: memref<4x128xi32, #tpu.memory_space<vmem>>, %arg7: memref<4x128xi32, #tpu.memory_space<vmem>>, %arg8: memref<4x128xi32, #tpu.memory_space<vmem>>, %arg9: memref<4x128xi32, #tpu.memory_space<vmem>>, %arg10: memref<4x128x16xf32, #tpu.memory_space<vmem>>, %arg11: memref<4x128x16xf32, #tpu.memory_space<vmem>>, %arg12: memref<100008x16xf32, #tpu.memory_space<vmem_shared>>, %arg13: memref<!tpu.dma_semaphore, #tpu.memory_space<semaphore_mem>>, %arg14: memref<!tpu.dma_semaphore, #tpu.memory_space<semaphore_mem>>, %arg15: memref<!tpu.dma_semaphore, #tpu.memory_space<semaphore_mem>>, %arg16: memref<!tpu.dma_semaphore, #tpu.memory_space<semaphore_mem>>) attributes {dimension_semantics = [#tpu.dimension_semantics<core_parallel>, #tpu.dimension_semantics<subcore_parallel>], iteration_bounds = array<i64: 2, 16>, scalar_prefetch = 0 : i64, scratch_operands = 11 : i64, tpu.core_type = #tpu.core_type<sc_vector_subcore>, window_params = [{transform_indices = #map}, {transform_indices = #map1}, {transform_indices = #map1}, {transform_indices = #map}]} {
    %lt3A = arith.constant 15 : i32
    %lt3A_0 = arith.cmpi slt, %arg1, %lt3A : i32
    %convert_element_type3A = arith.extui %lt3A_0 : i1 to i32
    %cond3A = arith.constant 0 : i32
    %cond3A_1 = arith.cmpi ne, %convert_element_type3A, %cond3A : i32
    scf.if %cond3A_1 {
      %mul3A_120 = arith.constant 6256 : i32
      %mul3A_121 = arith.muli %arg1, %mul3A_120 : i32
      %mul3A_122 = arith.constant 6256 : i32
      %mul3A_123 = arith.muli %arg1, %mul3A_122 : i32
      "tpu.region"() ({
        %run_scoped3A = tpu.sem_alloc : memref<!tpu.dma_semaphore, #tpu.memory_space<semaphore_mem>>
        %dma_start3A = arith.constant 0 : i32
        %dma_start3A_124 = tpu.memref_slice %arg12[%mul3A_123, %dma_start3A] : memref<100008x16xf32, #tpu.memory_space<vmem_shared>> -> memref<6256x16xf32, #tpu.memory_space<vmem_shared>>
        %dma_start3A_125 = arith.constant 0 : i32
        %dma_start3A_126 = tpu.memref_slice %arg4[%mul3A_121, %dma_start3A_125] : memref<100000x16xf32, #tpu.memory_space<hbm>> -> memref<6256x16xf32, #tpu.memory_space<hbm>>
        tpu.enqueue_dma source(%dma_start3A_126 : memref<6256x16xf32, #tpu.memory_space<hbm>>) target(%dma_start3A_124 : memref<6256x16xf32, #tpu.memory_space<vmem_shared>>) target_semaphore(%run_scoped3A : memref<!tpu.dma_semaphore, #tpu.memory_space<semaphore_mem>>)
        %dma_wait3A_127 = arith.constant 0 : i32
        %dma_wait3A_128 = tpu.memref_slice %arg12[%mul3A_123, %dma_wait3A_127] : memref<100008x16xf32, #tpu.memory_space<vmem_shared>> -> memref<6256x16xf32, #tpu.memory_space<vmem_shared>>
        %dma_wait3A_129 = arith.constant 0 : i32
        %dma_wait3A_130 = tpu.memref_slice %arg4[%mul3A_121, %dma_wait3A_129] : memref<100000x16xf32, #tpu.memory_space<hbm>> -> memref<6256x16xf32, #tpu.memory_space<hbm>>
        tpu.wait_dma2 semaphore(%run_scoped3A : memref<!tpu.dma_semaphore, #tpu.memory_space<semaphore_mem>>) src(%dma_wait3A_130 : memref<6256x16xf32, #tpu.memory_space<hbm>>) dst(%dma_wait3A_128 : memref<6256x16xf32, #tpu.memory_space<vmem_shared>>)
        tpu.yield
      }) : () -> ()
    } else {
    }
    %eq3A = arith.constant 15 : i32
    %eq3A_2 = arith.cmpi eq, %arg1, %eq3A : i32
    %convert_element_type3A_3 = arith.extui %eq3A_2 : i1 to i32
    %cond3A_4 = arith.constant 0 : i32
    %cond3A_5 = arith.cmpi ne, %convert_element_type3A_3, %cond3A_4 : i32
    scf.if %cond3A_5 {
      "tpu.region"() ({
        %run_scoped3A = tpu.sem_alloc : memref<!tpu.dma_semaphore, #tpu.memory_space<semaphore_mem>>
        %dma_start3A = arith.constant 93840 : i32
        %dma_start3A_120 = arith.constant 0 : i32
        %dma_start3A_121 = tpu.memref_slice %arg12[%dma_start3A, %dma_start3A_120] : memref<100008x16xf32, #tpu.memory_space<vmem_shared>> -> memref<6160x16xf32, #tpu.memory_space<vmem_shared>>
        %dma_start3A_122 = arith.constant 93840 : i32
        %dma_start3A_123 = arith.constant 0 : i32
        %dma_start3A_124 = tpu.memref_slice %arg4[%dma_start3A_122, %dma_start3A_123] : memref<100000x16xf32, #tpu.memory_space<hbm>> -> memref<6160x16xf32, #tpu.memory_space<hbm>>
        tpu.enqueue_dma source(%dma_start3A_124 : memref<6160x16xf32, #tpu.memory_space<hbm>>) target(%dma_start3A_121 : memref<6160x16xf32, #tpu.memory_space<vmem_shared>>) target_semaphore(%run_scoped3A : memref<!tpu.dma_semaphore, #tpu.memory_space<semaphore_mem>>)
        %dma_wait3A_125 = arith.constant 93840 : i32
        %dma_wait3A_126 = arith.constant 0 : i32
        %dma_wait3A_127 = tpu.memref_slice %arg12[%dma_wait3A_125, %dma_wait3A_126] : memref<100008x16xf32, #tpu.memory_space<vmem_shared>> -> memref<6160x16xf32, #tpu.memory_space<vmem_shared>>
        %dma_wait3A_128 = arith.constant 93840 : i32
        %dma_wait3A_129 = arith.constant 0 : i32
        %dma_wait3A_130 = tpu.memref_slice %arg4[%dma_wait3A_128, %dma_wait3A_129] : memref<100000x16xf32, #tpu.memory_space<hbm>> -> memref<6160x16xf32, #tpu.memory_space<hbm>>
        tpu.wait_dma2 semaphore(%run_scoped3A : memref<!tpu.dma_semaphore, #tpu.memory_space<semaphore_mem>>) src(%dma_wait3A_130 : memref<6160x16xf32, #tpu.memory_space<hbm>>) dst(%dma_wait3A_127 : memref<6160x16xf32, #tpu.memory_space<vmem_shared>>)
        tpu.yield
      }) : () -> ()
    } else {
    }
    %barrier3A = arith.constant 0 : index
    tpu.barrier barrier_id(%barrier3A)
    %mul3A = arith.constant 6272 : i32
    %mul3A_6 = arith.muli %arg0, %mul3A : i32
    %mul3A_7 = arith.constant 392 : i32
    %mul3A_8 = arith.muli %arg1, %mul3A_7 : i32
    %add3A = arith.addi %mul3A_6, %mul3A_8 : i32
    %scan3A = arith.constant 0 : i32
    %scan3A_9 = arith.constant 0 : i32
    %scan3A_10 = arith.constant 49 : i32
    %scan3A_11 = arith.addi %scan3A_9, %scan3A_10 : i32
    %scan3A_12 = arith.constant 1 : i32
    scf.for %scan3A_120 = %scan3A_9 to %scan3A_11 step %scan3A_12  : i32 {
      %gt3A = arith.constant 0 : i32
      %gt3A_121 = arith.cmpi sgt, %scan3A_120, %gt3A : i32
      %convert_element_type3A_122 = arith.extui %gt3A_121 : i1 to i32
      %cond3A_123 = arith.constant 0 : i32
      %cond3A_124 = arith.cmpi ne, %convert_element_type3A_122, %cond3A_123 : i32
      scf.if %cond3A_124 {
        %dma_wait3A_434 = arith.constant 0 : i32
        %dma_wait3A_435 = arith.constant 0 : i32
        %dma_wait3A_436 = arith.constant 0 : i32
        %dma_wait3A_437 = arith.constant 0 : i32
        %dma_wait3A_438 = tpu.memref_slice %arg10[%dma_wait3A_434, %dma_wait3A_436, %dma_wait3A_437] : memref<4x128x16xf32, #tpu.memory_space<vmem>> -> memref<1x128x16xf32, #tpu.memory_space<vmem>>
        %dma_wait3A_439 = tpu.memref_squeeze %dma_wait3A_438 : memref<1x128x16xf32, #tpu.memory_space<vmem>> -> memref<128x16xf32, #tpu.memory_space<vmem>>
        %dma_wait3A_440 = arith.constant 0 : i32
        %dma_wait3A_441 = tpu.memref_slice %arg8[%dma_wait3A_435, %dma_wait3A_440] : memref<4x128xi32, #tpu.memory_space<vmem>> -> memref<1x128xi32, #tpu.memory_space<vmem>>
        %dma_wait3A_442 = tpu.memref_squeeze %dma_wait3A_441 : memref<1x128xi32, #tpu.memory_space<vmem>> -> memref<128xi32, #tpu.memory_space<vmem>>
        %dma_wait3A_443 = arith.constant 0 : i32
        %dma_wait3A_444 = arith.constant 0 : i32
        %dma_wait3A_445 = tpu.memref_slice %arg12[%dma_wait3A_443, %dma_wait3A_444] : memref<100008x16xf32, #tpu.memory_space<vmem_shared>> -> memref<100008x16xf32, #tpu.memory_space<vmem_shared>>
        tpu.wait_indirect_dma semaphore(%arg15 : memref<!tpu.dma_semaphore, #tpu.memory_space<semaphore_mem>>) src(%dma_wait3A_439 : memref<128x16xf32, #tpu.memory_space<vmem>>) dst(%dma_wait3A_445 : memref<100008x16xf32, #tpu.memory_space<vmem_shared>>)
        %dma_wait3A_446 = arith.constant 1 : i32
        %dma_wait3A_447 = arith.constant 1 : i32
        %dma_wait3A_448 = arith.constant 0 : i32
        %dma_wait3A_449 = arith.constant 0 : i32
        %dma_wait3A_450 = tpu.memref_slice %arg10[%dma_wait3A_446, %dma_wait3A_448, %dma_wait3A_449] : memref<4x128x16xf32, #tpu.memory_space<vmem>> -> memref<1x128x16xf32, #tpu.memory_space<vmem>>
        %dma_wait3A_451 = tpu.memref_squeeze %dma_wait3A_450 : memref<1x128x16xf32, #tpu.memory_space<vmem>> -> memref<128x16xf32, #tpu.memory_space<vmem>>
        %dma_wait3A_452 = arith.constant 0 : i32
        %dma_wait3A_453 = tpu.memref_slice %arg8[%dma_wait3A_447, %dma_wait3A_452] : memref<4x128xi32, #tpu.memory_space<vmem>> -> memref<1x128xi32, #tpu.memory_space<vmem>>
        %dma_wait3A_454 = tpu.memref_squeeze %dma_wait3A_453 : memref<1x128xi32, #tpu.memory_space<vmem>> -> memref<128xi32, #tpu.memory_space<vmem>>
        %dma_wait3A_455 = arith.constant 0 : i32
        %dma_wait3A_456 = arith.constant 0 : i32
        %dma_wait3A_457 = tpu.memref_slice %arg12[%dma_wait3A_455, %dma_wait3A_456] : memref<100008x16xf32, #tpu.memory_space<vmem_shared>> -> memref<100008x16xf32, #tpu.memory_space<vmem_shared>>
        tpu.wait_indirect_dma semaphore(%arg15 : memref<!tpu.dma_semaphore, #tpu.memory_space<semaphore_mem>>) src(%dma_wait3A_451 : memref<128x16xf32, #tpu.memory_space<vmem>>) dst(%dma_wait3A_457 : memref<100008x16xf32, #tpu.memory_space<vmem_shared>>)
        %dma_wait3A_458 = arith.constant 2 : i32
        %dma_wait3A_459 = arith.constant 2 : i32
        %dma_wait3A_460 = arith.constant 0 : i32
        %dma_wait3A_461 = arith.constant 0 : i32
        %dma_wait3A_462 = tpu.memref_slice %arg10[%dma_wait3A_458, %dma_wait3A_460, %dma_wait3A_461] : memref<4x128x16xf32, #tpu.memory_space<vmem>> -> memref<1x128x16xf32, #tpu.memory_space<vmem>>
        %dma_wait3A_463 = tpu.memref_squeeze %dma_wait3A_462 : memref<1x128x16xf32, #tpu.memory_space<vmem>> -> memref<128x16xf32, #tpu.memory_space<vmem>>
        %dma_wait3A_464 = arith.constant 0 : i32
        %dma_wait3A_465 = tpu.memref_slice %arg8[%dma_wait3A_459, %dma_wait3A_464] : memref<4x128xi32, #tpu.memory_space<vmem>> -> memref<1x128xi32, #tpu.memory_space<vmem>>
        %dma_wait3A_466 = tpu.memref_squeeze %dma_wait3A_465 : memref<1x128xi32, #tpu.memory_space<vmem>> -> memref<128xi32, #tpu.memory_space<vmem>>
        %dma_wait3A_467 = arith.constant 0 : i32
        %dma_wait3A_468 = arith.constant 0 : i32
        %dma_wait3A_469 = tpu.memref_slice %arg12[%dma_wait3A_467, %dma_wait3A_468] : memref<100008x16xf32, #tpu.memory_space<vmem_shared>> -> memref<100008x16xf32, #tpu.memory_space<vmem_shared>>
        tpu.wait_indirect_dma semaphore(%arg15 : memref<!tpu.dma_semaphore, #tpu.memory_space<semaphore_mem>>) src(%dma_wait3A_463 : memref<128x16xf32, #tpu.memory_space<vmem>>) dst(%dma_wait3A_469 : memref<100008x16xf32, #tpu.memory_space<vmem_shared>>)
        %dma_wait3A_470 = arith.constant 3 : i32
        %dma_wait3A_471 = arith.constant 3 : i32
        %dma_wait3A_472 = arith.constant 0 : i32
        %dma_wait3A_473 = arith.constant 0 : i32
        %dma_wait3A_474 = tpu.memref_slice %arg10[%dma_wait3A_470, %dma_wait3A_472, %dma_wait3A_473] : memref<4x128x16xf32, #tpu.memory_space<vmem>> -> memref<1x128x16xf32, #tpu.memory_space<vmem>>
        %dma_wait3A_475 = tpu.memref_squeeze %dma_wait3A_474 : memref<1x128x16xf32, #tpu.memory_space<vmem>> -> memref<128x16xf32, #tpu.memory_space<vmem>>
        %dma_wait3A_476 = arith.constant 0 : i32
        %dma_wait3A_477 = tpu.memref_slice %arg8[%dma_wait3A_471, %dma_wait3A_476] : memref<4x128xi32, #tpu.memory_space<vmem>> -> memref<1x128xi32, #tpu.memory_space<vmem>>
        %dma_wait3A_478 = tpu.memref_squeeze %dma_wait3A_477 : memref<1x128xi32, #tpu.memory_space<vmem>> -> memref<128xi32, #tpu.memory_space<vmem>>
        %dma_wait3A_479 = arith.constant 0 : i32
        %dma_wait3A_480 = arith.constant 0 : i32
        %dma_wait3A_481 = tpu.memref_slice %arg12[%dma_wait3A_479, %dma_wait3A_480] : memref<100008x16xf32, #tpu.memory_space<vmem_shared>> -> memref<100008x16xf32, #tpu.memory_space<vmem_shared>>
        tpu.wait_indirect_dma semaphore(%arg15 : memref<!tpu.dma_semaphore, #tpu.memory_space<semaphore_mem>>) src(%dma_wait3A_475 : memref<128x16xf32, #tpu.memory_space<vmem>>) dst(%dma_wait3A_481 : memref<100008x16xf32, #tpu.memory_space<vmem_shared>>)
      } else {
      }
      %mul3A_125 = arith.constant 2 : i32
      %mul3A_126 = arith.muli %mul3A_125, %scan3A_120 : i32
      %add3A_127 = arith.constant 0 : i32
      %add3A_128 = arith.addi %mul3A_126, %add3A_127 : i32
      %mul3A_129 = arith.constant 4 : i32
      %mul3A_130 = arith.muli %add3A_128, %mul3A_129 : i32
      %add3A_131 = arith.addi %add3A, %mul3A_130 : i32
      %run_scoped3A = arith.constant 0 : i32
      "tpu.region"() ({
        %run_scoped3A_434 = tpu.sem_alloc : memref<!tpu.dma_semaphore, #tpu.memory_space<semaphore_mem>>
        %dma_start3A_435 = arith.constant 0 : i32
        %dma_start3A_436 = tpu.memref_slice %arg2[%run_scoped3A, %add3A_131, %dma_start3A_435] : memref<3x12544x128xi32, #tpu.memory_space<hbm>> -> memref<1x4x128xi32, #tpu.memory_space<hbm>>
        %dma_start3A_437 = tpu.memref_squeeze %dma_start3A_436 : memref<1x4x128xi32, #tpu.memory_space<hbm>> -> memref<4x128xi32, #tpu.memory_space<hbm>>
        %dma_start3A_438 = arith.constant 0 : i32
        %dma_start3A_439 = tpu.memref_slice %arg2[%run_scoped3A, %add3A_131, %dma_start3A_438] : memref<3x12544x128xi32, #tpu.memory_space<hbm>> -> memref<1x4x128xi32, #tpu.memory_space<hbm>>
        %dma_start3A_440 = tpu.memref_squeeze %dma_start3A_439 : memref<1x4x128xi32, #tpu.memory_space<hbm>> -> memref<4x128xi32, #tpu.memory_space<hbm>>
        tpu.enqueue_dma source(%dma_start3A_440 : memref<4x128xi32, #tpu.memory_space<hbm>>) target(%arg6 : memref<4x128xi32, #tpu.memory_space<vmem>>) target_semaphore(%run_scoped3A_434 : memref<!tpu.dma_semaphore, #tpu.memory_space<semaphore_mem>>)
        %dma_wait3A_441 = arith.constant 0 : i32
        %dma_wait3A_442 = tpu.memref_slice %arg2[%run_scoped3A, %add3A_131, %dma_wait3A_441] : memref<3x12544x128xi32, #tpu.memory_space<hbm>> -> memref<1x4x128xi32, #tpu.memory_space<hbm>>
        %dma_wait3A_443 = tpu.memref_squeeze %dma_wait3A_442 : memref<1x4x128xi32, #tpu.memory_space<hbm>> -> memref<4x128xi32, #tpu.memory_space<hbm>>
        %dma_wait3A_444 = arith.constant 0 : i32
        %dma_wait3A_445 = tpu.memref_slice %arg2[%run_scoped3A, %add3A_131, %dma_wait3A_444] : memref<3x12544x128xi32, #tpu.memory_space<hbm>> -> memref<1x4x128xi32, #tpu.memory_space<hbm>>
        %dma_wait3A_446 = tpu.memref_squeeze %dma_wait3A_445 : memref<1x4x128xi32, #tpu.memory_space<hbm>> -> memref<4x128xi32, #tpu.memory_space<hbm>>
        tpu.wait_dma2 semaphore(%run_scoped3A_434 : memref<!tpu.dma_semaphore, #tpu.memory_space<semaphore_mem>>) src(%dma_wait3A_446 : memref<4x128xi32, #tpu.memory_space<hbm>>) dst(%arg6 : memref<4x128xi32, #tpu.memory_space<vmem>>)
        tpu.yield
      }) : () -> ()
      %run_scoped3A_132 = arith.constant 2 : i32
      "tpu.region"() ({
        %run_scoped3A_434 = tpu.sem_alloc : memref<!tpu.dma_semaphore, #tpu.memory_space<semaphore_mem>>
        %dma_start3A_435 = arith.constant 0 : i32
        %dma_start3A_436 = tpu.memref_slice %arg2[%run_scoped3A_132, %add3A_131, %dma_start3A_435] : memref<3x12544x128xi32, #tpu.memory_space<hbm>> -> memref<1x4x128xi32, #tpu.memory_space<hbm>>
        %dma_start3A_437 = tpu.memref_squeeze %dma_start3A_436 : memref<1x4x128xi32, #tpu.memory_space<hbm>> -> memref<4x128xi32, #tpu.memory_space<hbm>>
        %dma_start3A_438 = arith.constant 0 : i32
        %dma_start3A_439 = tpu.memref_slice %arg2[%run_scoped3A_132, %add3A_131, %dma_start3A_438] : memref<3x12544x128xi32, #tpu.memory_space<hbm>> -> memref<1x4x128xi32, #tpu.memory_space<hbm>>
        %dma_start3A_440 = tpu.memref_squeeze %dma_start3A_439 : memref<1x4x128xi32, #tpu.memory_space<hbm>> -> memref<4x128xi32, #tpu.memory_space<hbm>>
        tpu.enqueue_dma source(%dma_start3A_440 : memref<4x128xi32, #tpu.memory_space<hbm>>) target(%arg8 : memref<4x128xi32, #tpu.memory_space<vmem>>) target_semaphore(%run_scoped3A_434 : memref<!tpu.dma_semaphore, #tpu.memory_space<semaphore_mem>>)
        %dma_wait3A_441 = arith.constant 0 : i32
        %dma_wait3A_442 = tpu.memref_slice %arg2[%run_scoped3A_132, %add3A_131, %dma_wait3A_441] : memref<3x12544x128xi32, #tpu.memory_space<hbm>> -> memref<1x4x128xi32, #tpu.memory_space<hbm>>
        %dma_wait3A_443 = tpu.memref_squeeze %dma_wait3A_442 : memref<1x4x128xi32, #tpu.memory_space<hbm>> -> memref<4x128xi32, #tpu.memory_space<hbm>>
        %dma_wait3A_444 = arith.constant 0 : i32
        %dma_wait3A_445 = tpu.memref_slice %arg2[%run_scoped3A_132, %add3A_131, %dma_wait3A_444] : memref<3x12544x128xi32, #tpu.memory_space<hbm>> -> memref<1x4x128xi32, #tpu.memory_space<hbm>>
        %dma_wait3A_446 = tpu.memref_squeeze %dma_wait3A_445 : memref<1x4x128xi32, #tpu.memory_space<hbm>> -> memref<4x128xi32, #tpu.memory_space<hbm>>
        tpu.wait_dma2 semaphore(%run_scoped3A_434 : memref<!tpu.dma_semaphore, #tpu.memory_space<semaphore_mem>>) src(%dma_wait3A_446 : memref<4x128xi32, #tpu.memory_space<hbm>>) dst(%arg8 : memref<4x128xi32, #tpu.memory_space<vmem>>)
        tpu.yield
      }) : () -> ()
      %dma_start3A = arith.constant 0 : i32
      %dma_start3A_133 = arith.constant 0 : i32
      %dma_start3A_134 = arith.constant 0 : i32
      %dma_start3A_135 = arith.constant 0 : i32
      %dma_start3A_136 = tpu.memref_slice %arg10[%dma_start3A_133, %dma_start3A_134, %dma_start3A_135] : memref<4x128x16xf32, #tpu.memory_space<vmem>> -> memref<1x128x16xf32, #tpu.memory_space<vmem>>
      %dma_start3A_137 = tpu.memref_squeeze %dma_start3A_136 : memref<1x128x16xf32, #tpu.memory_space<vmem>> -> memref<128x16xf32, #tpu.memory_space<vmem>>
      %dma_start3A_138 = arith.constant 0 : i32
      %dma_start3A_139 = tpu.memref_slice %arg6[%dma_start3A, %dma_start3A_138] : memref<4x128xi32, #tpu.memory_space<vmem>> -> memref<1x128xi32, #tpu.memory_space<vmem>>
      %dma_start3A_140 = tpu.memref_squeeze %dma_start3A_139 : memref<1x128xi32, #tpu.memory_space<vmem>> -> memref<128xi32, #tpu.memory_space<vmem>>
      %dma_start3A_141 = arith.constant 0 : i32
      %dma_start3A_142 = arith.constant 0 : i32
      %dma_start3A_143 = tpu.memref_slice %arg3[%dma_start3A_141, %dma_start3A_142] : memref<100000x16xf32, #tpu.memory_space<hbm>> -> memref<100000x16xf32, #tpu.memory_space<hbm>>
      tpu.enqueue_indirect_dma source(%dma_start3A_143 : memref<100000x16xf32, #tpu.memory_space<hbm>>) target(%dma_start3A_137 : memref<128x16xf32, #tpu.memory_space<vmem>>) offsets(%dma_start3A_140 : memref<128xi32, #tpu.memory_space<vmem>>) semaphore(%arg13 : memref<!tpu.dma_semaphore, #tpu.memory_space<semaphore_mem>>)
      %dma_start3A_144 = arith.constant 1 : i32
      %dma_start3A_145 = arith.constant 1 : i32
      %dma_start3A_146 = arith.constant 0 : i32
      %dma_start3A_147 = arith.constant 0 : i32
      %dma_start3A_148 = tpu.memref_slice %arg10[%dma_start3A_145, %dma_start3A_146, %dma_start3A_147] : memref<4x128x16xf32, #tpu.memory_space<vmem>> -> memref<1x128x16xf32, #tpu.memory_space<vmem>>
      %dma_start3A_149 = tpu.memref_squeeze %dma_start3A_148 : memref<1x128x16xf32, #tpu.memory_space<vmem>> -> memref<128x16xf32, #tpu.memory_space<vmem>>
      %dma_start3A_150 = arith.constant 0 : i32
      %dma_start3A_151 = tpu.memref_slice %arg6[%dma_start3A_144, %dma_start3A_150] : memref<4x128xi32, #tpu.memory_space<vmem>> -> memref<1x128xi32, #tpu.memory_space<vmem>>
      %dma_start3A_152 = tpu.memref_squeeze %dma_start3A_151 : memref<1x128xi32, #tpu.memory_space<vmem>> -> memref<128xi32, #tpu.memory_space<vmem>>
      %dma_start3A_153 = arith.constant 0 : i32
      %dma_start3A_154 = arith.constant 0 : i32
      %dma_start3A_155 = tpu.memref_slice %arg3[%dma_start3A_153, %dma_start3A_154] : memref<100000x16xf32, #tpu.memory_space<hbm>> -> memref<100000x16xf32, #tpu.memory_space<hbm>>
      tpu.enqueue_indirect_dma source(%dma_start3A_155 : memref<100000x16xf32, #tpu.memory_space<hbm>>) target(%dma_start3A_149 : memref<128x16xf32, #tpu.memory_space<vmem>>) offsets(%dma_start3A_152 : memref<128xi32, #tpu.memory_space<vmem>>) semaphore(%arg13 : memref<!tpu.dma_semaphore, #tpu.memory_space<semaphore_mem>>)
      %dma_start3A_156 = arith.constant 2 : i32
      %dma_start3A_157 = arith.constant 2 : i32
      %dma_start3A_158 = arith.constant 0 : i32
      %dma_start3A_159 = arith.constant 0 : i32
      %dma_start3A_160 = tpu.memref_slice %arg10[%dma_start3A_157, %dma_start3A_158, %dma_start3A_159] : memref<4x128x16xf32, #tpu.memory_space<vmem>> -> memref<1x128x16xf32, #tpu.memory_space<vmem>>
      %dma_start3A_161 = tpu.memref_squeeze %dma_start3A_160 : memref<1x128x16xf32, #tpu.memory_space<vmem>> -> memref<128x16xf32, #tpu.memory_space<vmem>>
      %dma_start3A_162 = arith.constant 0 : i32
      %dma_start3A_163 = tpu.memref_slice %arg6[%dma_start3A_156, %dma_start3A_162] : memref<4x128xi32, #tpu.memory_space<vmem>> -> memref<1x128xi32, #tpu.memory_space<vmem>>
      %dma_start3A_164 = tpu.memref_squeeze %dma_start3A_163 : memref<1x128xi32, #tpu.memory_space<vmem>> -> memref<128xi32, #tpu.memory_space<vmem>>
      %dma_start3A_165 = arith.constant 0 : i32
      %dma_start3A_166 = arith.constant 0 : i32
      %dma_start3A_167 = tpu.memref_slice %arg3[%dma_start3A_165, %dma_start3A_166] : memref<100000x16xf32, #tpu.memory_space<hbm>> -> memref<100000x16xf32, #tpu.memory_space<hbm>>
      tpu.enqueue_indirect_dma source(%dma_start3A_167 : memref<100000x16xf32, #tpu.memory_space<hbm>>) target(%dma_start3A_161 : memref<128x16xf32, #tpu.memory_space<vmem>>) offsets(%dma_start3A_164 : memref<128xi32, #tpu.memory_space<vmem>>) semaphore(%arg13 : memref<!tpu.dma_semaphore, #tpu.memory_space<semaphore_mem>>)
      %dma_start3A_168 = arith.constant 3 : i32
      %dma_start3A_169 = arith.constant 3 : i32
      %dma_start3A_170 = arith.constant 0 : i32
      %dma_start3A_171 = arith.constant 0 : i32
      %dma_start3A_172 = tpu.memref_slice %arg10[%dma_start3A_169, %dma_start3A_170, %dma_start3A_171] : memref<4x128x16xf32, #tpu.memory_space<vmem>> -> memref<1x128x16xf32, #tpu.memory_space<vmem>>
      %dma_start3A_173 = tpu.memref_squeeze %dma_start3A_172 : memref<1x128x16xf32, #tpu.memory_space<vmem>> -> memref<128x16xf32, #tpu.memory_space<vmem>>
      %dma_start3A_174 = arith.constant 0 : i32
      %dma_start3A_175 = tpu.memref_slice %arg6[%dma_start3A_168, %dma_start3A_174] : memref<4x128xi32, #tpu.memory_space<vmem>> -> memref<1x128xi32, #tpu.memory_space<vmem>>
      %dma_start3A_176 = tpu.memref_squeeze %dma_start3A_175 : memref<1x128xi32, #tpu.memory_space<vmem>> -> memref<128xi32, #tpu.memory_space<vmem>>
      %dma_start3A_177 = arith.constant 0 : i32
      %dma_start3A_178 = arith.constant 0 : i32
      %dma_start3A_179 = tpu.memref_slice %arg3[%dma_start3A_177, %dma_start3A_178] : memref<100000x16xf32, #tpu.memory_space<hbm>> -> memref<100000x16xf32, #tpu.memory_space<hbm>>
      tpu.enqueue_indirect_dma source(%dma_start3A_179 : memref<100000x16xf32, #tpu.memory_space<hbm>>) target(%dma_start3A_173 : memref<128x16xf32, #tpu.memory_space<vmem>>) offsets(%dma_start3A_176 : memref<128xi32, #tpu.memory_space<vmem>>) semaphore(%arg13 : memref<!tpu.dma_semaphore, #tpu.memory_space<semaphore_mem>>)
      %gt3A_180 = arith.constant 0 : i32
      %gt3A_181 = arith.cmpi sgt, %scan3A_120, %gt3A_180 : i32
      %convert_element_type3A_182 = arith.extui %gt3A_181 : i1 to i32
      %cond3A_183 = arith.constant 0 : i32
      %cond3A_184 = arith.cmpi ne, %convert_element_type3A_182, %cond3A_183 : i32
      scf.if %cond3A_184 {
        %dma_wait3A_434 = arith.constant 0 : i32
        %dma_wait3A_435 = arith.constant 0 : i32
        %dma_wait3A_436 = arith.constant 0 : i32
        %dma_wait3A_437 = arith.constant 0 : i32
        %dma_wait3A_438 = tpu.memref_slice %arg11[%dma_wait3A_434, %dma_wait3A_436, %dma_wait3A_437] : memref<4x128x16xf32, #tpu.memory_space<vmem>> -> memref<1x128x16xf32, #tpu.memory_space<vmem>>
        %dma_wait3A_439 = tpu.memref_squeeze %dma_wait3A_438 : memref<1x128x16xf32, #tpu.memory_space<vmem>> -> memref<128x16xf32, #tpu.memory_space<vmem>>
        %dma_wait3A_440 = arith.constant 0 : i32
        %dma_wait3A_441 = tpu.memref_slice %arg9[%dma_wait3A_435, %dma_wait3A_440] : memref<4x128xi32, #tpu.memory_space<vmem>> -> memref<1x128xi32, #tpu.memory_space<vmem>>
        %dma_wait3A_442 = tpu.memref_squeeze %dma_wait3A_441 : memref<1x128xi32, #tpu.memory_space<vmem>> -> memref<128xi32, #tpu.memory_space<vmem>>
        %dma_wait3A_443 = arith.constant 0 : i32
        %dma_wait3A_444 = arith.constant 0 : i32
        %dma_wait3A_445 = tpu.memref_slice %arg12[%dma_wait3A_443, %dma_wait3A_444] : memref<100008x16xf32, #tpu.memory_space<vmem_shared>> -> memref<100008x16xf32, #tpu.memory_space<vmem_shared>>
        tpu.wait_indirect_dma semaphore(%arg16 : memref<!tpu.dma_semaphore, #tpu.memory_space<semaphore_mem>>) src(%dma_wait3A_439 : memref<128x16xf32, #tpu.memory_space<vmem>>) dst(%dma_wait3A_445 : memref<100008x16xf32, #tpu.memory_space<vmem_shared>>)
        %dma_wait3A_446 = arith.constant 1 : i32
        %dma_wait3A_447 = arith.constant 1 : i32
        %dma_wait3A_448 = arith.constant 0 : i32
        %dma_wait3A_449 = arith.constant 0 : i32
        %dma_wait3A_450 = tpu.memref_slice %arg11[%dma_wait3A_446, %dma_wait3A_448, %dma_wait3A_449] : memref<4x128x16xf32, #tpu.memory_space<vmem>> -> memref<1x128x16xf32, #tpu.memory_space<vmem>>
        %dma_wait3A_451 = tpu.memref_squeeze %dma_wait3A_450 : memref<1x128x16xf32, #tpu.memory_space<vmem>> -> memref<128x16xf32, #tpu.memory_space<vmem>>
        %dma_wait3A_452 = arith.constant 0 : i32
        %dma_wait3A_453 = tpu.memref_slice %arg9[%dma_wait3A_447, %dma_wait3A_452] : memref<4x128xi32, #tpu.memory_space<vmem>> -> memref<1x128xi32, #tpu.memory_space<vmem>>
        %dma_wait3A_454 = tpu.memref_squeeze %dma_wait3A_453 : memref<1x128xi32, #tpu.memory_space<vmem>> -> memref<128xi32, #tpu.memory_space<vmem>>
        %dma_wait3A_455 = arith.constant 0 : i32
        %dma_wait3A_456 = arith.constant 0 : i32
        %dma_wait3A_457 = tpu.memref_slice %arg12[%dma_wait3A_455, %dma_wait3A_456] : memref<100008x16xf32, #tpu.memory_space<vmem_shared>> -> memref<100008x16xf32, #tpu.memory_space<vmem_shared>>
        tpu.wait_indirect_dma semaphore(%arg16 : memref<!tpu.dma_semaphore, #tpu.memory_space<semaphore_mem>>) src(%dma_wait3A_451 : memref<128x16xf32, #tpu.memory_space<vmem>>) dst(%dma_wait3A_457 : memref<100008x16xf32, #tpu.memory_space<vmem_shared>>)
        %dma_wait3A_458 = arith.constant 2 : i32
        %dma_wait3A_459 = arith.constant 2 : i32
        %dma_wait3A_460 = arith.constant 0 : i32
        %dma_wait3A_461 = arith.constant 0 : i32
        %dma_wait3A_462 = tpu.memref_slice %arg11[%dma_wait3A_458, %dma_wait3A_460, %dma_wait3A_461] : memref<4x128x16xf32, #tpu.memory_space<vmem>> -> memref<1x128x16xf32, #tpu.memory_space<vmem>>
        %dma_wait3A_463 = tpu.memref_squeeze %dma_wait3A_462 : memref<1x128x16xf32, #tpu.memory_space<vmem>> -> memref<128x16xf32, #tpu.memory_space<vmem>>
        %dma_wait3A_464 = arith.constant 0 : i32
        %dma_wait3A_465 = tpu.memref_slice %arg9[%dma_wait3A_459, %dma_wait3A_464] : memref<4x128xi32, #tpu.memory_space<vmem>> -> memref<1x128xi32, #tpu.memory_space<vmem>>
        %dma_wait3A_466 = tpu.memref_squeeze %dma_wait3A_465 : memref<1x128xi32, #tpu.memory_space<vmem>> -> memref<128xi32, #tpu.memory_space<vmem>>
        %dma_wait3A_467 = arith.constant 0 : i32
        %dma_wait3A_468 = arith.constant 0 : i32
        %dma_wait3A_469 = tpu.memref_slice %arg12[%dma_wait3A_467, %dma_wait3A_468] : memref<100008x16xf32, #tpu.memory_space<vmem_shared>> -> memref<100008x16xf32, #tpu.memory_space<vmem_shared>>
        tpu.wait_indirect_dma semaphore(%arg16 : memref<!tpu.dma_semaphore, #tpu.memory_space<semaphore_mem>>) src(%dma_wait3A_463 : memref<128x16xf32, #tpu.memory_space<vmem>>) dst(%dma_wait3A_469 : memref<100008x16xf32, #tpu.memory_space<vmem_shared>>)
        %dma_wait3A_470 = arith.constant 3 : i32
        %dma_wait3A_471 = arith.constant 3 : i32
        %dma_wait3A_472 = arith.constant 0 : i32
        %dma_wait3A_473 = arith.constant 0 : i32
        %dma_wait3A_474 = tpu.memref_slice %arg11[%dma_wait3A_470, %dma_wait3A_472, %dma_wait3A_473] : memref<4x128x16xf32, #tpu.memory_space<vmem>> -> memref<1x128x16xf32, #tpu.memory_space<vmem>>
        %dma_wait3A_475 = tpu.memref_squeeze %dma_wait3A_474 : memref<1x128x16xf32, #tpu.memory_space<vmem>> -> memref<128x16xf32, #tpu.memory_space<vmem>>
        %dma_wait3A_476 = arith.constant 0 : i32
        %dma_wait3A_477 = tpu.memref_slice %arg9[%dma_wait3A_471, %dma_wait3A_476] : memref<4x128xi32, #tpu.memory_space<vmem>> -> memref<1x128xi32, #tpu.memory_space<vmem>>
        %dma_wait3A_478 = tpu.memref_squeeze %dma_wait3A_477 : memref<1x128xi32, #tpu.memory_space<vmem>> -> memref<128xi32, #tpu.memory_space<vmem>>
        %dma_wait3A_479 = arith.constant 0 : i32
        %dma_wait3A_480 = arith.constant 0 : i32
        %dma_wait3A_481 = tpu.memref_slice %arg12[%dma_wait3A_479, %dma_wait3A_480] : memref<100008x16xf32, #tpu.memory_space<vmem_shared>> -> memref<100008x16xf32, #tpu.memory_space<vmem_shared>>
        tpu.wait_indirect_dma semaphore(%arg16 : memref<!tpu.dma_semaphore, #tpu.memory_space<semaphore_mem>>) src(%dma_wait3A_475 : memref<128x16xf32, #tpu.memory_space<vmem>>) dst(%dma_wait3A_481 : memref<100008x16xf32, #tpu.memory_space<vmem_shared>>)
      } else {
      }
      %mul3A_185 = arith.constant 2 : i32
      %mul3A_186 = arith.muli %mul3A_185, %scan3A_120 : i32
      %add3A_187 = arith.constant 1 : i32
      %add3A_188 = arith.addi %mul3A_186, %add3A_187 : i32
      %mul3A_189 = arith.constant 4 : i32
      %mul3A_190 = arith.muli %add3A_188, %mul3A_189 : i32
      %add3A_191 = arith.addi %add3A, %mul3A_190 : i32
      %run_scoped3A_192 = arith.constant 0 : i32
      "tpu.region"() ({
        %run_scoped3A_434 = tpu.sem_alloc : memref<!tpu.dma_semaphore, #tpu.memory_space<semaphore_mem>>
        %dma_start3A_435 = arith.constant 0 : i32
        %dma_start3A_436 = tpu.memref_slice %arg2[%run_scoped3A_192, %add3A_191, %dma_start3A_435] : memref<3x12544x128xi32, #tpu.memory_space<hbm>> -> memref<1x4x128xi32, #tpu.memory_space<hbm>>
        %dma_start3A_437 = tpu.memref_squeeze %dma_start3A_436 : memref<1x4x128xi32, #tpu.memory_space<hbm>> -> memref<4x128xi32, #tpu.memory_space<hbm>>
        %dma_start3A_438 = arith.constant 0 : i32
        %dma_start3A_439 = tpu.memref_slice %arg2[%run_scoped3A_192, %add3A_191, %dma_start3A_438] : memref<3x12544x128xi32, #tpu.memory_space<hbm>> -> memref<1x4x128xi32, #tpu.memory_space<hbm>>
        %dma_start3A_440 = tpu.memref_squeeze %dma_start3A_439 : memref<1x4x128xi32, #tpu.memory_space<hbm>> -> memref<4x128xi32, #tpu.memory_space<hbm>>
        tpu.enqueue_dma source(%dma_start3A_440 : memref<4x128xi32, #tpu.memory_space<hbm>>) target(%arg7 : memref<4x128xi32, #tpu.memory_space<vmem>>) target_semaphore(%run_scoped3A_434 : memref<!tpu.dma_semaphore, #tpu.memory_space<semaphore_mem>>)
        %dma_wait3A_441 = arith.constant 0 : i32
        %dma_wait3A_442 = tpu.memref_slice %arg2[%run_scoped3A_192, %add3A_191, %dma_wait3A_441] : memref<3x12544x128xi32, #tpu.memory_space<hbm>> -> memref<1x4x128xi32, #tpu.memory_space<hbm>>
        %dma_wait3A_443 = tpu.memref_squeeze %dma_wait3A_442 : memref<1x4x128xi32, #tpu.memory_space<hbm>> -> memref<4x128xi32, #tpu.memory_space<hbm>>
        %dma_wait3A_444 = arith.constant 0 : i32
        %dma_wait3A_445 = tpu.memref_slice %arg2[%run_scoped3A_192, %add3A_191, %dma_wait3A_444] : memref<3x12544x128xi32, #tpu.memory_space<hbm>> -> memref<1x4x128xi32, #tpu.memory_space<hbm>>
        %dma_wait3A_446 = tpu.memref_squeeze %dma_wait3A_445 : memref<1x4x128xi32, #tpu.memory_space<hbm>> -> memref<4x128xi32, #tpu.memory_space<hbm>>
        tpu.wait_dma2 semaphore(%run_scoped3A_434 : memref<!tpu.dma_semaphore, #tpu.memory_space<semaphore_mem>>) src(%dma_wait3A_446 : memref<4x128xi32, #tpu.memory_space<hbm>>) dst(%arg7 : memref<4x128xi32, #tpu.memory_space<vmem>>)
        tpu.yield
      }) : () -> ()
      %run_scoped3A_193 = arith.constant 2 : i32
      "tpu.region"() ({
        %run_scoped3A_434 = tpu.sem_alloc : memref<!tpu.dma_semaphore, #tpu.memory_space<semaphore_mem>>
        %dma_start3A_435 = arith.constant 0 : i32
        %dma_start3A_436 = tpu.memref_slice %arg2[%run_scoped3A_193, %add3A_191, %dma_start3A_435] : memref<3x12544x128xi32, #tpu.memory_space<hbm>> -> memref<1x4x128xi32, #tpu.memory_space<hbm>>
        %dma_start3A_437 = tpu.memref_squeeze %dma_start3A_436 : memref<1x4x128xi32, #tpu.memory_space<hbm>> -> memref<4x128xi32, #tpu.memory_space<hbm>>
        %dma_start3A_438 = arith.constant 0 : i32
        %dma_start3A_439 = tpu.memref_slice %arg2[%run_scoped3A_193, %add3A_191, %dma_start3A_438] : memref<3x12544x128xi32, #tpu.memory_space<hbm>> -> memref<1x4x128xi32, #tpu.memory_space<hbm>>
        %dma_start3A_440 = tpu.memref_squeeze %dma_start3A_439 : memref<1x4x128xi32, #tpu.memory_space<hbm>> -> memref<4x128xi32, #tpu.memory_space<hbm>>
        tpu.enqueue_dma source(%dma_start3A_440 : memref<4x128xi32, #tpu.memory_space<hbm>>) target(%arg9 : memref<4x128xi32, #tpu.memory_space<vmem>>) target_semaphore(%run_scoped3A_434 : memref<!tpu.dma_semaphore, #tpu.memory_space<semaphore_mem>>)
        %dma_wait3A_441 = arith.constant 0 : i32
        %dma_wait3A_442 = tpu.memref_slice %arg2[%run_scoped3A_193, %add3A_191, %dma_wait3A_441] : memref<3x12544x128xi32, #tpu.memory_space<hbm>> -> memref<1x4x128xi32, #tpu.memory_space<hbm>>
        %dma_wait3A_443 = tpu.memref_squeeze %dma_wait3A_442 : memref<1x4x128xi32, #tpu.memory_space<hbm>> -> memref<4x128xi32, #tpu.memory_space<hbm>>
        %dma_wait3A_444 = arith.constant 0 : i32
        %dma_wait3A_445 = tpu.memref_slice %arg2[%run_scoped3A_193, %add3A_191, %dma_wait3A_444] : memref<3x12544x128xi32, #tpu.memory_space<hbm>> -> memref<1x4x128xi32, #tpu.memory_space<hbm>>
        %dma_wait3A_446 = tpu.memref_squeeze %dma_wait3A_445 : memref<1x4x128xi32, #tpu.memory_space<hbm>> -> memref<4x128xi32, #tpu.memory_space<hbm>>
        tpu.wait_dma2 semaphore(%run_scoped3A_434 : memref<!tpu.dma_semaphore, #tpu.memory_space<semaphore_mem>>) src(%dma_wait3A_446 : memref<4x128xi32, #tpu.memory_space<hbm>>) dst(%arg9 : memref<4x128xi32, #tpu.memory_space<vmem>>)
        tpu.yield
      }) : () -> ()
      %dma_start3A_194 = arith.constant 0 : i32
      %dma_start3A_195 = arith.constant 0 : i32
      %dma_start3A_196 = arith.constant 0 : i32
      %dma_start3A_197 = arith.constant 0 : i32
      %dma_start3A_198 = tpu.memref_slice %arg11[%dma_start3A_195, %dma_start3A_196, %dma_start3A_197] : memref<4x128x16xf32, #tpu.memory_space<vmem>> -> memref<1x128x16xf32, #tpu.memory_space<vmem>>
      %dma_start3A_199 = tpu.memref_squeeze %dma_start3A_198 : memref<1x128x16xf32, #tpu.memory_space<vmem>> -> memref<128x16xf32, #tpu.memory_space<vmem>>
      %dma_start3A_200 = arith.constant 0 : i32
      %dma_start3A_201 = tpu.memref_slice %arg7[%dma_start3A_194, %dma_start3A_200] : memref<4x128xi32, #tpu.memory_space<vmem>> -> memref<1x128xi32, #tpu.memory_space<vmem>>
      %dma_start3A_202 = tpu.memref_squeeze %dma_start3A_201 : memref<1x128xi32, #tpu.memory_space<vmem>> -> memref<128xi32, #tpu.memory_space<vmem>>
      %dma_start3A_203 = arith.constant 0 : i32
      %dma_start3A_204 = arith.constant 0 : i32
      %dma_start3A_205 = tpu.memref_slice %arg3[%dma_start3A_203, %dma_start3A_204] : memref<100000x16xf32, #tpu.memory_space<hbm>> -> memref<100000x16xf32, #tpu.memory_space<hbm>>
      tpu.enqueue_indirect_dma source(%dma_start3A_205 : memref<100000x16xf32, #tpu.memory_space<hbm>>) target(%dma_start3A_199 : memref<128x16xf32, #tpu.memory_space<vmem>>) offsets(%dma_start3A_202 : memref<128xi32, #tpu.memory_space<vmem>>) semaphore(%arg14 : memref<!tpu.dma_semaphore, #tpu.memory_space<semaphore_mem>>)
      %dma_start3A_206 = arith.constant 1 : i32
      %dma_start3A_207 = arith.constant 1 : i32
      %dma_start3A_208 = arith.constant 0 : i32
      %dma_start3A_209 = arith.constant 0 : i32
      %dma_start3A_210 = tpu.memref_slice %arg11[%dma_start3A_207, %dma_start3A_208, %dma_start3A_209] : memref<4x128x16xf32, #tpu.memory_space<vmem>> -> memref<1x128x16xf32, #tpu.memory_space<vmem>>
      %dma_start3A_211 = tpu.memref_squeeze %dma_start3A_210 : memref<1x128x16xf32, #tpu.memory_space<vmem>> -> memref<128x16xf32, #tpu.memory_space<vmem>>
      %dma_start3A_212 = arith.constant 0 : i32
      %dma_start3A_213 = tpu.memref_slice %arg7[%dma_start3A_206, %dma_start3A_212] : memref<4x128xi32, #tpu.memory_space<vmem>> -> memref<1x128xi32, #tpu.memory_space<vmem>>
      %dma_start3A_214 = tpu.memref_squeeze %dma_start3A_213 : memref<1x128xi32, #tpu.memory_space<vmem>> -> memref<128xi32, #tpu.memory_space<vmem>>
      %dma_start3A_215 = arith.constant 0 : i32
      %dma_start3A_216 = arith.constant 0 : i32
      %dma_start3A_217 = tpu.memref_slice %arg3[%dma_start3A_215, %dma_start3A_216] : memref<100000x16xf32, #tpu.memory_space<hbm>> -> memref<100000x16xf32, #tpu.memory_space<hbm>>
      tpu.enqueue_indirect_dma source(%dma_start3A_217 : memref<100000x16xf32, #tpu.memory_space<hbm>>) target(%dma_start3A_211 : memref<128x16xf32, #tpu.memory_space<vmem>>) offsets(%dma_start3A_214 : memref<128xi32, #tpu.memory_space<vmem>>) semaphore(%arg14 : memref<!tpu.dma_semaphore, #tpu.memory_space<semaphore_mem>>)
      %dma_start3A_218 = arith.constant 2 : i32
      %dma_start3A_219 = arith.constant 2 : i32
      %dma_start3A_220 = arith.constant 0 : i32
      %dma_start3A_221 = arith.constant 0 : i32
      %dma_start3A_222 = tpu.memref_slice %arg11[%dma_start3A_219, %dma_start3A_220, %dma_start3A_221] : memref<4x128x16xf32, #tpu.memory_space<vmem>> -> memref<1x128x16xf32, #tpu.memory_space<vmem>>
      %dma_start3A_223 = tpu.memref_squeeze %dma_start3A_222 : memref<1x128x16xf32, #tpu.memory_space<vmem>> -> memref<128x16xf32, #tpu.memory_space<vmem>>
      %dma_start3A_224 = arith.constant 0 : i32
      %dma_start3A_225 = tpu.memref_slice %arg7[%dma_start3A_218, %dma_start3A_224] : memref<4x128xi32, #tpu.memory_space<vmem>> -> memref<1x128xi32, #tpu.memory_space<vmem>>
      %dma_start3A_226 = tpu.memref_squeeze %dma_start3A_225 : memref<1x128xi32, #tpu.memory_space<vmem>> -> memref<128xi32, #tpu.memory_space<vmem>>
      %dma_start3A_227 = arith.constant 0 : i32
      %dma_start3A_228 = arith.constant 0 : i32
      %dma_start3A_229 = tpu.memref_slice %arg3[%dma_start3A_227, %dma_start3A_228] : memref<100000x16xf32, #tpu.memory_space<hbm>> -> memref<100000x16xf32, #tpu.memory_space<hbm>>
      tpu.enqueue_indirect_dma source(%dma_start3A_229 : memref<100000x16xf32, #tpu.memory_space<hbm>>) target(%dma_start3A_223 : memref<128x16xf32, #tpu.memory_space<vmem>>) offsets(%dma_start3A_226 : memref<128xi32, #tpu.memory_space<vmem>>) semaphore(%arg14 : memref<!tpu.dma_semaphore, #tpu.memory_space<semaphore_mem>>)
      %dma_start3A_230 = arith.constant 3 : i32
      %dma_start3A_231 = arith.constant 3 : i32
      %dma_start3A_232 = arith.constant 0 : i32
      %dma_start3A_233 = arith.constant 0 : i32
      %dma_start3A_234 = tpu.memref_slice %arg11[%dma_start3A_231, %dma_start3A_232, %dma_start3A_233] : memref<4x128x16xf32, #tpu.memory_space<vmem>> -> memref<1x128x16xf32, #tpu.memory_space<vmem>>
      %dma_start3A_235 = tpu.memref_squeeze %dma_start3A_234 : memref<1x128x16xf32, #tpu.memory_space<vmem>> -> memref<128x16xf32, #tpu.memory_space<vmem>>
      %dma_start3A_236 = arith.constant 0 : i32
      %dma_start3A_237 = tpu.memref_slice %arg7[%dma_start3A_230, %dma_start3A_236] : memref<4x128xi32, #tpu.memory_space<vmem>> -> memref<1x128xi32, #tpu.memory_space<vmem>>
      %dma_start3A_238 = tpu.memref_squeeze %dma_start3A_237 : memref<1x128xi32, #tpu.memory_space<vmem>> -> memref<128xi32, #tpu.memory_space<vmem>>
      %dma_start3A_239 = arith.constant 0 : i32
      %dma_start3A_240 = arith.constant 0 : i32
      %dma_start3A_241 = tpu.memref_slice %arg3[%dma_start3A_239, %dma_start3A_240] : memref<100000x16xf32, #tpu.memory_space<hbm>> -> memref<100000x16xf32, #tpu.memory_space<hbm>>
      tpu.enqueue_indirect_dma source(%dma_start3A_241 : memref<100000x16xf32, #tpu.memory_space<hbm>>) target(%dma_start3A_235 : memref<128x16xf32, #tpu.memory_space<vmem>>) offsets(%dma_start3A_238 : memref<128xi32, #tpu.memory_space<vmem>>) semaphore(%arg14 : memref<!tpu.dma_semaphore, #tpu.memory_space<semaphore_mem>>)
      %dma_wait3A_242 = arith.constant 0 : i32
      %dma_wait3A_243 = arith.constant 0 : i32
      %dma_wait3A_244 = arith.constant 0 : i32
      %dma_wait3A_245 = arith.constant 0 : i32
      %dma_wait3A_246 = tpu.memref_slice %arg10[%dma_wait3A_243, %dma_wait3A_244, %dma_wait3A_245] : memref<4x128x16xf32, #tpu.memory_space<vmem>> -> memref<1x128x16xf32, #tpu.memory_space<vmem>>
      %dma_wait3A_247 = tpu.memref_squeeze %dma_wait3A_246 : memref<1x128x16xf32, #tpu.memory_space<vmem>> -> memref<128x16xf32, #tpu.memory_space<vmem>>
      %dma_wait3A_248 = arith.constant 0 : i32
      %dma_wait3A_249 = tpu.memref_slice %arg6[%dma_wait3A_242, %dma_wait3A_248] : memref<4x128xi32, #tpu.memory_space<vmem>> -> memref<1x128xi32, #tpu.memory_space<vmem>>
      %dma_wait3A_250 = tpu.memref_squeeze %dma_wait3A_249 : memref<1x128xi32, #tpu.memory_space<vmem>> -> memref<128xi32, #tpu.memory_space<vmem>>
      %dma_wait3A_251 = arith.constant 0 : i32
      %dma_wait3A_252 = arith.constant 0 : i32
      %dma_wait3A_253 = tpu.memref_slice %arg3[%dma_wait3A_251, %dma_wait3A_252] : memref<100000x16xf32, #tpu.memory_space<hbm>> -> memref<100000x16xf32, #tpu.memory_space<hbm>>
      tpu.wait_indirect_dma semaphore(%arg13 : memref<!tpu.dma_semaphore, #tpu.memory_space<semaphore_mem>>) src(%dma_wait3A_253 : memref<100000x16xf32, #tpu.memory_space<hbm>>) dst(%dma_wait3A_247 : memref<128x16xf32, #tpu.memory_space<vmem>>)
      %dma_wait3A_254 = arith.constant 1 : i32
      %dma_wait3A_255 = arith.constant 1 : i32
      %dma_wait3A_256 = arith.constant 0 : i32
      %dma_wait3A_257 = arith.constant 0 : i32
      %dma_wait3A_258 = tpu.memref_slice %arg10[%dma_wait3A_255, %dma_wait3A_256, %dma_wait3A_257] : memref<4x128x16xf32, #tpu.memory_space<vmem>> -> memref<1x128x16xf32, #tpu.memory_space<vmem>>
      %dma_wait3A_259 = tpu.memref_squeeze %dma_wait3A_258 : memref<1x128x16xf32, #tpu.memory_space<vmem>> -> memref<128x16xf32, #tpu.memory_space<vmem>>
      %dma_wait3A_260 = arith.constant 0 : i32
      %dma_wait3A_261 = tpu.memref_slice %arg6[%dma_wait3A_254, %dma_wait3A_260] : memref<4x128xi32, #tpu.memory_space<vmem>> -> memref<1x128xi32, #tpu.memory_space<vmem>>
      %dma_wait3A_262 = tpu.memref_squeeze %dma_wait3A_261 : memref<1x128xi32, #tpu.memory_space<vmem>> -> memref<128xi32, #tpu.memory_space<vmem>>
      %dma_wait3A_263 = arith.constant 0 : i32
      %dma_wait3A_264 = arith.constant 0 : i32
      %dma_wait3A_265 = tpu.memref_slice %arg3[%dma_wait3A_263, %dma_wait3A_264] : memref<100000x16xf32, #tpu.memory_space<hbm>> -> memref<100000x16xf32, #tpu.memory_space<hbm>>
      tpu.wait_indirect_dma semaphore(%arg13 : memref<!tpu.dma_semaphore, #tpu.memory_space<semaphore_mem>>) src(%dma_wait3A_265 : memref<100000x16xf32, #tpu.memory_space<hbm>>) dst(%dma_wait3A_259 : memref<128x16xf32, #tpu.memory_space<vmem>>)
      %dma_wait3A_266 = arith.constant 2 : i32
      %dma_wait3A_267 = arith.constant 2 : i32
      %dma_wait3A_268 = arith.constant 0 : i32
      %dma_wait3A_269 = arith.constant 0 : i32
      %dma_wait3A_270 = tpu.memref_slice %arg10[%dma_wait3A_267, %dma_wait3A_268, %dma_wait3A_269] : memref<4x128x16xf32, #tpu.memory_space<vmem>> -> memref<1x128x16xf32, #tpu.memory_space<vmem>>
      %dma_wait3A_271 = tpu.memref_squeeze %dma_wait3A_270 : memref<1x128x16xf32, #tpu.memory_space<vmem>> -> memref<128x16xf32, #tpu.memory_space<vmem>>
      %dma_wait3A_272 = arith.constant 0 : i32
      %dma_wait3A_273 = tpu.memref_slice %arg6[%dma_wait3A_266, %dma_wait3A_272] : memref<4x128xi32, #tpu.memory_space<vmem>> -> memref<1x128xi32, #tpu.memory_space<vmem>>
      %dma_wait3A_274 = tpu.memref_squeeze %dma_wait3A_273 : memref<1x128xi32, #tpu.memory_space<vmem>> -> memref<128xi32, #tpu.memory_space<vmem>>
      %dma_wait3A_275 = arith.constant 0 : i32
      %dma_wait3A_276 = arith.constant 0 : i32
      %dma_wait3A_277 = tpu.memref_slice %arg3[%dma_wait3A_275, %dma_wait3A_276] : memref<100000x16xf32, #tpu.memory_space<hbm>> -> memref<100000x16xf32, #tpu.memory_space<hbm>>
      tpu.wait_indirect_dma semaphore(%arg13 : memref<!tpu.dma_semaphore, #tpu.memory_space<semaphore_mem>>) src(%dma_wait3A_277 : memref<100000x16xf32, #tpu.memory_space<hbm>>) dst(%dma_wait3A_271 : memref<128x16xf32, #tpu.memory_space<vmem>>)
      %dma_wait3A_278 = arith.constant 3 : i32
      %dma_wait3A_279 = arith.constant 3 : i32
      %dma_wait3A_280 = arith.constant 0 : i32
      %dma_wait3A_281 = arith.constant 0 : i32
      %dma_wait3A_282 = tpu.memref_slice %arg10[%dma_wait3A_279, %dma_wait3A_280, %dma_wait3A_281] : memref<4x128x16xf32, #tpu.memory_space<vmem>> -> memref<1x128x16xf32, #tpu.memory_space<vmem>>
      %dma_wait3A_283 = tpu.memref_squeeze %dma_wait3A_282 : memref<1x128x16xf32, #tpu.memory_space<vmem>> -> memref<128x16xf32, #tpu.memory_space<vmem>>
      %dma_wait3A_284 = arith.constant 0 : i32
      %dma_wait3A_285 = tpu.memref_slice %arg6[%dma_wait3A_278, %dma_wait3A_284] : memref<4x128xi32, #tpu.memory_space<vmem>> -> memref<1x128xi32, #tpu.memory_space<vmem>>
      %dma_wait3A_286 = tpu.memref_squeeze %dma_wait3A_285 : memref<1x128xi32, #tpu.memory_space<vmem>> -> memref<128xi32, #tpu.memory_space<vmem>>
      %dma_wait3A_287 = arith.constant 0 : i32
      %dma_wait3A_288 = arith.constant 0 : i32
      %dma_wait3A_289 = tpu.memref_slice %arg3[%dma_wait3A_287, %dma_wait3A_288] : memref<100000x16xf32, #tpu.memory_space<hbm>> -> memref<100000x16xf32, #tpu.memory_space<hbm>>
      tpu.wait_indirect_dma semaphore(%arg13 : memref<!tpu.dma_semaphore, #tpu.memory_space<semaphore_mem>>) src(%dma_wait3A_289 : memref<100000x16xf32, #tpu.memory_space<hbm>>) dst(%dma_wait3A_283 : memref<128x16xf32, #tpu.memory_space<vmem>>)
      %dma_start3A_290 = arith.constant 0 : i32
      %dma_start3A_291 = arith.constant 0 : i32
      %dma_start3A_292 = arith.constant 0 : i32
      %dma_start3A_293 = arith.constant 0 : i32
      %dma_start3A_294 = tpu.memref_slice %arg10[%dma_start3A_290, %dma_start3A_292, %dma_start3A_293] : memref<4x128x16xf32, #tpu.memory_space<vmem>> -> memref<1x128x16xf32, #tpu.memory_space<vmem>>
      %dma_start3A_295 = tpu.memref_squeeze %dma_start3A_294 : memref<1x128x16xf32, #tpu.memory_space<vmem>> -> memref<128x16xf32, #tpu.memory_space<vmem>>
      %dma_start3A_296 = arith.constant 0 : i32
      %dma_start3A_297 = tpu.memref_slice %arg8[%dma_start3A_291, %dma_start3A_296] : memref<4x128xi32, #tpu.memory_space<vmem>> -> memref<1x128xi32, #tpu.memory_space<vmem>>
      %dma_start3A_298 = tpu.memref_squeeze %dma_start3A_297 : memref<1x128xi32, #tpu.memory_space<vmem>> -> memref<128xi32, #tpu.memory_space<vmem>>
      %dma_start3A_299 = arith.constant 0 : i32
      %dma_start3A_300 = arith.constant 0 : i32
      %dma_start3A_301 = tpu.memref_slice %arg12[%dma_start3A_299, %dma_start3A_300] : memref<100008x16xf32, #tpu.memory_space<vmem_shared>> -> memref<100008x16xf32, #tpu.memory_space<vmem_shared>>
      tpu.enqueue_indirect_dma source(%dma_start3A_295 : memref<128x16xf32, #tpu.memory_space<vmem>>) target(%dma_start3A_301 : memref<100008x16xf32, #tpu.memory_space<vmem_shared>>) offsets(%dma_start3A_298 : memref<128xi32, #tpu.memory_space<vmem>>) semaphore(%arg15 : memref<!tpu.dma_semaphore, #tpu.memory_space<semaphore_mem>>) {add = true}
      %dma_start3A_302 = arith.constant 1 : i32
      %dma_start3A_303 = arith.constant 1 : i32
      %dma_start3A_304 = arith.constant 0 : i32
      %dma_start3A_305 = arith.constant 0 : i32
      %dma_start3A_306 = tpu.memref_slice %arg10[%dma_start3A_302, %dma_start3A_304, %dma_start3A_305] : memref<4x128x16xf32, #tpu.memory_space<vmem>> -> memref<1x128x16xf32, #tpu.memory_space<vmem>>
      %dma_start3A_307 = tpu.memref_squeeze %dma_start3A_306 : memref<1x128x16xf32, #tpu.memory_space<vmem>> -> memref<128x16xf32, #tpu.memory_space<vmem>>
      %dma_start3A_308 = arith.constant 0 : i32
      %dma_start3A_309 = tpu.memref_slice %arg8[%dma_start3A_303, %dma_start3A_308] : memref<4x128xi32, #tpu.memory_space<vmem>> -> memref<1x128xi32, #tpu.memory_space<vmem>>
      %dma_start3A_310 = tpu.memref_squeeze %dma_start3A_309 : memref<1x128xi32, #tpu.memory_space<vmem>> -> memref<128xi32, #tpu.memory_space<vmem>>
      %dma_start3A_311 = arith.constant 0 : i32
      %dma_start3A_312 = arith.constant 0 : i32
      %dma_start3A_313 = tpu.memref_slice %arg12[%dma_start3A_311, %dma_start3A_312] : memref<100008x16xf32, #tpu.memory_space<vmem_shared>> -> memref<100008x16xf32, #tpu.memory_space<vmem_shared>>
      tpu.enqueue_indirect_dma source(%dma_start3A_307 : memref<128x16xf32, #tpu.memory_space<vmem>>) target(%dma_start3A_313 : memref<100008x16xf32, #tpu.memory_space<vmem_shared>>) offsets(%dma_start3A_310 : memref<128xi32, #tpu.memory_space<vmem>>) semaphore(%arg15 : memref<!tpu.dma_semaphore, #tpu.memory_space<semaphore_mem>>) {add = true}
      %dma_start3A_314 = arith.constant 2 : i32
      %dma_start3A_315 = arith.constant 2 : i32
      %dma_start3A_316 = arith.constant 0 : i32
      %dma_start3A_317 = arith.constant 0 : i32
      %dma_start3A_318 = tpu.memref_slice %arg10[%dma_start3A_314, %dma_start3A_316, %dma_start3A_317] : memref<4x128x16xf32, #tpu.memory_space<vmem>> -> memref<1x128x16xf32, #tpu.memory_space<vmem>>
      %dma_start3A_319 = tpu.memref_squeeze %dma_start3A_318 : memref<1x128x16xf32, #tpu.memory_space<vmem>> -> memref<128x16xf32, #tpu.memory_space<vmem>>
      %dma_start3A_320 = arith.constant 0 : i32
      %dma_start3A_321 = tpu.memref_slice %arg8[%dma_start3A_315, %dma_start3A_320] : memref<4x128xi32, #tpu.memory_space<vmem>> -> memref<1x128xi32, #tpu.memory_space<vmem>>
      %dma_start3A_322 = tpu.memref_squeeze %dma_start3A_321 : memref<1x128xi32, #tpu.memory_space<vmem>> -> memref<128xi32, #tpu.memory_space<vmem>>
      %dma_start3A_323 = arith.constant 0 : i32
      %dma_start3A_324 = arith.constant 0 : i32
      %dma_start3A_325 = tpu.memref_slice %arg12[%dma_start3A_323, %dma_start3A_324] : memref<100008x16xf32, #tpu.memory_space<vmem_shared>> -> memref<100008x16xf32, #tpu.memory_space<vmem_shared>>
      tpu.enqueue_indirect_dma source(%dma_start3A_319 : memref<128x16xf32, #tpu.memory_space<vmem>>) target(%dma_start3A_325 : memref<100008x16xf32, #tpu.memory_space<vmem_shared>>) offsets(%dma_start3A_322 : memref<128xi32, #tpu.memory_space<vmem>>) semaphore(%arg15 : memref<!tpu.dma_semaphore, #tpu.memory_space<semaphore_mem>>) {add = true}
      %dma_start3A_326 = arith.constant 3 : i32
      %dma_start3A_327 = arith.constant 3 : i32
      %dma_start3A_328 = arith.constant 0 : i32
      %dma_start3A_329 = arith.constant 0 : i32
      %dma_start3A_330 = tpu.memref_slice %arg10[%dma_start3A_326, %dma_start3A_328, %dma_start3A_329] : memref<4x128x16xf32, #tpu.memory_space<vmem>> -> memref<1x128x16xf32, #tpu.memory_space<vmem>>
      %dma_start3A_331 = tpu.memref_squeeze %dma_start3A_330 : memref<1x128x16xf32, #tpu.memory_space<vmem>> -> memref<128x16xf32, #tpu.memory_space<vmem>>
      %dma_start3A_332 = arith.constant 0 : i32
      %dma_start3A_333 = tpu.memref_slice %arg8[%dma_start3A_327, %dma_start3A_332] : memref<4x128xi32, #tpu.memory_space<vmem>> -> memref<1x128xi32, #tpu.memory_space<vmem>>
      %dma_start3A_334 = tpu.memref_squeeze %dma_start3A_333 : memref<1x128xi32, #tpu.memory_space<vmem>> -> memref<128xi32, #tpu.memory_space<vmem>>
      %dma_start3A_335 = arith.constant 0 : i32
      %dma_start3A_336 = arith.constant 0 : i32
      %dma_start3A_337 = tpu.memref_slice %arg12[%dma_start3A_335, %dma_start3A_336] : memref<100008x16xf32, #tpu.memory_space<vmem_shared>> -> memref<100008x16xf32, #tpu.memory_space<vmem_shared>>
      tpu.enqueue_indirect_dma source(%dma_start3A_331 : memref<128x16xf32, #tpu.memory_space<vmem>>) target(%dma_start3A_337 : memref<100008x16xf32, #tpu.memory_space<vmem_shared>>) offsets(%dma_start3A_334 : memref<128xi32, #tpu.memory_space<vmem>>) semaphore(%arg15 : memref<!tpu.dma_semaphore, #tpu.memory_space<semaphore_mem>>) {add = true}
      %dma_wait3A_338 = arith.constant 0 : i32
      %dma_wait3A_339 = arith.constant 0 : i32
      %dma_wait3A_340 = arith.constant 0 : i32
      %dma_wait3A_341 = arith.constant 0 : i32
      %dma_wait3A_342 = tpu.memref_slice %arg11[%dma_wait3A_339, %dma_wait3A_340, %dma_wait3A_341] : memref<4x128x16xf32, #tpu.memory_space<vmem>> -> memref<1x128x16xf32, #tpu.memory_space<vmem>>
      %dma_wait3A_343 = tpu.memref_squeeze %dma_wait3A_342 : memref<1x128x16xf32, #tpu.memory_space<vmem>> -> memref<128x16xf32, #tpu.memory_space<vmem>>
      %dma_wait3A_344 = arith.constant 0 : i32
      %dma_wait3A_345 = tpu.memref_slice %arg7[%dma_wait3A_338, %dma_wait3A_344] : memref<4x128xi32, #tpu.memory_space<vmem>> -> memref<1x128xi32, #tpu.memory_space<vmem>>
      %dma_wait3A_346 = tpu.memref_squeeze %dma_wait3A_345 : memref<1x128xi32, #tpu.memory_space<vmem>> -> memref<128xi32, #tpu.memory_space<vmem>>
      %dma_wait3A_347 = arith.constant 0 : i32
      %dma_wait3A_348 = arith.constant 0 : i32
      %dma_wait3A_349 = tpu.memref_slice %arg3[%dma_wait3A_347, %dma_wait3A_348] : memref<100000x16xf32, #tpu.memory_space<hbm>> -> memref<100000x16xf32, #tpu.memory_space<hbm>>
      tpu.wait_indirect_dma semaphore(%arg14 : memref<!tpu.dma_semaphore, #tpu.memory_space<semaphore_mem>>) src(%dma_wait3A_349 : memref<100000x16xf32, #tpu.memory_space<hbm>>) dst(%dma_wait3A_343 : memref<128x16xf32, #tpu.memory_space<vmem>>)
      %dma_wait3A_350 = arith.constant 1 : i32
      %dma_wait3A_351 = arith.constant 1 : i32
      %dma_wait3A_352 = arith.constant 0 : i32
      %dma_wait3A_353 = arith.constant 0 : i32
      %dma_wait3A_354 = tpu.memref_slice %arg11[%dma_wait3A_351, %dma_wait3A_352, %dma_wait3A_353] : memref<4x128x16xf32, #tpu.memory_space<vmem>> -> memref<1x128x16xf32, #tpu.memory_space<vmem>>
      %dma_wait3A_355 = tpu.memref_squeeze %dma_wait3A_354 : memref<1x128x16xf32, #tpu.memory_space<vmem>> -> memref<128x16xf32, #tpu.memory_space<vmem>>
      %dma_wait3A_356 = arith.constant 0 : i32
      %dma_wait3A_357 = tpu.memref_slice %arg7[%dma_wait3A_350, %dma_wait3A_356] : memref<4x128xi32, #tpu.memory_space<vmem>> -> memref<1x128xi32, #tpu.memory_space<vmem>>
      %dma_wait3A_358 = tpu.memref_squeeze %dma_wait3A_357 : memref<1x128xi32, #tpu.memory_space<vmem>> -> memref<128xi32, #tpu.memory_space<vmem>>
      %dma_wait3A_359 = arith.constant 0 : i32
      %dma_wait3A_360 = arith.constant 0 : i32
      %dma_wait3A_361 = tpu.memref_slice %arg3[%dma_wait3A_359, %dma_wait3A_360] : memref<100000x16xf32, #tpu.memory_space<hbm>> -> memref<100000x16xf32, #tpu.memory_space<hbm>>
      tpu.wait_indirect_dma semaphore(%arg14 : memref<!tpu.dma_semaphore, #tpu.memory_space<semaphore_mem>>) src(%dma_wait3A_361 : memref<100000x16xf32, #tpu.memory_space<hbm>>) dst(%dma_wait3A_355 : memref<128x16xf32, #tpu.memory_space<vmem>>)
      %dma_wait3A_362 = arith.constant 2 : i32
      %dma_wait3A_363 = arith.constant 2 : i32
      %dma_wait3A_364 = arith.constant 0 : i32
      %dma_wait3A_365 = arith.constant 0 : i32
      %dma_wait3A_366 = tpu.memref_slice %arg11[%dma_wait3A_363, %dma_wait3A_364, %dma_wait3A_365] : memref<4x128x16xf32, #tpu.memory_space<vmem>> -> memref<1x128x16xf32, #tpu.memory_space<vmem>>
      %dma_wait3A_367 = tpu.memref_squeeze %dma_wait3A_366 : memref<1x128x16xf32, #tpu.memory_space<vmem>> -> memref<128x16xf32, #tpu.memory_space<vmem>>
      %dma_wait3A_368 = arith.constant 0 : i32
      %dma_wait3A_369 = tpu.memref_slice %arg7[%dma_wait3A_362, %dma_wait3A_368] : memref<4x128xi32, #tpu.memory_space<vmem>> -> memref<1x128xi32, #tpu.memory_space<vmem>>
      %dma_wait3A_370 = tpu.memref_squeeze %dma_wait3A_369 : memref<1x128xi32, #tpu.memory_space<vmem>> -> memref<128xi32, #tpu.memory_space<vmem>>
      %dma_wait3A_371 = arith.constant 0 : i32
      %dma_wait3A_372 = arith.constant 0 : i32
      %dma_wait3A_373 = tpu.memref_slice %arg3[%dma_wait3A_371, %dma_wait3A_372] : memref<100000x16xf32, #tpu.memory_space<hbm>> -> memref<100000x16xf32, #tpu.memory_space<hbm>>
      tpu.wait_indirect_dma semaphore(%arg14 : memref<!tpu.dma_semaphore, #tpu.memory_space<semaphore_mem>>) src(%dma_wait3A_373 : memref<100000x16xf32, #tpu.memory_space<hbm>>) dst(%dma_wait3A_367 : memref<128x16xf32, #tpu.memory_space<vmem>>)
      %dma_wait3A_374 = arith.constant 3 : i32
      %dma_wait3A_375 = arith.constant 3 : i32
      %dma_wait3A_376 = arith.constant 0 : i32
      %dma_wait3A_377 = arith.constant 0 : i32
      %dma_wait3A_378 = tpu.memref_slice %arg11[%dma_wait3A_375, %dma_wait3A_376, %dma_wait3A_377] : memref<4x128x16xf32, #tpu.memory_space<vmem>> -> memref<1x128x16xf32, #tpu.memory_space<vmem>>
      %dma_wait3A_379 = tpu.memref_squeeze %dma_wait3A_378 : memref<1x128x16xf32, #tpu.memory_space<vmem>> -> memref<128x16xf32, #tpu.memory_space<vmem>>
      %dma_wait3A_380 = arith.constant 0 : i32
      %dma_wait3A_381 = tpu.memref_slice %arg7[%dma_wait3A_374, %dma_wait3A_380] : memref<4x128xi32, #tpu.memory_space<vmem>> -> memref<1x128xi32, #tpu.memory_space<vmem>>
      %dma_wait3A_382 = tpu.memref_squeeze %dma_wait3A_381 : memref<1x128xi32, #tpu.memory_space<vmem>> -> memref<128xi32, #tpu.memory_space<vmem>>
      %dma_wait3A_383 = arith.constant 0 : i32
      %dma_wait3A_384 = arith.constant 0 : i32
      %dma_wait3A_385 = tpu.memref_slice %arg3[%dma_wait3A_383, %dma_wait3A_384] : memref<100000x16xf32, #tpu.memory_space<hbm>> -> memref<100000x16xf32, #tpu.memory_space<hbm>>
      tpu.wait_indirect_dma semaphore(%arg14 : memref<!tpu.dma_semaphore, #tpu.memory_space<semaphore_mem>>) src(%dma_wait3A_385 : memref<100000x16xf32, #tpu.memory_space<hbm>>) dst(%dma_wait3A_379 : memref<128x16xf32, #tpu.memory_space<vmem>>)
      %dma_start3A_386 = arith.constant 0 : i32
      %dma_start3A_387 = arith.constant 0 : i32
      %dma_start3A_388 = arith.constant 0 : i32
      %dma_start3A_389 = arith.constant 0 : i32
      %dma_start3A_390 = tpu.memref_slice %arg11[%dma_start3A_386, %dma_start3A_388, %dma_start3A_389] : memref<4x128x16xf32, #tpu.memory_space<vmem>> -> memref<1x128x16xf32, #tpu.memory_space<vmem>>
      %dma_start3A_391 = tpu.memref_squeeze %dma_start3A_390 : memref<1x128x16xf32, #tpu.memory_space<vmem>> -> memref<128x16xf32, #tpu.memory_space<vmem>>
      %dma_start3A_392 = arith.constant 0 : i32
      %dma_start3A_393 = tpu.memref_slice %arg9[%dma_start3A_387, %dma_start3A_392] : memref<4x128xi32, #tpu.memory_space<vmem>> -> memref<1x128xi32, #tpu.memory_space<vmem>>
      %dma_start3A_394 = tpu.memref_squeeze %dma_start3A_393 : memref<1x128xi32, #tpu.memory_space<vmem>> -> memref<128xi32, #tpu.memory_space<vmem>>
      %dma_start3A_395 = arith.constant 0 : i32
      %dma_start3A_396 = arith.constant 0 : i32
      %dma_start3A_397 = tpu.memref_slice %arg12[%dma_start3A_395, %dma_start3A_396] : memref<100008x16xf32, #tpu.memory_space<vmem_shared>> -> memref<100008x16xf32, #tpu.memory_space<vmem_shared>>
      tpu.enqueue_indirect_dma source(%dma_start3A_391 : memref<128x16xf32, #tpu.memory_space<vmem>>) target(%dma_start3A_397 : memref<100008x16xf32, #tpu.memory_space<vmem_shared>>) offsets(%dma_start3A_394 : memref<128xi32, #tpu.memory_space<vmem>>) semaphore(%arg16 : memref<!tpu.dma_semaphore, #tpu.memory_space<semaphore_mem>>) {add = true}
      %dma_start3A_398 = arith.constant 1 : i32
      %dma_start3A_399 = arith.constant 1 : i32
      %dma_start3A_400 = arith.constant 0 : i32
      %dma_start3A_401 = arith.constant 0 : i32
      %dma_start3A_402 = tpu.memref_slice %arg11[%dma_start3A_398, %dma_start3A_400, %dma_start3A_401] : memref<4x128x16xf32, #tpu.memory_space<vmem>> -> memref<1x128x16xf32, #tpu.memory_space<vmem>>
      %dma_start3A_403 = tpu.memref_squeeze %dma_start3A_402 : memref<1x128x16xf32, #tpu.memory_space<vmem>> -> memref<128x16xf32, #tpu.memory_space<vmem>>
      %dma_start3A_404 = arith.constant 0 : i32
      %dma_start3A_405 = tpu.memref_slice %arg9[%dma_start3A_399, %dma_start3A_404] : memref<4x128xi32, #tpu.memory_space<vmem>> -> memref<1x128xi32, #tpu.memory_space<vmem>>
      %dma_start3A_406 = tpu.memref_squeeze %dma_start3A_405 : memref<1x128xi32, #tpu.memory_space<vmem>> -> memref<128xi32, #tpu.memory_space<vmem>>
      %dma_start3A_407 = arith.constant 0 : i32
      %dma_start3A_408 = arith.constant 0 : i32
      %dma_start3A_409 = tpu.memref_slice %arg12[%dma_start3A_407, %dma_start3A_408] : memref<100008x16xf32, #tpu.memory_space<vmem_shared>> -> memref<100008x16xf32, #tpu.memory_space<vmem_shared>>
      tpu.enqueue_indirect_dma source(%dma_start3A_403 : memref<128x16xf32, #tpu.memory_space<vmem>>) target(%dma_start3A_409 : memref<100008x16xf32, #tpu.memory_space<vmem_shared>>) offsets(%dma_start3A_406 : memref<128xi32, #tpu.memory_space<vmem>>) semaphore(%arg16 : memref<!tpu.dma_semaphore, #tpu.memory_space<semaphore_mem>>) {add = true}
      %dma_start3A_410 = arith.constant 2 : i32
      %dma_start3A_411 = arith.constant 2 : i32
      %dma_start3A_412 = arith.constant 0 : i32
      %dma_start3A_413 = arith.constant 0 : i32
      %dma_start3A_414 = tpu.memref_slice %arg11[%dma_start3A_410, %dma_start3A_412, %dma_start3A_413] : memref<4x128x16xf32, #tpu.memory_space<vmem>> -> memref<1x128x16xf32, #tpu.memory_space<vmem>>
      %dma_start3A_415 = tpu.memref_squeeze %dma_start3A_414 : memref<1x128x16xf32, #tpu.memory_space<vmem>> -> memref<128x16xf32, #tpu.memory_space<vmem>>
      %dma_start3A_416 = arith.constant 0 : i32
      %dma_start3A_417 = tpu.memref_slice %arg9[%dma_start3A_411, %dma_start3A_416] : memref<4x128xi32, #tpu.memory_space<vmem>> -> memref<1x128xi32, #tpu.memory_space<vmem>>
      %dma_start3A_418 = tpu.memref_squeeze %dma_start3A_417 : memref<1x128xi32, #tpu.memory_space<vmem>> -> memref<128xi32, #tpu.memory_space<vmem>>
      %dma_start3A_419 = arith.constant 0 : i32
      %dma_start3A_420 = arith.constant 0 : i32
      %dma_start3A_421 = tpu.memref_slice %arg12[%dma_start3A_419, %dma_start3A_420] : memref<100008x16xf32, #tpu.memory_space<vmem_shared>> -> memref<100008x16xf32, #tpu.memory_space<vmem_shared>>
      tpu.enqueue_indirect_dma source(%dma_start3A_415 : memref<128x16xf32, #tpu.memory_space<vmem>>) target(%dma_start3A_421 : memref<100008x16xf32, #tpu.memory_space<vmem_shared>>) offsets(%dma_start3A_418 : memref<128xi32, #tpu.memory_space<vmem>>) semaphore(%arg16 : memref<!tpu.dma_semaphore, #tpu.memory_space<semaphore_mem>>) {add = true}
      %dma_start3A_422 = arith.constant 3 : i32
      %dma_start3A_423 = arith.constant 3 : i32
      %dma_start3A_424 = arith.constant 0 : i32
      %dma_start3A_425 = arith.constant 0 : i32
      %dma_start3A_426 = tpu.memref_slice %arg11[%dma_start3A_422, %dma_start3A_424, %dma_start3A_425] : memref<4x128x16xf32, #tpu.memory_space<vmem>> -> memref<1x128x16xf32, #tpu.memory_space<vmem>>
      %dma_start3A_427 = tpu.memref_squeeze %dma_start3A_426 : memref<1x128x16xf32, #tpu.memory_space<vmem>> -> memref<128x16xf32, #tpu.memory_space<vmem>>
      %dma_start3A_428 = arith.constant 0 : i32
      %dma_start3A_429 = tpu.memref_slice %arg9[%dma_start3A_423, %dma_start3A_428] : memref<4x128xi32, #tpu.memory_space<vmem>> -> memref<1x128xi32, #tpu.memory_space<vmem>>
      %dma_start3A_430 = tpu.memref_squeeze %dma_start3A_429 : memref<1x128xi32, #tpu.memory_space<vmem>> -> memref<128xi32, #tpu.memory_space<vmem>>
      %dma_start3A_431 = arith.constant 0 : i32
      %dma_start3A_432 = arith.constant 0 : i32
      %dma_start3A_433 = tpu.memref_slice %arg12[%dma_start3A_431, %dma_start3A_432] : memref<100008x16xf32, #tpu.memory_space<vmem_shared>> -> memref<100008x16xf32, #tpu.memory_space<vmem_shared>>
      tpu.enqueue_indirect_dma source(%dma_start3A_427 : memref<128x16xf32, #tpu.memory_space<vmem>>) target(%dma_start3A_433 : memref<100008x16xf32, #tpu.memory_space<vmem_shared>>) offsets(%dma_start3A_430 : memref<128xi32, #tpu.memory_space<vmem>>) semaphore(%arg16 : memref<!tpu.dma_semaphore, #tpu.memory_space<semaphore_mem>>) {add = true}
    }
    %scan3A_13 = arith.constant 49 : i32
    %dma_wait3A = arith.constant 0 : i32
    %dma_wait3A_14 = arith.constant 0 : i32
    %dma_wait3A_15 = arith.constant 0 : i32
    %dma_wait3A_16 = arith.constant 0 : i32
    %dma_wait3A_17 = tpu.memref_slice %arg10[%dma_wait3A, %dma_wait3A_15, %dma_wait3A_16] : memref<4x128x16xf32, #tpu.memory_space<vmem>> -> memref<1x128x16xf32, #tpu.memory_space<vmem>>
    %dma_wait3A_18 = tpu.memref_squeeze %dma_wait3A_17 : memref<1x128x16xf32, #tpu.memory_space<vmem>> -> memref<128x16xf32, #tpu.memory_space<vmem>>
    %dma_wait3A_19 = arith.constant 0 : i32
    %dma_wait3A_20 = tpu.memref_slice %arg8[%dma_wait3A_14, %dma_wait3A_19] : memref<4x128xi32, #tpu.memory_space<vmem>> -> memref<1x128xi32, #tpu.memory_space<vmem>>
    %dma_wait3A_21 = tpu.memref_squeeze %dma_wait3A_20 : memref<1x128xi32, #tpu.memory_space<vmem>> -> memref<128xi32, #tpu.memory_space<vmem>>
    %dma_wait3A_22 = arith.constant 0 : i32
    %dma_wait3A_23 = arith.constant 0 : i32
    %dma_wait3A_24 = tpu.memref_slice %arg12[%dma_wait3A_22, %dma_wait3A_23] : memref<100008x16xf32, #tpu.memory_space<vmem_shared>> -> memref<100008x16xf32, #tpu.memory_space<vmem_shared>>
    tpu.wait_indirect_dma semaphore(%arg15 : memref<!tpu.dma_semaphore, #tpu.memory_space<semaphore_mem>>) src(%dma_wait3A_18 : memref<128x16xf32, #tpu.memory_space<vmem>>) dst(%dma_wait3A_24 : memref<100008x16xf32, #tpu.memory_space<vmem_shared>>)
    %dma_wait3A_25 = arith.constant 1 : i32
    %dma_wait3A_26 = arith.constant 1 : i32
    %dma_wait3A_27 = arith.constant 0 : i32
    %dma_wait3A_28 = arith.constant 0 : i32
    %dma_wait3A_29 = tpu.memref_slice %arg10[%dma_wait3A_25, %dma_wait3A_27, %dma_wait3A_28] : memref<4x128x16xf32, #tpu.memory_space<vmem>> -> memref<1x128x16xf32, #tpu.memory_space<vmem>>
    %dma_wait3A_30 = tpu.memref_squeeze %dma_wait3A_29 : memref<1x128x16xf32, #tpu.memory_space<vmem>> -> memref<128x16xf32, #tpu.memory_space<vmem>>
    %dma_wait3A_31 = arith.constant 0 : i32
    %dma_wait3A_32 = tpu.memref_slice %arg8[%dma_wait3A_26, %dma_wait3A_31] : memref<4x128xi32, #tpu.memory_space<vmem>> -> memref<1x128xi32, #tpu.memory_space<vmem>>
    %dma_wait3A_33 = tpu.memref_squeeze %dma_wait3A_32 : memref<1x128xi32, #tpu.memory_space<vmem>> -> memref<128xi32, #tpu.memory_space<vmem>>
    %dma_wait3A_34 = arith.constant 0 : i32
    %dma_wait3A_35 = arith.constant 0 : i32
    %dma_wait3A_36 = tpu.memref_slice %arg12[%dma_wait3A_34, %dma_wait3A_35] : memref<100008x16xf32, #tpu.memory_space<vmem_shared>> -> memref<100008x16xf32, #tpu.memory_space<vmem_shared>>
    tpu.wait_indirect_dma semaphore(%arg15 : memref<!tpu.dma_semaphore, #tpu.memory_space<semaphore_mem>>) src(%dma_wait3A_30 : memref<128x16xf32, #tpu.memory_space<vmem>>) dst(%dma_wait3A_36 : memref<100008x16xf32, #tpu.memory_space<vmem_shared>>)
    %dma_wait3A_37 = arith.constant 2 : i32
    %dma_wait3A_38 = arith.constant 2 : i32
    %dma_wait3A_39 = arith.constant 0 : i32
    %dma_wait3A_40 = arith.constant 0 : i32
    %dma_wait3A_41 = tpu.memref_slice %arg10[%dma_wait3A_37, %dma_wait3A_39, %dma_wait3A_40] : memref<4x128x16xf32, #tpu.memory_space<vmem>> -> memref<1x128x16xf32, #tpu.memory_space<vmem>>
    %dma_wait3A_42 = tpu.memref_squeeze %dma_wait3A_41 : memref<1x128x16xf32, #tpu.memory_space<vmem>> -> memref<128x16xf32, #tpu.memory_space<vmem>>
    %dma_wait3A_43 = arith.constant 0 : i32
    %dma_wait3A_44 = tpu.memref_slice %arg8[%dma_wait3A_38, %dma_wait3A_43] : memref<4x128xi32, #tpu.memory_space<vmem>> -> memref<1x128xi32, #tpu.memory_space<vmem>>
    %dma_wait3A_45 = tpu.memref_squeeze %dma_wait3A_44 : memref<1x128xi32, #tpu.memory_space<vmem>> -> memref<128xi32, #tpu.memory_space<vmem>>
    %dma_wait3A_46 = arith.constant 0 : i32
    %dma_wait3A_47 = arith.constant 0 : i32
    %dma_wait3A_48 = tpu.memref_slice %arg12[%dma_wait3A_46, %dma_wait3A_47] : memref<100008x16xf32, #tpu.memory_space<vmem_shared>> -> memref<100008x16xf32, #tpu.memory_space<vmem_shared>>
    tpu.wait_indirect_dma semaphore(%arg15 : memref<!tpu.dma_semaphore, #tpu.memory_space<semaphore_mem>>) src(%dma_wait3A_42 : memref<128x16xf32, #tpu.memory_space<vmem>>) dst(%dma_wait3A_48 : memref<100008x16xf32, #tpu.memory_space<vmem_shared>>)
    %dma_wait3A_49 = arith.constant 3 : i32
    %dma_wait3A_50 = arith.constant 3 : i32
    %dma_wait3A_51 = arith.constant 0 : i32
    %dma_wait3A_52 = arith.constant 0 : i32
    %dma_wait3A_53 = tpu.memref_slice %arg10[%dma_wait3A_49, %dma_wait3A_51, %dma_wait3A_52] : memref<4x128x16xf32, #tpu.memory_space<vmem>> -> memref<1x128x16xf32, #tpu.memory_space<vmem>>
    %dma_wait3A_54 = tpu.memref_squeeze %dma_wait3A_53 : memref<1x128x16xf32, #tpu.memory_space<vmem>> -> memref<128x16xf32, #tpu.memory_space<vmem>>
    %dma_wait3A_55 = arith.constant 0 : i32
    %dma_wait3A_56 = tpu.memref_slice %arg8[%dma_wait3A_50, %dma_wait3A_55] : memref<4x128xi32, #tpu.memory_space<vmem>> -> memref<1x128xi32, #tpu.memory_space<vmem>>
    %dma_wait3A_57 = tpu.memref_squeeze %dma_wait3A_56 : memref<1x128xi32, #tpu.memory_space<vmem>> -> memref<128xi32, #tpu.memory_space<vmem>>
    %dma_wait3A_58 = arith.constant 0 : i32
    %dma_wait3A_59 = arith.constant 0 : i32
    %dma_wait3A_60 = tpu.memref_slice %arg12[%dma_wait3A_58, %dma_wait3A_59] : memref<100008x16xf32, #tpu.memory_space<vmem_shared>> -> memref<100008x16xf32, #tpu.memory_space<vmem_shared>>
    tpu.wait_indirect_dma semaphore(%arg15 : memref<!tpu.dma_semaphore, #tpu.memory_space<semaphore_mem>>) src(%dma_wait3A_54 : memref<128x16xf32, #tpu.memory_space<vmem>>) dst(%dma_wait3A_60 : memref<100008x16xf32, #tpu.memory_space<vmem_shared>>)
    %dma_wait3A_61 = arith.constant 0 : i32
    %dma_wait3A_62 = arith.constant 0 : i32
    %dma_wait3A_63 = arith.constant 0 : i32
    %dma_wait3A_64 = arith.constant 0 : i32
    %dma_wait3A_65 = tpu.memref_slice %arg11[%dma_wait3A_61, %dma_wait3A_63, %dma_wait3A_64] : memref<4x128x16xf32, #tpu.memory_space<vmem>> -> memref<1x128x16xf32, #tpu.memory_space<vmem>>
    %dma_wait3A_66 = tpu.memref_squeeze %dma_wait3A_65 : memref<1x128x16xf32, #tpu.memory_space<vmem>> -> memref<128x16xf32, #tpu.memory_space<vmem>>
    %dma_wait3A_67 = arith.constant 0 : i32
    %dma_wait3A_68 = tpu.memref_slice %arg9[%dma_wait3A_62, %dma_wait3A_67] : memref<4x128xi32, #tpu.memory_space<vmem>> -> memref<1x128xi32, #tpu.memory_space<vmem>>
    %dma_wait3A_69 = tpu.memref_squeeze %dma_wait3A_68 : memref<1x128xi32, #tpu.memory_space<vmem>> -> memref<128xi32, #tpu.memory_space<vmem>>
    %dma_wait3A_70 = arith.constant 0 : i32
    %dma_wait3A_71 = arith.constant 0 : i32
    %dma_wait3A_72 = tpu.memref_slice %arg12[%dma_wait3A_70, %dma_wait3A_71] : memref<100008x16xf32, #tpu.memory_space<vmem_shared>> -> memref<100008x16xf32, #tpu.memory_space<vmem_shared>>
    tpu.wait_indirect_dma semaphore(%arg16 : memref<!tpu.dma_semaphore, #tpu.memory_space<semaphore_mem>>) src(%dma_wait3A_66 : memref<128x16xf32, #tpu.memory_space<vmem>>) dst(%dma_wait3A_72 : memref<100008x16xf32, #tpu.memory_space<vmem_shared>>)
    %dma_wait3A_73 = arith.constant 1 : i32
    %dma_wait3A_74 = arith.constant 1 : i32
    %dma_wait3A_75 = arith.constant 0 : i32
    %dma_wait3A_76 = arith.constant 0 : i32
    %dma_wait3A_77 = tpu.memref_slice %arg11[%dma_wait3A_73, %dma_wait3A_75, %dma_wait3A_76] : memref<4x128x16xf32, #tpu.memory_space<vmem>> -> memref<1x128x16xf32, #tpu.memory_space<vmem>>
    %dma_wait3A_78 = tpu.memref_squeeze %dma_wait3A_77 : memref<1x128x16xf32, #tpu.memory_space<vmem>> -> memref<128x16xf32, #tpu.memory_space<vmem>>
    %dma_wait3A_79 = arith.constant 0 : i32
    %dma_wait3A_80 = tpu.memref_slice %arg9[%dma_wait3A_74, %dma_wait3A_79] : memref<4x128xi32, #tpu.memory_space<vmem>> -> memref<1x128xi32, #tpu.memory_space<vmem>>
    %dma_wait3A_81 = tpu.memref_squeeze %dma_wait3A_80 : memref<1x128xi32, #tpu.memory_space<vmem>> -> memref<128xi32, #tpu.memory_space<vmem>>
    %dma_wait3A_82 = arith.constant 0 : i32
    %dma_wait3A_83 = arith.constant 0 : i32
    %dma_wait3A_84 = tpu.memref_slice %arg12[%dma_wait3A_82, %dma_wait3A_83] : memref<100008x16xf32, #tpu.memory_space<vmem_shared>> -> memref<100008x16xf32, #tpu.memory_space<vmem_shared>>
    tpu.wait_indirect_dma semaphore(%arg16 : memref<!tpu.dma_semaphore, #tpu.memory_space<semaphore_mem>>) src(%dma_wait3A_78 : memref<128x16xf32, #tpu.memory_space<vmem>>) dst(%dma_wait3A_84 : memref<100008x16xf32, #tpu.memory_space<vmem_shared>>)
    %dma_wait3A_85 = arith.constant 2 : i32
    %dma_wait3A_86 = arith.constant 2 : i32
    %dma_wait3A_87 = arith.constant 0 : i32
    %dma_wait3A_88 = arith.constant 0 : i32
    %dma_wait3A_89 = tpu.memref_slice %arg11[%dma_wait3A_85, %dma_wait3A_87, %dma_wait3A_88] : memref<4x128x16xf32, #tpu.memory_space<vmem>> -> memref<1x128x16xf32, #tpu.memory_space<vmem>>
    %dma_wait3A_90 = tpu.memref_squeeze %dma_wait3A_89 : memref<1x128x16xf32, #tpu.memory_space<vmem>> -> memref<128x16xf32, #tpu.memory_space<vmem>>
    %dma_wait3A_91 = arith.constant 0 : i32
    %dma_wait3A_92 = tpu.memref_slice %arg9[%dma_wait3A_86, %dma_wait3A_91] : memref<4x128xi32, #tpu.memory_space<vmem>> -> memref<1x128xi32, #tpu.memory_space<vmem>>
    %dma_wait3A_93 = tpu.memref_squeeze %dma_wait3A_92 : memref<1x128xi32, #tpu.memory_space<vmem>> -> memref<128xi32, #tpu.memory_space<vmem>>
    %dma_wait3A_94 = arith.constant 0 : i32
    %dma_wait3A_95 = arith.constant 0 : i32
    %dma_wait3A_96 = tpu.memref_slice %arg12[%dma_wait3A_94, %dma_wait3A_95] : memref<100008x16xf32, #tpu.memory_space<vmem_shared>> -> memref<100008x16xf32, #tpu.memory_space<vmem_shared>>
    tpu.wait_indirect_dma semaphore(%arg16 : memref<!tpu.dma_semaphore, #tpu.memory_space<semaphore_mem>>) src(%dma_wait3A_90 : memref<128x16xf32, #tpu.memory_space<vmem>>) dst(%dma_wait3A_96 : memref<100008x16xf32, #tpu.memory_space<vmem_shared>>)
    %dma_wait3A_97 = arith.constant 3 : i32
    %dma_wait3A_98 = arith.constant 3 : i32
    %dma_wait3A_99 = arith.constant 0 : i32
    %dma_wait3A_100 = arith.constant 0 : i32
    %dma_wait3A_101 = tpu.memref_slice %arg11[%dma_wait3A_97, %dma_wait3A_99, %dma_wait3A_100] : memref<4x128x16xf32, #tpu.memory_space<vmem>> -> memref<1x128x16xf32, #tpu.memory_space<vmem>>
    %dma_wait3A_102 = tpu.memref_squeeze %dma_wait3A_101 : memref<1x128x16xf32, #tpu.memory_space<vmem>> -> memref<128x16xf32, #tpu.memory_space<vmem>>
    %dma_wait3A_103 = arith.constant 0 : i32
    %dma_wait3A_104 = tpu.memref_slice %arg9[%dma_wait3A_98, %dma_wait3A_103] : memref<4x128xi32, #tpu.memory_space<vmem>> -> memref<1x128xi32, #tpu.memory_space<vmem>>
    %dma_wait3A_105 = tpu.memref_squeeze %dma_wait3A_104 : memref<1x128xi32, #tpu.memory_space<vmem>> -> memref<128xi32, #tpu.memory_space<vmem>>
    %dma_wait3A_106 = arith.constant 0 : i32
    %dma_wait3A_107 = arith.constant 0 : i32
    %dma_wait3A_108 = tpu.memref_slice %arg12[%dma_wait3A_106, %dma_wait3A_107] : memref<100008x16xf32, #tpu.memory_space<vmem_shared>> -> memref<100008x16xf32, #tpu.memory_space<vmem_shared>>
    tpu.wait_indirect_dma semaphore(%arg16 : memref<!tpu.dma_semaphore, #tpu.memory_space<semaphore_mem>>) src(%dma_wait3A_102 : memref<128x16xf32, #tpu.memory_space<vmem>>) dst(%dma_wait3A_108 : memref<100008x16xf32, #tpu.memory_space<vmem_shared>>)
    %barrier3A_109 = arith.constant 0 : index
    tpu.barrier barrier_id(%barrier3A_109)
    %lt3A_110 = arith.constant 15 : i32
    %lt3A_111 = arith.cmpi slt, %arg1, %lt3A_110 : i32
    %convert_element_type3A_112 = arith.extui %lt3A_111 : i1 to i32
    %cond3A_113 = arith.constant 0 : i32
    %cond3A_114 = arith.cmpi ne, %convert_element_type3A_112, %cond3A_113 : i32
    scf.if %cond3A_114 {
      %mul3A_120 = arith.constant 6256 : i32
      %mul3A_121 = arith.muli %arg1, %mul3A_120 : i32
      %mul3A_122 = arith.constant 6256 : i32
      %mul3A_123 = arith.muli %arg1, %mul3A_122 : i32
      "tpu.region"() ({
        %run_scoped3A = tpu.sem_alloc : memref<!tpu.dma_semaphore, #tpu.memory_space<semaphore_mem>>
        %dma_start3A = arith.constant 0 : i32
        %dma_start3A_124 = tpu.memref_slice %arg5[%arg0, %mul3A_123, %dma_start3A] : memref<2x100000x16xf32, #tpu.memory_space<hbm>> -> memref<1x6256x16xf32, #tpu.memory_space<hbm>>
        %dma_start3A_125 = tpu.memref_squeeze %dma_start3A_124 : memref<1x6256x16xf32, #tpu.memory_space<hbm>> -> memref<6256x16xf32, #tpu.memory_space<hbm>>
        %dma_start3A_126 = arith.constant 0 : i32
        %dma_start3A_127 = tpu.memref_slice %arg12[%mul3A_121, %dma_start3A_126] : memref<100008x16xf32, #tpu.memory_space<vmem_shared>> -> memref<6256x16xf32, #tpu.memory_space<vmem_shared>>
        tpu.enqueue_dma source(%dma_start3A_127 : memref<6256x16xf32, #tpu.memory_space<vmem_shared>>) target(%dma_start3A_125 : memref<6256x16xf32, #tpu.memory_space<hbm>>) target_semaphore(%run_scoped3A : memref<!tpu.dma_semaphore, #tpu.memory_space<semaphore_mem>>)
        %dma_wait3A_128 = arith.constant 0 : i32
        %dma_wait3A_129 = tpu.memref_slice %arg5[%arg0, %mul3A_123, %dma_wait3A_128] : memref<2x100000x16xf32, #tpu.memory_space<hbm>> -> memref<1x6256x16xf32, #tpu.memory_space<hbm>>
        %dma_wait3A_130 = tpu.memref_squeeze %dma_wait3A_129 : memref<1x6256x16xf32, #tpu.memory_space<hbm>> -> memref<6256x16xf32, #tpu.memory_space<hbm>>
        %dma_wait3A_131 = arith.constant 0 : i32
        %dma_wait3A_132 = tpu.memref_slice %arg12[%mul3A_121, %dma_wait3A_131] : memref<100008x16xf32, #tpu.memory_space<vmem_shared>> -> memref<6256x16xf32, #tpu.memory_space<vmem_shared>>
        tpu.wait_dma2 semaphore(%run_scoped3A : memref<!tpu.dma_semaphore, #tpu.memory_space<semaphore_mem>>) src(%dma_wait3A_132 : memref<6256x16xf32, #tpu.memory_space<vmem_shared>>) dst(%dma_wait3A_130 : memref<6256x16xf32, #tpu.memory_space<hbm>>)
        tpu.yield
      }) : () -> ()
    } else {
    }
    %eq3A_115 = arith.constant 15 : i32
    %eq3A_116 = arith.cmpi eq, %arg1, %eq3A_115 : i32
    %convert_element_type3A_117 = arith.extui %eq3A_116 : i1 to i32
    %cond3A_118 = arith.constant 0 : i32
    %cond3A_119 = arith.cmpi ne, %convert_element_type3A_117, %cond3A_118 : i32
    scf.if %cond3A_119 {
      "tpu.region"() ({
        %run_scoped3A = tpu.sem_alloc : memref<!tpu.dma_semaphore, #tpu.memory_space<semaphore_mem>>
        %dma_start3A = arith.constant 93840 : i32
        %dma_start3A_120 = arith.constant 0 : i32
        %dma_start3A_121 = tpu.memref_slice %arg5[%arg0, %dma_start3A, %dma_start3A_120] : memref<2x100000x16xf32, #tpu.memory_space<hbm>> -> memref<1x6160x16xf32, #tpu.memory_space<hbm>>
        %dma_start3A_122 = tpu.memref_squeeze %dma_start3A_121 : memref<1x6160x16xf32, #tpu.memory_space<hbm>> -> memref<6160x16xf32, #tpu.memory_space<hbm>>
        %dma_start3A_123 = arith.constant 93840 : i32
        %dma_start3A_124 = arith.constant 0 : i32
        %dma_start3A_125 = tpu.memref_slice %arg12[%dma_start3A_123, %dma_start3A_124] : memref<100008x16xf32, #tpu.memory_space<vmem_shared>> -> memref<6160x16xf32, #tpu.memory_space<vmem_shared>>
        tpu.enqueue_dma source(%dma_start3A_125 : memref<6160x16xf32, #tpu.memory_space<vmem_shared>>) target(%dma_start3A_122 : memref<6160x16xf32, #tpu.memory_space<hbm>>) target_semaphore(%run_scoped3A : memref<!tpu.dma_semaphore, #tpu.memory_space<semaphore_mem>>)
        %dma_wait3A_126 = arith.constant 93840 : i32
        %dma_wait3A_127 = arith.constant 0 : i32
        %dma_wait3A_128 = tpu.memref_slice %arg5[%arg0, %dma_wait3A_126, %dma_wait3A_127] : memref<2x100000x16xf32, #tpu.memory_space<hbm>> -> memref<1x6160x16xf32, #tpu.memory_space<hbm>>
        %dma_wait3A_129 = tpu.memref_squeeze %dma_wait3A_128 : memref<1x6160x16xf32, #tpu.memory_space<hbm>> -> memref<6160x16xf32, #tpu.memory_space<hbm>>
        %dma_wait3A_130 = arith.constant 93840 : i32
        %dma_wait3A_131 = arith.constant 0 : i32
        %dma_wait3A_132 = tpu.memref_slice %arg12[%dma_wait3A_130, %dma_wait3A_131] : memref<100008x16xf32, #tpu.memory_space<vmem_shared>> -> memref<6160x16xf32, #tpu.memory_space<vmem_shared>>
        tpu.wait_dma2 semaphore(%run_scoped3A : memref<!tpu.dma_semaphore, #tpu.memory_space<semaphore_mem>>) src(%dma_wait3A_132 : memref<6160x16xf32, #tpu.memory_space<vmem_shared>>) dst(%dma_wait3A_129 : memref<6160x16xf32, #tpu.memory_space<hbm>>)
        tpu.yield
      }) : () -> ()
    } else {
    }
    return
  }
}

#map = affine_map<(d0, d1) -> (0, 0, 0)>
#map1 = affine_map<(d0, d1) -> (0)>
module attributes {stable_mosaic.version = 14 : i64} {
  func.func @deg_kernel(%arg0: i32, %arg1: i32, %arg2: memref<3x12544x128xi32, #tpu.memory_space<hbm>>, %arg3: memref<100352xf32, #tpu.memory_space<hbm>>, %arg4: memref<100352xf32, #tpu.memory_space<hbm>>, %arg5: memref<100352xf32, #tpu.memory_space<hbm>>, %arg6: memref<4x128xi32, #tpu.memory_space<vmem>>, %arg7: memref<4x128xi32, #tpu.memory_space<vmem>>, %arg8: memref<128xf32, #tpu.memory_space<vmem>>, %arg9: memref<100352xf32, #tpu.memory_space<vmem_shared>>, %arg10: memref<!tpu.dma_semaphore, #tpu.memory_space<semaphore_mem>>, %arg11: memref<!tpu.dma_semaphore, #tpu.memory_space<semaphore_mem>>) attributes {dimension_semantics = [#tpu.dimension_semantics<core_parallel>, #tpu.dimension_semantics<subcore_parallel>], iteration_bounds = array<i64: 2, 16>, scalar_prefetch = 0 : i64, scratch_operands = 6 : i64, tpu.core_type = #tpu.core_type<sc_vector_subcore>, window_params = [{transform_indices = #map}, {transform_indices = #map1}, {transform_indices = #map1}, {transform_indices = #map1}]} {
    %mul3A = arith.constant 6272 : i32
    %mul3A_0 = arith.muli %arg1, %mul3A : i32
    %mul3A_1 = arith.constant 6272 : i32
    %mul3A_2 = arith.muli %arg1, %mul3A_1 : i32
    "tpu.region"() ({
      %run_scoped3A = tpu.sem_alloc : memref<!tpu.dma_semaphore, #tpu.memory_space<semaphore_mem>>
      %dma_start3A = tpu.memref_slice %arg9[%mul3A_2] : memref<100352xf32, #tpu.memory_space<vmem_shared>> -> memref<6272xf32, #tpu.memory_space<vmem_shared>>
      %dma_start3A_113 = tpu.memref_slice %arg3[%mul3A_0] : memref<100352xf32, #tpu.memory_space<hbm>> -> memref<6272xf32, #tpu.memory_space<hbm>>
      tpu.enqueue_dma source(%dma_start3A_113 : memref<6272xf32, #tpu.memory_space<hbm>>) target(%dma_start3A : memref<6272xf32, #tpu.memory_space<vmem_shared>>) target_semaphore(%run_scoped3A : memref<!tpu.dma_semaphore, #tpu.memory_space<semaphore_mem>>)
      %dma_wait3A_114 = tpu.memref_slice %arg9[%mul3A_2] : memref<100352xf32, #tpu.memory_space<vmem_shared>> -> memref<6272xf32, #tpu.memory_space<vmem_shared>>
      %dma_wait3A_115 = tpu.memref_slice %arg3[%mul3A_0] : memref<100352xf32, #tpu.memory_space<hbm>> -> memref<6272xf32, #tpu.memory_space<hbm>>
      tpu.wait_dma2 semaphore(%run_scoped3A : memref<!tpu.dma_semaphore, #tpu.memory_space<semaphore_mem>>) src(%dma_wait3A_115 : memref<6272xf32, #tpu.memory_space<hbm>>) dst(%dma_wait3A_114 : memref<6272xf32, #tpu.memory_space<vmem_shared>>)
      tpu.yield
    }) : () -> ()
    %broadcast_in_dim3A = arith.constant 1.000000e+00 : f32
    %broadcast_in_dim3A_3 = vector.broadcast %broadcast_in_dim3A : f32 to vector<16xf32>
    %swap3A = arith.constant 0 : index
    %swap3A_4 = tpu.vector_load %arg8[%swap3A] {strides = array<i32>} : memref<128xf32, #tpu.memory_space<vmem>>, vector<16xf32>,
    %swap3A_5 = vector.shape_cast %swap3A_4 : vector<16xf32> to vector<16xf32>
    %swap3A_6 = vector.shape_cast %broadcast_in_dim3A_3 : vector<16xf32> to vector<16xf32>
    tpu.vector_store %arg8[%swap3A], %swap3A_6 {strides = array<i32>} : memref<128xf32, #tpu.memory_space<vmem>>, vector<16xf32>,
    %broadcast_in_dim3A_7 = arith.constant 1.000000e+00 : f32
    %broadcast_in_dim3A_8 = vector.broadcast %broadcast_in_dim3A_7 : f32 to vector<16xf32>
    %swap3A_9 = arith.constant 16 : index
    %swap3A_10 = tpu.vector_load %arg8[%swap3A_9] {strides = array<i32>} : memref<128xf32, #tpu.memory_space<vmem>>, vector<16xf32>,
    %swap3A_11 = vector.shape_cast %swap3A_10 : vector<16xf32> to vector<16xf32>
    %swap3A_12 = vector.shape_cast %broadcast_in_dim3A_8 : vector<16xf32> to vector<16xf32>
    tpu.vector_store %arg8[%swap3A_9], %swap3A_12 {strides = array<i32>} : memref<128xf32, #tpu.memory_space<vmem>>, vector<16xf32>,
    %broadcast_in_dim3A_13 = arith.constant 1.000000e+00 : f32
    %broadcast_in_dim3A_14 = vector.broadcast %broadcast_in_dim3A_13 : f32 to vector<16xf32>
    %swap3A_15 = arith.constant 32 : index
    %swap3A_16 = tpu.vector_load %arg8[%swap3A_15] {strides = array<i32>} : memref<128xf32, #tpu.memory_space<vmem>>, vector<16xf32>,
    %swap3A_17 = vector.shape_cast %swap3A_16 : vector<16xf32> to vector<16xf32>
    %swap3A_18 = vector.shape_cast %broadcast_in_dim3A_14 : vector<16xf32> to vector<16xf32>
    tpu.vector_store %arg8[%swap3A_15], %swap3A_18 {strides = array<i32>} : memref<128xf32, #tpu.memory_space<vmem>>, vector<16xf32>,
    %broadcast_in_dim3A_19 = arith.constant 1.000000e+00 : f32
    %broadcast_in_dim3A_20 = vector.broadcast %broadcast_in_dim3A_19 : f32 to vector<16xf32>
    %swap3A_21 = arith.constant 48 : index
    %swap3A_22 = tpu.vector_load %arg8[%swap3A_21] {strides = array<i32>} : memref<128xf32, #tpu.memory_space<vmem>>, vector<16xf32>,
    %swap3A_23 = vector.shape_cast %swap3A_22 : vector<16xf32> to vector<16xf32>
    %swap3A_24 = vector.shape_cast %broadcast_in_dim3A_20 : vector<16xf32> to vector<16xf32>
    tpu.vector_store %arg8[%swap3A_21], %swap3A_24 {strides = array<i32>} : memref<128xf32, #tpu.memory_space<vmem>>, vector<16xf32>,
    %broadcast_in_dim3A_25 = arith.constant 1.000000e+00 : f32
    %broadcast_in_dim3A_26 = vector.broadcast %broadcast_in_dim3A_25 : f32 to vector<16xf32>
    %swap3A_27 = arith.constant 64 : index
    %swap3A_28 = tpu.vector_load %arg8[%swap3A_27] {strides = array<i32>} : memref<128xf32, #tpu.memory_space<vmem>>, vector<16xf32>,
    %swap3A_29 = vector.shape_cast %swap3A_28 : vector<16xf32> to vector<16xf32>
    %swap3A_30 = vector.shape_cast %broadcast_in_dim3A_26 : vector<16xf32> to vector<16xf32>
    tpu.vector_store %arg8[%swap3A_27], %swap3A_30 {strides = array<i32>} : memref<128xf32, #tpu.memory_space<vmem>>, vector<16xf32>,
    %broadcast_in_dim3A_31 = arith.constant 1.000000e+00 : f32
    %broadcast_in_dim3A_32 = vector.broadcast %broadcast_in_dim3A_31 : f32 to vector<16xf32>
    %swap3A_33 = arith.constant 80 : index
    %swap3A_34 = tpu.vector_load %arg8[%swap3A_33] {strides = array<i32>} : memref<128xf32, #tpu.memory_space<vmem>>, vector<16xf32>,
    %swap3A_35 = vector.shape_cast %swap3A_34 : vector<16xf32> to vector<16xf32>
    %swap3A_36 = vector.shape_cast %broadcast_in_dim3A_32 : vector<16xf32> to vector<16xf32>
    tpu.vector_store %arg8[%swap3A_33], %swap3A_36 {strides = array<i32>} : memref<128xf32, #tpu.memory_space<vmem>>, vector<16xf32>,
    %broadcast_in_dim3A_37 = arith.constant 1.000000e+00 : f32
    %broadcast_in_dim3A_38 = vector.broadcast %broadcast_in_dim3A_37 : f32 to vector<16xf32>
    %swap3A_39 = arith.constant 96 : index
    %swap3A_40 = tpu.vector_load %arg8[%swap3A_39] {strides = array<i32>} : memref<128xf32, #tpu.memory_space<vmem>>, vector<16xf32>,
    %swap3A_41 = vector.shape_cast %swap3A_40 : vector<16xf32> to vector<16xf32>
    %swap3A_42 = vector.shape_cast %broadcast_in_dim3A_38 : vector<16xf32> to vector<16xf32>
    tpu.vector_store %arg8[%swap3A_39], %swap3A_42 {strides = array<i32>} : memref<128xf32, #tpu.memory_space<vmem>>, vector<16xf32>,
    %broadcast_in_dim3A_43 = arith.constant 1.000000e+00 : f32
    %broadcast_in_dim3A_44 = vector.broadcast %broadcast_in_dim3A_43 : f32 to vector<16xf32>
    %swap3A_45 = arith.constant 112 : index
    %swap3A_46 = tpu.vector_load %arg8[%swap3A_45] {strides = array<i32>} : memref<128xf32, #tpu.memory_space<vmem>>, vector<16xf32>,
    %swap3A_47 = vector.shape_cast %swap3A_46 : vector<16xf32> to vector<16xf32>
    %swap3A_48 = vector.shape_cast %broadcast_in_dim3A_44 : vector<16xf32> to vector<16xf32>
    tpu.vector_store %arg8[%swap3A_45], %swap3A_48 {strides = array<i32>} : memref<128xf32, #tpu.memory_space<vmem>>, vector<16xf32>,
    %barrier3A = arith.constant 0 : index
    tpu.barrier barrier_id(%barrier3A)
    %mul3A_49 = arith.constant 6272 : i32
    %mul3A_50 = arith.muli %arg0, %mul3A_49 : i32
    %mul3A_51 = arith.constant 392 : i32
    %mul3A_52 = arith.muli %arg1, %mul3A_51 : i32
    %add3A = arith.addi %mul3A_50, %mul3A_52 : i32
    %scan3A = arith.constant 0 : i32
    %scan3A_53 = arith.constant 0 : i32
    %scan3A_54 = arith.constant 49 : i32
    %scan3A_55 = arith.addi %scan3A_53, %scan3A_54 : i32
    %scan3A_56 = arith.constant 1 : i32
    scf.for %scan3A_113 = %scan3A_53 to %scan3A_55 step %scan3A_56  : i32 {
      %gt3A = arith.constant 0 : i32
      %gt3A_114 = arith.cmpi sgt, %scan3A_113, %gt3A : i32
      %convert_element_type3A_115 = arith.extui %gt3A_114 : i1 to i32
      %cond3A_116 = arith.constant 0 : i32
      %cond3A_117 = arith.cmpi ne, %convert_element_type3A_115, %cond3A_116 : i32
      scf.if %cond3A_117 {
        %dma_wait3A_185 = arith.constant 0 : i32
        %dma_wait3A_186 = arith.constant 0 : i32
        %dma_wait3A_187 = tpu.memref_slice %arg6[%dma_wait3A_185, %dma_wait3A_186] : memref<4x128xi32, #tpu.memory_space<vmem>> -> memref<1x128xi32, #tpu.memory_space<vmem>>
        %dma_wait3A_188 = tpu.memref_squeeze %dma_wait3A_187 : memref<1x128xi32, #tpu.memory_space<vmem>> -> memref<128xi32, #tpu.memory_space<vmem>>
        %dma_wait3A_189 = arith.constant 0 : i32
        %dma_wait3A_190 = tpu.memref_slice %arg9[%dma_wait3A_189] : memref<100352xf32, #tpu.memory_space<vmem_shared>> -> memref<100352xf32, #tpu.memory_space<vmem_shared>>
        tpu.wait_indirect_dma semaphore(%arg10 : memref<!tpu.dma_semaphore, #tpu.memory_space<semaphore_mem>>) src(%arg8 : memref<128xf32, #tpu.memory_space<vmem>>) dst(%dma_wait3A_190 : memref<100352xf32, #tpu.memory_space<vmem_shared>>)
        %dma_wait3A_191 = arith.constant 1 : i32
        %dma_wait3A_192 = arith.constant 0 : i32
        %dma_wait3A_193 = tpu.memref_slice %arg6[%dma_wait3A_191, %dma_wait3A_192] : memref<4x128xi32, #tpu.memory_space<vmem>> -> memref<1x128xi32, #tpu.memory_space<vmem>>
        %dma_wait3A_194 = tpu.memref_squeeze %dma_wait3A_193 : memref<1x128xi32, #tpu.memory_space<vmem>> -> memref<128xi32, #tpu.memory_space<vmem>>
        %dma_wait3A_195 = arith.constant 0 : i32
        %dma_wait3A_196 = tpu.memref_slice %arg9[%dma_wait3A_195] : memref<100352xf32, #tpu.memory_space<vmem_shared>> -> memref<100352xf32, #tpu.memory_space<vmem_shared>>
        tpu.wait_indirect_dma semaphore(%arg10 : memref<!tpu.dma_semaphore, #tpu.memory_space<semaphore_mem>>) src(%arg8 : memref<128xf32, #tpu.memory_space<vmem>>) dst(%dma_wait3A_196 : memref<100352xf32, #tpu.memory_space<vmem_shared>>)
        %dma_wait3A_197 = arith.constant 2 : i32
        %dma_wait3A_198 = arith.constant 0 : i32
        %dma_wait3A_199 = tpu.memref_slice %arg6[%dma_wait3A_197, %dma_wait3A_198] : memref<4x128xi32, #tpu.memory_space<vmem>> -> memref<1x128xi32, #tpu.memory_space<vmem>>
        %dma_wait3A_200 = tpu.memref_squeeze %dma_wait3A_199 : memref<1x128xi32, #tpu.memory_space<vmem>> -> memref<128xi32, #tpu.memory_space<vmem>>
        %dma_wait3A_201 = arith.constant 0 : i32
        %dma_wait3A_202 = tpu.memref_slice %arg9[%dma_wait3A_201] : memref<100352xf32, #tpu.memory_space<vmem_shared>> -> memref<100352xf32, #tpu.memory_space<vmem_shared>>
        tpu.wait_indirect_dma semaphore(%arg10 : memref<!tpu.dma_semaphore, #tpu.memory_space<semaphore_mem>>) src(%arg8 : memref<128xf32, #tpu.memory_space<vmem>>) dst(%dma_wait3A_202 : memref<100352xf32, #tpu.memory_space<vmem_shared>>)
        %dma_wait3A_203 = arith.constant 3 : i32
        %dma_wait3A_204 = arith.constant 0 : i32
        %dma_wait3A_205 = tpu.memref_slice %arg6[%dma_wait3A_203, %dma_wait3A_204] : memref<4x128xi32, #tpu.memory_space<vmem>> -> memref<1x128xi32, #tpu.memory_space<vmem>>
        %dma_wait3A_206 = tpu.memref_squeeze %dma_wait3A_205 : memref<1x128xi32, #tpu.memory_space<vmem>> -> memref<128xi32, #tpu.memory_space<vmem>>
        %dma_wait3A_207 = arith.constant 0 : i32
        %dma_wait3A_208 = tpu.memref_slice %arg9[%dma_wait3A_207] : memref<100352xf32, #tpu.memory_space<vmem_shared>> -> memref<100352xf32, #tpu.memory_space<vmem_shared>>
        tpu.wait_indirect_dma semaphore(%arg10 : memref<!tpu.dma_semaphore, #tpu.memory_space<semaphore_mem>>) src(%arg8 : memref<128xf32, #tpu.memory_space<vmem>>) dst(%dma_wait3A_208 : memref<100352xf32, #tpu.memory_space<vmem_shared>>)
      } else {
      }
      %mul3A_118 = arith.constant 2 : i32
      %mul3A_119 = arith.muli %mul3A_118, %scan3A_113 : i32
      %add3A_120 = arith.constant 0 : i32
      %add3A_121 = arith.addi %mul3A_119, %add3A_120 : i32
      %mul3A_122 = arith.constant 4 : i32
      %mul3A_123 = arith.muli %add3A_121, %mul3A_122 : i32
      %add3A_124 = arith.addi %add3A, %mul3A_123 : i32
      %run_scoped3A = arith.constant 2 : i32
      "tpu.region"() ({
        %run_scoped3A_185 = tpu.sem_alloc : memref<!tpu.dma_semaphore, #tpu.memory_space<semaphore_mem>>
        %dma_start3A_186 = arith.constant 0 : i32
        %dma_start3A_187 = tpu.memref_slice %arg2[%run_scoped3A, %add3A_124, %dma_start3A_186] : memref<3x12544x128xi32, #tpu.memory_space<hbm>> -> memref<1x4x128xi32, #tpu.memory_space<hbm>>
        %dma_start3A_188 = tpu.memref_squeeze %dma_start3A_187 : memref<1x4x128xi32, #tpu.memory_space<hbm>> -> memref<4x128xi32, #tpu.memory_space<hbm>>
        %dma_start3A_189 = arith.constant 0 : i32
        %dma_start3A_190 = tpu.memref_slice %arg2[%run_scoped3A, %add3A_124, %dma_start3A_189] : memref<3x12544x128xi32, #tpu.memory_space<hbm>> -> memref<1x4x128xi32, #tpu.memory_space<hbm>>
        %dma_start3A_191 = tpu.memref_squeeze %dma_start3A_190 : memref<1x4x128xi32, #tpu.memory_space<hbm>> -> memref<4x128xi32, #tpu.memory_space<hbm>>
        tpu.enqueue_dma source(%dma_start3A_191 : memref<4x128xi32, #tpu.memory_space<hbm>>) target(%arg6 : memref<4x128xi32, #tpu.memory_space<vmem>>) target_semaphore(%run_scoped3A_185 : memref<!tpu.dma_semaphore, #tpu.memory_space<semaphore_mem>>)
        %dma_wait3A_192 = arith.constant 0 : i32
        %dma_wait3A_193 = tpu.memref_slice %arg2[%run_scoped3A, %add3A_124, %dma_wait3A_192] : memref<3x12544x128xi32, #tpu.memory_space<hbm>> -> memref<1x4x128xi32, #tpu.memory_space<hbm>>
        %dma_wait3A_194 = tpu.memref_squeeze %dma_wait3A_193 : memref<1x4x128xi32, #tpu.memory_space<hbm>> -> memref<4x128xi32, #tpu.memory_space<hbm>>
        %dma_wait3A_195 = arith.constant 0 : i32
        %dma_wait3A_196 = tpu.memref_slice %arg2[%run_scoped3A, %add3A_124, %dma_wait3A_195] : memref<3x12544x128xi32, #tpu.memory_space<hbm>> -> memref<1x4x128xi32, #tpu.memory_space<hbm>>
        %dma_wait3A_197 = tpu.memref_squeeze %dma_wait3A_196 : memref<1x4x128xi32, #tpu.memory_space<hbm>> -> memref<4x128xi32, #tpu.memory_space<hbm>>
        tpu.wait_dma2 semaphore(%run_scoped3A_185 : memref<!tpu.dma_semaphore, #tpu.memory_space<semaphore_mem>>) src(%dma_wait3A_197 : memref<4x128xi32, #tpu.memory_space<hbm>>) dst(%arg6 : memref<4x128xi32, #tpu.memory_space<vmem>>)
        tpu.yield
      }) : () -> ()
      %dma_start3A = arith.constant 0 : i32
      %dma_start3A_125 = arith.constant 0 : i32
      %dma_start3A_126 = tpu.memref_slice %arg6[%dma_start3A, %dma_start3A_125] : memref<4x128xi32, #tpu.memory_space<vmem>> -> memref<1x128xi32, #tpu.memory_space<vmem>>
      %dma_start3A_127 = tpu.memref_squeeze %dma_start3A_126 : memref<1x128xi32, #tpu.memory_space<vmem>> -> memref<128xi32, #tpu.memory_space<vmem>>
      %dma_start3A_128 = arith.constant 0 : i32
      %dma_start3A_129 = tpu.memref_slice %arg9[%dma_start3A_128] : memref<100352xf32, #tpu.memory_space<vmem_shared>> -> memref<100352xf32, #tpu.memory_space<vmem_shared>>
      tpu.enqueue_indirect_dma source(%arg8 : memref<128xf32, #tpu.memory_space<vmem>>) target(%dma_start3A_129 : memref<100352xf32, #tpu.memory_space<vmem_shared>>) offsets(%dma_start3A_127 : memref<128xi32, #tpu.memory_space<vmem>>) semaphore(%arg10 : memref<!tpu.dma_semaphore, #tpu.memory_space<semaphore_mem>>) {add = true}
      %dma_start3A_130 = arith.constant 1 : i32
      %dma_start3A_131 = arith.constant 0 : i32
      %dma_start3A_132 = tpu.memref_slice %arg6[%dma_start3A_130, %dma_start3A_131] : memref<4x128xi32, #tpu.memory_space<vmem>> -> memref<1x128xi32, #tpu.memory_space<vmem>>
      %dma_start3A_133 = tpu.memref_squeeze %dma_start3A_132 : memref<1x128xi32, #tpu.memory_space<vmem>> -> memref<128xi32, #tpu.memory_space<vmem>>
      %dma_start3A_134 = arith.constant 0 : i32
      %dma_start3A_135 = tpu.memref_slice %arg9[%dma_start3A_134] : memref<100352xf32, #tpu.memory_space<vmem_shared>> -> memref<100352xf32, #tpu.memory_space<vmem_shared>>
      tpu.enqueue_indirect_dma source(%arg8 : memref<128xf32, #tpu.memory_space<vmem>>) target(%dma_start3A_135 : memref<100352xf32, #tpu.memory_space<vmem_shared>>) offsets(%dma_start3A_133 : memref<128xi32, #tpu.memory_space<vmem>>) semaphore(%arg10 : memref<!tpu.dma_semaphore, #tpu.memory_space<semaphore_mem>>) {add = true}
      %dma_start3A_136 = arith.constant 2 : i32
      %dma_start3A_137 = arith.constant 0 : i32
      %dma_start3A_138 = tpu.memref_slice %arg6[%dma_start3A_136, %dma_start3A_137] : memref<4x128xi32, #tpu.memory_space<vmem>> -> memref<1x128xi32, #tpu.memory_space<vmem>>
      %dma_start3A_139 = tpu.memref_squeeze %dma_start3A_138 : memref<1x128xi32, #tpu.memory_space<vmem>> -> memref<128xi32, #tpu.memory_space<vmem>>
      %dma_start3A_140 = arith.constant 0 : i32
      %dma_start3A_141 = tpu.memref_slice %arg9[%dma_start3A_140] : memref<100352xf32, #tpu.memory_space<vmem_shared>> -> memref<100352xf32, #tpu.memory_space<vmem_shared>>
      tpu.enqueue_indirect_dma source(%arg8 : memref<128xf32, #tpu.memory_space<vmem>>) target(%dma_start3A_141 : memref<100352xf32, #tpu.memory_space<vmem_shared>>) offsets(%dma_start3A_139 : memref<128xi32, #tpu.memory_space<vmem>>) semaphore(%arg10 : memref<!tpu.dma_semaphore, #tpu.memory_space<semaphore_mem>>) {add = true}
      %dma_start3A_142 = arith.constant 3 : i32
      %dma_start3A_143 = arith.constant 0 : i32
      %dma_start3A_144 = tpu.memref_slice %arg6[%dma_start3A_142, %dma_start3A_143] : memref<4x128xi32, #tpu.memory_space<vmem>> -> memref<1x128xi32, #tpu.memory_space<vmem>>
      %dma_start3A_145 = tpu.memref_squeeze %dma_start3A_144 : memref<1x128xi32, #tpu.memory_space<vmem>> -> memref<128xi32, #tpu.memory_space<vmem>>
      %dma_start3A_146 = arith.constant 0 : i32
      %dma_start3A_147 = tpu.memref_slice %arg9[%dma_start3A_146] : memref<100352xf32, #tpu.memory_space<vmem_shared>> -> memref<100352xf32, #tpu.memory_space<vmem_shared>>
      tpu.enqueue_indirect_dma source(%arg8 : memref<128xf32, #tpu.memory_space<vmem>>) target(%dma_start3A_147 : memref<100352xf32, #tpu.memory_space<vmem_shared>>) offsets(%dma_start3A_145 : memref<128xi32, #tpu.memory_space<vmem>>) semaphore(%arg10 : memref<!tpu.dma_semaphore, #tpu.memory_space<semaphore_mem>>) {add = true}
      %gt3A_148 = arith.constant 0 : i32
      %gt3A_149 = arith.cmpi sgt, %scan3A_113, %gt3A_148 : i32
      %convert_element_type3A_150 = arith.extui %gt3A_149 : i1 to i32
      %cond3A_151 = arith.constant 0 : i32
      %cond3A_152 = arith.cmpi ne, %convert_element_type3A_150, %cond3A_151 : i32
      scf.if %cond3A_152 {
        %dma_wait3A_185 = arith.constant 0 : i32
        %dma_wait3A_186 = arith.constant 0 : i32
        %dma_wait3A_187 = tpu.memref_slice %arg7[%dma_wait3A_185, %dma_wait3A_186] : memref<4x128xi32, #tpu.memory_space<vmem>> -> memref<1x128xi32, #tpu.memory_space<vmem>>
        %dma_wait3A_188 = tpu.memref_squeeze %dma_wait3A_187 : memref<1x128xi32, #tpu.memory_space<vmem>> -> memref<128xi32, #tpu.memory_space<vmem>>
        %dma_wait3A_189 = arith.constant 0 : i32
        %dma_wait3A_190 = tpu.memref_slice %arg9[%dma_wait3A_189] : memref<100352xf32, #tpu.memory_space<vmem_shared>> -> memref<100352xf32, #tpu.memory_space<vmem_shared>>
        tpu.wait_indirect_dma semaphore(%arg11 : memref<!tpu.dma_semaphore, #tpu.memory_space<semaphore_mem>>) src(%arg8 : memref<128xf32, #tpu.memory_space<vmem>>) dst(%dma_wait3A_190 : memref<100352xf32, #tpu.memory_space<vmem_shared>>)
        %dma_wait3A_191 = arith.constant 1 : i32
        %dma_wait3A_192 = arith.constant 0 : i32
        %dma_wait3A_193 = tpu.memref_slice %arg7[%dma_wait3A_191, %dma_wait3A_192] : memref<4x128xi32, #tpu.memory_space<vmem>> -> memref<1x128xi32, #tpu.memory_space<vmem>>
        %dma_wait3A_194 = tpu.memref_squeeze %dma_wait3A_193 : memref<1x128xi32, #tpu.memory_space<vmem>> -> memref<128xi32, #tpu.memory_space<vmem>>
        %dma_wait3A_195 = arith.constant 0 : i32
        %dma_wait3A_196 = tpu.memref_slice %arg9[%dma_wait3A_195] : memref<100352xf32, #tpu.memory_space<vmem_shared>> -> memref<100352xf32, #tpu.memory_space<vmem_shared>>
        tpu.wait_indirect_dma semaphore(%arg11 : memref<!tpu.dma_semaphore, #tpu.memory_space<semaphore_mem>>) src(%arg8 : memref<128xf32, #tpu.memory_space<vmem>>) dst(%dma_wait3A_196 : memref<100352xf32, #tpu.memory_space<vmem_shared>>)
        %dma_wait3A_197 = arith.constant 2 : i32
        %dma_wait3A_198 = arith.constant 0 : i32
        %dma_wait3A_199 = tpu.memref_slice %arg7[%dma_wait3A_197, %dma_wait3A_198] : memref<4x128xi32, #tpu.memory_space<vmem>> -> memref<1x128xi32, #tpu.memory_space<vmem>>
        %dma_wait3A_200 = tpu.memref_squeeze %dma_wait3A_199 : memref<1x128xi32, #tpu.memory_space<vmem>> -> memref<128xi32, #tpu.memory_space<vmem>>
        %dma_wait3A_201 = arith.constant 0 : i32
        %dma_wait3A_202 = tpu.memref_slice %arg9[%dma_wait3A_201] : memref<100352xf32, #tpu.memory_space<vmem_shared>> -> memref<100352xf32, #tpu.memory_space<vmem_shared>>
        tpu.wait_indirect_dma semaphore(%arg11 : memref<!tpu.dma_semaphore, #tpu.memory_space<semaphore_mem>>) src(%arg8 : memref<128xf32, #tpu.memory_space<vmem>>) dst(%dma_wait3A_202 : memref<100352xf32, #tpu.memory_space<vmem_shared>>)
        %dma_wait3A_203 = arith.constant 3 : i32
        %dma_wait3A_204 = arith.constant 0 : i32
        %dma_wait3A_205 = tpu.memref_slice %arg7[%dma_wait3A_203, %dma_wait3A_204] : memref<4x128xi32, #tpu.memory_space<vmem>> -> memref<1x128xi32, #tpu.memory_space<vmem>>
        %dma_wait3A_206 = tpu.memref_squeeze %dma_wait3A_205 : memref<1x128xi32, #tpu.memory_space<vmem>> -> memref<128xi32, #tpu.memory_space<vmem>>
        %dma_wait3A_207 = arith.constant 0 : i32
        %dma_wait3A_208 = tpu.memref_slice %arg9[%dma_wait3A_207] : memref<100352xf32, #tpu.memory_space<vmem_shared>> -> memref<100352xf32, #tpu.memory_space<vmem_shared>>
        tpu.wait_indirect_dma semaphore(%arg11 : memref<!tpu.dma_semaphore, #tpu.memory_space<semaphore_mem>>) src(%arg8 : memref<128xf32, #tpu.memory_space<vmem>>) dst(%dma_wait3A_208 : memref<100352xf32, #tpu.memory_space<vmem_shared>>)
      } else {
      }
      %mul3A_153 = arith.constant 2 : i32
      %mul3A_154 = arith.muli %mul3A_153, %scan3A_113 : i32
      %add3A_155 = arith.constant 1 : i32
      %add3A_156 = arith.addi %mul3A_154, %add3A_155 : i32
      %mul3A_157 = arith.constant 4 : i32
      %mul3A_158 = arith.muli %add3A_156, %mul3A_157 : i32
      %add3A_159 = arith.addi %add3A, %mul3A_158 : i32
      %run_scoped3A_160 = arith.constant 2 : i32
      "tpu.region"() ({
        %run_scoped3A_185 = tpu.sem_alloc : memref<!tpu.dma_semaphore, #tpu.memory_space<semaphore_mem>>
        %dma_start3A_186 = arith.constant 0 : i32
        %dma_start3A_187 = tpu.memref_slice %arg2[%run_scoped3A_160, %add3A_159, %dma_start3A_186] : memref<3x12544x128xi32, #tpu.memory_space<hbm>> -> memref<1x4x128xi32, #tpu.memory_space<hbm>>
        %dma_start3A_188 = tpu.memref_squeeze %dma_start3A_187 : memref<1x4x128xi32, #tpu.memory_space<hbm>> -> memref<4x128xi32, #tpu.memory_space<hbm>>
        %dma_start3A_189 = arith.constant 0 : i32
        %dma_start3A_190 = tpu.memref_slice %arg2[%run_scoped3A_160, %add3A_159, %dma_start3A_189] : memref<3x12544x128xi32, #tpu.memory_space<hbm>> -> memref<1x4x128xi32, #tpu.memory_space<hbm>>
        %dma_start3A_191 = tpu.memref_squeeze %dma_start3A_190 : memref<1x4x128xi32, #tpu.memory_space<hbm>> -> memref<4x128xi32, #tpu.memory_space<hbm>>
        tpu.enqueue_dma source(%dma_start3A_191 : memref<4x128xi32, #tpu.memory_space<hbm>>) target(%arg7 : memref<4x128xi32, #tpu.memory_space<vmem>>) target_semaphore(%run_scoped3A_185 : memref<!tpu.dma_semaphore, #tpu.memory_space<semaphore_mem>>)
        %dma_wait3A_192 = arith.constant 0 : i32
        %dma_wait3A_193 = tpu.memref_slice %arg2[%run_scoped3A_160, %add3A_159, %dma_wait3A_192] : memref<3x12544x128xi32, #tpu.memory_space<hbm>> -> memref<1x4x128xi32, #tpu.memory_space<hbm>>
        %dma_wait3A_194 = tpu.memref_squeeze %dma_wait3A_193 : memref<1x4x128xi32, #tpu.memory_space<hbm>> -> memref<4x128xi32, #tpu.memory_space<hbm>>
        %dma_wait3A_195 = arith.constant 0 : i32
        %dma_wait3A_196 = tpu.memref_slice %arg2[%run_scoped3A_160, %add3A_159, %dma_wait3A_195] : memref<3x12544x128xi32, #tpu.memory_space<hbm>> -> memref<1x4x128xi32, #tpu.memory_space<hbm>>
        %dma_wait3A_197 = tpu.memref_squeeze %dma_wait3A_196 : memref<1x4x128xi32, #tpu.memory_space<hbm>> -> memref<4x128xi32, #tpu.memory_space<hbm>>
        tpu.wait_dma2 semaphore(%run_scoped3A_185 : memref<!tpu.dma_semaphore, #tpu.memory_space<semaphore_mem>>) src(%dma_wait3A_197 : memref<4x128xi32, #tpu.memory_space<hbm>>) dst(%arg7 : memref<4x128xi32, #tpu.memory_space<vmem>>)
        tpu.yield
      }) : () -> ()
      %dma_start3A_161 = arith.constant 0 : i32
      %dma_start3A_162 = arith.constant 0 : i32
      %dma_start3A_163 = tpu.memref_slice %arg7[%dma_start3A_161, %dma_start3A_162] : memref<4x128xi32, #tpu.memory_space<vmem>> -> memref<1x128xi32, #tpu.memory_space<vmem>>
      %dma_start3A_164 = tpu.memref_squeeze %dma_start3A_163 : memref<1x128xi32, #tpu.memory_space<vmem>> -> memref<128xi32, #tpu.memory_space<vmem>>
      %dma_start3A_165 = arith.constant 0 : i32
      %dma_start3A_166 = tpu.memref_slice %arg9[%dma_start3A_165] : memref<100352xf32, #tpu.memory_space<vmem_shared>> -> memref<100352xf32, #tpu.memory_space<vmem_shared>>
      tpu.enqueue_indirect_dma source(%arg8 : memref<128xf32, #tpu.memory_space<vmem>>) target(%dma_start3A_166 : memref<100352xf32, #tpu.memory_space<vmem_shared>>) offsets(%dma_start3A_164 : memref<128xi32, #tpu.memory_space<vmem>>) semaphore(%arg11 : memref<!tpu.dma_semaphore, #tpu.memory_space<semaphore_mem>>) {add = true}
      %dma_start3A_167 = arith.constant 1 : i32
      %dma_start3A_168 = arith.constant 0 : i32
      %dma_start3A_169 = tpu.memref_slice %arg7[%dma_start3A_167, %dma_start3A_168] : memref<4x128xi32, #tpu.memory_space<vmem>> -> memref<1x128xi32, #tpu.memory_space<vmem>>
      %dma_start3A_170 = tpu.memref_squeeze %dma_start3A_169 : memref<1x128xi32, #tpu.memory_space<vmem>> -> memref<128xi32, #tpu.memory_space<vmem>>
      %dma_start3A_171 = arith.constant 0 : i32
      %dma_start3A_172 = tpu.memref_slice %arg9[%dma_start3A_171] : memref<100352xf32, #tpu.memory_space<vmem_shared>> -> memref<100352xf32, #tpu.memory_space<vmem_shared>>
      tpu.enqueue_indirect_dma source(%arg8 : memref<128xf32, #tpu.memory_space<vmem>>) target(%dma_start3A_172 : memref<100352xf32, #tpu.memory_space<vmem_shared>>) offsets(%dma_start3A_170 : memref<128xi32, #tpu.memory_space<vmem>>) semaphore(%arg11 : memref<!tpu.dma_semaphore, #tpu.memory_space<semaphore_mem>>) {add = true}
      %dma_start3A_173 = arith.constant 2 : i32
      %dma_start3A_174 = arith.constant 0 : i32
      %dma_start3A_175 = tpu.memref_slice %arg7[%dma_start3A_173, %dma_start3A_174] : memref<4x128xi32, #tpu.memory_space<vmem>> -> memref<1x128xi32, #tpu.memory_space<vmem>>
      %dma_start3A_176 = tpu.memref_squeeze %dma_start3A_175 : memref<1x128xi32, #tpu.memory_space<vmem>> -> memref<128xi32, #tpu.memory_space<vmem>>
      %dma_start3A_177 = arith.constant 0 : i32
      %dma_start3A_178 = tpu.memref_slice %arg9[%dma_start3A_177] : memref<100352xf32, #tpu.memory_space<vmem_shared>> -> memref<100352xf32, #tpu.memory_space<vmem_shared>>
      tpu.enqueue_indirect_dma source(%arg8 : memref<128xf32, #tpu.memory_space<vmem>>) target(%dma_start3A_178 : memref<100352xf32, #tpu.memory_space<vmem_shared>>) offsets(%dma_start3A_176 : memref<128xi32, #tpu.memory_space<vmem>>) semaphore(%arg11 : memref<!tpu.dma_semaphore, #tpu.memory_space<semaphore_mem>>) {add = true}
      %dma_start3A_179 = arith.constant 3 : i32
      %dma_start3A_180 = arith.constant 0 : i32
      %dma_start3A_181 = tpu.memref_slice %arg7[%dma_start3A_179, %dma_start3A_180] : memref<4x128xi32, #tpu.memory_space<vmem>> -> memref<1x128xi32, #tpu.memory_space<vmem>>
      %dma_start3A_182 = tpu.memref_squeeze %dma_start3A_181 : memref<1x128xi32, #tpu.memory_space<vmem>> -> memref<128xi32, #tpu.memory_space<vmem>>
      %dma_start3A_183 = arith.constant 0 : i32
      %dma_start3A_184 = tpu.memref_slice %arg9[%dma_start3A_183] : memref<100352xf32, #tpu.memory_space<vmem_shared>> -> memref<100352xf32, #tpu.memory_space<vmem_shared>>
      tpu.enqueue_indirect_dma source(%arg8 : memref<128xf32, #tpu.memory_space<vmem>>) target(%dma_start3A_184 : memref<100352xf32, #tpu.memory_space<vmem_shared>>) offsets(%dma_start3A_182 : memref<128xi32, #tpu.memory_space<vmem>>) semaphore(%arg11 : memref<!tpu.dma_semaphore, #tpu.memory_space<semaphore_mem>>) {add = true}
    }
    %scan3A_57 = arith.constant 49 : i32
    %dma_wait3A = arith.constant 0 : i32
    %dma_wait3A_58 = arith.constant 0 : i32
    %dma_wait3A_59 = tpu.memref_slice %arg6[%dma_wait3A, %dma_wait3A_58] : memref<4x128xi32, #tpu.memory_space<vmem>> -> memref<1x128xi32, #tpu.memory_space<vmem>>
    %dma_wait3A_60 = tpu.memref_squeeze %dma_wait3A_59 : memref<1x128xi32, #tpu.memory_space<vmem>> -> memref<128xi32, #tpu.memory_space<vmem>>
    %dma_wait3A_61 = arith.constant 0 : i32
    %dma_wait3A_62 = tpu.memref_slice %arg9[%dma_wait3A_61] : memref<100352xf32, #tpu.memory_space<vmem_shared>> -> memref<100352xf32, #tpu.memory_space<vmem_shared>>
    tpu.wait_indirect_dma semaphore(%arg10 : memref<!tpu.dma_semaphore, #tpu.memory_space<semaphore_mem>>) src(%arg8 : memref<128xf32, #tpu.memory_space<vmem>>) dst(%dma_wait3A_62 : memref<100352xf32, #tpu.memory_space<vmem_shared>>)
    %dma_wait3A_63 = arith.constant 1 : i32
    %dma_wait3A_64 = arith.constant 0 : i32
    %dma_wait3A_65 = tpu.memref_slice %arg6[%dma_wait3A_63, %dma_wait3A_64] : memref<4x128xi32, #tpu.memory_space<vmem>> -> memref<1x128xi32, #tpu.memory_space<vmem>>
    %dma_wait3A_66 = tpu.memref_squeeze %dma_wait3A_65 : memref<1x128xi32, #tpu.memory_space<vmem>> -> memref<128xi32, #tpu.memory_space<vmem>>
    %dma_wait3A_67 = arith.constant 0 : i32
    %dma_wait3A_68 = tpu.memref_slice %arg9[%dma_wait3A_67] : memref<100352xf32, #tpu.memory_space<vmem_shared>> -> memref<100352xf32, #tpu.memory_space<vmem_shared>>
    tpu.wait_indirect_dma semaphore(%arg10 : memref<!tpu.dma_semaphore, #tpu.memory_space<semaphore_mem>>) src(%arg8 : memref<128xf32, #tpu.memory_space<vmem>>) dst(%dma_wait3A_68 : memref<100352xf32, #tpu.memory_space<vmem_shared>>)
    %dma_wait3A_69 = arith.constant 2 : i32
    %dma_wait3A_70 = arith.constant 0 : i32
    %dma_wait3A_71 = tpu.memref_slice %arg6[%dma_wait3A_69, %dma_wait3A_70] : memref<4x128xi32, #tpu.memory_space<vmem>> -> memref<1x128xi32, #tpu.memory_space<vmem>>
    %dma_wait3A_72 = tpu.memref_squeeze %dma_wait3A_71 : memref<1x128xi32, #tpu.memory_space<vmem>> -> memref<128xi32, #tpu.memory_space<vmem>>
    %dma_wait3A_73 = arith.constant 0 : i32
    %dma_wait3A_74 = tpu.memref_slice %arg9[%dma_wait3A_73] : memref<100352xf32, #tpu.memory_space<vmem_shared>> -> memref<100352xf32, #tpu.memory_space<vmem_shared>>
    tpu.wait_indirect_dma semaphore(%arg10 : memref<!tpu.dma_semaphore, #tpu.memory_space<semaphore_mem>>) src(%arg8 : memref<128xf32, #tpu.memory_space<vmem>>) dst(%dma_wait3A_74 : memref<100352xf32, #tpu.memory_space<vmem_shared>>)
    %dma_wait3A_75 = arith.constant 3 : i32
    %dma_wait3A_76 = arith.constant 0 : i32
    %dma_wait3A_77 = tpu.memref_slice %arg6[%dma_wait3A_75, %dma_wait3A_76] : memref<4x128xi32, #tpu.memory_space<vmem>> -> memref<1x128xi32, #tpu.memory_space<vmem>>
    %dma_wait3A_78 = tpu.memref_squeeze %dma_wait3A_77 : memref<1x128xi32, #tpu.memory_space<vmem>> -> memref<128xi32, #tpu.memory_space<vmem>>
    %dma_wait3A_79 = arith.constant 0 : i32
    %dma_wait3A_80 = tpu.memref_slice %arg9[%dma_wait3A_79] : memref<100352xf32, #tpu.memory_space<vmem_shared>> -> memref<100352xf32, #tpu.memory_space<vmem_shared>>
    tpu.wait_indirect_dma semaphore(%arg10 : memref<!tpu.dma_semaphore, #tpu.memory_space<semaphore_mem>>) src(%arg8 : memref<128xf32, #tpu.memory_space<vmem>>) dst(%dma_wait3A_80 : memref<100352xf32, #tpu.memory_space<vmem_shared>>)
    %dma_wait3A_81 = arith.constant 0 : i32
    %dma_wait3A_82 = arith.constant 0 : i32
    %dma_wait3A_83 = tpu.memref_slice %arg7[%dma_wait3A_81, %dma_wait3A_82] : memref<4x128xi32, #tpu.memory_space<vmem>> -> memref<1x128xi32, #tpu.memory_space<vmem>>
    %dma_wait3A_84 = tpu.memref_squeeze %dma_wait3A_83 : memref<1x128xi32, #tpu.memory_space<vmem>> -> memref<128xi32, #tpu.memory_space<vmem>>
    %dma_wait3A_85 = arith.constant 0 : i32
    %dma_wait3A_86 = tpu.memref_slice %arg9[%dma_wait3A_85] : memref<100352xf32, #tpu.memory_space<vmem_shared>> -> memref<100352xf32, #tpu.memory_space<vmem_shared>>
    tpu.wait_indirect_dma semaphore(%arg11 : memref<!tpu.dma_semaphore, #tpu.memory_space<semaphore_mem>>) src(%arg8 : memref<128xf32, #tpu.memory_space<vmem>>) dst(%dma_wait3A_86 : memref<100352xf32, #tpu.memory_space<vmem_shared>>)
    %dma_wait3A_87 = arith.constant 1 : i32
    %dma_wait3A_88 = arith.constant 0 : i32
    %dma_wait3A_89 = tpu.memref_slice %arg7[%dma_wait3A_87, %dma_wait3A_88] : memref<4x128xi32, #tpu.memory_space<vmem>> -> memref<1x128xi32, #tpu.memory_space<vmem>>
    %dma_wait3A_90 = tpu.memref_squeeze %dma_wait3A_89 : memref<1x128xi32, #tpu.memory_space<vmem>> -> memref<128xi32, #tpu.memory_space<vmem>>
    %dma_wait3A_91 = arith.constant 0 : i32
    %dma_wait3A_92 = tpu.memref_slice %arg9[%dma_wait3A_91] : memref<100352xf32, #tpu.memory_space<vmem_shared>> -> memref<100352xf32, #tpu.memory_space<vmem_shared>>
    tpu.wait_indirect_dma semaphore(%arg11 : memref<!tpu.dma_semaphore, #tpu.memory_space<semaphore_mem>>) src(%arg8 : memref<128xf32, #tpu.memory_space<vmem>>) dst(%dma_wait3A_92 : memref<100352xf32, #tpu.memory_space<vmem_shared>>)
    %dma_wait3A_93 = arith.constant 2 : i32
    %dma_wait3A_94 = arith.constant 0 : i32
    %dma_wait3A_95 = tpu.memref_slice %arg7[%dma_wait3A_93, %dma_wait3A_94] : memref<4x128xi32, #tpu.memory_space<vmem>> -> memref<1x128xi32, #tpu.memory_space<vmem>>
    %dma_wait3A_96 = tpu.memref_squeeze %dma_wait3A_95 : memref<1x128xi32, #tpu.memory_space<vmem>> -> memref<128xi32, #tpu.memory_space<vmem>>
    %dma_wait3A_97 = arith.constant 0 : i32
    %dma_wait3A_98 = tpu.memref_slice %arg9[%dma_wait3A_97] : memref<100352xf32, #tpu.memory_space<vmem_shared>> -> memref<100352xf32, #tpu.memory_space<vmem_shared>>
    tpu.wait_indirect_dma semaphore(%arg11 : memref<!tpu.dma_semaphore, #tpu.memory_space<semaphore_mem>>) src(%arg8 : memref<128xf32, #tpu.memory_space<vmem>>) dst(%dma_wait3A_98 : memref<100352xf32, #tpu.memory_space<vmem_shared>>)
    %dma_wait3A_99 = arith.constant 3 : i32
    %dma_wait3A_100 = arith.constant 0 : i32
    %dma_wait3A_101 = tpu.memref_slice %arg7[%dma_wait3A_99, %dma_wait3A_100] : memref<4x128xi32, #tpu.memory_space<vmem>> -> memref<1x128xi32, #tpu.memory_space<vmem>>
    %dma_wait3A_102 = tpu.memref_squeeze %dma_wait3A_101 : memref<1x128xi32, #tpu.memory_space<vmem>> -> memref<128xi32, #tpu.memory_space<vmem>>
    %dma_wait3A_103 = arith.constant 0 : i32
    %dma_wait3A_104 = tpu.memref_slice %arg9[%dma_wait3A_103] : memref<100352xf32, #tpu.memory_space<vmem_shared>> -> memref<100352xf32, #tpu.memory_space<vmem_shared>>
    tpu.wait_indirect_dma semaphore(%arg11 : memref<!tpu.dma_semaphore, #tpu.memory_space<semaphore_mem>>) src(%arg8 : memref<128xf32, #tpu.memory_space<vmem>>) dst(%dma_wait3A_104 : memref<100352xf32, #tpu.memory_space<vmem_shared>>)
    %barrier3A_105 = arith.constant 0 : index
    tpu.barrier barrier_id(%barrier3A_105)
    %eq3A = arith.constant 0 : i32
    %eq3A_106 = arith.cmpi eq, %arg0, %eq3A : i32
    %convert_element_type3A = arith.extui %eq3A_106 : i1 to i32
    %cond3A = arith.constant 0 : i32
    %cond3A_107 = arith.cmpi ne, %convert_element_type3A, %cond3A : i32
    scf.if %cond3A_107 {
      %mul3A_113 = arith.constant 6272 : i32
      %mul3A_114 = arith.muli %arg1, %mul3A_113 : i32
      %mul3A_115 = arith.constant 6272 : i32
      %mul3A_116 = arith.muli %arg1, %mul3A_115 : i32
      "tpu.region"() ({
        %run_scoped3A = tpu.sem_alloc : memref<!tpu.dma_semaphore, #tpu.memory_space<semaphore_mem>>
        %dma_start3A = tpu.memref_slice %arg4[%mul3A_116] : memref<100352xf32, #tpu.memory_space<hbm>> -> memref<6272xf32, #tpu.memory_space<hbm>>
        %dma_start3A_117 = tpu.memref_slice %arg9[%mul3A_114] : memref<100352xf32, #tpu.memory_space<vmem_shared>> -> memref<6272xf32, #tpu.memory_space<vmem_shared>>
        tpu.enqueue_dma source(%dma_start3A_117 : memref<6272xf32, #tpu.memory_space<vmem_shared>>) target(%dma_start3A : memref<6272xf32, #tpu.memory_space<hbm>>) target_semaphore(%run_scoped3A : memref<!tpu.dma_semaphore, #tpu.memory_space<semaphore_mem>>)
        %dma_wait3A_118 = tpu.memref_slice %arg4[%mul3A_116] : memref<100352xf32, #tpu.memory_space<hbm>> -> memref<6272xf32, #tpu.memory_space<hbm>>
        %dma_wait3A_119 = tpu.memref_slice %arg9[%mul3A_114] : memref<100352xf32, #tpu.memory_space<vmem_shared>> -> memref<6272xf32, #tpu.memory_space<vmem_shared>>
        tpu.wait_dma2 semaphore(%run_scoped3A : memref<!tpu.dma_semaphore, #tpu.memory_space<semaphore_mem>>) src(%dma_wait3A_119 : memref<6272xf32, #tpu.memory_space<vmem_shared>>) dst(%dma_wait3A_118 : memref<6272xf32, #tpu.memory_space<hbm>>)
        tpu.yield
      }) : () -> ()
    } else {
    }
    %eq3A_108 = arith.constant 1 : i32
    %eq3A_109 = arith.cmpi eq, %arg0, %eq3A_108 : i32
    %convert_element_type3A_110 = arith.extui %eq3A_109 : i1 to i32
    %cond3A_111 = arith.constant 0 : i32
    %cond3A_112 = arith.cmpi ne, %convert_element_type3A_110, %cond3A_111 : i32
    scf.if %cond3A_112 {
      %mul3A_113 = arith.constant 6272 : i32
      %mul3A_114 = arith.muli %arg1, %mul3A_113 : i32
      %mul3A_115 = arith.constant 6272 : i32
      %mul3A_116 = arith.muli %arg1, %mul3A_115 : i32
      "tpu.region"() ({
        %run_scoped3A = tpu.sem_alloc : memref<!tpu.dma_semaphore, #tpu.memory_space<semaphore_mem>>
        %dma_start3A = tpu.memref_slice %arg5[%mul3A_116] : memref<100352xf32, #tpu.memory_space<hbm>> -> memref<6272xf32, #tpu.memory_space<hbm>>
        %dma_start3A_117 = tpu.memref_slice %arg9[%mul3A_114] : memref<100352xf32, #tpu.memory_space<vmem_shared>> -> memref<6272xf32, #tpu.memory_space<vmem_shared>>
        tpu.enqueue_dma source(%dma_start3A_117 : memref<6272xf32, #tpu.memory_space<vmem_shared>>) target(%dma_start3A : memref<6272xf32, #tpu.memory_space<hbm>>) target_semaphore(%run_scoped3A : memref<!tpu.dma_semaphore, #tpu.memory_space<semaphore_mem>>)
        %dma_wait3A_118 = tpu.memref_slice %arg5[%mul3A_116] : memref<100352xf32, #tpu.memory_space<hbm>> -> memref<6272xf32, #tpu.memory_space<hbm>>
        %dma_wait3A_119 = tpu.memref_slice %arg9[%mul3A_114] : memref<100352xf32, #tpu.memory_space<vmem_shared>> -> memref<6272xf32, #tpu.memory_space<vmem_shared>>
        tpu.wait_dma2 semaphore(%run_scoped3A : memref<!tpu.dma_semaphore, #tpu.memory_space<semaphore_mem>>) src(%dma_wait3A_119 : memref<6272xf32, #tpu.memory_space<vmem_shared>>) dst(%dma_wait3A_118 : memref<6272xf32, #tpu.memory_space<hbm>>)
        tpu.yield
      }) : () -> ()
    } else {
    }
    return
  }
}

module attributes {stable_mosaic.version = 14 : i64} {
  func.func @body(%arg0: i32, %arg1: memref<5000x128xf32, #tpu.memory_space<vmem>>, %arg2: memref<128x64xf32, #tpu.memory_space<vmem>>, %arg3: memref<1x64xf32, #tpu.memory_space<vmem>>, %arg4: memref<5000x64xf32, #tpu.memory_space<vmem>>, %arg5: memref<2x64xf32, #tpu.memory_space<vmem>>, %arg6: memref<2x64xf32, #tpu.memory_space<vmem>>) attributes {dimension_semantics = [#tpu.dimension_semantics<arbitrary>], iteration_bounds = array<i64: 20>, scalar_prefetch = 0 : i64, scratch_operands = 1 : i64, tpu.core_type = #tpu.core_type<tc>, window_params = [{transform_indices = @transform_0, window_bounds = array<i64: 5000, 128>}, {pipeline_mode = #tpu.pipeline_mode<synchronous>, transform_indices = @transform_1, window_bounds = array<i64: 128, 64>}, {pipeline_mode = #tpu.pipeline_mode<synchronous>, transform_indices = @transform_2, window_bounds = array<i64: 1, 64>}, {transform_indices = @transform_3, window_bounds = array<i64: 5000, 64>}, {pipeline_mode = #tpu.pipeline_mode<synchronous>, transform_indices = @transform_4, window_bounds = array<i64: 2, 64>}]} {
    %get3A = arith.constant 0 : index
    %get3A_0 = arith.constant 0 : index
    %get3A_1 = vector.load %arg1[%get3A, %get3A_0] : memref<5000x128xf32, #tpu.memory_space<vmem>>, vector<5000x128xf32>
    %get3A_2 = arith.constant 0 : index
    %get3A_3 = arith.constant 0 : index
    %get3A_4 = vector.load %arg2[%get3A_2, %get3A_3] : memref<128x64xf32, #tpu.memory_space<vmem>>, vector<128x64xf32>
    %dot_general3A = arith.constant dense<0.000000e+00> : vector<5000x64xf32>
    %dot_general3A_5 = tpu.matmul %get3A_1, %get3A_4, %dot_general3A {dimension_numbers = #tpu.dot_dimension_numbers<[1], [0], [0], [1], [0, 0, 1, 1], [], []>, transpose_lhs_hint = false} : vector<5000x128xf32>, vector<128x64xf32>, vector<5000x64xf32> -> vector<5000x64xf32>
    %get3A_6 = arith.constant 0 : index
    %get3A_7 = arith.constant 0 : index
    %get3A_8 = vector.load %arg3[%get3A_6, %get3A_7] : memref<1x64xf32, #tpu.memory_space<vmem>>, vector<1x64xf32>
    %add3A = vector.broadcast %get3A_8 : vector<1x64xf32> to vector<5000x64xf32>
    %add3A_9 = arith.addf %dot_general3A_5, %add3A : vector<5000x64xf32>
    %swap3A = arith.constant 0 : index
    %swap3A_10 = arith.constant 0 : index
    %swap3A_11 = vector.load %arg4[%swap3A, %swap3A_10] : memref<5000x64xf32, #tpu.memory_space<vmem>>, vector<5000x64xf32>
    tpu.vector_store %arg4[%swap3A, %swap3A_10], %add3A_9 {strides = array<i32>} : memref<5000x64xf32, #tpu.memory_space<vmem>>, vector<5000x64xf32>,
    %reduce_sum3A = arith.constant dense<0.000000e+00> : vector<64xf32>
    %reduce_sum3A_12 = vector.multi_reduction <add>, %add3A_9, %reduce_sum3A [0] : vector<5000x64xf32> to vector<64xf32>
    %mul3A = arith.mulf %add3A_9, %add3A_9 : vector<5000x64xf32>
    %reduce_sum3A_13 = arith.constant dense<0.000000e+00> : vector<64xf32>
    %reduce_sum3A_14 = vector.multi_reduction <add>, %mul3A, %reduce_sum3A_13 [0] : vector<5000x64xf32> to vector<64xf32>
    %eq3A = arith.constant 0 : i32
    %eq3A_15 = arith.cmpi eq, %arg0, %eq3A : i32
    %convert_element_type3A = arith.extui %eq3A_15 : i1 to i32
    %cond3A = arith.constant 0 : i32
    %cond3A_16 = arith.cmpi ne, %convert_element_type3A, %cond3A : i32
    scf.if %cond3A_16 {
      %broadcast_in_dim3A = arith.constant 0.000000e+00 : f32
      %broadcast_in_dim3A_31 = vector.broadcast %broadcast_in_dim3A : f32 to vector<2x64xf32>
      %swap3A_32 = arith.constant 0 : index
      %swap3A_33 = arith.constant 0 : index
      %swap3A_34 = vector.load %arg6[%swap3A_32, %swap3A_33] : memref<2x64xf32, #tpu.memory_space<vmem>>, vector<2x64xf32>
      tpu.vector_store %arg6[%swap3A_32, %swap3A_33], %broadcast_in_dim3A_31 {strides = array<i32>} : memref<2x64xf32, #tpu.memory_space<vmem>>, vector<2x64xf32>,
    } else {
    }
    %get3A_17 = arith.constant 0 : index
    %get3A_18 = arith.constant 0 : index
    %get3A_19 = vector.load %arg6[%get3A_17, %get3A_18] : memref<2x64xf32, #tpu.memory_space<vmem>>, vector<2x64xf32>
    %stack3A = vector.shape_cast %reduce_sum3A_12 : vector<64xf32> to vector<1x64xf32>
    %stack3A_20 = vector.shape_cast %reduce_sum3A_14 : vector<64xf32> to vector<1x64xf32>
    %stack3A_21 = tpu.concatenate %stack3A, %stack3A_20 in 0 : vector<1x64xf32>, vector<1x64xf32> -> vector<2x64xf32>
    %add3A_22 = arith.addf %get3A_19, %stack3A_21 : vector<2x64xf32>
    %swap3A_23 = arith.constant 0 : index
    %swap3A_24 = arith.constant 0 : index
    %swap3A_25 = vector.load %arg6[%swap3A_23, %swap3A_24] : memref<2x64xf32, #tpu.memory_space<vmem>>, vector<2x64xf32>
    tpu.vector_store %arg6[%swap3A_23, %swap3A_24], %add3A_22 {strides = array<i32>} : memref<2x64xf32, #tpu.memory_space<vmem>>, vector<2x64xf32>,
    %eq3A_26 = arith.constant 19 : i32
    %eq3A_27 = arith.cmpi eq, %arg0, %eq3A_26 : i32
    %convert_element_type3A_28 = arith.extui %eq3A_27 : i1 to i32
    %cond3A_29 = arith.constant 0 : i32
    %cond3A_30 = arith.cmpi ne, %convert_element_type3A_28, %cond3A_29 : i32
    scf.if %cond3A_30 {
      %get3A_31 = arith.constant 0 : index
      %get3A_32 = arith.constant 0 : index
      %get3A_33 = vector.load %arg6[%get3A_31, %get3A_32] : memref<2x64xf32, #tpu.memory_space<vmem>>, vector<2x64xf32>
      %swap3A_34 = arith.constant 0 : index
      %swap3A_35 = arith.constant 0 : index
      %swap3A_36 = vector.load %arg5[%swap3A_34, %swap3A_35] : memref<2x64xf32, #tpu.memory_space<vmem>>, vector<2x64xf32>
      tpu.vector_store %arg5[%swap3A_34, %swap3A_35], %get3A_33 {strides = array<i32>} : memref<2x64xf32, #tpu.memory_space<vmem>>, vector<2x64xf32>,
    } else {
    }
    return
  }
  func.func @transform_0(%arg0: i32) -> (i32, i32) {
    %c0_i32 = arith.constant 0 : i32
    %c0_i32_0 = arith.constant 0 : i32
    return %arg0, %c0_i32 : i32, i32
  }
  func.func @transform_1(%arg0: i32) -> (i32, i32) {
    %c0_i32 = arith.constant 0 : i32
    %c0_i32_0 = arith.constant 0 : i32
    %c0_i32_1 = arith.constant 0 : i32
    return %c0_i32, %c0_i32_0 : i32, i32
  }
  func.func @transform_2(%arg0: i32) -> (i32, i32) {
    %c0_i32 = arith.constant 0 : i32
    %c0_i32_0 = arith.constant 0 : i32
    %c0_i32_1 = arith.constant 0 : i32
    return %c0_i32, %c0_i32_0 : i32, i32
  }
  func.func @transform_3(%arg0: i32) -> (i32, i32) {
    %c0_i32 = arith.constant 0 : i32
    %c0_i32_0 = arith.constant 0 : i32
    return %arg0, %c0_i32 : i32, i32
  }
  func.func @transform_4(%arg0: i32) -> (i32, i32) {
    %c0_i32 = arith.constant 0 : i32
    %c0_i32_0 = arith.constant 0 : i32
    %c0_i32_1 = arith.constant 0 : i32
    return %c0_i32, %c0_i32_0 : i32, i32
  }
}

module attributes {stable_mosaic.version = 14 : i64} {
  func.func @body(%arg0: i32, %arg1: memref<5000x64xf32, #tpu.memory_space<vmem>>, %arg2: memref<1x64xf32, #tpu.memory_space<vmem>>, %arg3: memref<1x64xf32, #tpu.memory_space<vmem>>, %arg4: memref<64x32xf32, #tpu.memory_space<vmem>>, %arg5: memref<1x32xf32, #tpu.memory_space<vmem>>, %arg6: memref<5000x32xf32, #tpu.memory_space<vmem>>, %arg7: memref<2x32xf32, #tpu.memory_space<vmem>>, %arg8: memref<2x32xf32, #tpu.memory_space<vmem>>) attributes {dimension_semantics = [#tpu.dimension_semantics<arbitrary>], iteration_bounds = array<i64: 20>, scalar_prefetch = 0 : i64, scratch_operands = 1 : i64, tpu.core_type = #tpu.core_type<tc>, window_params = [{transform_indices = @transform_0, window_bounds = array<i64: 5000, 64>}, {pipeline_mode = #tpu.pipeline_mode<synchronous>, transform_indices = @transform_1, window_bounds = array<i64: 1, 64>}, {pipeline_mode = #tpu.pipeline_mode<synchronous>, transform_indices = @transform_2, window_bounds = array<i64: 1, 64>}, {pipeline_mode = #tpu.pipeline_mode<synchronous>, transform_indices = @transform_3, window_bounds = array<i64: 64, 32>}, {pipeline_mode = #tpu.pipeline_mode<synchronous>, transform_indices = @transform_4, window_bounds = array<i64: 1, 32>}, {transform_indices = @transform_5, window_bounds = array<i64: 5000, 32>}, {pipeline_mode = #tpu.pipeline_mode<synchronous>, transform_indices = @transform_6, window_bounds = array<i64: 2, 32>}]} {
    %get3A = arith.constant 0 : index
    %get3A_0 = arith.constant 0 : index
    %get3A_1 = vector.load %arg1[%get3A, %get3A_0] : memref<5000x64xf32, #tpu.memory_space<vmem>>, vector<5000x64xf32>
    %get3A_2 = arith.constant 0 : index
    %get3A_3 = arith.constant 0 : index
    %get3A_4 = vector.load %arg2[%get3A_2, %get3A_3] : memref<1x64xf32, #tpu.memory_space<vmem>>, vector<1x64xf32>
    %mul3A = vector.broadcast %get3A_4 : vector<1x64xf32> to vector<5000x64xf32>
    %mul3A_5 = arith.mulf %get3A_1, %mul3A : vector<5000x64xf32>
    %get3A_6 = arith.constant 0 : index
    %get3A_7 = arith.constant 0 : index
    %get3A_8 = vector.load %arg3[%get3A_6, %get3A_7] : memref<1x64xf32, #tpu.memory_space<vmem>>, vector<1x64xf32>
    %add3A = vector.broadcast %get3A_8 : vector<1x64xf32> to vector<5000x64xf32>
    %add3A_9 = arith.addf %mul3A_5, %add3A : vector<5000x64xf32>
    %gt3A = arith.constant 0.000000e+00 : f32
    %gt3A_10 = vector.broadcast %gt3A : f32 to vector<5000x64xf32>
    %gt3A_11 = arith.cmpf ogt, %add3A_9, %gt3A_10 : vector<5000x64xf32>
    %min3A = arith.constant 0.000000e+00 : f32
    %min3A_12 = vector.broadcast %min3A : f32 to vector<5000x64xf32>
    %min3A_13 = arith.minimumf %add3A_9, %min3A_12 : vector<5000x64xf32>
    %exp3A = math.exp %min3A_13 : vector<5000x64xf32>
    %sub3A = arith.constant 1.000000e+00 : f32
    %sub3A_14 = vector.broadcast %sub3A : f32 to vector<5000x64xf32>
    %sub3A_15 = arith.subf %exp3A, %sub3A_14 : vector<5000x64xf32>
    %select_n3A = arith.select %gt3A_11, %add3A_9, %sub3A_15 : vector<5000x64xi1>, vector<5000x64xf32>
    %get3A_16 = arith.constant 0 : index
    %get3A_17 = arith.constant 0 : index
    %get3A_18 = vector.load %arg4[%get3A_16, %get3A_17] : memref<64x32xf32, #tpu.memory_space<vmem>>, vector<64x32xf32>
    %dot_general3A = arith.constant dense<0.000000e+00> : vector<5000x32xf32>
    %dot_general3A_19 = tpu.matmul %select_n3A, %get3A_18, %dot_general3A {dimension_numbers = #tpu.dot_dimension_numbers<[1], [0], [0], [1], [0, 0, 1, 1], [], []>, transpose_lhs_hint = false} : vector<5000x64xf32>, vector<64x32xf32>, vector<5000x32xf32> -> vector<5000x32xf32>
    %get3A_20 = arith.constant 0 : index
    %get3A_21 = arith.constant 0 : index
    %get3A_22 = vector.load %arg5[%get3A_20, %get3A_21] : memref<1x32xf32, #tpu.memory_space<vmem>>, vector<1x32xf32>
    %add3A_23 = vector.broadcast %get3A_22 : vector<1x32xf32> to vector<5000x32xf32>
    %add3A_24 = arith.addf %dot_general3A_19, %add3A_23 : vector<5000x32xf32>
    %swap3A = arith.constant 0 : index
    %swap3A_25 = arith.constant 0 : index
    %swap3A_26 = vector.load %arg6[%swap3A, %swap3A_25] : memref<5000x32xf32, #tpu.memory_space<vmem>>, vector<5000x32xf32>
    tpu.vector_store %arg6[%swap3A, %swap3A_25], %add3A_24 {strides = array<i32>} : memref<5000x32xf32, #tpu.memory_space<vmem>>, vector<5000x32xf32>,
    %reduce_sum3A = arith.constant dense<0.000000e+00> : vector<32xf32>
    %reduce_sum3A_27 = vector.multi_reduction <add>, %add3A_24, %reduce_sum3A [0] : vector<5000x32xf32> to vector<32xf32>
    %mul3A_28 = arith.mulf %add3A_24, %add3A_24 : vector<5000x32xf32>
    %reduce_sum3A_29 = arith.constant dense<0.000000e+00> : vector<32xf32>
    %reduce_sum3A_30 = vector.multi_reduction <add>, %mul3A_28, %reduce_sum3A_29 [0] : vector<5000x32xf32> to vector<32xf32>
    %eq3A = arith.constant 0 : i32
    %eq3A_31 = arith.cmpi eq, %arg0, %eq3A : i32
    %convert_element_type3A = arith.extui %eq3A_31 : i1 to i32
    %cond3A = arith.constant 0 : i32
    %cond3A_32 = arith.cmpi ne, %convert_element_type3A, %cond3A : i32
    scf.if %cond3A_32 {
      %broadcast_in_dim3A = arith.constant 0.000000e+00 : f32
      %broadcast_in_dim3A_47 = vector.broadcast %broadcast_in_dim3A : f32 to vector<2x32xf32>
      %swap3A_48 = arith.constant 0 : index
      %swap3A_49 = arith.constant 0 : index
      %swap3A_50 = vector.load %arg8[%swap3A_48, %swap3A_49] : memref<2x32xf32, #tpu.memory_space<vmem>>, vector<2x32xf32>
      tpu.vector_store %arg8[%swap3A_48, %swap3A_49], %broadcast_in_dim3A_47 {strides = array<i32>} : memref<2x32xf32, #tpu.memory_space<vmem>>, vector<2x32xf32>,
    } else {
    }
    %get3A_33 = arith.constant 0 : index
    %get3A_34 = arith.constant 0 : index
    %get3A_35 = vector.load %arg8[%get3A_33, %get3A_34] : memref<2x32xf32, #tpu.memory_space<vmem>>, vector<2x32xf32>
    %stack3A = vector.shape_cast %reduce_sum3A_27 : vector<32xf32> to vector<1x32xf32>
    %stack3A_36 = vector.shape_cast %reduce_sum3A_30 : vector<32xf32> to vector<1x32xf32>
    %stack3A_37 = tpu.concatenate %stack3A, %stack3A_36 in 0 : vector<1x32xf32>, vector<1x32xf32> -> vector<2x32xf32>
    %add3A_38 = arith.addf %get3A_35, %stack3A_37 : vector<2x32xf32>
    %swap3A_39 = arith.constant 0 : index
    %swap3A_40 = arith.constant 0 : index
    %swap3A_41 = vector.load %arg8[%swap3A_39, %swap3A_40] : memref<2x32xf32, #tpu.memory_space<vmem>>, vector<2x32xf32>
    tpu.vector_store %arg8[%swap3A_39, %swap3A_40], %add3A_38 {strides = array<i32>} : memref<2x32xf32, #tpu.memory_space<vmem>>, vector<2x32xf32>,
    %eq3A_42 = arith.constant 19 : i32
    %eq3A_43 = arith.cmpi eq, %arg0, %eq3A_42 : i32
    %convert_element_type3A_44 = arith.extui %eq3A_43 : i1 to i32
    %cond3A_45 = arith.constant 0 : i32
    %cond3A_46 = arith.cmpi ne, %convert_element_type3A_44, %cond3A_45 : i32
    scf.if %cond3A_46 {
      %get3A_47 = arith.constant 0 : index
      %get3A_48 = arith.constant 0 : index
      %get3A_49 = vector.load %arg8[%get3A_47, %get3A_48] : memref<2x32xf32, #tpu.memory_space<vmem>>, vector<2x32xf32>
      %swap3A_50 = arith.constant 0 : index
      %swap3A_51 = arith.constant 0 : index
      %swap3A_52 = vector.load %arg7[%swap3A_50, %swap3A_51] : memref<2x32xf32, #tpu.memory_space<vmem>>, vector<2x32xf32>
      tpu.vector_store %arg7[%swap3A_50, %swap3A_51], %get3A_49 {strides = array<i32>} : memref<2x32xf32, #tpu.memory_space<vmem>>, vector<2x32xf32>,
    } else {
    }
    return
  }
  func.func @transform_0(%arg0: i32) -> (i32, i32) {
    %c0_i32 = arith.constant 0 : i32
    %c0_i32_0 = arith.constant 0 : i32
    return %arg0, %c0_i32 : i32, i32
  }
  func.func @transform_1(%arg0: i32) -> (i32, i32) {
    %c0_i32 = arith.constant 0 : i32
    %c0_i32_0 = arith.constant 0 : i32
    %c0_i32_1 = arith.constant 0 : i32
    return %c0_i32, %c0_i32_0 : i32, i32
  }
  func.func @transform_2(%arg0: i32) -> (i32, i32) {
    %c0_i32 = arith.constant 0 : i32
    %c0_i32_0 = arith.constant 0 : i32
    %c0_i32_1 = arith.constant 0 : i32
    return %c0_i32, %c0_i32_0 : i32, i32
  }
  func.func @transform_3(%arg0: i32) -> (i32, i32) {
    %c0_i32 = arith.constant 0 : i32
    %c0_i32_0 = arith.constant 0 : i32
    %c0_i32_1 = arith.constant 0 : i32
    return %c0_i32, %c0_i32_0 : i32, i32
  }
  func.func @transform_4(%arg0: i32) -> (i32, i32) {
    %c0_i32 = arith.constant 0 : i32
    %c0_i32_0 = arith.constant 0 : i32
    %c0_i32_1 = arith.constant 0 : i32
    return %c0_i32, %c0_i32_0 : i32, i32
  }
  func.func @transform_5(%arg0: i32) -> (i32, i32) {
    %c0_i32 = arith.constant 0 : i32
    %c0_i32_0 = arith.constant 0 : i32
    return %arg0, %c0_i32 : i32, i32
  }
  func.func @transform_6(%arg0: i32) -> (i32, i32) {
    %c0_i32 = arith.constant 0 : i32
    %c0_i32_0 = arith.constant 0 : i32
    %c0_i32_1 = arith.constant 0 : i32
    return %c0_i32, %c0_i32_0 : i32, i32
  }
}

module attributes {stable_mosaic.version = 14 : i64} {
  func.func @body(%arg0: i32, %arg1: memref<5000x32xf32, #tpu.memory_space<vmem>>, %arg2: memref<1x32xf32, #tpu.memory_space<vmem>>, %arg3: memref<1x32xf32, #tpu.memory_space<vmem>>, %arg4: memref<2x32x16xf32, #tpu.memory_space<vmem>>, %arg5: memref<1x1x5000xf32, #tpu.memory_space<vmem>>, %arg6: memref<1x1x5000xf32, #tpu.memory_space<vmem>>, %arg7: memref<2x5000x16xf32, #tpu.memory_space<vmem>>) attributes {dimension_semantics = [#tpu.dimension_semantics<arbitrary>], iteration_bounds = array<i64: 20>, scalar_prefetch = 0 : i64, scratch_operands = 0 : i64, tpu.core_type = #tpu.core_type<tc>, window_params = [{transform_indices = @transform_0, window_bounds = array<i64: 5000, 32>}, {pipeline_mode = #tpu.pipeline_mode<synchronous>, transform_indices = @transform_1, window_bounds = array<i64: 1, 32>}, {pipeline_mode = #tpu.pipeline_mode<synchronous>, transform_indices = @transform_2, window_bounds = array<i64: 1, 32>}, {pipeline_mode = #tpu.pipeline_mode<synchronous>, transform_indices = @transform_3, window_bounds = array<i64: 2, 32, 16>}, {transform_indices = @transform_4, window_bounds = array<i64: 1, 1, 5000>}, {transform_indices = @transform_5, window_bounds = array<i64: 1, 1, 5000>}, {transform_indices = @transform_6, window_bounds = array<i64: 2, 5000, 16>}]} {
    %get3A = arith.constant 0 : index
    %get3A_0 = arith.constant 0 : index
    %get3A_1 = vector.load %arg1[%get3A, %get3A_0] : memref<5000x32xf32, #tpu.memory_space<vmem>>, vector<5000x32xf32>
    %get3A_2 = arith.constant 0 : index
    %get3A_3 = arith.constant 0 : index
    %get3A_4 = vector.load %arg2[%get3A_2, %get3A_3] : memref<1x32xf32, #tpu.memory_space<vmem>>, vector<1x32xf32>
    %mul3A = vector.broadcast %get3A_4 : vector<1x32xf32> to vector<5000x32xf32>
    %mul3A_5 = arith.mulf %get3A_1, %mul3A : vector<5000x32xf32>
    %get3A_6 = arith.constant 0 : index
    %get3A_7 = arith.constant 0 : index
    %get3A_8 = vector.load %arg3[%get3A_6, %get3A_7] : memref<1x32xf32, #tpu.memory_space<vmem>>, vector<1x32xf32>
    %add3A = vector.broadcast %get3A_8 : vector<1x32xf32> to vector<5000x32xf32>
    %add3A_9 = arith.addf %mul3A_5, %add3A : vector<5000x32xf32>
    %gt3A = arith.constant 0.000000e+00 : f32
    %gt3A_10 = vector.broadcast %gt3A : f32 to vector<5000x32xf32>
    %gt3A_11 = arith.cmpf ogt, %add3A_9, %gt3A_10 : vector<5000x32xf32>
    %min3A = arith.constant 0.000000e+00 : f32
    %min3A_12 = vector.broadcast %min3A : f32 to vector<5000x32xf32>
    %min3A_13 = arith.minimumf %add3A_9, %min3A_12 : vector<5000x32xf32>
    %exp3A = math.exp %min3A_13 : vector<5000x32xf32>
    %sub3A = arith.constant 1.000000e+00 : f32
    %sub3A_14 = vector.broadcast %sub3A : f32 to vector<5000x32xf32>
    %sub3A_15 = arith.subf %exp3A, %sub3A_14 : vector<5000x32xf32>
    %select_n3A = arith.select %gt3A_11, %add3A_9, %sub3A_15 : vector<5000x32xi1>, vector<5000x32xf32>
    %get3A_16 = arith.constant 0 : index
    %get3A_17 = arith.constant 0 : index
    %get3A_18 = arith.constant 0 : index
    %get3A_19 = vector.load %arg5[%get3A_16, %get3A_17, %get3A_18] : memref<1x1x5000xf32, #tpu.memory_space<vmem>>, vector<1x1x5000xf32>
    %get3A_20 = vector.shape_cast %get3A_19 : vector<1x1x5000xf32> to vector<5000xf32>
    %get3A_21 = arith.constant 0 : index
    %get3A_22 = arith.constant 0 : index
    %get3A_23 = arith.constant 0 : index
    %get3A_24 = vector.load %arg6[%get3A_21, %get3A_22, %get3A_23] : memref<1x1x5000xf32, #tpu.memory_space<vmem>>, vector<1x1x5000xf32>
    %get3A_25 = vector.shape_cast %get3A_24 : vector<1x1x5000xf32> to vector<5000xf32>
    %add3A_26 = arith.addf %get3A_20, %get3A_25 : vector<5000xf32>
    %add3A_27 = arith.constant 1.000000e+00 : f32
    %add3A_28 = vector.broadcast %add3A_27 : f32 to vector<5000xf32>
    %add3A_29 = arith.addf %add3A_26, %add3A_28 : vector<5000xf32>
    %rsqrt3A = math.rsqrt %add3A_29 : vector<5000xf32>
    %broadcast_in_dim3A = vector.shape_cast %rsqrt3A : vector<5000xf32> to vector<5000x1xf32>
    %get3A_30 = arith.constant 0 : index
    %get3A_31 = arith.constant 0 : index
    %get3A_32 = arith.constant 0 : index
    %get3A_33 = vector.load %arg4[%get3A_30, %get3A_31, %get3A_32] : memref<2x32x16xf32, #tpu.memory_space<vmem>>, vector<1x32x16xf32>
    %get3A_34 = vector.shape_cast %get3A_33 : vector<1x32x16xf32> to vector<32x16xf32>
    %dot_general3A = arith.constant dense<0.000000e+00> : vector<5000x16xf32>
    %dot_general3A_35 = tpu.matmul %select_n3A, %get3A_34, %dot_general3A {dimension_numbers = #tpu.dot_dimension_numbers<[1], [0], [0], [1], [0, 0, 1, 1], [], []>, transpose_lhs_hint = false} : vector<5000x32xf32>, vector<32x16xf32>, vector<5000x16xf32> -> vector<5000x16xf32>
    %mul3A_36 = vector.broadcast %broadcast_in_dim3A : vector<5000x1xf32> to vector<5000x16xf32>
    %mul3A_37 = arith.mulf %mul3A_36, %dot_general3A_35 : vector<5000x16xf32>
    %swap3A = arith.constant 0 : index
    %swap3A_38 = arith.constant 0 : index
    %swap3A_39 = arith.constant 0 : index
    %swap3A_40 = vector.load %arg7[%swap3A, %swap3A_38, %swap3A_39] : memref<2x5000x16xf32, #tpu.memory_space<vmem>>, vector<1x5000x16xf32>
    %swap3A_41 = vector.shape_cast %swap3A_40 : vector<1x5000x16xf32> to vector<5000x16xf32>
    %swap3A_42 = vector.shape_cast %mul3A_37 : vector<5000x16xf32> to vector<1x5000x16xf32>
    tpu.vector_store %arg7[%swap3A, %swap3A_38, %swap3A_39], %swap3A_42 {strides = array<i32>} : memref<2x5000x16xf32, #tpu.memory_space<vmem>>, vector<1x5000x16xf32>,
    %get3A_43 = arith.constant 1 : index
    %get3A_44 = arith.constant 0 : index
    %get3A_45 = arith.constant 0 : index
    %get3A_46 = vector.load %arg4[%get3A_43, %get3A_44, %get3A_45] : memref<2x32x16xf32, #tpu.memory_space<vmem>>, vector<1x32x16xf32>
    %get3A_47 = vector.shape_cast %get3A_46 : vector<1x32x16xf32> to vector<32x16xf32>
    %dot_general3A_48 = arith.constant dense<0.000000e+00> : vector<5000x16xf32>
    %dot_general3A_49 = tpu.matmul %select_n3A, %get3A_47, %dot_general3A_48 {dimension_numbers = #tpu.dot_dimension_numbers<[1], [0], [0], [1], [0, 0, 1, 1], [], []>, transpose_lhs_hint = false} : vector<5000x32xf32>, vector<32x16xf32>, vector<5000x16xf32> -> vector<5000x16xf32>
    %mul3A_50 = vector.broadcast %broadcast_in_dim3A : vector<5000x1xf32> to vector<5000x16xf32>
    %mul3A_51 = arith.mulf %mul3A_50, %dot_general3A_49 : vector<5000x16xf32>
    %swap3A_52 = arith.constant 1 : index
    %swap3A_53 = arith.constant 0 : index
    %swap3A_54 = arith.constant 0 : index
    %swap3A_55 = vector.load %arg7[%swap3A_52, %swap3A_53, %swap3A_54] : memref<2x5000x16xf32, #tpu.memory_space<vmem>>, vector<1x5000x16xf32>
    %swap3A_56 = vector.shape_cast %swap3A_55 : vector<1x5000x16xf32> to vector<5000x16xf32>
    %swap3A_57 = vector.shape_cast %mul3A_51 : vector<5000x16xf32> to vector<1x5000x16xf32>
    tpu.vector_store %arg7[%swap3A_52, %swap3A_53, %swap3A_54], %swap3A_57 {strides = array<i32>} : memref<2x5000x16xf32, #tpu.memory_space<vmem>>, vector<1x5000x16xf32>,
    return
  }
  func.func @transform_0(%arg0: i32) -> (i32, i32) {
    %c0_i32 = arith.constant 0 : i32
    %c0_i32_0 = arith.constant 0 : i32
    return %arg0, %c0_i32 : i32, i32
  }
  func.func @transform_1(%arg0: i32) -> (i32, i32) {
    %c0_i32 = arith.constant 0 : i32
    %c0_i32_0 = arith.constant 0 : i32
    %c0_i32_1 = arith.constant 0 : i32
    return %c0_i32, %c0_i32_0 : i32, i32
  }
  func.func @transform_2(%arg0: i32) -> (i32, i32) {
    %c0_i32 = arith.constant 0 : i32
    %c0_i32_0 = arith.constant 0 : i32
    %c0_i32_1 = arith.constant 0 : i32
    return %c0_i32, %c0_i32_0 : i32, i32
  }
  func.func @transform_3(%arg0: i32) -> (i32, i32, i32) {
    %c0_i32 = arith.constant 0 : i32
    %c0_i32_0 = arith.constant 0 : i32
    %c0_i32_1 = arith.constant 0 : i32
    %c0_i32_2 = arith.constant 0 : i32
    return %c0_i32, %c0_i32_0, %c0_i32_1 : i32, i32, i32
  }
  func.func @transform_4(%arg0: i32) -> (i32, i32, i32) {
    %c0_i32 = arith.constant 0 : i32
    %c0_i32_0 = arith.constant 0 : i32
    %c0_i32_1 = arith.constant 0 : i32
    return %arg0, %c0_i32, %c0_i32_0 : i32, i32, i32
  }
  func.func @transform_5(%arg0: i32) -> (i32, i32, i32) {
    %c0_i32 = arith.constant 0 : i32
    %c0_i32_0 = arith.constant 0 : i32
    %c0_i32_1 = arith.constant 0 : i32
    return %arg0, %c0_i32, %c0_i32_0 : i32, i32, i32
  }
  func.func @transform_6(%arg0: i32) -> (i32, i32, i32) {
    %c0_i32 = arith.constant 0 : i32
    %c0_i32_0 = arith.constant 0 : i32
    %c0_i32_1 = arith.constant 0 : i32
    return %c0_i32, %arg0, %c0_i32_0 : i32, i32, i32
  }
}

module attributes {stable_mosaic.version = 14 : i64} {
  func.func @body(%arg0: i32, %arg1: memref<2x5000x16xf32, #tpu.memory_space<vmem>>, %arg2: memref<2x5000x16xf32, #tpu.memory_space<vmem>>, %arg3: memref<1x1x5000xf32, #tpu.memory_space<vmem>>, %arg4: memref<1x1x5000xf32, #tpu.memory_space<vmem>>, %arg5: memref<2x1x16xf32, #tpu.memory_space<vmem>>, %arg6: memref<2x5000x16xf32, #tpu.memory_space<vmem>>, %arg7: memref<2x2x16xf32, #tpu.memory_space<vmem>>, %arg8: memref<2x2x16xf32, #tpu.memory_space<vmem>>) attributes {dimension_semantics = [#tpu.dimension_semantics<arbitrary>], iteration_bounds = array<i64: 20>, scalar_prefetch = 0 : i64, scratch_operands = 1 : i64, tpu.core_type = #tpu.core_type<tc>, window_params = [{transform_indices = @transform_0, window_bounds = array<i64: 2, 5000, 16>}, {transform_indices = @transform_1, window_bounds = array<i64: 2, 5000, 16>}, {transform_indices = @transform_2, window_bounds = array<i64: 1, 1, 5000>}, {transform_indices = @transform_3, window_bounds = array<i64: 1, 1, 5000>}, {pipeline_mode = #tpu.pipeline_mode<synchronous>, transform_indices = @transform_4, window_bounds = array<i64: 2, 1, 16>}, {transform_indices = @transform_5, window_bounds = array<i64: 2, 5000, 16>}, {pipeline_mode = #tpu.pipeline_mode<synchronous>, transform_indices = @transform_6, window_bounds = array<i64: 2, 2, 16>}]} {
    %get3A = arith.constant 0 : index
    %get3A_0 = arith.constant 0 : index
    %get3A_1 = arith.constant 0 : index
    %get3A_2 = vector.load %arg3[%get3A, %get3A_0, %get3A_1] : memref<1x1x5000xf32, #tpu.memory_space<vmem>>, vector<1x1x5000xf32>
    %get3A_3 = vector.shape_cast %get3A_2 : vector<1x1x5000xf32> to vector<5000xf32>
    %get3A_4 = arith.constant 0 : index
    %get3A_5 = arith.constant 0 : index
    %get3A_6 = arith.constant 0 : index
    %get3A_7 = vector.load %arg4[%get3A_4, %get3A_5, %get3A_6] : memref<1x1x5000xf32, #tpu.memory_space<vmem>>, vector<1x1x5000xf32>
    %get3A_8 = vector.shape_cast %get3A_7 : vector<1x1x5000xf32> to vector<5000xf32>
    %add3A = arith.addf %get3A_3, %get3A_8 : vector<5000xf32>
    %add3A_9 = arith.constant 1.000000e+00 : f32
    %add3A_10 = vector.broadcast %add3A_9 : f32 to vector<5000xf32>
    %add3A_11 = arith.addf %add3A, %add3A_10 : vector<5000xf32>
    %rsqrt3A = math.rsqrt %add3A_11 : vector<5000xf32>
    %broadcast_in_dim3A = vector.shape_cast %rsqrt3A : vector<5000xf32> to vector<5000x1xf32>
    %get3A_12 = arith.constant 0 : index
    %get3A_13 = arith.constant 0 : index
    %get3A_14 = arith.constant 0 : index
    %get3A_15 = vector.load %arg2[%get3A_12, %get3A_13, %get3A_14] : memref<2x5000x16xf32, #tpu.memory_space<vmem>>, vector<1x5000x16xf32>
    %get3A_16 = vector.shape_cast %get3A_15 : vector<1x5000x16xf32> to vector<5000x16xf32>
    %get3A_17 = arith.constant 0 : index
    %get3A_18 = arith.constant 0 : index
    %get3A_19 = arith.constant 0 : index
    %get3A_20 = vector.load %arg1[%get3A_17, %get3A_18, %get3A_19] : memref<2x5000x16xf32, #tpu.memory_space<vmem>>, vector<1x5000x16xf32>
    %get3A_21 = vector.shape_cast %get3A_20 : vector<1x5000x16xf32> to vector<5000x16xf32>
    %add3A_22 = arith.addf %get3A_16, %get3A_21 : vector<5000x16xf32>
    %mul3A = vector.broadcast %broadcast_in_dim3A : vector<5000x1xf32> to vector<5000x16xf32>
    %mul3A_23 = arith.mulf %mul3A, %add3A_22 : vector<5000x16xf32>
    %get3A_24 = arith.constant 0 : index
    %get3A_25 = arith.constant 0 : index
    %get3A_26 = arith.constant 0 : index
    %get3A_27 = vector.load %arg5[%get3A_24, %get3A_25, %get3A_26] : memref<2x1x16xf32, #tpu.memory_space<vmem>>, vector<1x1x16xf32>
    %get3A_28 = vector.shape_cast %get3A_27 : vector<1x1x16xf32> to vector<1x16xf32>
    %add3A_29 = vector.broadcast %get3A_28 : vector<1x16xf32> to vector<5000x16xf32>
    %add3A_30 = arith.addf %mul3A_23, %add3A_29 : vector<5000x16xf32>
    %get3A_31 = arith.constant 1 : index
    %get3A_32 = arith.constant 0 : index
    %get3A_33 = arith.constant 0 : index
    %get3A_34 = vector.load %arg2[%get3A_31, %get3A_32, %get3A_33] : memref<2x5000x16xf32, #tpu.memory_space<vmem>>, vector<1x5000x16xf32>
    %get3A_35 = vector.shape_cast %get3A_34 : vector<1x5000x16xf32> to vector<5000x16xf32>
    %get3A_36 = arith.constant 1 : index
    %get3A_37 = arith.constant 0 : index
    %get3A_38 = arith.constant 0 : index
    %get3A_39 = vector.load %arg1[%get3A_36, %get3A_37, %get3A_38] : memref<2x5000x16xf32, #tpu.memory_space<vmem>>, vector<1x5000x16xf32>
    %get3A_40 = vector.shape_cast %get3A_39 : vector<1x5000x16xf32> to vector<5000x16xf32>
    %add3A_41 = arith.addf %get3A_35, %get3A_40 : vector<5000x16xf32>
    %mul3A_42 = vector.broadcast %broadcast_in_dim3A : vector<5000x1xf32> to vector<5000x16xf32>
    %mul3A_43 = arith.mulf %mul3A_42, %add3A_41 : vector<5000x16xf32>
    %get3A_44 = arith.constant 1 : index
    %get3A_45 = arith.constant 0 : index
    %get3A_46 = arith.constant 0 : index
    %get3A_47 = vector.load %arg5[%get3A_44, %get3A_45, %get3A_46] : memref<2x1x16xf32, #tpu.memory_space<vmem>>, vector<1x1x16xf32>
    %get3A_48 = vector.shape_cast %get3A_47 : vector<1x1x16xf32> to vector<1x16xf32>
    %add3A_49 = vector.broadcast %get3A_48 : vector<1x16xf32> to vector<5000x16xf32>
    %add3A_50 = arith.addf %mul3A_43, %add3A_49 : vector<5000x16xf32>
    %swap3A = arith.constant 0 : index
    %swap3A_51 = arith.constant 0 : index
    %swap3A_52 = arith.constant 0 : index
    %swap3A_53 = vector.load %arg6[%swap3A, %swap3A_51, %swap3A_52] : memref<2x5000x16xf32, #tpu.memory_space<vmem>>, vector<1x5000x16xf32>
    %swap3A_54 = vector.shape_cast %swap3A_53 : vector<1x5000x16xf32> to vector<5000x16xf32>
    %swap3A_55 = vector.shape_cast %add3A_30 : vector<5000x16xf32> to vector<1x5000x16xf32>
    tpu.vector_store %arg6[%swap3A, %swap3A_51, %swap3A_52], %swap3A_55 {strides = array<i32>} : memref<2x5000x16xf32, #tpu.memory_space<vmem>>, vector<1x5000x16xf32>,
    %swap3A_56 = arith.constant 1 : index
    %swap3A_57 = arith.constant 0 : index
    %swap3A_58 = arith.constant 0 : index
    %swap3A_59 = vector.load %arg6[%swap3A_56, %swap3A_57, %swap3A_58] : memref<2x5000x16xf32, #tpu.memory_space<vmem>>, vector<1x5000x16xf32>
    %swap3A_60 = vector.shape_cast %swap3A_59 : vector<1x5000x16xf32> to vector<5000x16xf32>
    %swap3A_61 = vector.shape_cast %add3A_50 : vector<5000x16xf32> to vector<1x5000x16xf32>
    tpu.vector_store %arg6[%swap3A_56, %swap3A_57, %swap3A_58], %swap3A_61 {strides = array<i32>} : memref<2x5000x16xf32, #tpu.memory_space<vmem>>, vector<1x5000x16xf32>,
    %reduce_sum3A = arith.constant dense<0.000000e+00> : vector<16xf32>
    %reduce_sum3A_62 = vector.multi_reduction <add>, %add3A_30, %reduce_sum3A [0] : vector<5000x16xf32> to vector<16xf32>
    %reduce_sum3A_63 = arith.constant dense<0.000000e+00> : vector<16xf32>
    %reduce_sum3A_64 = vector.multi_reduction <add>, %add3A_50, %reduce_sum3A_63 [0] : vector<5000x16xf32> to vector<16xf32>
    %mul3A_65 = arith.mulf %add3A_30, %add3A_30 : vector<5000x16xf32>
    %reduce_sum3A_66 = arith.constant dense<0.000000e+00> : vector<16xf32>
    %reduce_sum3A_67 = vector.multi_reduction <add>, %mul3A_65, %reduce_sum3A_66 [0] : vector<5000x16xf32> to vector<16xf32>
    %mul3A_68 = arith.mulf %add3A_50, %add3A_50 : vector<5000x16xf32>
    %reduce_sum3A_69 = arith.constant dense<0.000000e+00> : vector<16xf32>
    %reduce_sum3A_70 = vector.multi_reduction <add>, %mul3A_68, %reduce_sum3A_69 [0] : vector<5000x16xf32> to vector<16xf32>
    %eq3A = arith.constant 0 : i32
    %eq3A_71 = arith.cmpi eq, %arg0, %eq3A : i32
    %convert_element_type3A = arith.extui %eq3A_71 : i1 to i32
    %cond3A = arith.constant 0 : i32
    %cond3A_72 = arith.cmpi ne, %convert_element_type3A, %cond3A : i32
    scf.if %cond3A_72 {
      %broadcast_in_dim3A_91 = arith.constant 0.000000e+00 : f32
      %broadcast_in_dim3A_92 = vector.broadcast %broadcast_in_dim3A_91 : f32 to vector<2x2x16xf32>
      %swap3A_93 = arith.constant 0 : index
      %swap3A_94 = arith.constant 0 : index
      %swap3A_95 = arith.constant 0 : index
      %swap3A_96 = vector.load %arg8[%swap3A_93, %swap3A_94, %swap3A_95] : memref<2x2x16xf32, #tpu.memory_space<vmem>>, vector<2x2x16xf32>
      tpu.vector_store %arg8[%swap3A_93, %swap3A_94, %swap3A_95], %broadcast_in_dim3A_92 {strides = array<i32>} : memref<2x2x16xf32, #tpu.memory_space<vmem>>, vector<2x2x16xf32>,
    } else {
    }
    %get3A_73 = arith.constant 0 : index
    %get3A_74 = arith.constant 0 : index
    %get3A_75 = arith.constant 0 : index
    %get3A_76 = vector.load %arg8[%get3A_73, %get3A_74, %get3A_75] : memref<2x2x16xf32, #tpu.memory_space<vmem>>, vector<2x2x16xf32>
    %stack3A = vector.shape_cast %reduce_sum3A_62 : vector<16xf32> to vector<1x16xf32>
    %stack3A_77 = vector.shape_cast %reduce_sum3A_64 : vector<16xf32> to vector<1x16xf32>
    %stack3A_78 = vector.shape_cast %reduce_sum3A_67 : vector<16xf32> to vector<1x16xf32>
    %stack3A_79 = vector.shape_cast %reduce_sum3A_70 : vector<16xf32> to vector<1x16xf32>
    %stack3A_80 = tpu.concatenate %stack3A, %stack3A_77, %stack3A_78, %stack3A_79 in 0 : vector<1x16xf32>, vector<1x16xf32>, vector<1x16xf32>, vector<1x16xf32> -> vector<4x16xf32>
    %reshape3A = vector.shape_cast %stack3A_80 : vector<4x16xf32> to vector<2x2x16xf32>
    %add3A_81 = arith.addf %get3A_76, %reshape3A : vector<2x2x16xf32>
    %swap3A_82 = arith.constant 0 : index
    %swap3A_83 = arith.constant 0 : index
    %swap3A_84 = arith.constant 0 : index
    %swap3A_85 = vector.load %arg8[%swap3A_82, %swap3A_83, %swap3A_84] : memref<2x2x16xf32, #tpu.memory_space<vmem>>, vector<2x2x16xf32>
    tpu.vector_store %arg8[%swap3A_82, %swap3A_83, %swap3A_84], %add3A_81 {strides = array<i32>} : memref<2x2x16xf32, #tpu.memory_space<vmem>>, vector<2x2x16xf32>,
    %eq3A_86 = arith.constant 19 : i32
    %eq3A_87 = arith.cmpi eq, %arg0, %eq3A_86 : i32
    %convert_element_type3A_88 = arith.extui %eq3A_87 : i1 to i32
    %cond3A_89 = arith.constant 0 : i32
    %cond3A_90 = arith.cmpi ne, %convert_element_type3A_88, %cond3A_89 : i32
    scf.if %cond3A_90 {
      %get3A_91 = arith.constant 0 : index
      %get3A_92 = arith.constant 0 : index
      %get3A_93 = arith.constant 0 : index
      %get3A_94 = vector.load %arg8[%get3A_91, %get3A_92, %get3A_93] : memref<2x2x16xf32, #tpu.memory_space<vmem>>, vector<2x2x16xf32>
      %swap3A_95 = arith.constant 0 : index
      %swap3A_96 = arith.constant 0 : index
      %swap3A_97 = arith.constant 0 : index
      %swap3A_98 = vector.load %arg7[%swap3A_95, %swap3A_96, %swap3A_97] : memref<2x2x16xf32, #tpu.memory_space<vmem>>, vector<2x2x16xf32>
      tpu.vector_store %arg7[%swap3A_95, %swap3A_96, %swap3A_97], %get3A_94 {strides = array<i32>} : memref<2x2x16xf32, #tpu.memory_space<vmem>>, vector<2x2x16xf32>,
    } else {
    }
    return
  }
  func.func @transform_0(%arg0: i32) -> (i32, i32, i32) {
    %c0_i32 = arith.constant 0 : i32
    %c0_i32_0 = arith.constant 0 : i32
    %c0_i32_1 = arith.constant 0 : i32
    return %c0_i32, %arg0, %c0_i32_0 : i32, i32, i32
  }
  func.func @transform_1(%arg0: i32) -> (i32, i32, i32) {
    %c0_i32 = arith.constant 0 : i32
    %c0_i32_0 = arith.constant 0 : i32
    %c0_i32_1 = arith.constant 0 : i32
    return %c0_i32, %arg0, %c0_i32_0 : i32, i32, i32
  }
  func.func @transform_2(%arg0: i32) -> (i32, i32, i32) {
    %c0_i32 = arith.constant 0 : i32
    %c0_i32_0 = arith.constant 0 : i32
    %c0_i32_1 = arith.constant 0 : i32
    return %arg0, %c0_i32, %c0_i32_0 : i32, i32, i32
  }
  func.func @transform_3(%arg0: i32) -> (i32, i32, i32) {
    %c0_i32 = arith.constant 0 : i32
    %c0_i32_0 = arith.constant 0 : i32
    %c0_i32_1 = arith.constant 0 : i32
    return %arg0, %c0_i32, %c0_i32_0 : i32, i32, i32
  }
  func.func @transform_4(%arg0: i32) -> (i32, i32, i32) {
    %c0_i32 = arith.constant 0 : i32
    %c0_i32_0 = arith.constant 0 : i32
    %c0_i32_1 = arith.constant 0 : i32
    %c0_i32_2 = arith.constant 0 : i32
    return %c0_i32, %c0_i32_0, %c0_i32_1 : i32, i32, i32
  }
  func.func @transform_5(%arg0: i32) -> (i32, i32, i32) {
    %c0_i32 = arith.constant 0 : i32
    %c0_i32_0 = arith.constant 0 : i32
    %c0_i32_1 = arith.constant 0 : i32
    return %c0_i32, %arg0, %c0_i32_0 : i32, i32, i32
  }
  func.func @transform_6(%arg0: i32) -> (i32, i32, i32) {
    %c0_i32 = arith.constant 0 : i32
    %c0_i32_0 = arith.constant 0 : i32
    %c0_i32_1 = arith.constant 0 : i32
    %c0_i32_2 = arith.constant 0 : i32
    return %c0_i32, %c0_i32_0, %c0_i32_1 : i32, i32, i32
  }
}

module attributes {stable_mosaic.version = 14 : i64} {
  func.func @body(%arg0: i32, %arg1: memref<2x5000x16xf32, #tpu.memory_space<vmem>>, %arg2: memref<2x1x16xf32, #tpu.memory_space<vmem>>, %arg3: memref<2x1x16xf32, #tpu.memory_space<vmem>>, %arg4: memref<2x16x16xf32, #tpu.memory_space<vmem>>, %arg5: memref<1x1x5000xf32, #tpu.memory_space<vmem>>, %arg6: memref<1x1x5000xf32, #tpu.memory_space<vmem>>, %arg7: memref<5000x16xf32, #tpu.memory_space<vmem>>) attributes {dimension_semantics = [#tpu.dimension_semantics<arbitrary>], iteration_bounds = array<i64: 20>, scalar_prefetch = 0 : i64, scratch_operands = 0 : i64, tpu.core_type = #tpu.core_type<tc>, window_params = [{transform_indices = @transform_0, window_bounds = array<i64: 2, 5000, 16>}, {pipeline_mode = #tpu.pipeline_mode<synchronous>, transform_indices = @transform_1, window_bounds = array<i64: 2, 1, 16>}, {pipeline_mode = #tpu.pipeline_mode<synchronous>, transform_indices = @transform_2, window_bounds = array<i64: 2, 1, 16>}, {pipeline_mode = #tpu.pipeline_mode<synchronous>, transform_indices = @transform_3, window_bounds = array<i64: 2, 16, 16>}, {transform_indices = @transform_4, window_bounds = array<i64: 1, 1, 5000>}, {transform_indices = @transform_5, window_bounds = array<i64: 1, 1, 5000>}, {transform_indices = @transform_6, window_bounds = array<i64: 5000, 16>}]} {
    %get3A = arith.constant 0 : index
    %get3A_0 = arith.constant 0 : index
    %get3A_1 = arith.constant 0 : index
    %get3A_2 = vector.load %arg1[%get3A, %get3A_0, %get3A_1] : memref<2x5000x16xf32, #tpu.memory_space<vmem>>, vector<1x5000x16xf32>
    %get3A_3 = vector.shape_cast %get3A_2 : vector<1x5000x16xf32> to vector<5000x16xf32>
    %get3A_4 = arith.constant 0 : index
    %get3A_5 = arith.constant 0 : index
    %get3A_6 = arith.constant 0 : index
    %get3A_7 = vector.load %arg2[%get3A_4, %get3A_5, %get3A_6] : memref<2x1x16xf32, #tpu.memory_space<vmem>>, vector<1x1x16xf32>
    %get3A_8 = vector.shape_cast %get3A_7 : vector<1x1x16xf32> to vector<1x16xf32>
    %mul3A = vector.broadcast %get3A_8 : vector<1x16xf32> to vector<5000x16xf32>
    %mul3A_9 = arith.mulf %get3A_3, %mul3A : vector<5000x16xf32>
    %get3A_10 = arith.constant 0 : index
    %get3A_11 = arith.constant 0 : index
    %get3A_12 = arith.constant 0 : index
    %get3A_13 = vector.load %arg3[%get3A_10, %get3A_11, %get3A_12] : memref<2x1x16xf32, #tpu.memory_space<vmem>>, vector<1x1x16xf32>
    %get3A_14 = vector.shape_cast %get3A_13 : vector<1x1x16xf32> to vector<1x16xf32>
    %add3A = vector.broadcast %get3A_14 : vector<1x16xf32> to vector<5000x16xf32>
    %add3A_15 = arith.addf %mul3A_9, %add3A : vector<5000x16xf32>
    %max3A = arith.constant 0.000000e+00 : f32
    %max3A_16 = vector.broadcast %max3A : f32 to vector<5000x16xf32>
    %max3A_17 = arith.maximumf %add3A_15, %max3A_16 : vector<5000x16xf32>
    %get3A_18 = arith.constant 1 : index
    %get3A_19 = arith.constant 0 : index
    %get3A_20 = arith.constant 0 : index
    %get3A_21 = vector.load %arg1[%get3A_18, %get3A_19, %get3A_20] : memref<2x5000x16xf32, #tpu.memory_space<vmem>>, vector<1x5000x16xf32>
    %get3A_22 = vector.shape_cast %get3A_21 : vector<1x5000x16xf32> to vector<5000x16xf32>
    %get3A_23 = arith.constant 1 : index
    %get3A_24 = arith.constant 0 : index
    %get3A_25 = arith.constant 0 : index
    %get3A_26 = vector.load %arg2[%get3A_23, %get3A_24, %get3A_25] : memref<2x1x16xf32, #tpu.memory_space<vmem>>, vector<1x1x16xf32>
    %get3A_27 = vector.shape_cast %get3A_26 : vector<1x1x16xf32> to vector<1x16xf32>
    %mul3A_28 = vector.broadcast %get3A_27 : vector<1x16xf32> to vector<5000x16xf32>
    %mul3A_29 = arith.mulf %get3A_22, %mul3A_28 : vector<5000x16xf32>
    %get3A_30 = arith.constant 1 : index
    %get3A_31 = arith.constant 0 : index
    %get3A_32 = arith.constant 0 : index
    %get3A_33 = vector.load %arg3[%get3A_30, %get3A_31, %get3A_32] : memref<2x1x16xf32, #tpu.memory_space<vmem>>, vector<1x1x16xf32>
    %get3A_34 = vector.shape_cast %get3A_33 : vector<1x1x16xf32> to vector<1x16xf32>
    %add3A_35 = vector.broadcast %get3A_34 : vector<1x16xf32> to vector<5000x16xf32>
    %add3A_36 = arith.addf %mul3A_29, %add3A_35 : vector<5000x16xf32>
    %max3A_37 = arith.constant 0.000000e+00 : f32
    %max3A_38 = vector.broadcast %max3A_37 : f32 to vector<5000x16xf32>
    %max3A_39 = arith.maximumf %add3A_36, %max3A_38 : vector<5000x16xf32>
    %get3A_40 = arith.constant 0 : index
    %get3A_41 = arith.constant 0 : index
    %get3A_42 = arith.constant 0 : index
    %get3A_43 = vector.load %arg4[%get3A_40, %get3A_41, %get3A_42] : memref<2x16x16xf32, #tpu.memory_space<vmem>>, vector<1x16x16xf32>
    %get3A_44 = vector.shape_cast %get3A_43 : vector<1x16x16xf32> to vector<16x16xf32>
    %dot_general3A = arith.constant dense<0.000000e+00> : vector<5000x16xf32>
    %dot_general3A_45 = tpu.matmul %max3A_17, %get3A_44, %dot_general3A {dimension_numbers = #tpu.dot_dimension_numbers<[1], [0], [0], [1], [0, 0, 1, 1], [], []>, transpose_lhs_hint = false} : vector<5000x16xf32>, vector<16x16xf32>, vector<5000x16xf32> -> vector<5000x16xf32>
    %get3A_46 = arith.constant 1 : index
    %get3A_47 = arith.constant 0 : index
    %get3A_48 = arith.constant 0 : index
    %get3A_49 = vector.load %arg4[%get3A_46, %get3A_47, %get3A_48] : memref<2x16x16xf32, #tpu.memory_space<vmem>>, vector<1x16x16xf32>
    %get3A_50 = vector.shape_cast %get3A_49 : vector<1x16x16xf32> to vector<16x16xf32>
    %dot_general3A_51 = arith.constant dense<0.000000e+00> : vector<5000x16xf32>
    %dot_general3A_52 = tpu.matmul %max3A_39, %get3A_50, %dot_general3A_51 {dimension_numbers = #tpu.dot_dimension_numbers<[1], [0], [0], [1], [0, 0, 1, 1], [], []>, transpose_lhs_hint = false} : vector<5000x16xf32>, vector<16x16xf32>, vector<5000x16xf32> -> vector<5000x16xf32>
    %add3A_53 = arith.addf %dot_general3A_45, %dot_general3A_52 : vector<5000x16xf32>
    %get3A_54 = arith.constant 0 : index
    %get3A_55 = arith.constant 0 : index
    %get3A_56 = arith.constant 0 : index
    %get3A_57 = vector.load %arg5[%get3A_54, %get3A_55, %get3A_56] : memref<1x1x5000xf32, #tpu.memory_space<vmem>>, vector<1x1x5000xf32>
    %get3A_58 = vector.shape_cast %get3A_57 : vector<1x1x5000xf32> to vector<5000xf32>
    %get3A_59 = arith.constant 0 : index
    %get3A_60 = arith.constant 0 : index
    %get3A_61 = arith.constant 0 : index
    %get3A_62 = vector.load %arg6[%get3A_59, %get3A_60, %get3A_61] : memref<1x1x5000xf32, #tpu.memory_space<vmem>>, vector<1x1x5000xf32>
    %get3A_63 = vector.shape_cast %get3A_62 : vector<1x1x5000xf32> to vector<5000xf32>
    %add3A_64 = arith.addf %get3A_58, %get3A_63 : vector<5000xf32>
    %add3A_65 = arith.constant 1.000000e+00 : f32
    %add3A_66 = vector.broadcast %add3A_65 : f32 to vector<5000xf32>
    %add3A_67 = arith.addf %add3A_64, %add3A_66 : vector<5000xf32>
    %rsqrt3A = math.rsqrt %add3A_67 : vector<5000xf32>
    %broadcast_in_dim3A = vector.shape_cast %rsqrt3A : vector<5000xf32> to vector<5000x1xf32>
    %mul3A_68 = vector.broadcast %broadcast_in_dim3A : vector<5000x1xf32> to vector<5000x16xf32>
    %mul3A_69 = arith.mulf %mul3A_68, %add3A_53 : vector<5000x16xf32>
    %swap3A = arith.constant 0 : index
    %swap3A_70 = arith.constant 0 : index
    %swap3A_71 = vector.load %arg7[%swap3A, %swap3A_70] : memref<5000x16xf32, #tpu.memory_space<vmem>>, vector<5000x16xf32>
    tpu.vector_store %arg7[%swap3A, %swap3A_70], %mul3A_69 {strides = array<i32>} : memref<5000x16xf32, #tpu.memory_space<vmem>>, vector<5000x16xf32>,
    return
  }
  func.func @transform_0(%arg0: i32) -> (i32, i32, i32) {
    %c0_i32 = arith.constant 0 : i32
    %c0_i32_0 = arith.constant 0 : i32
    %c0_i32_1 = arith.constant 0 : i32
    return %c0_i32, %arg0, %c0_i32_0 : i32, i32, i32
  }
  func.func @transform_1(%arg0: i32) -> (i32, i32, i32) {
    %c0_i32 = arith.constant 0 : i32
    %c0_i32_0 = arith.constant 0 : i32
    %c0_i32_1 = arith.constant 0 : i32
    %c0_i32_2 = arith.constant 0 : i32
    return %c0_i32, %c0_i32_0, %c0_i32_1 : i32, i32, i32
  }
  func.func @transform_2(%arg0: i32) -> (i32, i32, i32) {
    %c0_i32 = arith.constant 0 : i32
    %c0_i32_0 = arith.constant 0 : i32
    %c0_i32_1 = arith.constant 0 : i32
    %c0_i32_2 = arith.constant 0 : i32
    return %c0_i32, %c0_i32_0, %c0_i32_1 : i32, i32, i32
  }
  func.func @transform_3(%arg0: i32) -> (i32, i32, i32) {
    %c0_i32 = arith.constant 0 : i32
    %c0_i32_0 = arith.constant 0 : i32
    %c0_i32_1 = arith.constant 0 : i32
    %c0_i32_2 = arith.constant 0 : i32
    return %c0_i32, %c0_i32_0, %c0_i32_1 : i32, i32, i32
  }
  func.func @transform_4(%arg0: i32) -> (i32, i32, i32) {
    %c0_i32 = arith.constant 0 : i32
    %c0_i32_0 = arith.constant 0 : i32
    %c0_i32_1 = arith.constant 0 : i32
    return %arg0, %c0_i32, %c0_i32_0 : i32, i32, i32
  }
  func.func @transform_5(%arg0: i32) -> (i32, i32, i32) {
    %c0_i32 = arith.constant 0 : i32
    %c0_i32_0 = arith.constant 0 : i32
    %c0_i32_1 = arith.constant 0 : i32
    return %arg0, %c0_i32, %c0_i32_0 : i32, i32, i32
  }
  func.func @transform_6(%arg0: i32) -> (i32, i32) {
    %c0_i32 = arith.constant 0 : i32
    %c0_i32_0 = arith.constant 0 : i32
    return %arg0, %c0_i32 : i32, i32
  }
}

module attributes {stable_mosaic.version = 14 : i64} {
  func.func @body(%arg0: i32, %arg1: memref<2x5000x16xf32, #tpu.memory_space<vmem>>, %arg2: memref<5000x16xf32, #tpu.memory_space<vmem>>, %arg3: memref<1x1x5000xf32, #tpu.memory_space<vmem>>, %arg4: memref<1x1x5000xf32, #tpu.memory_space<vmem>>, %arg5: memref<1x16xf32, #tpu.memory_space<vmem>>, %arg6: memref<5000x16xf32, #tpu.memory_space<vmem>>, %arg7: memref<2x16xf32, #tpu.memory_space<vmem>>, %arg8: memref<2x16xf32, #tpu.memory_space<vmem>>) attributes {dimension_semantics = [#tpu.dimension_semantics<arbitrary>], iteration_bounds = array<i64: 20>, scalar_prefetch = 0 : i64, scratch_operands = 1 : i64, tpu.core_type = #tpu.core_type<tc>, window_params = [{transform_indices = @transform_0, window_bounds = array<i64: 2, 5000, 16>}, {transform_indices = @transform_1, window_bounds = array<i64: 5000, 16>}, {transform_indices = @transform_2, window_bounds = array<i64: 1, 1, 5000>}, {transform_indices = @transform_3, window_bounds = array<i64: 1, 1, 5000>}, {pipeline_mode = #tpu.pipeline_mode<synchronous>, transform_indices = @transform_4, window_bounds = array<i64: 1, 16>}, {transform_indices = @transform_5, window_bounds = array<i64: 5000, 16>}, {pipeline_mode = #tpu.pipeline_mode<synchronous>, transform_indices = @transform_6, window_bounds = array<i64: 2, 16>}]} {
    %get3A = arith.constant 0 : index
    %get3A_0 = arith.constant 0 : index
    %get3A_1 = arith.constant 0 : index
    %get3A_2 = vector.load %arg3[%get3A, %get3A_0, %get3A_1] : memref<1x1x5000xf32, #tpu.memory_space<vmem>>, vector<1x1x5000xf32>
    %get3A_3 = vector.shape_cast %get3A_2 : vector<1x1x5000xf32> to vector<5000xf32>
    %get3A_4 = arith.constant 0 : index
    %get3A_5 = arith.constant 0 : index
    %get3A_6 = arith.constant 0 : index
    %get3A_7 = vector.load %arg4[%get3A_4, %get3A_5, %get3A_6] : memref<1x1x5000xf32, #tpu.memory_space<vmem>>, vector<1x1x5000xf32>
    %get3A_8 = vector.shape_cast %get3A_7 : vector<1x1x5000xf32> to vector<5000xf32>
    %add3A = arith.addf %get3A_3, %get3A_8 : vector<5000xf32>
    %add3A_9 = arith.constant 1.000000e+00 : f32
    %add3A_10 = vector.broadcast %add3A_9 : f32 to vector<5000xf32>
    %add3A_11 = arith.addf %add3A, %add3A_10 : vector<5000xf32>
    %rsqrt3A = math.rsqrt %add3A_11 : vector<5000xf32>
    %broadcast_in_dim3A = vector.shape_cast %rsqrt3A : vector<5000xf32> to vector<5000x1xf32>
    %get3A_12 = arith.constant 0 : index
    %get3A_13 = arith.constant 0 : index
    %get3A_14 = vector.load %arg2[%get3A_12, %get3A_13] : memref<5000x16xf32, #tpu.memory_space<vmem>>, vector<5000x16xf32>
    %get3A_15 = arith.constant 0 : index
    %get3A_16 = arith.constant 0 : index
    %get3A_17 = arith.constant 0 : index
    %get3A_18 = vector.load %arg1[%get3A_15, %get3A_16, %get3A_17] : memref<2x5000x16xf32, #tpu.memory_space<vmem>>, vector<1x5000x16xf32>
    %get3A_19 = vector.shape_cast %get3A_18 : vector<1x5000x16xf32> to vector<5000x16xf32>
    %add3A_20 = arith.addf %get3A_14, %get3A_19 : vector<5000x16xf32>
    %get3A_21 = arith.constant 1 : index
    %get3A_22 = arith.constant 0 : index
    %get3A_23 = arith.constant 0 : index
    %get3A_24 = vector.load %arg1[%get3A_21, %get3A_22, %get3A_23] : memref<2x5000x16xf32, #tpu.memory_space<vmem>>, vector<1x5000x16xf32>
    %get3A_25 = vector.shape_cast %get3A_24 : vector<1x5000x16xf32> to vector<5000x16xf32>
    %add3A_26 = arith.addf %add3A_20, %get3A_25 : vector<5000x16xf32>
    %mul3A = vector.broadcast %broadcast_in_dim3A : vector<5000x1xf32> to vector<5000x16xf32>
    %mul3A_27 = arith.mulf %mul3A, %add3A_26 : vector<5000x16xf32>
    %get3A_28 = arith.constant 0 : index
    %get3A_29 = arith.constant 0 : index
    %get3A_30 = vector.load %arg5[%get3A_28, %get3A_29] : memref<1x16xf32, #tpu.memory_space<vmem>>, vector<1x16xf32>
    %add3A_31 = vector.broadcast %get3A_30 : vector<1x16xf32> to vector<5000x16xf32>
    %add3A_32 = arith.addf %mul3A_27, %add3A_31 : vector<5000x16xf32>
    %swap3A = arith.constant 0 : index
    %swap3A_33 = arith.constant 0 : index
    %swap3A_34 = vector.load %arg6[%swap3A, %swap3A_33] : memref<5000x16xf32, #tpu.memory_space<vmem>>, vector<5000x16xf32>
    tpu.vector_store %arg6[%swap3A, %swap3A_33], %add3A_32 {strides = array<i32>} : memref<5000x16xf32, #tpu.memory_space<vmem>>, vector<5000x16xf32>,
    %reduce_sum3A = arith.constant dense<0.000000e+00> : vector<16xf32>
    %reduce_sum3A_35 = vector.multi_reduction <add>, %add3A_32, %reduce_sum3A [0] : vector<5000x16xf32> to vector<16xf32>
    %mul3A_36 = arith.mulf %add3A_32, %add3A_32 : vector<5000x16xf32>
    %reduce_sum3A_37 = arith.constant dense<0.000000e+00> : vector<16xf32>
    %reduce_sum3A_38 = vector.multi_reduction <add>, %mul3A_36, %reduce_sum3A_37 [0] : vector<5000x16xf32> to vector<16xf32>
    %eq3A = arith.constant 0 : i32
    %eq3A_39 = arith.cmpi eq, %arg0, %eq3A : i32
    %convert_element_type3A = arith.extui %eq3A_39 : i1 to i32
    %cond3A = arith.constant 0 : i32
    %cond3A_40 = arith.cmpi ne, %convert_element_type3A, %cond3A : i32
    scf.if %cond3A_40 {
      %broadcast_in_dim3A_55 = arith.constant 0.000000e+00 : f32
      %broadcast_in_dim3A_56 = vector.broadcast %broadcast_in_dim3A_55 : f32 to vector<2x16xf32>
      %swap3A_57 = arith.constant 0 : index
      %swap3A_58 = arith.constant 0 : index
      %swap3A_59 = vector.load %arg8[%swap3A_57, %swap3A_58] : memref<2x16xf32, #tpu.memory_space<vmem>>, vector<2x16xf32>
      tpu.vector_store %arg8[%swap3A_57, %swap3A_58], %broadcast_in_dim3A_56 {strides = array<i32>} : memref<2x16xf32, #tpu.memory_space<vmem>>, vector<2x16xf32>,
    } else {
    }
    %get3A_41 = arith.constant 0 : index
    %get3A_42 = arith.constant 0 : index
    %get3A_43 = vector.load %arg8[%get3A_41, %get3A_42] : memref<2x16xf32, #tpu.memory_space<vmem>>, vector<2x16xf32>
    %stack3A = vector.shape_cast %reduce_sum3A_35 : vector<16xf32> to vector<1x16xf32>
    %stack3A_44 = vector.shape_cast %reduce_sum3A_38 : vector<16xf32> to vector<1x16xf32>
    %stack3A_45 = tpu.concatenate %stack3A, %stack3A_44 in 0 : vector<1x16xf32>, vector<1x16xf32> -> vector<2x16xf32>
    %add3A_46 = arith.addf %get3A_43, %stack3A_45 : vector<2x16xf32>
    %swap3A_47 = arith.constant 0 : index
    %swap3A_48 = arith.constant 0 : index
    %swap3A_49 = vector.load %arg8[%swap3A_47, %swap3A_48] : memref<2x16xf32, #tpu.memory_space<vmem>>, vector<2x16xf32>
    tpu.vector_store %arg8[%swap3A_47, %swap3A_48], %add3A_46 {strides = array<i32>} : memref<2x16xf32, #tpu.memory_space<vmem>>, vector<2x16xf32>,
    %eq3A_50 = arith.constant 19 : i32
    %eq3A_51 = arith.cmpi eq, %arg0, %eq3A_50 : i32
    %convert_element_type3A_52 = arith.extui %eq3A_51 : i1 to i32
    %cond3A_53 = arith.constant 0 : i32
    %cond3A_54 = arith.cmpi ne, %convert_element_type3A_52, %cond3A_53 : i32
    scf.if %cond3A_54 {
      %get3A_55 = arith.constant 0 : index
      %get3A_56 = arith.constant 0 : index
      %get3A_57 = vector.load %arg8[%get3A_55, %get3A_56] : memref<2x16xf32, #tpu.memory_space<vmem>>, vector<2x16xf32>
      %swap3A_58 = arith.constant 0 : index
      %swap3A_59 = arith.constant 0 : index
      %swap3A_60 = vector.load %arg7[%swap3A_58, %swap3A_59] : memref<2x16xf32, #tpu.memory_space<vmem>>, vector<2x16xf32>
      tpu.vector_store %arg7[%swap3A_58, %swap3A_59], %get3A_57 {strides = array<i32>} : memref<2x16xf32, #tpu.memory_space<vmem>>, vector<2x16xf32>,
    } else {
    }
    return
  }
  func.func @transform_0(%arg0: i32) -> (i32, i32, i32) {
    %c0_i32 = arith.constant 0 : i32
    %c0_i32_0 = arith.constant 0 : i32
    %c0_i32_1 = arith.constant 0 : i32
    return %c0_i32, %arg0, %c0_i32_0 : i32, i32, i32
  }
  func.func @transform_1(%arg0: i32) -> (i32, i32) {
    %c0_i32 = arith.constant 0 : i32
    %c0_i32_0 = arith.constant 0 : i32
    return %arg0, %c0_i32 : i32, i32
  }
  func.func @transform_2(%arg0: i32) -> (i32, i32, i32) {
    %c0_i32 = arith.constant 0 : i32
    %c0_i32_0 = arith.constant 0 : i32
    %c0_i32_1 = arith.constant 0 : i32
    return %arg0, %c0_i32, %c0_i32_0 : i32, i32, i32
  }
  func.func @transform_3(%arg0: i32) -> (i32, i32, i32) {
    %c0_i32 = arith.constant 0 : i32
    %c0_i32_0 = arith.constant 0 : i32
    %c0_i32_1 = arith.constant 0 : i32
    return %arg0, %c0_i32, %c0_i32_0 : i32, i32, i32
  }
  func.func @transform_4(%arg0: i32) -> (i32, i32) {
    %c0_i32 = arith.constant 0 : i32
    %c0_i32_0 = arith.constant 0 : i32
    %c0_i32_1 = arith.constant 0 : i32
    return %c0_i32, %c0_i32_0 : i32, i32
  }
  func.func @transform_5(%arg0: i32) -> (i32, i32) {
    %c0_i32 = arith.constant 0 : i32
    %c0_i32_0 = arith.constant 0 : i32
    return %arg0, %c0_i32 : i32, i32
  }
  func.func @transform_6(%arg0: i32) -> (i32, i32) {
    %c0_i32 = arith.constant 0 : i32
    %c0_i32_0 = arith.constant 0 : i32
    %c0_i32_1 = arith.constant 0 : i32
    return %c0_i32, %c0_i32_0 : i32, i32
  }
}

module attributes {stable_mosaic.version = 14 : i64} {
  func.func @body(%arg0: i32, %arg1: memref<5000x16xf32, #tpu.memory_space<vmem>>, %arg2: memref<1x16xf32, #tpu.memory_space<vmem>>, %arg3: memref<1x16xf32, #tpu.memory_space<vmem>>, %arg4: memref<5000x16xf32, #tpu.memory_space<vmem>>) attributes {dimension_semantics = [#tpu.dimension_semantics<arbitrary>], iteration_bounds = array<i64: 20>, scalar_prefetch = 0 : i64, scratch_operands = 0 : i64, tpu.core_type = #tpu.core_type<tc>, window_params = [{transform_indices = @transform_0, window_bounds = array<i64: 5000, 16>}, {pipeline_mode = #tpu.pipeline_mode<synchronous>, transform_indices = @transform_1, window_bounds = array<i64: 1, 16>}, {pipeline_mode = #tpu.pipeline_mode<synchronous>, transform_indices = @transform_2, window_bounds = array<i64: 1, 16>}, {transform_indices = @transform_3, window_bounds = array<i64: 5000, 16>}]} {
    %get3A = arith.constant 0 : index
    %get3A_0 = arith.constant 0 : index
    %get3A_1 = vector.load %arg1[%get3A, %get3A_0] : memref<5000x16xf32, #tpu.memory_space<vmem>>, vector<5000x16xf32>
    %get3A_2 = arith.constant 0 : index
    %get3A_3 = arith.constant 0 : index
    %get3A_4 = vector.load %arg2[%get3A_2, %get3A_3] : memref<1x16xf32, #tpu.memory_space<vmem>>, vector<1x16xf32>
    %mul3A = vector.broadcast %get3A_4 : vector<1x16xf32> to vector<5000x16xf32>
    %mul3A_5 = arith.mulf %get3A_1, %mul3A : vector<5000x16xf32>
    %get3A_6 = arith.constant 0 : index
    %get3A_7 = arith.constant 0 : index
    %get3A_8 = vector.load %arg3[%get3A_6, %get3A_7] : memref<1x16xf32, #tpu.memory_space<vmem>>, vector<1x16xf32>
    %add3A = vector.broadcast %get3A_8 : vector<1x16xf32> to vector<5000x16xf32>
    %add3A_9 = arith.addf %mul3A_5, %add3A : vector<5000x16xf32>
    %swap3A = arith.constant 0 : index
    %swap3A_10 = arith.constant 0 : index
    %swap3A_11 = vector.load %arg4[%swap3A, %swap3A_10] : memref<5000x16xf32, #tpu.memory_space<vmem>>, vector<5000x16xf32>
    tpu.vector_store %arg4[%swap3A, %swap3A_10], %add3A_9 {strides = array<i32>} : memref<5000x16xf32, #tpu.memory_space<vmem>>, vector<5000x16xf32>,
    return
  }
  func.func @transform_0(%arg0: i32) -> (i32, i32) {
    %c0_i32 = arith.constant 0 : i32
    %c0_i32_0 = arith.constant 0 : i32
    return %arg0, %c0_i32 : i32, i32
  }
  func.func @transform_1(%arg0: i32) -> (i32, i32) {
    %c0_i32 = arith.constant 0 : i32
    %c0_i32_0 = arith.constant 0 : i32
    %c0_i32_1 = arith.constant 0 : i32
    return %c0_i32, %c0_i32_0 : i32, i32
  }
  func.func @transform_2(%arg0: i32) -> (i32, i32) {
    %c0_i32 = arith.constant 0 : i32
    %c0_i32_0 = arith.constant 0 : i32
    %c0_i32_1 = arith.constant 0 : i32
    return %c0_i32, %c0_i32_0 : i32, i32
  }
  func.func @transform_3(%arg0: i32) -> (i32, i32) {
    %c0_i32 = arith.constant 0 : i32
    %c0_i32_0 = arith.constant 0 : i32
    return %arg0, %c0_i32 : i32, i32
  }
}

</mosaic_0001>

<sc_bundles>
// kernel: kernel.12.cloned.1.call-start
scs
__scs_entry_jumppad:
0x0: {  	(pc) =	sbr.rel $0x88, $3  }
0x1: {  	(tag) =	ssettag $0x0;
	lr =	simm.s32 $0x1  }
0x2: {  	[smem:$0x3F8F] =	sst lr;
	_ =	strace $0xD0000000  }
0x3: {  	_ = 	snop  }
0x4: {  	_ = 	snop  }
0x5: {  	_ = 	snop  }
0x6: {  	_ = 	snop  }
0x7: {  	_ = 	snop  }
__scs_overlays_trampoline_lowered:
0x8: {  	[smem:$0x3F9E] =	sst s0  }
0x9: {  	[smem:$0x3F9F] =	sst s1  }
0xa: {  	[smem:$0x3FA0] =	sst s2  }
0xb: {  	[smem:$0x3FA1] =	sst s3  }
0xc: {  	[smem:$0x3FA2] =	sst s4  }
0xd: {  	[smem:$0x3FA3] =	sst s5  }
0xe: {  	[smem:$0x3FA4] =	sst s6  }
0xf: {  	[smem:$0x3FA5] =	sst s7  }
0x10: {  	[smem:$0x3FA6] =	sst s8  }
0x11: {  	[smem:$0x3FA7] =	sst s9;
	s0 =	simm.s32 @!p0 $0x0  }
0x12: {  	s1 =	sld [smem:$0x3F8D];
	s0 =	simm.s32 @p0 $0x1  }
0x13: {  	[smem:$0x3FA8] =	sst s0;
	s0 =	simm.s32 @!p1 $0x0  }
0x14: {  	s2 =	sld [smem:$0x3F8C];
	s0 =	simm.s32 @p1 $0x1  }
0x15: {  	[smem:$0x3FA9] =	sst s0;
	s0 =	simm.s32 @!p2 $0x0  }
0x16: {  	s3 =	sld [smem:$0x3FDB];
	s0 =	simm.s32 @p2 $0x1  }
0x17: {  	s4 =	simm.s32 $0x1BF5;
	[smem:$0x3FAB] =	sst s0  }
0x18: {  	s0 =	sld [smem:$0x3F8E];
	_ =	swait.ge [sflag:s4], $0x0  }
0x19: {  	s7 =	sld [smem:$0x3F8F]  }
0x1a: {  	s8 =	sadd.s32 $0xFFFFE003, lr  }
0x1b: {  	s9 =	sadd.s32 $0xFFFFFEF7, lr;
	s5 =	simm.s32 $0xFFFFFFFF;
	p2 =	slt.u32 s8, $0xFFFFF086  }
0x1c: {  	p1 =	slt.u32 s9, $0xF7A;
	s5 =	simm.s32 @!p2 $0x0  }
0x1d: {  	s5 =	simm.s32 @p1 $0x1;
	p0 =	seq.s32 s7, s2  }
0x1e: {  	s7 =	smul.u32 @!p0 $0xF7A, s2;
	p2 =	seq.s32 @!p0 s5, $0x0  }
0x1f: {  	s9 =	smul.u32 $0xF7A, s1;
	s8 =	simm.s32 @!p0 $0x1BF5;
	p2 =	por !p2, p0  }
0x20: {  	[sflag:s8] =	ssyncset.s32 @!p0 $0xFFFFF086;
	s6 =	sadd.s32 @!p0 s3, s7;
	s7 =	simm.s32 @!p0 $0x108  }
0x21: {  	s3 =	sadd.s32 s3, s9;
	s6 =	sadd.s32 @!p0 $0x88, s6;
	s7 =	simm.s32 @p2 $0x1082  }
0x22: {  	[simem:s7], [sflag:s8] =	dma.local @!p0 [hbm:s6], $0xF7A  }
0x23: {  	s9 =	sor.u32 $0xD0000000, s2;
	s6 =	simm.s32 $0x108;
	_ =	swait.ge @!p0 [sflag:s8], $0x0  }
0x24: {  	s3 =	sadd.s32 $0x88, s3;
	s6 =	simm.s32 @!p1 $0x1082;
	[sflag:s4] =	ssyncset.s32 $0xFFFFF086  }
0x25: {  	[simem:s6], [sflag:s4] =	dma.local [hbm:s3], $0xF7A  }
0x26: {  	[smem:$0x3F8F] =	sst s1;
	(tag) =	ssettag s2;
	_ =	strace s9  }
0x27: {  	s1 =	sld [smem:$0x3F9F]  }
0x28: {  	s2 =	sld [smem:$0x3FA0]  }
0x29: {  	s4 =	sld [smem:$0x3FA2]  }
0x2a: {  	p0 =	seq.s32 s5, $0x0;
	s5 =	sld [smem:$0x3FA3]  }
0x2b: {  	s6 =	sld [smem:$0x3FA4]  }
0x2c: {  	s7 =	sld [smem:$0x3FA5]  }
0x2d: {  	s3 =	simm.s32 $0x108;
	s8 =	sld [smem:$0x3FA6]  }
0x2e: {  	s3 =	simm.s32 @!p0 $0x1082;
	s9 =	sld [smem:$0x3FA7]  }
0x2f: {  	lr =	sadd.s32 s0, s3;
	s0 =	sld [smem:$0x3F9E]  }
0x30: {  	s3 =	sld [smem:$0x3FA1]  }
0x31: {  	[smem:$0x3FAA] =	sst s10  }
0x32: {  	s10 =	sld [smem:$0x3FA8];
	_ =	sdelay $0x3  }
0x33: {  	p0 =	seq.s32 s10, $0x1;
	s10 =	sld [smem:$0x3FAA];
	_ =	sdelay $0x3  }
0x34: {  	[smem:$0x3FAA] =	sst s10  }
0x35: {  	s10 =	sld [smem:$0x3FA9];
	_ =	sdelay $0x3  }
0x36: {  	p1 =	seq.s32 s10, $0x1;
	s10 =	sld [smem:$0x3FAA];
	_ =	sdelay $0x3  }
0x37: {  	[smem:$0x3FAA] =	sst s10  }
0x38: {  	s10 =	sld [smem:$0x3FAB]  }
0x39: {  	_ = 	snop;
	(pc) =	sbr.ind lr, $3  }
0x3a: {  	_ = 	snop  }
0x3b: {  	_ = 	snop  }
0x3c: {  	p2 =	seq.s32 s10, $0x1;
	s10 =	sld [smem:$0x3FAA]  }
0x3d: {  	_ =	shalt  }
0x3e: {  	_ =	shalt  }
0x3f: {  	_ =	shalt  }
0x40: {  	_ =	shalt  }
0x41: {  	_ =	shalt  }
0x42: {  	_ =	shalt  }
0x43: {  	_ =	shalt  }
0x44: {  	_ =	shalt  }
0x45: {  	_ =	shalt  }
0x46: {  	_ =	shalt  }
0x47: {  	_ =	shalt  }
0x48: {  	_ =	shalt  }
0x49: {  	_ =	shalt  }
0x4a: {  	_ =	shalt  }
0x4b: {  	_ =	shalt  }
0x4c: {  	_ =	shalt  }
0x4d: {  	_ =	shalt  }
0x4e: {  	_ =	shalt  }
0x4f: {  	_ =	shalt  }
0x50: {  	_ =	shalt  }
0x51: {  	_ =	shalt  }
0x52: {  	_ =	shalt  }
0x53: {  	_ =	shalt  }
0x54: {  	_ =	shalt  }
0x55: {  	_ =	shalt  }
0x56: {  	_ =	shalt  }
0x57: {  	_ =	shalt  }
0x58: {  	_ =	shalt  }
0x59: {  	_ =	shalt  }
0x5a: {  	_ =	shalt  }
0x5b: {  	_ =	shalt  }
0x5c: {  	_ =	shalt  }
0x5d: {  	_ =	shalt  }
0x5e: {  	_ =	shalt  }
0x5f: {  	_ =	shalt  }
0x60: {  	_ =	shalt  }
0x61: {  	_ =	shalt  }
0x62: {  	_ =	shalt  }
0x63: {  	_ =	shalt  }
0x64: {  	_ =	shalt  }
0x65: {  	_ =	shalt  }
0x66: {  	_ =	shalt  }
0x67: {  	_ =	shalt  }
0x68: {  	_ =	shalt  }
0x69: {  	_ =	shalt  }
0x6a: {  	_ =	shalt  }
0x6b: {  	_ =	shalt  }
0x6c: {  	_ =	shalt  }
0x6d: {  	_ =	shalt  }
0x6e: {  	_ =	shalt  }
0x6f: {  	_ =	shalt  }
0x70: {  	_ =	shalt  }
0x71: {  	_ =	shalt  }
0x72: {  	_ =	shalt  }
0x73: {  	_ =	shalt  }
0x74: {  	_ =	shalt  }
0x75: {  	_ =	shalt  }
0x76: {  	_ =	shalt  }
0x77: {  	_ =	shalt  }
0x78: {  	_ =	shalt  }
0x79: {  	_ =	shalt  }
0x7a: {  	_ =	shalt  }
0x7b: {  	_ =	shalt  }
0x7c: {  	_ =	shalt  }
0x7d: {  	_ =	shalt  }
0x7e: {  	_ =	shalt  }
0x7f: {  	_ =	shalt  }
0x80: {  	_ =	shalt  }
0x81: {  	_ =	shalt  }
0x82: {  	_ =	shalt  }
0x83: {  	_ =	shalt  }
0x84: {  	_ =	shalt  }
0x85: {  	_ =	shalt  }
0x86: {  	_ =	shalt  }
0x87: {  	_ =	shalt  }
.Lfunc_end0:
.L_simem_size_0:
called_computation_lowered:
.L_overlay_start_0:
0x88: {  	s2 =	sld [smem:$0x3FD9]  }
0x89: {  	s3 =	sld [smem:$0x3FFE];
	_ =	sdelay $0x1  }
0x8a: {  	s1 =	srdreg.scid  }
0x8b: {  	s0 =	sand.u32 $0x1, s1  }
0x8c: {  	s17 =	sshll.u32 s0, $0xA;
	s2 =	sadd.s32 s3, s2  }
0x8d: {  	s2 =	sadd.s32 s2, s17  }
0x8e: {  	[smem:$0x3FB6] =	sst s2  }
0x8f: {  	_ = 	snop  }
0x90: {  	s2 =	sld [smem:$0x3FD0];
	(tm) =	ssettm $0x1  }
0x91: {  	s18 =	sld [smem:$0x3FFB];
	_ =	sdelay $0x3  }
0x92: {  	_ =	strace s18  }
0x93: {  	s3 =	sld [smem:$0x3FFC];
	_ =	sdelay $0x3  }
0x94: {  	_ =	strace s3  }
0x95: {  	s3 =	sld [smem:$0x3FFD];
	_ =	sdelay $0x3  }
0x96: {  	_ =	strace s3  }
0x97: {  	_ =	strace $0x8FFFFFFF  }
0x98: {  	s19 =	sld [smem:$0x3FDB];
	_ =	sdelay $0x1  }
0x99: {  	s4 =	simm.s32 $_scs_section_size  }
0x9a: {  	s5 =	simm.s32 $_size__tile_overlayer_lowered;
	s6 =	simm.s32 $_tile_overlayer_lowered  }
0x9b: {  	s22 =	simm.s32 $0x1BFF;
	s21 =	sshll.u32 s6, $0x1;
	s3 =	sadd.s32 s4, s19  }
0x9c: {  	s7 =	simm.s32 $0x0;
	s20 =	sshll.u32 s5, $0x1;
	s5 =	sadd.s32 s21, s3  }
0x9d: {  	[timem:s7], [sflag:s22] =	dma.local [hbm:s5], s20  }
0x9e: {  	_ =	swait.ge [sflag:s22], s20  }
0x9f: {  	s4 =	ssub.s32 $0x0, s20;
	[sflag:s22] =	ssyncset.done $0x0  }
0xa0: {  	[sflag:s22] =	ssyncadd.s32 s4;
	_ =	sdelay $0x1  }
0xa1: {  	s23 =	simm.s32 $0x1B8B  }
0xa2: {  	_ =	swait.ge [sflag:s23], $0x1  }
0xa3: {  	[sflag:s23] =	ssyncset.done $0x0  }
0xa4: {  	s25 =	simm.s32 $0x1B8E;
	s24 =	sld [smem:$0x3FFE];
	[sflag:s23] =	ssyncadd.s32 $0xFFFFFFFF  }
0xa5: {  	s26 =	simm.s32 $execute0_lowered;
	[smem:$0x3FD2] =	sst s25  }
0xa6: {  	s5 =	sshll.u32 s26, $0x1;
	_ =	strace $0x80000046;
	[dreg:$0x1] =	wrdreg $0xFFFFFFFF  }
0xa7: {  	s28 =	simm.s32 $_size_execute0_lowered;
	s3 =	sadd.s32 s3, s5;
	[dreg:$0x0] =	wrdreg $0x0  }
0xa8: {  	s5 =	sshll.u32 s28, $0x1;
	[dreg:$0x2] =	wrdreg s3  }
0xa9: {  	[dreg:$0x3] =	wrdreg s5  }
0xaa: {  	[dreg:$0x4] =	wrdreg $0xC0  }
0xab: {  	_ =	task [dreg:s7], $0x5FFFF  }
0xac: {  	[dreg:$0x1] =	wrdreg $0xFFFFFFFF  }
0xad: {  	[dreg:$0x0] =	wrdreg $0x60  }
0xae: {  	[dreg:$0x2] =	wrdreg s24  }
0xaf: {  	[dreg:$0x3] =	wrdreg s2  }
0xb0: {  	[dreg:$0x4] =	wrdreg $0x4800  }
0xb1: {  	[dreg:$0x5] =	wrdreg $0x9  }
0xb2: {  	_ =	task.clear_ibuf [dreg:s7], $0x6FFFF;
	_ =	strace $0x90000046  }
0xb3: {  	s29 =	simm.s32 $0x9;
	_ =	strace $0x80000048  }
0xb4: {  	_ =	swait.ge [sflag:s29], $0x1  }
0xb5: {  	[sflag:s29] =	ssyncadd.s32 $0xFFFFFFFF  }
0xb6: {  	_ =	strace $0x90000048  }
0xb7: {  	_ =	sfence  }
0xb8: {  	s30 =	sld [smem:$0x0];
	_ =	sdelay $0x2  }
0xb9: {  	s31 =	sshll.u32 s1, $0xD;
	s1 =	sshrl.u32 s1, $0x2  }
0xba: {  	s3 =	sand.u32 $0x4000, s31;
	s1 =	sadd.s32 s1, s30  }
0xbb: {  	s0 =	sor.u32 s3, s0;
	s1 =	sshll.u32 s1, $0x11  }
0xbc: {  	s0 =	sor.u32 s1, s0  }
0xbd: {  	s0 =	sadd.s32 $0x8F2B, s0  }
0xbe: {  	[sflag:s0] =	ssyncadd.remote.s32 $0x1  }
0xbf: {  	_ =	sfence.sel $0xFFFF  }
0xc0: {  	[dreg:$0x0] =	wrdreg $0xFFFFFFFF;
	(pc) =	sbr.abs _section_cstart, $3  }
0xc1: {  	[dreg:$0x1] =	wrdreg $0xFFFFFFFF  }
0xc2: {  	_ =	task.clear_ibuf [dreg:s7], $0x2FFFF;
	_ =	strace $0x9FFFFFFF  }
0xc3: {  	(tm) =	ssettm $0x7FFFFFFF  }
tec
execute0_lowered:
.L_overlay_start_1:
0x0: {  	(tag) =	ssettag $0x1  }
0x1: {  	s9 =	rddreg [dreg:$0x0]  }
0x2: {  	s4 =	rddreg [dreg:$0x1]  }
0x3: {  	s1 =	srdreg.scid;
	s0 =	stileid.u32  }
0x4: {  	s2 =	rddreg [dreg:$0x2];
	s3 =	simm.s32 $0x0;
	s16 =	simm.s32 $0x180  }
0x5: {  	s17 =	simm.s32 $0x200;
	s18 =	simm.s32 $0x280;
	s19 =	simm.s32 $0x300  }
0x6: {  	s20 =	simm.s32 $0x380;
	s21 =	simm.s32 $0x1;
	s22 =	simm.s32 $0x2  }
0x7: {  	s6 =	sand.u32 $0x1, s1;
	s10 =	smul.u32 $0x1880, s0;
	s1 =	rddreg [dreg:$0x3]  }
0x8: {  	s23 =	simm.s32 $0x0;
	[smem:$0x7FF] =	sst s3;
	s8 =	smul.u32 $0x188, s0  }
0x9: {  	s11 =	sadd.s32 $0x3A00, s9;
	s30 =	sshll.u32 s0, $0x6;
	s5 =	smul.u32 $0x1880, s6  }
0xa: {  	s7 =	ssub.s32 $0x2, s6;
	_ =	strace $0x80000047;
	p0 =	seq.s32 s6, $0x1  }
0xb: {  	s15 =	smul.u32 $0x18800, s6;
	s12 =	sshrl.u32 s7, $0x1;
	s29 =	sadd.s32 s10, s2  }
0xc: {  	s13 =	sshrl.u32 s10, $0x3;
	s7 =	ssub.s32 s7, s12;
	s5 =	sadd.s32 s8, s5  }
0xd: {  	s4 =	sadd.s32 s4, s13;
	s12 =	simm.s32 $0x3;
	s14 =	sshll.u32 s5, $0x4  }
0xe: {  	s5 =	sor.u32 $0x1C03, s30;
	s7 =	smax.u32 s7, $0x1;
	s31 =	sadd.s32 s14, s11  }
0xf: {  	s14 =	simm.s32 $0x99C00;
	s11 =	sadd.s32 s15, s11;
	s15 =	simm.s32 $0x100  }
0x10: {  	s6 =	sadd.s32 $0x62000, s31;
	s14 =	simm.s32 @!p0 $0x96A00;
	s8 =	sadd.s32 $0x62040, s31  }
0x11: {  	s10 =	sadd.s32 s10, s11;
	s11 =	sshrl.u32 s29, $0x3;
	s9 =	sadd.s32 s14, s9  }
0x12: {  	v0 =	vimm.f32 $1.000000000e+00;
	s14 =	simm.s32 $0x400;
	s9 =	sadd.s32 s9, s13;
	s13 =	simm.s32 $0x80  }
.LBB2_1:
0x13: {  	[spmem:s11], [sflag:s5] =	dma.local [hbm:s4], $0x310  }
0x14: {  	_ =	swait.ge [sflag:s12], $0x310  }
0x15: {  	[sflag:s12] =	ssyncset.done $0x0  }
0x16: {  	[sflag:s12] =	ssyncadd.s32 $0xFFFFFCF0  }
0x17: {  	[tilespmem:$0x400] =	vst v0  }
0x18: {  	[tilespmem:$0x410] =	vst v0  }
0x19: {  	[tilespmem:$0x420] =	vst v0  }
0x1a: {  	[tilespmem:$0x430] =	vst v0  }
0x1b: {  	[tilespmem:$0x440] =	vst v0  }
0x1c: {  	[tilespmem:$0x450] =	vst v0  }
0x1d: {  	[tilespmem:$0x460] =	vst v0  }
0x1e: {  	[tilespmem:$0x470] =	vst v0  }
0x1f: {  	[bflag:$0x0] =	sbarrier.arrive $0xFFFF  }
0x20: {  	[tilespmem:s3], [sflag:$0x3] =	stream.linear.gather [hbm4b:s6+s3], $0x200, $0x38;
	[tilespmem:$0x1D00] =	vst v63  }
0x21: {  	_ =	swait.ge [sflag:s12], $0x200  }
0x22: {  	[sflag:s12] =	ssyncset.done $0x0  }
0x23: {  	[sflag:s12] =	ssyncadd.s32 $0xFFFFFE00  }
0x24: {  	[spmem:s2] =	stream.indirect.scatter.add.f32 [tilespmem:s14], [sflag:$0x1], $0x1, s3, s13, $0xb8;
	[tilespmem:$0x1D00] =	vst v63  }
0x25: {  	_ = 	snop  }
0x26: {  	[spmem:s2] =	stream.indirect.scatter.add.f32 [tilespmem:s14], [sflag:$0x1], $0x1, s13, s13, $0xb8;
	[tilespmem:$0x1D00] =	vst v63  }
0x27: {  	_ = 	snop  }
0x28: {  	[spmem:s2] =	stream.indirect.scatter.add.f32 [tilespmem:s14], [sflag:$0x1], $0x1, s15, s13, $0xb8;
	[tilespmem:$0x1D00] =	vst v63  }
0x29: {  	_ = 	snop  }
0x2a: {  	[spmem:s2] =	stream.indirect.scatter.add.f32 [tilespmem:s14], [sflag:$0x1], $0x1, s16, s13, $0xb8;
	[tilespmem:$0x1D00] =	vst v63  }
0x2b: {  	_ = 	snop  }
0x2c: {  	[tilespmem:s17], [sflag:$0x3] =	stream.linear.gather [hbm4b:s8+s3], $0x200, $0x38;
	[tilespmem:$0x1D00] =	vst v63  }
0x2d: {  	_ =	swait.ge [sflag:s12], $0x200  }
0x2e: {  	[sflag:s12] =	ssyncset.done $0x0  }
0x2f: {  	[sflag:s12] =	ssyncadd.s32 $0xFFFFFE00  }
0x30: {  	[spmem:s2] =	stream.indirect.scatter.add.f32 [tilespmem:s14], [sflag:$0x2], $0x1, s17, s13, $0xb8;
	[tilespmem:$0x1D00] =	vst v63  }
0x31: {  	_ = 	snop  }
0x32: {  	[spmem:s2] =	stream.indirect.scatter.add.f32 [tilespmem:s14], [sflag:$0x2], $0x1, s18, s13, $0xb8;
	[tilespmem:$0x1D00] =	vst v63  }
0x33: {  	_ = 	snop  }
0x34: {  	[spmem:s2] =	stream.indirect.scatter.add.f32 [tilespmem:s14], [sflag:$0x2], $0x1, s19, s13, $0xb8;
	[tilespmem:$0x1D00] =	vst v63  }
0x35: {  	_ = 	snop  }
0x36: {  	[spmem:s2] =	stream.indirect.scatter.add.f32 [tilespmem:s14], [sflag:$0x2], $0x1, s20, s13, $0xb8;
	[tilespmem:$0x1D00] =	vst v63  }
0x37: {  	_ =	swait.ge [sflag:s21], $0x80  }
0x38: {  	[sflag:s21] =	ssyncset.done $0x0  }
0x39: {  	[sflag:s21] =	ssyncadd.s32 $0xFFFFFF80  }
0x3a: {  	_ =	swait.ge [sflag:s21], $0x80  }
0x3b: {  	[sflag:s21] =	ssyncset.done $0x0  }
0x3c: {  	[sflag:s21] =	ssyncadd.s32 $0xFFFFFF80  }
0x3d: {  	_ =	swait.ge [sflag:s21], $0x80  }
0x3e: {  	[sflag:s21] =	ssyncset.done $0x0  }
0x3f: {  	[sflag:s21] =	ssyncadd.s32 $0xFFFFFF80  }
0x40: {  	_ =	swait.ge [sflag:s21], $0x80  }
0x41: {  	s24 =	sadd.s32 $0xFFFFE800, s10;
	[sflag:s21] =	ssyncset.done $0x0  }
0x42: {  	s25 =	sadd.s32 $0x63880, s24;
	[sflag:s21] =	ssyncadd.s32 $0xFFFFFF80  }
0x43: {  	[tilespmem:s3], [sflag:$0x3] =	stream.linear.gather [hbm4b:s25+s3], $0x200, $0x38;
	[tilespmem:$0x1D00] =	vst v63  }
0x44: {  	_ =	swait.ge [sflag:s12], $0x200  }
0x45: {  	[sflag:s12] =	ssyncset.done $0x0  }
0x46: {  	[sflag:s12] =	ssyncadd.s32 $0xFFFFFE00  }
0x47: {  	[spmem:s2] =	stream.indirect.scatter.add.f32 [tilespmem:s14], [sflag:$0x1], $0x1, s3, s13, $0xb8;
	[tilespmem:$0x1D00] =	vst v63  }
0x48: {  	_ = 	snop  }
0x49: {  	[spmem:s2] =	stream.indirect.scatter.add.f32 [tilespmem:s14], [sflag:$0x1], $0x1, s13, s13, $0xb8;
	[tilespmem:$0x1D00] =	vst v63  }
0x4a: {  	_ = 	snop  }
0x4b: {  	[spmem:s2] =	stream.indirect.scatter.add.f32 [tilespmem:s14], [sflag:$0x1], $0x1, s15, s13, $0xb8;
	[tilespmem:$0x1D00] =	vst v63  }
0x4c: {  	_ = 	snop  }
0x4d: {  	[spmem:s2] =	stream.indirect.scatter.add.f32 [tilespmem:s14], [sflag:$0x1], $0x1, s16, s13, $0xb8;
	[tilespmem:$0x1D00] =	vst v63  }
0x4e: {  	_ =	swait.ge [sflag:s22], $0x80  }
0x4f: {  	[sflag:s22] =	ssyncset.done $0x0  }
0x50: {  	[sflag:s22] =	ssyncadd.s32 $0xFFFFFF80  }
0x51: {  	_ =	swait.ge [sflag:s22], $0x80  }
0x52: {  	[sflag:s22] =	ssyncset.done $0x0  }
0x53: {  	[sflag:s22] =	ssyncadd.s32 $0xFFFFFF80  }
0x54: {  	_ =	swait.ge [sflag:s22], $0x80  }
0x55: {  	[sflag:s22] =	ssyncset.done $0x0  }
0x56: {  	[sflag:s22] =	ssyncadd.s32 $0xFFFFFF80  }
0x57: {  	_ =	swait.ge [sflag:s22], $0x80  }
0x58: {  	[sflag:s22] =	ssyncset.done $0x0  }
0x59: {  	s24 =	sadd.s32 $0x638C0, s24;
	[sflag:s22] =	ssyncadd.s32 $0xFFFFFF80  }
0x5a: {  	[tilespmem:s17], [sflag:$0x3] =	stream.linear.gather [hbm4b:s24+s3], $0x200, $0x38;
	[tilespmem:$0x1D00] =	vst v63  }
0x5b: {  	_ =	swait.ge [sflag:s12], $0x200  }
0x5c: {  	[sflag:s12] =	ssyncset.done $0x0  }
0x5d: {  	[sflag:s12] =	ssyncadd.s32 $0xFFFFFE00  }
0x5e: {  	[spmem:s2] =	stream.indirect.scatter.add.f32 [tilespmem:s14], [sflag:$0x2], $0x1, s17, s13, $0xb8;
	[tilespmem:$0x1D00] =	vst v63  }
0x5f: {  	_ = 	snop  }
0x60: {  	[spmem:s2] =	stream.indirect.scatter.add.f32 [tilespmem:s14], [sflag:$0x2], $0x1, s18, s13, $0xb8;
	[tilespmem:$0x1D00] =	vst v63  }
0x61: {  	s24 =	simm.s32 $0xFFFFE880  }
0x62: {  	[spmem:s2] =	stream.indirect.scatter.add.f32 [tilespmem:s14], [sflag:$0x2], $0x1, s19, s13, $0xb8;
	[tilespmem:$0x1D00] =	vst v63  }
.LBB2_2:
0x63: {  	[spmem:s2] =	stream.indirect.scatter.add.f32 [tilespmem:s14], [sflag:$0x2], $0x1, s20, s13, $0xb8;
	[tilespmem:$0x1D00] =	vst v63  }
0x64: {  	s25 =	smov.u32 s24  }
0x65: {  	p0 =	sne.s32 s24, $0xFFFFFF80;
	s24 =	sadd.s32 $0x80, s24;
	_ =	swait.ge [sflag:s21], $0x80  }
0x66: {  	[sflag:s21] =	ssyncset.done $0x0  }
0x67: {  	[sflag:s21] =	ssyncadd.s32 $0xFFFFFF80  }
0x68: {  	_ =	swait.ge [sflag:s21], $0x80  }
0x69: {  	[sflag:s21] =	ssyncset.done $0x0  }
0x6a: {  	[sflag:s21] =	ssyncadd.s32 $0xFFFFFF80  }
0x6b: {  	_ =	swait.ge [sflag:s21], $0x80  }
0x6c: {  	[sflag:s21] =	ssyncset.done $0x0  }
0x6d: {  	[sflag:s21] =	ssyncadd.s32 $0xFFFFFF80  }
0x6e: {  	_ =	swait.ge [sflag:s21], $0x80  }
0x6f: {  	s25 =	sadd.s32 s25, s10;
	[sflag:s21] =	ssyncset.done $0x0  }
0x70: {  	s26 =	sadd.s32 $0x63880, s25;
	[sflag:s21] =	ssyncadd.s32 $0xFFFFFF80  }
0x71: {  	[tilespmem:s3], [sflag:$0x3] =	stream.linear.gather [hbm4b:s26+s3], $0x200, $0x38;
	[tilespmem:$0x1D00] =	vst v63  }
0x72: {  	_ =	swait.ge [sflag:s12], $0x200  }
0x73: {  	[sflag:s12] =	ssyncset.done $0x0  }
0x74: {  	[sflag:s12] =	ssyncadd.s32 $0xFFFFFE00  }
0x75: {  	[spmem:s2] =	stream.indirect.scatter.add.f32 [tilespmem:s14], [sflag:$0x1], $0x1, s3, s13, $0xb8;
	[tilespmem:$0x1D00] =	vst v63  }
0x76: {  	_ = 	snop  }
0x77: {  	[spmem:s2] =	stream.indirect.scatter.add.f32 [tilespmem:s14], [sflag:$0x1], $0x1, s13, s13, $0xb8;
	[tilespmem:$0x1D00] =	vst v63  }
0x78: {  	_ = 	snop  }
0x79: {  	[spmem:s2] =	stream.indirect.scatter.add.f32 [tilespmem:s14], [sflag:$0x1], $0x1, s15, s13, $0xb8;
	[tilespmem:$0x1D00] =	vst v63  }
0x7a: {  	_ = 	snop  }
0x7b: {  	[spmem:s2] =	stream.indirect.scatter.add.f32 [tilespmem:s14], [sflag:$0x1], $0x1, s16, s13, $0xb8;
	[tilespmem:$0x1D00] =	vst v63  }
0x7c: {  	_ =	swait.ge [sflag:s22], $0x80  }
0x7d: {  	[sflag:s22] =	ssyncset.done $0x0  }
0x7e: {  	[sflag:s22] =	ssyncadd.s32 $0xFFFFFF80  }
0x7f: {  	_ =	swait.ge [sflag:s22], $0x80  }
0x80: {  	[sflag:s22] =	ssyncset.done $0x0  }
0x81: {  	[sflag:s22] =	ssyncadd.s32 $0xFFFFFF80  }
0x82: {  	_ =	swait.ge [sflag:s22], $0x80  }
0x83: {  	[sflag:s22] =	ssyncset.done $0x0  }
0x84: {  	[sflag:s22] =	ssyncadd.s32 $0xFFFFFF80  }
0x85: {  	_ =	swait.ge [sflag:s22], $0x80  }
0x86: {  	[sflag:s22] =	ssyncset.done $0x0  }
0x87: {  	s25 =	sadd.s32 $0x638C0, s25;
	[sflag:s22] =	ssyncadd.s32 $0xFFFFFF80  }
0x88: {  	[tilespmem:s17], [sflag:$0x3] =	stream.linear.gather [hbm4b:s25+s3], $0x200, $0x38;
	[tilespmem:$0x1D00] =	vst v63  }
0x89: {  	_ =	swait.ge [sflag:s12], $0x200  }
0x8a: {  	[sflag:s12] =	ssyncset.done $0x0  }
0x8b: {  	[sflag:s12] =	ssyncadd.s32 $0xFFFFFE00  }
0x8c: {  	[spmem:s2] =	stream.indirect.scatter.add.f32 [tilespmem:s14], [sflag:$0x2], $0x1, s17, s13, $0xb8;
	[tilespmem:$0x1D00] =	vst v63  }
.Ltmp0:
0x8d: {  	_ = 	snop;
	(pc) =	sbr.rel @p0 .LBB2_2-.Ltmp0, $4  }
0x8e: {  	_ = 	snop  }
0x8f: {  	[spmem:s2] =	stream.indirect.scatter.add.f32 [tilespmem:s14], [sflag:$0x2], $0x1, s18, s13, $0xb8;
	[tilespmem:$0x1D00] =	vst v63  }
0x90: {  	_ = 	snop  }
0x91: {  	[spmem:s2] =	stream.indirect.scatter.add.f32 [tilespmem:s14], [sflag:$0x2], $0x1, s19, s13, $0xb8;
	[tilespmem:$0x1D00] =	vst v63  }
0x92: {  	[spmem:s2] =	stream.indirect.scatter.add.f32 [tilespmem:s14], [sflag:$0x2], $0x1, s20, s13, $0xb8;
	[tilespmem:$0x1D00] =	vst v63  }
0x93: {  	_ =	swait.ge [sflag:s21], $0x80  }
0x94: {  	[sflag:s21] =	ssyncset.done $0x0  }
0x95: {  	[sflag:s21] =	ssyncadd.s32 $0xFFFFFF80  }
0x96: {  	_ =	swait.ge [sflag:s21], $0x80  }
0x97: {  	[sflag:s21] =	ssyncset.done $0x0  }
0x98: {  	[sflag:s21] =	ssyncadd.s32 $0xFFFFFF80  }
0x99: {  	_ =	swait.ge [sflag:s21], $0x80  }
0x9a: {  	[sflag:s21] =	ssyncset.done $0x0  }
0x9b: {  	[sflag:s21] =	ssyncadd.s32 $0xFFFFFF80  }
0x9c: {  	_ =	swait.ge [sflag:s21], $0x80  }
0x9d: {  	[sflag:s21] =	ssyncset.done $0x0  }
0x9e: {  	[sflag:s21] =	ssyncadd.s32 $0xFFFFFF80  }
0x9f: {  	_ =	swait.ge [sflag:s22], $0x80  }
0xa0: {  	[sflag:s22] =	ssyncset.done $0x0  }
0xa1: {  	[sflag:s22] =	ssyncadd.s32 $0xFFFFFF80  }
0xa2: {  	_ =	swait.ge [sflag:s22], $0x80  }
0xa3: {  	[sflag:s22] =	ssyncset.done $0x0  }
0xa4: {  	[sflag:s22] =	ssyncadd.s32 $0xFFFFFF80  }
0xa5: {  	_ =	swait.ge [sflag:s22], $0x80  }
0xa6: {  	[sflag:s22] =	ssyncset.done $0x0  }
0xa7: {  	[sflag:s22] =	ssyncadd.s32 $0xFFFFFF80  }
0xa8: {  	_ =	swait.ge [sflag:s22], $0x80  }
0xa9: {  	s23 =	sadd.s32 $0x1, s23;
	[sflag:s22] =	ssyncset.done $0x0  }
0xaa: {  	p0 =	sne.s32 s23, s7;
	[sflag:s22] =	ssyncadd.s32 $0xFFFFFF80  }
.Ltmp1:
0xab: {  	[bflag:$0x0] =	sbarrier.arrive $0xFFFF;
	(pc) =	sbr.rel @p0 .LBB2_1-.Ltmp1, $4  }
0xac: {  	[hbm:s9], [sflag:s5] =	dma.local [spmem:s11], $0x310  }
0xad: {  	_ =	swait.ge [sflag:s12], $0x310  }
0xae: {  	[sflag:s12] =	ssyncset.done $0x0  }
0xaf: {  	[sflag:s12] =	ssyncadd.s32 $0xFFFFFCF0  }
0xb0: {  	_ =	sfence.sel $0x180000  }
0xb1: {  	[bflag:$0x0] =	sbarrier.arrive $0xFFFF  }
0xb2: {  	p0 =	sne.s32 s0, $0x0;
	_ =	strace $0x90000047  }
0xb3: {  	s0 =	sadd.s32 @!p0 $0x100000, s1;
	[bflag:$0x2] =	sbarrier.arrive $0xFFFF  }
0xb4: {  	[sflag:s0] =	ssyncadd.tile.s32 @!p0 $0x1;
	_ =	shalt  }
.Lfunc_end2:
_tile_overlayer_lowered:
.L_overlay_start_2:
0xb5: {  	(tag) =	ssettag $0x2  }
0xb6: {  	s0 =	rddreg [dreg:$0x0];
	s2 =	stileid.u32  }
0xb7: {  	s1 =	rddreg [dreg:$0x1];
	p0 =	sne.s32 s2, $0x0  }
0xb8: {  	s3 =	rddreg [dreg:$0x2];
	[bflag:$0x3] =	sbarrier.arrive $0xFFFF;
	s2 =	simm.s32 @!p0 $0x1C03  }
0xb9: {  	[timem:s3], [sflag:s2] =	dma.local @!p0 [hbm:s0], s1  }
0xba: {  	s0 =	simm.s32 @!p0 $0x3  }
0xbb: {  	_ =	swait.ge @!p0 [sflag:s0], s1  }
0xbc: {  	s1 =	ssub.s32 @!p0 $0x0, s1;
	[sflag:s0] =	ssyncset.done @!p0 $0x0  }
0xbd: {  	[sflag:s0] =	ssyncadd.s32 @!p0 s1  }
0xbe: {  	[bflag:$0x3] =	sbarrier.arrive $0xFFFF  }
0xbf: {  	_ =	shalt  }

// kernel: kernel.15.cloned.1.call-start
scs
__scs_entry_jumppad:
0x0: {  	(pc) =	sbr.rel $0x88, $3  }
0x1: {  	(tag) =	ssettag $0x0;
	lr =	simm.s32 $0x1  }
0x2: {  	[smem:$0x3F8F] =	sst lr;
	_ =	strace $0xD0000000  }
0x3: {  	_ = 	snop  }
0x4: {  	_ = 	snop  }
0x5: {  	_ = 	snop  }
0x6: {  	_ = 	snop  }
0x7: {  	_ = 	snop  }
__scs_overlays_trampoline_lowered:
0x8: {  	[smem:$0x3F9E] =	sst s0  }
0x9: {  	[smem:$0x3F9F] =	sst s1  }
0xa: {  	[smem:$0x3FA0] =	sst s2  }
0xb: {  	[smem:$0x3FA1] =	sst s3  }
0xc: {  	[smem:$0x3FA2] =	sst s4  }
0xd: {  	[smem:$0x3FA3] =	sst s5  }
0xe: {  	[smem:$0x3FA4] =	sst s6  }
0xf: {  	[smem:$0x3FA5] =	sst s7  }
0x10: {  	[smem:$0x3FA6] =	sst s8  }
0x11: {  	[smem:$0x3FA7] =	sst s9;
	s0 =	simm.s32 @!p0 $0x0  }
0x12: {  	s1 =	sld [smem:$0x3F8D];
	s0 =	simm.s32 @p0 $0x1  }
0x13: {  	[smem:$0x3FA8] =	sst s0;
	s0 =	simm.s32 @!p1 $0x0  }
0x14: {  	s2 =	sld [smem:$0x3F8C];
	s0 =	simm.s32 @p1 $0x1  }
0x15: {  	[smem:$0x3FA9] =	sst s0;
	s0 =	simm.s32 @!p2 $0x0  }
0x16: {  	s3 =	sld [smem:$0x3FDB];
	s0 =	simm.s32 @p2 $0x1  }
0x17: {  	s4 =	simm.s32 $0x1BF5;
	[smem:$0x3FAB] =	sst s0  }
0x18: {  	s0 =	sld [smem:$0x3F8E];
	_ =	swait.ge [sflag:s4], $0x0  }
0x19: {  	s7 =	sld [smem:$0x3F8F]  }
0x1a: {  	s8 =	sadd.s32 $0xFFFFE003, lr  }
0x1b: {  	s9 =	sadd.s32 $0xFFFFFEF7, lr;
	s5 =	simm.s32 $0xFFFFFFFF;
	p2 =	slt.u32 s8, $0xFFFFF086  }
0x1c: {  	p1 =	slt.u32 s9, $0xF7A;
	s5 =	simm.s32 @!p2 $0x0  }
0x1d: {  	s5 =	simm.s32 @p1 $0x1;
	p0 =	seq.s32 s7, s2  }
0x1e: {  	s7 =	smul.u32 @!p0 $0xF7A, s2;
	p2 =	seq.s32 @!p0 s5, $0x0  }
0x1f: {  	s9 =	smul.u32 $0xF7A, s1;
	s8 =	simm.s32 @!p0 $0x1BF5;
	p2 =	por !p2, p0  }
0x20: {  	[sflag:s8] =	ssyncset.s32 @!p0 $0xFFFFF086;
	s6 =	sadd.s32 @!p0 s3, s7;
	s7 =	simm.s32 @!p0 $0x108  }
0x21: {  	s3 =	sadd.s32 s3, s9;
	s6 =	sadd.s32 @!p0 $0x88, s6;
	s7 =	simm.s32 @p2 $0x1082  }
0x22: {  	[simem:s7], [sflag:s8] =	dma.local @!p0 [hbm:s6], $0xF7A  }
0x23: {  	s9 =	sor.u32 $0xD0000000, s2;
	s6 =	simm.s32 $0x108;
	_ =	swait.ge @!p0 [sflag:s8], $0x0  }
0x24: {  	s3 =	sadd.s32 $0x88, s3;
	s6 =	simm.s32 @!p1 $0x1082;
	[sflag:s4] =	ssyncset.s32 $0xFFFFF086  }
0x25: {  	[simem:s6], [sflag:s4] =	dma.local [hbm:s3], $0xF7A  }
0x26: {  	[smem:$0x3F8F] =	sst s1;
	(tag) =	ssettag s2;
	_ =	strace s9  }
0x27: {  	s1 =	sld [smem:$0x3F9F]  }
0x28: {  	s2 =	sld [smem:$0x3FA0]  }
0x29: {  	s4 =	sld [smem:$0x3FA2]  }
0x2a: {  	p0 =	seq.s32 s5, $0x0;
	s5 =	sld [smem:$0x3FA3]  }
0x2b: {  	s6 =	sld [smem:$0x3FA4]  }
0x2c: {  	s7 =	sld [smem:$0x3FA5]  }
0x2d: {  	s3 =	simm.s32 $0x108;
	s8 =	sld [smem:$0x3FA6]  }
0x2e: {  	s3 =	simm.s32 @!p0 $0x1082;
	s9 =	sld [smem:$0x3FA7]  }
0x2f: {  	lr =	sadd.s32 s0, s3;
	s0 =	sld [smem:$0x3F9E]  }
0x30: {  	s3 =	sld [smem:$0x3FA1]  }
0x31: {  	[smem:$0x3FAA] =	sst s10  }
0x32: {  	s10 =	sld [smem:$0x3FA8];
	_ =	sdelay $0x3  }
0x33: {  	p0 =	seq.s32 s10, $0x1;
	s10 =	sld [smem:$0x3FAA];
	_ =	sdelay $0x3  }
0x34: {  	[smem:$0x3FAA] =	sst s10  }
0x35: {  	s10 =	sld [smem:$0x3FA9];
	_ =	sdelay $0x3  }
0x36: {  	p1 =	seq.s32 s10, $0x1;
	s10 =	sld [smem:$0x3FAA];
	_ =	sdelay $0x3  }
0x37: {  	[smem:$0x3FAA] =	sst s10  }
0x38: {  	s10 =	sld [smem:$0x3FAB]  }
0x39: {  	_ = 	snop;
	(pc) =	sbr.ind lr, $3  }
0x3a: {  	_ = 	snop  }
0x3b: {  	_ = 	snop  }
0x3c: {  	p2 =	seq.s32 s10, $0x1;
	s10 =	sld [smem:$0x3FAA]  }
0x3d: {  	_ =	shalt  }
0x3e: {  	_ =	shalt  }
0x3f: {  	_ =	shalt  }
0x40: {  	_ =	shalt  }
0x41: {  	_ =	shalt  }
0x42: {  	_ =	shalt  }
0x43: {  	_ =	shalt  }
0x44: {  	_ =	shalt  }
0x45: {  	_ =	shalt  }
0x46: {  	_ =	shalt  }
0x47: {  	_ =	shalt  }
0x48: {  	_ =	shalt  }
0x49: {  	_ =	shalt  }
0x4a: {  	_ =	shalt  }
0x4b: {  	_ =	shalt  }
0x4c: {  	_ =	shalt  }
0x4d: {  	_ =	shalt  }
0x4e: {  	_ =	shalt  }
0x4f: {  	_ =	shalt  }
0x50: {  	_ =	shalt  }
0x51: {  	_ =	shalt  }
0x52: {  	_ =	shalt  }
0x53: {  	_ =	shalt  }
0x54: {  	_ =	shalt  }
0x55: {  	_ =	shalt  }
0x56: {  	_ =	shalt  }
0x57: {  	_ =	shalt  }
0x58: {  	_ =	shalt  }
0x59: {  	_ =	shalt  }
0x5a: {  	_ =	shalt  }
0x5b: {  	_ =	shalt  }
0x5c: {  	_ =	shalt  }
0x5d: {  	_ =	shalt  }
0x5e: {  	_ =	shalt  }
0x5f: {  	_ =	shalt  }
0x60: {  	_ =	shalt  }
0x61: {  	_ =	shalt  }
0x62: {  	_ =	shalt  }
0x63: {  	_ =	shalt  }
0x64: {  	_ =	shalt  }
0x65: {  	_ =	shalt  }
0x66: {  	_ =	shalt  }
0x67: {  	_ =	shalt  }
0x68: {  	_ =	shalt  }
0x69: {  	_ =	shalt  }
0x6a: {  	_ =	shalt  }
0x6b: {  	_ =	shalt  }
0x6c: {  	_ =	shalt  }
0x6d: {  	_ =	shalt  }
0x6e: {  	_ =	shalt  }
0x6f: {  	_ =	shalt  }
0x70: {  	_ =	shalt  }
0x71: {  	_ =	shalt  }
0x72: {  	_ =	shalt  }
0x73: {  	_ =	shalt  }
0x74: {  	_ =	shalt  }
0x75: {  	_ =	shalt  }
0x76: {  	_ =	shalt  }
0x77: {  	_ =	shalt  }
0x78: {  	_ =	shalt  }
0x79: {  	_ =	shalt  }
0x7a: {  	_ =	shalt  }
0x7b: {  	_ =	shalt  }
0x7c: {  	_ =	shalt  }
0x7d: {  	_ =	shalt  }
0x7e: {  	_ =	shalt  }
0x7f: {  	_ =	shalt  }
0x80: {  	_ =	shalt  }
0x81: {  	_ =	shalt  }
0x82: {  	_ =	shalt  }
0x83: {  	_ =	shalt  }
0x84: {  	_ =	shalt  }
0x85: {  	_ =	shalt  }
0x86: {  	_ =	shalt  }
0x87: {  	_ =	shalt  }
.Lfunc_end0:
.L_simem_size_0:
called_computation.1_lowered:
.L_overlay_start_0:
0x88: {  	s2 =	sld [smem:$0x3FD9]  }
0x89: {  	s3 =	sld [smem:$0x3FFE];
	_ =	sdelay $0x1  }
0x8a: {  	s1 =	srdreg.scid  }
0x8b: {  	s0 =	sand.u32 $0x1, s1  }
0x8c: {  	s17 =	sshll.u32 s0, $0xA;
	s2 =	sadd.s32 s3, s2  }
0x8d: {  	s2 =	sadd.s32 s2, s17  }
0x8e: {  	[smem:$0x3FB6] =	sst s2  }
0x8f: {  	_ = 	snop  }
0x90: {  	s2 =	sld [smem:$0x3FD0];
	(tm) =	ssettm $0x1  }
0x91: {  	s18 =	sld [smem:$0x3FFB];
	_ =	sdelay $0x3  }
0x92: {  	_ =	strace s18  }
0x93: {  	s3 =	sld [smem:$0x3FFC];
	_ =	sdelay $0x3  }
0x94: {  	_ =	strace s3  }
0x95: {  	s3 =	sld [smem:$0x3FFD];
	_ =	sdelay $0x3  }
0x96: {  	_ =	strace s3  }
0x97: {  	_ =	strace $0x8FFFFFFF  }
0x98: {  	s19 =	sld [smem:$0x3FDB];
	_ =	sdelay $0x1  }
0x99: {  	s4 =	simm.s32 $_scs_section_size  }
0x9a: {  	s5 =	simm.s32 $_size__tile_overlayer_lowered;
	s6 =	simm.s32 $_tile_overlayer_lowered  }
0x9b: {  	s22 =	simm.s32 $0x1BFF;
	s21 =	sshll.u32 s6, $0x1;
	s3 =	sadd.s32 s4, s19  }
0x9c: {  	s7 =	simm.s32 $0x0;
	s20 =	sshll.u32 s5, $0x1;
	s5 =	sadd.s32 s21, s3  }
0x9d: {  	[timem:s7], [sflag:s22] =	dma.local [hbm:s5], s20  }
0x9e: {  	_ =	swait.ge [sflag:s22], s20  }
0x9f: {  	s4 =	ssub.s32 $0x0, s20;
	[sflag:s22] =	ssyncset.done $0x0  }
0xa0: {  	[sflag:s22] =	ssyncadd.s32 s4;
	_ =	sdelay $0x1  }
0xa1: {  	s23 =	simm.s32 $0x1B8B  }
0xa2: {  	_ =	swait.ge [sflag:s23], $0x1  }
0xa3: {  	[sflag:s23] =	ssyncset.done $0x0  }
0xa4: {  	s25 =	simm.s32 $0x1B8E;
	s24 =	sld [smem:$0x3FFE];
	[sflag:s23] =	ssyncadd.s32 $0xFFFFFFFF  }
0xa5: {  	s26 =	simm.s32 $execute0_lowered;
	[smem:$0x3FD2] =	sst s25  }
0xa6: {  	s5 =	sshll.u32 s26, $0x1;
	_ =	strace $0x80000049;
	[dreg:$0x1] =	wrdreg $0xFFFFFFFF  }
0xa7: {  	s28 =	simm.s32 $_size_execute0_lowered;
	s3 =	sadd.s32 s3, s5;
	[dreg:$0x0] =	wrdreg $0x0  }
0xa8: {  	s5 =	sshll.u32 s28, $0x1;
	[dreg:$0x2] =	wrdreg s3  }
0xa9: {  	[dreg:$0x3] =	wrdreg s5  }
0xaa: {  	[dreg:$0x4] =	wrdreg $0xC0  }
0xab: {  	_ =	task [dreg:s7], $0x5FFFF  }
0xac: {  	[dreg:$0x1] =	wrdreg $0xFFFFFFFF  }
0xad: {  	[dreg:$0x0] =	wrdreg $0x60  }
0xae: {  	[dreg:$0x2] =	wrdreg s24  }
0xaf: {  	[dreg:$0x3] =	wrdreg s2  }
0xb0: {  	[dreg:$0x4] =	wrdreg $0x48000  }
0xb1: {  	[dreg:$0x5] =	wrdreg $0x9  }
0xb2: {  	_ =	task.clear_ibuf [dreg:s7], $0x6FFFF;
	_ =	strace $0x90000049  }
0xb3: {  	s29 =	simm.s32 $0x9;
	_ =	strace $0x8000004B  }
0xb4: {  	_ =	swait.ge [sflag:s29], $0x1  }
0xb5: {  	[sflag:s29] =	ssyncadd.s32 $0xFFFFFFFF  }
0xb6: {  	_ =	strace $0x9000004B  }
0xb7: {  	_ =	sfence  }
0xb8: {  	s30 =	sld [smem:$0x0];
	_ =	sdelay $0x2  }
0xb9: {  	s31 =	sshll.u32 s1, $0xD;
	s1 =	sshrl.u32 s1, $0x2  }
0xba: {  	s3 =	sand.u32 $0x4000, s31;
	s1 =	sadd.s32 s1, s30  }
0xbb: {  	s0 =	sor.u32 s3, s0;
	s1 =	sshll.u32 s1, $0x11  }
0xbc: {  	s0 =	sor.u32 s1, s0  }
0xbd: {  	s0 =	sadd.s32 $0x8F2B, s0  }
0xbe: {  	[sflag:s0] =	ssyncadd.remote.s32 $0x1  }
0xbf: {  	_ =	sfence.sel $0xFFFF  }
0xc0: {  	[dreg:$0x0] =	wrdreg $0xFFFFFFFF;
	(pc) =	sbr.abs _section_cstart, $3  }
0xc1: {  	[dreg:$0x1] =	wrdreg $0xFFFFFFFF  }
0xc2: {  	_ =	task.clear_ibuf [dreg:s7], $0x2FFFF;
	_ =	strace $0x9FFFFFFF  }
0xc3: {  	(tm) =	ssettm $0x7FFFFFFF  }
tec
execute0_lowered:
.L_overlay_start_1:
0x0: {  	(tag) =	ssettag $0x1  }
0x1: {  	s0 =	rddreg [dreg:$0x0]  }
0x2: {  	s3 =	rddreg [dreg:$0x1]  }
0x3: {  	s1 =	rddreg [dreg:$0x2];
	s2 =	simm.s32 $0x0;
	s4 =	srdreg.scid  }
0x4: {  	s13 =	stileid.u32;
	s14 =	simm.s32 $0x400;
	s15 =	simm.s32 $0x80  }
0x5: {  	s16 =	simm.s32 $0x800;
	s21 =	simm.s32 $0x100;
	s22 =	simm.s32 $0x180  }
0x6: {  	s23 =	simm.s32 $0x280;
	s24 =	simm.s32 $0x300;
	s25 =	simm.s32 $0x380  }
0x7: {  	s26 =	simm.s32 $0x480;
	s28 =	simm.s32 $0x500;
	s29 =	simm.s32 $0x580  }
0x8: {  	s30 =	simm.s32 $0x2;
	s31 =	simm.s32 $0x680;
	[smem:$0x7FF] =	sst s2  }
0x9: {  	s5 =	sand.u32 $0x1, s4;
	s7 =	sadd.s32 $0x3A00, s0;
	s9 =	smul.u32 $0x18700, s13  }
0xa: {  	s4 =	sadd.s32 $0x96A00, s0;
	s0 =	sadd.s32 $0xF8600, s0;
	s17 =	smul.u32 $0x18800, s13  }
0xb: {  	s12 =	smul.u32 $0x3100, s13;
	_ =	strace $0x8000004A;
	[dreg:$0x7] =	wrdreg s21  }
0xc: {  	p0 =	seq.s32 s13, $0xF;
	s11 =	smul.u32 $0x186A00, s5;
	[dreg:$0x8] =	wrdreg s22  }
0xd: {  	s6 =	ssub.s32 $0x2, s5;
	s5 =	smul.u32 $0x188000, s5;
	[dreg:$0x9] =	wrdreg s23  }
0xe: {  	s21 =	simm.s32 $0x600;
	s22 =	simm.s32 $0x2800;
	[dreg:$0xa] =	wrdreg s24  }
0xf: {  	s23 =	simm.s32 $0x3000;
	s24 =	simm.s32 $0x3800;
	[dreg:$0xb] =	wrdreg s25  }
0x10: {  	[dreg:$0xc] =	wrdreg s26;
	s25 =	simm.s32 $0x4000;
	s26 =	simm.s32 $0x1  }
0x11: {  	s8 =	sshrl.u32 s6, $0x1;
	s10 =	sshrl.u32 s9, $0x3;
	s18 =	sadd.s32 s12, s7  }
0x12: {  	s6 =	ssub.s32 s6, s8;
	s8 =	sadd.s32 s9, s1;
	s10 =	sadd.s32 s3, s10  }
0x13: {  	s3 =	sadd.s32 $0x2DD20, s3;
	s9 =	sadd.s32 s9, s11;
	[dreg:$0x4] =	wrdreg s18  }
0x14: {  	s11 =	sshrl.u32 s11, $0x3;
	s18 =	simm.s32 $0x1800;
	[dreg:$0xd] =	wrdreg s10  }
0x15: {  	s10 =	sadd.s32 $0x16E900, s1;
	[dreg:$0xe] =	wrdreg s3;
	s9 =	sshrl.u32 s9, $0x3  }
0x16: {  	s3 =	sadd.s32 s17, s5;
	s6 =	smax.u32 s6, $0x1;
	s17 =	simm.s32 $0x1000  }
0x17: {  	s9 =	sadd.s32 s0, s9;
	s0 =	sadd.s32 s0, s11;
	s5 =	sor.u32 $0x200, s3  }
0x18: {  	[dreg:$0x11] =	wrdreg s6;
	s3 =	sshrl.u32 s3, $0x3;
	s11 =	sshrl.u32 @!p0 s8, $0x3  }
0x19: {  	s6 =	simm.s32 $0x4;
	[dreg:$0xf] =	wrdreg s9;
	s0 =	sadd.s32 $0x2DD20, s0  }
0x1a: {  	s19 =	sshrl.u32 s5, $0x3;
	s20 =	sadd.s32 s3, s7;
	[dreg:$0x14] =	wrdreg s11  }
0x1b: {  	s3 =	sshll.u32 @!p0 s13, $0x6;
	s9 =	sshrl.u32 @p0 s10, $0x3;
	[dreg:$0x10] =	wrdreg s0  }
0x1c: {  	s13 =	simm.s32 $0x5;
	s0 =	sadd.s32 s19, s7;
	[dreg:$0x6] =	wrdreg s20  }
0x1d: {  	s10 =	sor.u32 @!p0 $0x1C05, s3;
	s19 =	simm.s32 $0x2000;
	[dreg:$0x12] =	wrdreg s9  }
0x1e: {  	s20 =	simm.s32 $0x200;
	s3 =	simm.s32 $0x780;
	[dreg:$0x5] =	wrdreg s0  }
0x1f: {  	s7 =	simm.s32 $0x0;
	s0 =	simm.s32 $0x700;
	[dreg:$0x13] =	wrdreg s10  }
.LBB2_1:
0x20: {  	s8 =	simm.s32 @p0 $0x1FC5;
	s5 =	rddreg [dreg:$0xe]  }
0x21: {  	[spmem:s9], [sflag:s8] =	dma.local @p0 [hbm:s5], $0x3020  }
0x22: {  	s8 =	simm.s32 @p0 $0x5  }
0x23: {  	_ =	swait.ge @p0 [sflag:s8], $0x3020  }
0x24: {  	[sflag:s8] =	ssyncset.done @p0 $0x0  }
0x25: {  	s5 =	rddreg [dreg:$0xd];
	[sflag:s8] =	ssyncadd.s32 @p0 $0xFFFFCFE0;
	s8 =	simm.s32 @!p0 $0x5  }
0x26: {  	[spmem:s11], [sflag:s10] =	dma.local @!p0 [hbm:s5], $0x30E0  }
0x27: {  	_ =	swait.ge @!p0 [sflag:s8], $0x30E0  }
0x28: {  	p1 =	por $0x1, $0x1;
	[sflag:s8] =	ssyncset.done @!p0 $0x0  }
0x29: {  	p1 =	por p1, p1;
	[sflag:s8] =	ssyncadd.s32 @!p0 $0xFFFFCF20  }
0x2a: {  	s8 =	simm.s32 @!p1 $0x3;
	[bflag:$0x0] =	sbarrier.arrive $0xFFFF  }
0x2b: {  	_ =	swait.ge @!p1 [sflag:s8], $0x800  }
0x2c: {  	[sflag:s8] =	ssyncset.done @!p1 $0x0  }
0x2d: {  	[sflag:s8] =	ssyncadd.s32 @!p1 $0xFFFFF800  }
0x2e: {  	_ =	swait.ge @!p1 [sflag:s8], $0x800  }
0x2f: {  	[sflag:s8] =	ssyncset.done @!p1 $0x0  }
0x30: {  	[sflag:s8] =	ssyncadd.s32 @!p1 $0xFFFFF800  }
0x31: {  	_ =	swait.ge @!p1 [sflag:s8], $0x800  }
0x32: {  	[sflag:s8] =	ssyncset.done @!p1 $0x0  }
0x33: {  	[sflag:s8] =	ssyncadd.s32 @!p1 $0xFFFFF800  }
0x34: {  	_ =	swait.ge @!p1 [sflag:s8], $0x800  }
0x35: {  	s10 =	rddreg [dreg:$0x6];
	[sflag:s8] =	ssyncset.done @!p1 $0x0  }
0x36: {  	[sflag:s8] =	ssyncadd.s32 @!p1 $0xFFFFF800;
	s11 =	sadd.s32 $0x0, s10  }
0x37: {  	[tilespmem:s2], [sflag:$0x5] =	stream.linear.gather [hbm4b:s11+s2], $0x200, $0x38;
	[tilespmem:$0x1CEA8] =	vst v63  }
0x38: {  	_ =	swait.ge [sflag:s13], $0x200  }
0x39: {  	s12 =	rddreg [dreg:$0x4]  }
0x3a: {  	[sflag:s13] =	ssyncset.done $0x0;
	s8 =	sadd.s32 $0x0, s12  }
0x3b: {  	[sflag:s13] =	ssyncadd.s32 $0xFFFFFE00;
	s5 =	sadd.s32 $0x62000, s8  }
0x3c: {  	[tilespmem:s14], [sflag:$0x5] =	stream.linear.gather [hbm4b:s5+s2], $0x200, $0x38;
	[tilespmem:$0x1CEA8] =	vst v63  }
0x3d: {  	_ =	swait.ge [sflag:s13], $0x200  }
0x3e: {  	[sflag:s13] =	ssyncset.done $0x0  }
0x3f: {  	[sflag:s13] =	ssyncadd.s32 $0xFFFFFE00  }
0x40: {  	[tilespmem:s16], [sflag:$0x1] =	stream.indirect.gather [hbm4b:s4+s15], $0x10, s2, s15, $0xb8;
	[tilespmem:$0x1CEA8] =	vst v63  }
0x41: {  	_ = 	snop  }
0x42: {  	[tilespmem:s17], [sflag:$0x1] =	stream.indirect.gather [hbm4b:s4+s15], $0x10, s15, s15, $0xb8;
	[tilespmem:$0x1CEA8] =	vst v63  }
0x43: {  	s10 =	rddreg [dreg:$0x7]  }
0x44: {  	[tilespmem:s18], [sflag:$0x1] =	stream.indirect.gather [hbm4b:s4+s15], $0x10, s10, s15, $0xb8;
	[tilespmem:$0x1CEA8] =	vst v63  }
0x45: {  	s9 =	simm.s32 @!p1 $0x4;
	s11 =	rddreg [dreg:$0x8]  }
0x46: {  	[tilespmem:s19], [sflag:$0x1] =	stream.indirect.gather [hbm4b:s4+s15], $0x10, s11, s15, $0xb8;
	[tilespmem:$0x1CEA8] =	vst v63  }
0x47: {  	_ =	swait.ge @!p1 [sflag:s9], $0x800  }
0x48: {  	[sflag:s9] =	ssyncset.done @!p1 $0x0  }
0x49: {  	[sflag:s9] =	ssyncadd.s32 @!p1 $0xFFFFF800  }
0x4a: {  	_ =	swait.ge @!p1 [sflag:s9], $0x800  }
0x4b: {  	[sflag:s9] =	ssyncset.done @!p1 $0x0  }
0x4c: {  	[sflag:s9] =	ssyncadd.s32 @!p1 $0xFFFFF800  }
0x4d: {  	_ =	swait.ge @!p1 [sflag:s9], $0x800  }
0x4e: {  	[sflag:s9] =	ssyncset.done @!p1 $0x0  }
0x4f: {  	[sflag:s9] =	ssyncadd.s32 @!p1 $0xFFFFF800  }
0x50: {  	_ =	swait.ge @!p1 [sflag:s9], $0x800  }
0x51: {  	s12 =	rddreg [dreg:$0x5];
	[sflag:s9] =	ssyncset.done @!p1 $0x0  }
0x52: {  	[sflag:s9] =	ssyncadd.s32 @!p1 $0xFFFFF800;
	s5 =	sadd.s32 $0x0, s12  }
0x53: {  	[tilespmem:s20], [sflag:$0x5] =	stream.linear.gather [hbm4b:s5+s2], $0x200, $0x38;
	[tilespmem:$0x1CEA8] =	vst v63  }
0x54: {  	_ =	swait.ge [sflag:s13], $0x200  }
0x55: {  	[sflag:s13] =	ssyncset.done $0x0  }
0x56: {  	s8 =	sadd.s32 $0x62040, s8;
	[sflag:s13] =	ssyncadd.s32 $0xFFFFFE00  }
0x57: {  	[tilespmem:s21], [sflag:$0x5] =	stream.linear.gather [hbm4b:s8+s2], $0x200, $0x38;
	[tilespmem:$0x1CEA8] =	vst v63  }
0x58: {  	_ =	swait.ge [sflag:s13], $0x200  }
0x59: {  	[sflag:s13] =	ssyncset.done $0x0  }
0x5a: {  	[sflag:s13] =	ssyncadd.s32 $0xFFFFFE00  }
0x5b: {  	[tilespmem:s22], [sflag:$0x2] =	stream.indirect.gather [hbm4b:s4+s15], $0x10, s20, s15, $0xb8;
	[tilespmem:$0x1CEA8] =	vst v63  }
0x5c: {  	s9 =	rddreg [dreg:$0x9]  }
0x5d: {  	[tilespmem:s23], [sflag:$0x2] =	stream.indirect.gather [hbm4b:s4+s15], $0x10, s9, s15, $0xb8;
	[tilespmem:$0x1CEA8] =	vst v63  }
0x5e: {  	s10 =	rddreg [dreg:$0xa]  }
0x5f: {  	[tilespmem:s24], [sflag:$0x2] =	stream.indirect.gather [hbm4b:s4+s15], $0x10, s10, s15, $0xb8;
	[tilespmem:$0x1CEA8] =	vst v63  }
0x60: {  	s11 =	rddreg [dreg:$0xb]  }
0x61: {  	[tilespmem:s25], [sflag:$0x2] =	stream.indirect.gather [hbm4b:s4+s15], $0x10, s11, s15, $0xb8;
	[tilespmem:$0x1CEA8] =	vst v63  }
0x62: {  	_ =	swait.ge [sflag:s26], $0x800  }
0x63: {  	[sflag:s26] =	ssyncset.done $0x0  }
0x64: {  	[sflag:s26] =	ssyncadd.s32 $0xFFFFF800  }
0x65: {  	_ =	swait.ge [sflag:s26], $0x800  }
0x66: {  	[sflag:s26] =	ssyncset.done $0x0  }
0x67: {  	[sflag:s26] =	ssyncadd.s32 $0xFFFFF800  }
0x68: {  	_ =	swait.ge [sflag:s26], $0x800  }
0x69: {  	[sflag:s26] =	ssyncset.done $0x0  }
0x6a: {  	[sflag:s26] =	ssyncadd.s32 $0xFFFFF800  }
0x6b: {  	_ =	swait.ge [sflag:s26], $0x800  }
0x6c: {  	[sflag:s26] =	ssyncset.done $0x0  }
0x6d: {  	[sflag:s26] =	ssyncadd.s32 $0xFFFFF800  }
0x6e: {  	[spmem:s1] =	stream.indirect.scatter.add.f32 [tilespmem:s16], [sflag:$0x3], $0x10, s14, s15, $0xb8;
	[tilespmem:$0x1CEA8] =	vst v63  }
0x6f: {  	s12 =	rddreg [dreg:$0xc]  }
0x70: {  	[spmem:s1] =	stream.indirect.scatter.add.f32 [tilespmem:s17], [sflag:$0x3], $0x10, s12, s15, $0xb8;
	[tilespmem:$0x1CEA8] =	vst v63  }
0x71: {  	_ = 	snop  }
0x72: {  	[spmem:s1] =	stream.indirect.scatter.add.f32 [tilespmem:s18], [sflag:$0x3], $0x10, s28, s15, $0xb8;
	[tilespmem:$0x1CEA8] =	vst v63  }
0x73: {  	_ = 	snop  }
0x74: {  	[spmem:s1] =	stream.indirect.scatter.add.f32 [tilespmem:s19], [sflag:$0x3], $0x10, s29, s15, $0xb8;
	[tilespmem:$0x1CEA8] =	vst v63  }
0x75: {  	_ =	swait.ge [sflag:s30], $0x800  }
0x76: {  	[sflag:s30] =	ssyncset.done $0x0  }
0x77: {  	[sflag:s30] =	ssyncadd.s32 $0xFFFFF800  }
0x78: {  	_ =	swait.ge [sflag:s30], $0x800  }
0x79: {  	[sflag:s30] =	ssyncset.done $0x0  }
0x7a: {  	[sflag:s30] =	ssyncadd.s32 $0xFFFFF800  }
0x7b: {  	_ =	swait.ge [sflag:s30], $0x800  }
0x7c: {  	[sflag:s30] =	ssyncset.done $0x0  }
0x7d: {  	[sflag:s30] =	ssyncadd.s32 $0xFFFFF800  }
0x7e: {  	_ =	swait.ge [sflag:s30], $0x800  }
0x7f: {  	[sflag:s30] =	ssyncset.done $0x0  }
0x80: {  	[sflag:s30] =	ssyncadd.s32 $0xFFFFF800  }
0x81: {  	[spmem:s1] =	stream.indirect.scatter.add.f32 [tilespmem:s22], [sflag:$0x4], $0x10, s21, s15, $0xb8;
	[tilespmem:$0x1CEA8] =	vst v63  }
0x82: {  	p6 =	por $0x0, $0x0  }
0x83: {  	[spmem:s1] =	stream.indirect.scatter.add.f32 [tilespmem:s23], [sflag:$0x4], $0x10, s31, s15, $0xb8;
	[tilespmem:$0x1CEA8] =	vst v63  }
0x84: {  	p1 =	por p6, p6;
	s8 =	simm.s32 $0x80;
	s9 =	simm.s32 $0x100  }
0x85: {  	[spmem:s1] =	stream.indirect.scatter.add.f32 [tilespmem:s24], [sflag:$0x4], $0x10, s0, s15, $0xb8;
	[tilespmem:$0x1CEA8] =	vst v63  }
.LBB2_2:
0x86: {  	[spmem:s1] =	stream.indirect.scatter.add.f32 [tilespmem:s25], [sflag:$0x4], $0x10, s3, s15, $0xb8;
	[tilespmem:$0x1CEA8] =	vst v63  }
0x87: {  	s11 =	simm.s32 @!p1 $0x3  }
0x88: {  	_ =	swait.ge @!p1 [sflag:s11], $0x800  }
0x89: {  	[sflag:s11] =	ssyncset.done @!p1 $0x0  }
0x8a: {  	[sflag:s11] =	ssyncadd.s32 @!p1 $0xFFFFF800  }
0x8b: {  	_ =	swait.ge @!p1 [sflag:s11], $0x800  }
0x8c: {  	[sflag:s11] =	ssyncset.done @!p1 $0x0  }
0x8d: {  	[sflag:s11] =	ssyncadd.s32 @!p1 $0xFFFFF800  }
0x8e: {  	_ =	swait.ge @!p1 [sflag:s11], $0x800  }
0x8f: {  	[sflag:s11] =	ssyncset.done @!p1 $0x0  }
0x90: {  	[sflag:s11] =	ssyncadd.s32 @!p1 $0xFFFFF800  }
0x91: {  	_ =	swait.ge @!p1 [sflag:s11], $0x800  }
0x92: {  	[sflag:s11] =	ssyncset.done @!p1 $0x0;
	s12 =	rddreg [dreg:$0x6]  }
0x93: {  	[sflag:s11] =	ssyncadd.s32 @!p1 $0xFFFFF800;
	s5 =	sadd.s32 s8, s12  }
0x94: {  	[tilespmem:s2], [sflag:$0x5] =	stream.linear.gather [hbm4b:s5+s2], $0x200, $0x38;
	[tilespmem:$0x1CEA8] =	vst v63  }
0x95: {  	_ =	swait.ge [sflag:s13], $0x200  }
0x96: {  	s12 =	rddreg [dreg:$0x4]  }
0x97: {  	[sflag:s13] =	ssyncset.done $0x0;
	s11 =	sadd.s32 s8, s12  }
0x98: {  	[sflag:s13] =	ssyncadd.s32 $0xFFFFFE00;
	s5 =	sadd.s32 $0x62000, s11  }
0x99: {  	[tilespmem:s14], [sflag:$0x5] =	stream.linear.gather [hbm4b:s5+s2], $0x200, $0x38;
	[tilespmem:$0x1CEA8] =	vst v63  }
0x9a: {  	_ =	swait.ge [sflag:s13], $0x200  }
0x9b: {  	[sflag:s13] =	ssyncset.done $0x0  }
0x9c: {  	[sflag:s13] =	ssyncadd.s32 $0xFFFFFE00  }
0x9d: {  	[tilespmem:s16], [sflag:$0x1] =	stream.indirect.gather [hbm4b:s4+s15], $0x10, s2, s15, $0xb8;
	[tilespmem:$0x1CEA8] =	vst v63  }
0x9e: {  	_ = 	snop  }
0x9f: {  	[tilespmem:s17], [sflag:$0x1] =	stream.indirect.gather [hbm4b:s4+s15], $0x10, s15, s15, $0xb8;
	[tilespmem:$0x1CEA8] =	vst v63  }
0xa0: {  	s12 =	rddreg [dreg:$0x7]  }
0xa1: {  	[tilespmem:s18], [sflag:$0x1] =	stream.indirect.gather [hbm4b:s4+s15], $0x10, s12, s15, $0xb8;
	[tilespmem:$0x1CEA8] =	vst v63  }
0xa2: {  	s5 =	rddreg [dreg:$0x8];
	s12 =	simm.s32 @!p1 $0x4  }
0xa3: {  	[tilespmem:s19], [sflag:$0x1] =	stream.indirect.gather [hbm4b:s4+s15], $0x10, s5, s15, $0xb8;
	[tilespmem:$0x1CEA8] =	vst v63  }
0xa4: {  	_ =	swait.ge @!p1 [sflag:s12], $0x800  }
0xa5: {  	[sflag:s12] =	ssyncset.done @!p1 $0x0  }
0xa6: {  	[sflag:s12] =	ssyncadd.s32 @!p1 $0xFFFFF800  }
0xa7: {  	_ =	swait.ge @!p1 [sflag:s12], $0x800  }
0xa8: {  	[sflag:s12] =	ssyncset.done @!p1 $0x0  }
0xa9: {  	[sflag:s12] =	ssyncadd.s32 @!p1 $0xFFFFF800  }
0xaa: {  	_ =	swait.ge @!p1 [sflag:s12], $0x800  }
0xab: {  	[sflag:s12] =	ssyncset.done @!p1 $0x0  }
0xac: {  	[sflag:s12] =	ssyncadd.s32 @!p1 $0xFFFFF800  }
0xad: {  	_ =	swait.ge @!p1 [sflag:s12], $0x800  }
0xae: {  	s5 =	rddreg [dreg:$0x5];
	[sflag:s12] =	ssyncset.done @!p1 $0x0  }
0xaf: {  	[sflag:s12] =	ssyncadd.s32 @!p1 $0xFFFFF800;
	s5 =	sadd.s32 s8, s5  }
0xb0: {  	[tilespmem:s20], [sflag:$0x5] =	stream.linear.gather [hbm4b:s5+s2], $0x200, $0x38;
	[tilespmem:$0x1CEA8] =	vst v63  }
0xb1: {  	s10 =	smov.u32 s9;
	_ =	swait.ge [sflag:s13], $0x200  }
0xb2: {  	p3 =	seq.s32 s10, $0x0;
	[sflag:s13] =	ssyncset.done $0x0  }
0xb3: {  	s8 =	smov.u32 s10;
	s10 =	sadd.s32 $0x62040, s11;
	[sflag:s13] =	ssyncadd.s32 $0xFFFFFE00  }
0xb4: {  	[tilespmem:s21], [sflag:$0x5] =	stream.linear.gather [hbm4b:s10+s2], $0x200, $0x38;
	[tilespmem:$0x1CEA8] =	vst v63  }
0xb5: {  	_ =	swait.ge [sflag:s13], $0x200  }
0xb6: {  	[sflag:s13] =	ssyncset.done $0x0  }
0xb7: {  	[sflag:s13] =	ssyncadd.s32 $0xFFFFFE00  }
0xb8: {  	[tilespmem:s22], [sflag:$0x2] =	stream.indirect.gather [hbm4b:s4+s15], $0x10, s20, s15, $0xb8;
	[tilespmem:$0x1CEA8] =	vst v63  }
0xb9: {  	s11 =	rddreg [dreg:$0x9]  }
0xba: {  	[tilespmem:s23], [sflag:$0x2] =	stream.indirect.gather [hbm4b:s4+s15], $0x10, s11, s15, $0xb8;
	[tilespmem:$0x1CEA8] =	vst v63  }
0xbb: {  	s12 =	rddreg [dreg:$0xa]  }
0xbc: {  	[tilespmem:s24], [sflag:$0x2] =	stream.indirect.gather [hbm4b:s4+s15], $0x10, s12, s15, $0xb8;
	[tilespmem:$0x1CEA8] =	vst v63  }
0xbd: {  	s11 =	rddreg [dreg:$0xb]  }
0xbe: {  	[tilespmem:s25], [sflag:$0x2] =	stream.indirect.gather [hbm4b:s4+s15], $0x10, s11, s15, $0xb8;
	[tilespmem:$0x1CEA8] =	vst v63  }
0xbf: {  	_ =	swait.ge [sflag:s26], $0x800  }
0xc0: {  	[sflag:s26] =	ssyncset.done $0x0  }
0xc1: {  	[sflag:s26] =	ssyncadd.s32 $0xFFFFF800  }
0xc2: {  	_ =	swait.ge [sflag:s26], $0x800  }
0xc3: {  	[sflag:s26] =	ssyncset.done $0x0  }
0xc4: {  	[sflag:s26] =	ssyncadd.s32 $0xFFFFF800  }
0xc5: {  	_ =	swait.ge [sflag:s26], $0x800  }
0xc6: {  	[sflag:s26] =	ssyncset.done $0x0  }
0xc7: {  	[sflag:s26] =	ssyncadd.s32 $0xFFFFF800  }
0xc8: {  	_ =	swait.ge [sflag:s26], $0x800  }
0xc9: {  	[sflag:s26] =	ssyncset.done $0x0  }
0xca: {  	[sflag:s26] =	ssyncadd.s32 $0xFFFFF800  }
0xcb: {  	[spmem:s1] =	stream.indirect.scatter.add.f32 [tilespmem:s16], [sflag:$0x3], $0x10, s14, s15, $0xb8;
	[tilespmem:$0x1CEA8] =	vst v63  }
0xcc: {  	s12 =	rddreg [dreg:$0xc]  }
0xcd: {  	[spmem:s1] =	stream.indirect.scatter.add.f32 [tilespmem:s17], [sflag:$0x3], $0x10, s12, s15, $0xb8;
	[tilespmem:$0x1CEA8] =	vst v63  }
0xce: {  	_ = 	snop  }
0xcf: {  	[spmem:s1] =	stream.indirect.scatter.add.f32 [tilespmem:s18], [sflag:$0x3], $0x10, s28, s15, $0xb8;
	[tilespmem:$0x1CEA8] =	vst v63  }
0xd0: {  	_ = 	snop  }
0xd1: {  	[spmem:s1] =	stream.indirect.scatter.add.f32 [tilespmem:s19], [sflag:$0x3], $0x10, s29, s15, $0xb8;
	[tilespmem:$0x1CEA8] =	vst v63  }
0xd2: {  	_ =	swait.ge [sflag:s30], $0x800  }
0xd3: {  	[sflag:s30] =	ssyncset.done $0x0  }
0xd4: {  	[sflag:s30] =	ssyncadd.s32 $0xFFFFF800  }
0xd5: {  	_ =	swait.ge [sflag:s30], $0x800  }
0xd6: {  	[sflag:s30] =	ssyncset.done $0x0  }
0xd7: {  	[sflag:s30] =	ssyncadd.s32 $0xFFFFF800  }
0xd8: {  	_ =	swait.ge [sflag:s30], $0x800  }
0xd9: {  	[sflag:s30] =	ssyncset.done $0x0  }
0xda: {  	[sflag:s30] =	ssyncadd.s32 $0xFFFFF800  }
0xdb: {  	_ =	swait.ge [sflag:s30], $0x800  }
0xdc: {  	s9 =	sadd.s32 $0x80, s9;
	[sflag:s30] =	ssyncset.done $0x0  }
0xdd: {  	p2 =	sne.s32 s9, $0x3100;
	[sflag:s30] =	ssyncadd.s32 $0xFFFFF800  }
0xde: {  	[spmem:s1] =	stream.indirect.scatter.add.f32 [tilespmem:s22], [sflag:$0x4], $0x10, s21, s15, $0xb8;
	[tilespmem:$0x1CEA8] =	vst v63  }
.Ltmp0:
0xdf: {  	_ = 	snop;
	(pc) =	sbr.rel @p2 .LBB2_2-.Ltmp0, $4  }
0xe0: {  	_ = 	snop  }
0xe1: {  	[spmem:s1] =	stream.indirect.scatter.add.f32 [tilespmem:s23], [sflag:$0x4], $0x10, s31, s15, $0xb8;
	[tilespmem:$0x1CEA8] =	vst v63  }
0xe2: {  	p1 =	por p3, p3  }
0xe3: {  	[spmem:s1] =	stream.indirect.scatter.add.f32 [tilespmem:s24], [sflag:$0x4], $0x10, s0, s15, $0xb8;
	[tilespmem:$0x1CEA8] =	vst v63  }
0xe4: {  	[spmem:s1] =	stream.indirect.scatter.add.f32 [tilespmem:s25], [sflag:$0x4], $0x10, s3, s15, $0xb8;
	[tilespmem:$0x1CEA8] =	vst v63  }
0xe5: {  	s5 =	simm.s32 @!p1 $0x3  }
0xe6: {  	_ =	swait.ge @!p1 [sflag:s5], $0x800  }
0xe7: {  	[sflag:s5] =	ssyncset.done @!p1 $0x0  }
0xe8: {  	[sflag:s5] =	ssyncadd.s32 @!p1 $0xFFFFF800  }
0xe9: {  	_ =	swait.ge @!p1 [sflag:s5], $0x800  }
0xea: {  	[sflag:s5] =	ssyncset.done @!p1 $0x0  }
0xeb: {  	[sflag:s5] =	ssyncadd.s32 @!p1 $0xFFFFF800  }
0xec: {  	_ =	swait.ge @!p1 [sflag:s5], $0x800  }
0xed: {  	[sflag:s5] =	ssyncset.done @!p1 $0x0  }
0xee: {  	[sflag:s5] =	ssyncadd.s32 @!p1 $0xFFFFF800  }
0xef: {  	_ =	swait.ge @!p1 [sflag:s5], $0x800  }
0xf0: {  	s9 =	rddreg [dreg:$0x6];
	[sflag:s5] =	ssyncset.done @!p1 $0x0  }
0xf1: {  	[sflag:s5] =	ssyncadd.s32 @!p1 $0xFFFFF800;
	s12 =	sadd.s32 s8, s9  }
0xf2: {  	[tilespmem:s2], [sflag:$0x5] =	stream.linear.gather [hbm4b:s12+s2], $0x200, $0x38;
	[tilespmem:$0x1CEA8] =	vst v63  }
0xf3: {  	_ =	swait.ge [sflag:s13], $0x200  }
0xf4: {  	s9 =	rddreg [dreg:$0x4]  }
0xf5: {  	[sflag:s13] =	ssyncset.done $0x0;
	s5 =	sadd.s32 s8, s9  }
0xf6: {  	[sflag:s13] =	ssyncadd.s32 $0xFFFFFE00;
	s10 =	sadd.s32 $0x62000, s5  }
0xf7: {  	[tilespmem:s14], [sflag:$0x5] =	stream.linear.gather [hbm4b:s10+s2], $0x200, $0x38;
	[tilespmem:$0x1CEA8] =	vst v63  }
0xf8: {  	_ =	swait.ge [sflag:s13], $0x200  }
0xf9: {  	[sflag:s13] =	ssyncset.done $0x0  }
0xfa: {  	[sflag:s13] =	ssyncadd.s32 $0xFFFFFE00  }
0xfb: {  	[tilespmem:s16], [sflag:$0x1] =	stream.indirect.gather [hbm4b:s4+s15], $0x10, s2, s15, $0xb8;
	[tilespmem:$0x1CEA8] =	vst v63  }
0xfc: {  	_ = 	snop  }
0xfd: {  	[tilespmem:s17], [sflag:$0x1] =	stream.indirect.gather [hbm4b:s4+s15], $0x10, s15, s15, $0xb8;
	[tilespmem:$0x1CEA8] =	vst v63  }
0xfe: {  	s11 =	rddreg [dreg:$0x7]  }
0xff: {  	[tilespmem:s18], [sflag:$0x1] =	stream.indirect.gather [hbm4b:s4+s15], $0x10, s11, s15, $0xb8;
	[tilespmem:$0x1CEA8] =	vst v63  }
0x100: {  	s9 =	simm.s32 @!p1 $0x4;
	s10 =	rddreg [dreg:$0x8]  }
0x101: {  	[tilespmem:s19], [sflag:$0x1] =	stream.indirect.gather [hbm4b:s4+s15], $0x10, s10, s15, $0xb8;
	[tilespmem:$0x1CEA8] =	vst v63  }
0x102: {  	_ =	swait.ge @!p1 [sflag:s9], $0x800  }
0x103: {  	[sflag:s9] =	ssyncset.done @!p1 $0x0  }
0x104: {  	[sflag:s9] =	ssyncadd.s32 @!p1 $0xFFFFF800  }
0x105: {  	_ =	swait.ge @!p1 [sflag:s9], $0x800  }
0x106: {  	[sflag:s9] =	ssyncset.done @!p1 $0x0  }
0x107: {  	[sflag:s9] =	ssyncadd.s32 @!p1 $0xFFFFF800  }
0x108: {  	_ =	swait.ge @!p1 [sflag:s9], $0x800  }
0x109: {  	[sflag:s9] =	ssyncset.done @!p1 $0x0  }
0x10a: {  	[sflag:s9] =	ssyncadd.s32 @!p1 $0xFFFFF800  }
0x10b: {  	_ =	swait.ge @!p1 [sflag:s9], $0x800  }
0x10c: {  	s12 =	rddreg [dreg:$0x5];
	[sflag:s9] =	ssyncset.done @!p1 $0x0  }
0x10d: {  	[sflag:s9] =	ssyncadd.s32 @!p1 $0xFFFFF800;
	s10 =	sadd.s32 s8, s12  }
0x10e: {  	[tilespmem:s20], [sflag:$0x5] =	stream.linear.gather [hbm4b:s10+s2], $0x200, $0x38;
	[tilespmem:$0x1CEA8] =	vst v63  }
0x10f: {  	_ =	swait.ge [sflag:s13], $0x200  }
0x110: {  	[sflag:s13] =	ssyncset.done $0x0  }
0x111: {  	s5 =	sadd.s32 $0x62040, s5;
	[sflag:s13] =	ssyncadd.s32 $0xFFFFFE00  }
0x112: {  	[tilespmem:s21], [sflag:$0x5] =	stream.linear.gather [hbm4b:s5+s2], $0x200, $0x38;
	[tilespmem:$0x1CEA8] =	vst v63  }
0x113: {  	_ =	swait.ge [sflag:s13], $0x200  }
0x114: {  	[sflag:s13] =	ssyncset.done $0x0  }
0x115: {  	[sflag:s13] =	ssyncadd.s32 $0xFFFFFE00  }
0x116: {  	[tilespmem:s22], [sflag:$0x2] =	stream.indirect.gather [hbm4b:s4+s15], $0x10, s20, s15, $0xb8;
	[tilespmem:$0x1CEA8] =	vst v63  }
0x117: {  	s11 =	rddreg [dreg:$0x9]  }
0x118: {  	[tilespmem:s23], [sflag:$0x2] =	stream.indirect.gather [hbm4b:s4+s15], $0x10, s11, s15, $0xb8;
	[tilespmem:$0x1CEA8] =	vst v63  }
0x119: {  	s12 =	rddreg [dreg:$0xa]  }
0x11a: {  	[tilespmem:s24], [sflag:$0x2] =	stream.indirect.gather [hbm4b:s4+s15], $0x10, s12, s15, $0xb8;
	[tilespmem:$0x1CEA8] =	vst v63  }
0x11b: {  	s9 =	rddreg [dreg:$0xb]  }
0x11c: {  	[tilespmem:s25], [sflag:$0x2] =	stream.indirect.gather [hbm4b:s4+s15], $0x10, s9, s15, $0xb8;
	[tilespmem:$0x1CEA8] =	vst v63  }
0x11d: {  	_ =	swait.ge [sflag:s26], $0x800  }
0x11e: {  	[sflag:s26] =	ssyncset.done $0x0  }
0x11f: {  	[sflag:s26] =	ssyncadd.s32 $0xFFFFF800  }
0x120: {  	_ =	swait.ge [sflag:s26], $0x800  }
0x121: {  	[sflag:s26] =	ssyncset.done $0x0  }
0x122: {  	[sflag:s26] =	ssyncadd.s32 $0xFFFFF800  }
0x123: {  	_ =	swait.ge [sflag:s26], $0x800  }
0x124: {  	[sflag:s26] =	ssyncset.done $0x0  }
0x125: {  	[sflag:s26] =	ssyncadd.s32 $0xFFFFF800  }
0x126: {  	_ =	swait.ge [sflag:s26], $0x800  }
0x127: {  	[sflag:s26] =	ssyncset.done $0x0  }
0x128: {  	[sflag:s26] =	ssyncadd.s32 $0xFFFFF800  }
0x129: {  	[spmem:s1] =	stream.indirect.scatter.add.f32 [tilespmem:s16], [sflag:$0x3], $0x10, s14, s15, $0xb8;
	[tilespmem:$0x1CEA8] =	vst v63  }
0x12a: {  	s10 =	rddreg [dreg:$0xc]  }
0x12b: {  	[spmem:s1] =	stream.indirect.scatter.add.f32 [tilespmem:s17], [sflag:$0x3], $0x10, s10, s15, $0xb8;
	[tilespmem:$0x1CEA8] =	vst v63  }
0x12c: {  	_ = 	snop  }
0x12d: {  	[spmem:s1] =	stream.indirect.scatter.add.f32 [tilespmem:s18], [sflag:$0x3], $0x10, s28, s15, $0xb8;
	[tilespmem:$0x1CEA8] =	vst v63  }
0x12e: {  	_ = 	snop  }
0x12f: {  	[spmem:s1] =	stream.indirect.scatter.add.f32 [tilespmem:s19], [sflag:$0x3], $0x10, s29, s15, $0xb8;
	[tilespmem:$0x1CEA8] =	vst v63  }
0x130: {  	_ =	swait.ge [sflag:s30], $0x800  }
0x131: {  	[sflag:s30] =	ssyncset.done $0x0  }
0x132: {  	[sflag:s30] =	ssyncadd.s32 $0xFFFFF800  }
0x133: {  	_ =	swait.ge [sflag:s30], $0x800  }
0x134: {  	[sflag:s30] =	ssyncset.done $0x0  }
0x135: {  	[sflag:s30] =	ssyncadd.s32 $0xFFFFF800  }
0x136: {  	_ =	swait.ge [sflag:s30], $0x800  }
0x137: {  	[sflag:s30] =	ssyncset.done $0x0  }
0x138: {  	[sflag:s30] =	ssyncadd.s32 $0xFFFFF800  }
0x139: {  	_ =	swait.ge [sflag:s30], $0x800  }
0x13a: {  	[sflag:s30] =	ssyncset.done $0x0  }
0x13b: {  	[sflag:s30] =	ssyncadd.s32 $0xFFFFF800  }
0x13c: {  	[spmem:s1] =	stream.indirect.scatter.add.f32 [tilespmem:s22], [sflag:$0x4], $0x10, s21, s15, $0xb8;
	[tilespmem:$0x1CEA8] =	vst v63  }
0x13d: {  	_ = 	snop  }
0x13e: {  	[spmem:s1] =	stream.indirect.scatter.add.f32 [tilespmem:s23], [sflag:$0x4], $0x10, s31, s15, $0xb8;
	[tilespmem:$0x1CEA8] =	vst v63  }
0x13f: {  	_ = 	snop  }
0x140: {  	[spmem:s1] =	stream.indirect.scatter.add.f32 [tilespmem:s24], [sflag:$0x4], $0x10, s0, s15, $0xb8;
	[tilespmem:$0x1CEA8] =	vst v63  }
0x141: {  	s11 =	simm.s32 $0x3  }
0x142: {  	[spmem:s1] =	stream.indirect.scatter.add.f32 [tilespmem:s25], [sflag:$0x4], $0x10, s3, s15, $0xb8;
	[tilespmem:$0x1CEA8] =	vst v63  }
0x143: {  	_ =	swait.ge [sflag:s11], $0x800  }
0x144: {  	[sflag:s11] =	ssyncset.done $0x0  }
0x145: {  	[sflag:s11] =	ssyncadd.s32 $0xFFFFF800  }
0x146: {  	_ =	swait.ge [sflag:s11], $0x800  }
0x147: {  	[sflag:s11] =	ssyncset.done $0x0  }
0x148: {  	[sflag:s11] =	ssyncadd.s32 $0xFFFFF800  }
0x149: {  	_ =	swait.ge [sflag:s11], $0x800  }
0x14a: {  	[sflag:s11] =	ssyncset.done $0x0  }
0x14b: {  	[sflag:s11] =	ssyncadd.s32 $0xFFFFF800  }
0x14c: {  	_ =	swait.ge [sflag:s11], $0x800  }
0x14d: {  	[sflag:s11] =	ssyncset.done $0x0  }
0x14e: {  	[sflag:s11] =	ssyncadd.s32 $0xFFFFF800  }
0x14f: {  	_ =	swait.ge [sflag:s6], $0x800  }
0x150: {  	[sflag:s6] =	ssyncset.done $0x0  }
0x151: {  	[sflag:s6] =	ssyncadd.s32 $0xFFFFF800  }
0x152: {  	_ =	swait.ge [sflag:s6], $0x800  }
0x153: {  	[sflag:s6] =	ssyncset.done $0x0  }
0x154: {  	[sflag:s6] =	ssyncadd.s32 $0xFFFFF800  }
0x155: {  	_ =	swait.ge [sflag:s6], $0x800  }
0x156: {  	[sflag:s6] =	ssyncset.done $0x0  }
0x157: {  	[sflag:s6] =	ssyncadd.s32 $0xFFFFF800  }
0x158: {  	_ =	swait.ge [sflag:s6], $0x800  }
0x159: {  	[sflag:s6] =	ssyncset.done $0x0  }
0x15a: {  	[sflag:s6] =	ssyncadd.s32 $0xFFFFF800  }
0x15b: {  	[bflag:$0x0] =	sbarrier.arrive $0xFFFF  }
0x15c: {  	s8 =	rddreg [dreg:$0x10]  }
0x15d: {  	s5 =	simm.s32 @p0 $0x1FC5;
	s9 =	rddreg [dreg:$0x12]  }
0x15e: {  	[hbm:s8], [sflag:s5] =	dma.local @p0 [spmem:s9], $0x3020  }
0x15f: {  	s5 =	simm.s32 @p0 $0x5  }
0x160: {  	_ =	swait.ge @p0 [sflag:s5], $0x3020  }
0x161: {  	s10 =	rddreg [dreg:$0x13]  }
0x162: {  	[sflag:s5] =	ssyncset.done @p0 $0x0;
	s11 =	rddreg [dreg:$0x14]  }
0x163: {  	[sflag:s5] =	ssyncadd.s32 @p0 $0xFFFFCFE0;
	s5 =	rddreg [dreg:$0xf]  }
0x164: {  	[hbm:s5], [sflag:s10] =	dma.local @!p0 [spmem:s11], $0x30E0  }
0x165: {  	s5 =	simm.s32 @!p0 $0x5  }
0x166: {  	_ =	swait.ge @!p0 [sflag:s5], $0x30E0  }
0x167: {  	s7 =	sadd.s32 $0x1, s7;
	s12 =	rddreg [dreg:$0x11]  }
0x168: {  	p1 =	sne.s32 s7, s12  }
.Ltmp1:
0x169: {  	_ = 	snop;
	(pc) =	sbr.rel @p1 .LBB2_1-.Ltmp1, $3  }
0x16a: {  	_ =	sdelay $0x1  }
0x16b: {  	[sflag:s5] =	ssyncset.done @!p0 $0x0  }
0x16c: {  	[sflag:s5] =	ssyncadd.s32 @!p0 $0xFFFFCF20  }
0x16d: {  	_ =	sfence.sel $0x180000  }
0x16e: {  	[bflag:$0x0] =	sbarrier.arrive $0xFFFF  }
0x16f: {  	_ =	strace $0x9000004A  }
0x170: {  	s0 =	stileid.u32;
	[bflag:$0x2] =	sbarrier.arrive $0xFFFF  }
0x171: {  	p0 =	sne.s32 s0, $0x0;
	s0 =	rddreg [dreg:$0x3]  }
0x172: {  	s0 =	sadd.s32 @!p0 $0x100000, s0  }
0x173: {  	[sflag:s0] =	ssyncadd.tile.s32 @!p0 $0x1;
	_ =	shalt  }
.Lfunc_end2:
_tile_overlayer_lowered:
.L_overlay_start_2:
0x174: {  	(tag) =	ssettag $0x2  }
0x175: {  	s0 =	rddreg [dreg:$0x0];
	s2 =	stileid.u32  }
0x176: {  	s1 =	rddreg [dreg:$0x1];
	p0 =	sne.s32 s2, $0x0  }
0x177: {  	s3 =	rddreg [dreg:$0x2];
	[bflag:$0x3] =	sbarrier.arrive $0xFFFF;
	s2 =	simm.s32 @!p0 $0x1C05  }
0x178: {  	[timem:s3], [sflag:s2] =	dma.local @!p0 [hbm:s0], s1  }
0x179: {  	s0 =	simm.s32 @!p0 $0x5  }
0x17a: {  	_ =	swait.ge @!p0 [sflag:s0], s1  }
0x17b: {  	s1 =	ssub.s32 @!p0 $0x0, s1;
	[sflag:s0] =	ssyncset.done @!p0 $0x0  }
0x17c: {  	[sflag:s0] =	ssyncadd.s32 @!p0 s1  }
0x17d: {  	[bflag:$0x3] =	sbarrier.arrive $0xFFFF  }
0x17e: {  	_ =	shalt  }

// kernel: kernel.18.cloned.1.call-start
scs
__scs_entry_jumppad:
0x0: {  	(pc) =	sbr.rel $0x88, $3  }
0x1: {  	(tag) =	ssettag $0x0;
	lr =	simm.s32 $0x1  }
0x2: {  	[smem:$0x3F8F] =	sst lr;
	_ =	strace $0xD0000000  }
0x3: {  	_ = 	snop  }
0x4: {  	_ = 	snop  }
0x5: {  	_ = 	snop  }
0x6: {  	_ = 	snop  }
0x7: {  	_ = 	snop  }
__scs_overlays_trampoline_lowered:
0x8: {  	[smem:$0x3F9E] =	sst s0  }
0x9: {  	[smem:$0x3F9F] =	sst s1  }
0xa: {  	[smem:$0x3FA0] =	sst s2  }
0xb: {  	[smem:$0x3FA1] =	sst s3  }
0xc: {  	[smem:$0x3FA2] =	sst s4  }
0xd: {  	[smem:$0x3FA3] =	sst s5  }
0xe: {  	[smem:$0x3FA4] =	sst s6  }
0xf: {  	[smem:$0x3FA5] =	sst s7  }
0x10: {  	[smem:$0x3FA6] =	sst s8  }
0x11: {  	[smem:$0x3FA7] =	sst s9;
	s0 =	simm.s32 @!p0 $0x0  }
0x12: {  	s1 =	sld [smem:$0x3F8D];
	s0 =	simm.s32 @p0 $0x1  }
0x13: {  	[smem:$0x3FA8] =	sst s0;
	s0 =	simm.s32 @!p1 $0x0  }
0x14: {  	s2 =	sld [smem:$0x3F8C];
	s0 =	simm.s32 @p1 $0x1  }
0x15: {  	[smem:$0x3FA9] =	sst s0;
	s0 =	simm.s32 @!p2 $0x0  }
0x16: {  	s3 =	sld [smem:$0x3FDB];
	s0 =	simm.s32 @p2 $0x1  }
0x17: {  	s4 =	simm.s32 $0x1BF5;
	[smem:$0x3FAB] =	sst s0  }
0x18: {  	s0 =	sld [smem:$0x3F8E];
	_ =	swait.ge [sflag:s4], $0x0  }
0x19: {  	s7 =	sld [smem:$0x3F8F]  }
0x1a: {  	s8 =	sadd.s32 $0xFFFFE003, lr  }
0x1b: {  	s9 =	sadd.s32 $0xFFFFFEF7, lr;
	s5 =	simm.s32 $0xFFFFFFFF;
	p2 =	slt.u32 s8, $0xFFFFF086  }
0x1c: {  	p1 =	slt.u32 s9, $0xF7A;
	s5 =	simm.s32 @!p2 $0x0  }
0x1d: {  	s5 =	simm.s32 @p1 $0x1;
	p0 =	seq.s32 s7, s2  }
0x1e: {  	s7 =	smul.u32 @!p0 $0xF7A, s2;
	p2 =	seq.s32 @!p0 s5, $0x0  }
0x1f: {  	s9 =	smul.u32 $0xF7A, s1;
	s8 =	simm.s32 @!p0 $0x1BF5;
	p2 =	por !p2, p0  }
0x20: {  	[sflag:s8] =	ssyncset.s32 @!p0 $0xFFFFF086;
	s6 =	sadd.s32 @!p0 s3, s7;
	s7 =	simm.s32 @!p0 $0x108  }
0x21: {  	s3 =	sadd.s32 s3, s9;
	s6 =	sadd.s32 @!p0 $0x88, s6;
	s7 =	simm.s32 @p2 $0x1082  }
0x22: {  	[simem:s7], [sflag:s8] =	dma.local @!p0 [hbm:s6], $0xF7A  }
0x23: {  	s9 =	sor.u32 $0xD0000000, s2;
	s6 =	simm.s32 $0x108;
	_ =	swait.ge @!p0 [sflag:s8], $0x0  }
0x24: {  	s3 =	sadd.s32 $0x88, s3;
	s6 =	simm.s32 @!p1 $0x1082;
	[sflag:s4] =	ssyncset.s32 $0xFFFFF086  }
0x25: {  	[simem:s6], [sflag:s4] =	dma.local [hbm:s3], $0xF7A  }
0x26: {  	[smem:$0x3F8F] =	sst s1;
	(tag) =	ssettag s2;
	_ =	strace s9  }
0x27: {  	s1 =	sld [smem:$0x3F9F]  }
0x28: {  	s2 =	sld [smem:$0x3FA0]  }
0x29: {  	s4 =	sld [smem:$0x3FA2]  }
0x2a: {  	p0 =	seq.s32 s5, $0x0;
	s5 =	sld [smem:$0x3FA3]  }
0x2b: {  	s6 =	sld [smem:$0x3FA4]  }
0x2c: {  	s7 =	sld [smem:$0x3FA5]  }
0x2d: {  	s3 =	simm.s32 $0x108;
	s8 =	sld [smem:$0x3FA6]  }
0x2e: {  	s3 =	simm.s32 @!p0 $0x1082;
	s9 =	sld [smem:$0x3FA7]  }
0x2f: {  	lr =	sadd.s32 s0, s3;
	s0 =	sld [smem:$0x3F9E]  }
0x30: {  	s3 =	sld [smem:$0x3FA1]  }
0x31: {  	[smem:$0x3FAA] =	sst s10  }
0x32: {  	s10 =	sld [smem:$0x3FA8];
	_ =	sdelay $0x3  }
0x33: {  	p0 =	seq.s32 s10, $0x1;
	s10 =	sld [smem:$0x3FAA];
	_ =	sdelay $0x3  }
0x34: {  	[smem:$0x3FAA] =	sst s10  }
0x35: {  	s10 =	sld [smem:$0x3FA9];
	_ =	sdelay $0x3  }
0x36: {  	p1 =	seq.s32 s10, $0x1;
	s10 =	sld [smem:$0x3FAA];
	_ =	sdelay $0x3  }
0x37: {  	[smem:$0x3FAA] =	sst s10  }
0x38: {  	s10 =	sld [smem:$0x3FAB]  }
0x39: {  	_ = 	snop;
	(pc) =	sbr.ind lr, $3  }
0x3a: {  	_ = 	snop  }
0x3b: {  	_ = 	snop  }
0x3c: {  	p2 =	seq.s32 s10, $0x1;
	s10 =	sld [smem:$0x3FAA]  }
0x3d: {  	_ =	shalt  }
0x3e: {  	_ =	shalt  }
0x3f: {  	_ =	shalt  }
0x40: {  	_ =	shalt  }
0x41: {  	_ =	shalt  }
0x42: {  	_ =	shalt  }
0x43: {  	_ =	shalt  }
0x44: {  	_ =	shalt  }
0x45: {  	_ =	shalt  }
0x46: {  	_ =	shalt  }
0x47: {  	_ =	shalt  }
0x48: {  	_ =	shalt  }
0x49: {  	_ =	shalt  }
0x4a: {  	_ =	shalt  }
0x4b: {  	_ =	shalt  }
0x4c: {  	_ =	shalt  }
0x4d: {  	_ =	shalt  }
0x4e: {  	_ =	shalt  }
0x4f: {  	_ =	shalt  }
0x50: {  	_ =	shalt  }
0x51: {  	_ =	shalt  }
0x52: {  	_ =	shalt  }
0x53: {  	_ =	shalt  }
0x54: {  	_ =	shalt  }
0x55: {  	_ =	shalt  }
0x56: {  	_ =	shalt  }
0x57: {  	_ =	shalt  }
0x58: {  	_ =	shalt  }
0x59: {  	_ =	shalt  }
0x5a: {  	_ =	shalt  }
0x5b: {  	_ =	shalt  }
0x5c: {  	_ =	shalt  }
0x5d: {  	_ =	shalt  }
0x5e: {  	_ =	shalt  }
0x5f: {  	_ =	shalt  }
0x60: {  	_ =	shalt  }
0x61: {  	_ =	shalt  }
0x62: {  	_ =	shalt  }
0x63: {  	_ =	shalt  }
0x64: {  	_ =	shalt  }
0x65: {  	_ =	shalt  }
0x66: {  	_ =	shalt  }
0x67: {  	_ =	shalt  }
0x68: {  	_ =	shalt  }
0x69: {  	_ =	shalt  }
0x6a: {  	_ =	shalt  }
0x6b: {  	_ =	shalt  }
0x6c: {  	_ =	shalt  }
0x6d: {  	_ =	shalt  }
0x6e: {  	_ =	shalt  }
0x6f: {  	_ =	shalt  }
0x70: {  	_ =	shalt  }
0x71: {  	_ =	shalt  }
0x72: {  	_ =	shalt  }
0x73: {  	_ =	shalt  }
0x74: {  	_ =	shalt  }
0x75: {  	_ =	shalt  }
0x76: {  	_ =	shalt  }
0x77: {  	_ =	shalt  }
0x78: {  	_ =	shalt  }
0x79: {  	_ =	shalt  }
0x7a: {  	_ =	shalt  }
0x7b: {  	_ =	shalt  }
0x7c: {  	_ =	shalt  }
0x7d: {  	_ =	shalt  }
0x7e: {  	_ =	shalt  }
0x7f: {  	_ =	shalt  }
0x80: {  	_ =	shalt  }
0x81: {  	_ =	shalt  }
0x82: {  	_ =	shalt  }
0x83: {  	_ =	shalt  }
0x84: {  	_ =	shalt  }
0x85: {  	_ =	shalt  }
0x86: {  	_ =	shalt  }
0x87: {  	_ =	shalt  }
.Lfunc_end0:
.L_simem_size_0:
called_computation.2_lowered:
.L_overlay_start_0:
0x88: {  	s2 =	sld [smem:$0x3FD9]  }
0x89: {  	s3 =	sld [smem:$0x3FFE];
	_ =	sdelay $0x1  }
0x8a: {  	s1 =	srdreg.scid  }
0x8b: {  	s0 =	sand.u32 $0x1, s1  }
0x8c: {  	s17 =	sshll.u32 s0, $0xA;
	s2 =	sadd.s32 s3, s2  }
0x8d: {  	s2 =	sadd.s32 s2, s17  }
0x8e: {  	[smem:$0x3FB6] =	sst s2  }
0x8f: {  	_ = 	snop  }
0x90: {  	s2 =	sld [smem:$0x3FD0];
	(tm) =	ssettm $0x1  }
0x91: {  	s18 =	sld [smem:$0x3FFB];
	_ =	sdelay $0x3  }
0x92: {  	_ =	strace s18  }
0x93: {  	s3 =	sld [smem:$0x3FFC];
	_ =	sdelay $0x3  }
0x94: {  	_ =	strace s3  }
0x95: {  	s3 =	sld [smem:$0x3FFD];
	_ =	sdelay $0x3  }
0x96: {  	_ =	strace s3  }
0x97: {  	_ =	strace $0x8FFFFFFF  }
0x98: {  	s19 =	sld [smem:$0x3FDB];
	_ =	sdelay $0x1  }
0x99: {  	s4 =	simm.s32 $_scs_section_size  }
0x9a: {  	s5 =	simm.s32 $_size__tile_overlayer_lowered;
	s6 =	simm.s32 $_tile_overlayer_lowered  }
0x9b: {  	s22 =	simm.s32 $0x1BFF;
	s21 =	sshll.u32 s6, $0x1;
	s3 =	sadd.s32 s4, s19  }
0x9c: {  	s7 =	simm.s32 $0x0;
	s20 =	sshll.u32 s5, $0x1;
	s5 =	sadd.s32 s21, s3  }
0x9d: {  	[timem:s7], [sflag:s22] =	dma.local [hbm:s5], s20  }
0x9e: {  	_ =	swait.ge [sflag:s22], s20  }
0x9f: {  	s4 =	ssub.s32 $0x0, s20;
	[sflag:s22] =	ssyncset.done $0x0  }
0xa0: {  	[sflag:s22] =	ssyncadd.s32 s4;
	_ =	sdelay $0x1  }
0xa1: {  	s23 =	simm.s32 $0x1B8B  }
0xa2: {  	_ =	swait.ge [sflag:s23], $0x1  }
0xa3: {  	[sflag:s23] =	ssyncset.done $0x0  }
0xa4: {  	s25 =	simm.s32 $0x1B8E;
	s24 =	sld [smem:$0x3FFE];
	[sflag:s23] =	ssyncadd.s32 $0xFFFFFFFF  }
0xa5: {  	s26 =	simm.s32 $execute0_lowered;
	[smem:$0x3FD2] =	sst s25  }
0xa6: {  	s5 =	sshll.u32 s26, $0x1;
	_ =	strace $0x8000004C;
	[dreg:$0x1] =	wrdreg $0xFFFFFFFF  }
0xa7: {  	s28 =	simm.s32 $_size_execute0_lowered;
	s3 =	sadd.s32 s3, s5;
	[dreg:$0x0] =	wrdreg $0x0  }
0xa8: {  	s5 =	sshll.u32 s28, $0x1;
	[dreg:$0x2] =	wrdreg s3  }
0xa9: {  	[dreg:$0x3] =	wrdreg s5  }
0xaa: {  	[dreg:$0x4] =	wrdreg $0xC0  }
0xab: {  	_ =	task [dreg:s7], $0x5FFFF  }
0xac: {  	[dreg:$0x1] =	wrdreg $0xFFFFFFFF  }
0xad: {  	[dreg:$0x0] =	wrdreg $0x60  }
0xae: {  	[dreg:$0x2] =	wrdreg s24  }
0xaf: {  	[dreg:$0x3] =	wrdreg s2  }
0xb0: {  	[dreg:$0x4] =	wrdreg $0x48000  }
0xb1: {  	[dreg:$0x5] =	wrdreg $0x9  }
0xb2: {  	_ =	task.clear_ibuf [dreg:s7], $0x6FFFF;
	_ =	strace $0x9000004C  }
0xb3: {  	s29 =	simm.s32 $0x9;
	_ =	strace $0x8000004E  }
0xb4: {  	_ =	swait.ge [sflag:s29], $0x1  }
0xb5: {  	[sflag:s29] =	ssyncadd.s32 $0xFFFFFFFF  }
0xb6: {  	_ =	strace $0x9000004E  }
0xb7: {  	_ =	sfence  }
0xb8: {  	s30 =	sld [smem:$0x0];
	_ =	sdelay $0x2  }
0xb9: {  	s31 =	sshll.u32 s1, $0xD;
	s1 =	sshrl.u32 s1, $0x2  }
0xba: {  	s3 =	sand.u32 $0x4000, s31;
	s1 =	sadd.s32 s1, s30  }
0xbb: {  	s0 =	sor.u32 s3, s0;
	s1 =	sshll.u32 s1, $0x11  }
0xbc: {  	s0 =	sor.u32 s1, s0  }
0xbd: {  	s0 =	sadd.s32 $0x8F2B, s0  }
0xbe: {  	[sflag:s0] =	ssyncadd.remote.s32 $0x1  }
0xbf: {  	_ =	sfence.sel $0xFFFF  }
0xc0: {  	[dreg:$0x0] =	wrdreg $0xFFFFFFFF;
	(pc) =	sbr.abs _section_cstart, $3  }
0xc1: {  	[dreg:$0x1] =	wrdreg $0xFFFFFFFF  }
0xc2: {  	_ =	task.clear_ibuf [dreg:s7], $0x2FFFF;
	_ =	strace $0x9FFFFFFF  }
0xc3: {  	(tm) =	ssettm $0x7FFFFFFF  }
tec
execute0_lowered:
.L_overlay_start_1:
0x0: {  	(tag) =	ssettag $0x1  }
0x1: {  	s0 =	rddreg [dreg:$0x0]  }
0x2: {  	s2 =	rddreg [dreg:$0x1];
	s15 =	stileid.u32  }
0x3: {  	s1 =	rddreg [dreg:$0x2];
	s8 =	smul.u32 $0x18700, s15  }
0x4: {  	s3 =	simm.s32 $0x0;
	s4 =	srdreg.scid;
	s21 =	smul.u32 $0x188, s15  }
0x5: {  	s28 =	simm.s32 $0x500;
	s29 =	simm.s32 $0x580;
	s24 =	smul.u32 $0xC400, s15  }
0x6: {  	s30 =	simm.s32 $0x2;
	s5 =	sand.u32 $0x1, s4;
	s26 =	smul.u32 $0x1880, s15  }
0x7: {  	s31 =	simm.s32 $0x680;
	[smem:$0x7FF] =	sst s3;
	s10 =	smul.u32 $0x1880, s5  }
0x8: {  	s6 =	sadd.s32 $0x3A00, s0;
	s4 =	sadd.s32 $0x96A00, s0;
	s13 =	smul.u32 $0x186A00, s5  }
0x9: {  	s0 =	sadd.s32 $0xC7800, s0;
	p0 =	seq.s32 s15, $0xF;
	s14 =	smul.u32 $0x18800, s5  }
0xa: {  	_ =	strace $0x8000004D;
	s7 =	ssub.s32 $0x2, s5;
	s5 =	smul.u32 $0xC4000, s5  }
0xb: {  	s9 =	sshrl.u32 s7, $0x1;
	s12 =	sadd.s32 s8, s1;
	s11 =	sshrl.u32 s8, $0x3  }
0xc: {  	s7 =	ssub.s32 s7, s9;
	s11 =	sadd.s32 s2, s11;
	s2 =	sadd.s32 $0x2DD20, s2  }
0xd: {  	s22 =	sadd.s32 s8, s13;
	s23 =	sadd.s32 s21, s10;
	s25 =	sshrl.u32 s13, $0x3  }
0xe: {  	s13 =	sadd.s32 s14, s6;
	s5 =	sadd.s32 s24, s5;
	s12 =	sshrl.u32 @!p0 s12, $0x3  }
0xf: {  	s21 =	simm.s32 $0x100;
	s24 =	simm.s32 $0x300;
	[dreg:$0xd] =	wrdreg s11  }
0x10: {  	s11 =	sadd.s32 $0x16E900, s1;
	[dreg:$0xe] =	wrdreg s2;
	s2 =	sshrl.u32 s22, $0x3  }
0x11: {  	s14 =	sadd.s32 s26, s13;
	s16 =	sadd.s32 $0x310000, s5;
	s17 =	smax.u32 s7, $0x1  }
0x12: {  	s19 =	sshll.u32 s23, $0x4;
	s13 =	simm.s32 $0x5;
	[dreg:$0x7] =	wrdreg s21  }
0x13: {  	s22 =	simm.s32 $0x180;
	s21 =	simm.s32 $0x600;
	s23 =	simm.s32 $0x280  }
0x14: {  	[dreg:$0xa] =	wrdreg s24;
	s24 =	simm.s32 $0x3800;
	s26 =	simm.s32 $0x480  }
0x15: {  	s5 =	simm.s32 $0x3;
	s7 =	simm.s32 $0x0;
	[dreg:$0x14] =	wrdreg s12  }
0x16: {  	s2 =	sadd.s32 s0, s2;
	s0 =	sadd.s32 s0, s25;
	[dreg:$0x11] =	wrdreg s17  }
0x17: {  	[dreg:$0x4] =	wrdreg s14;
	s18 =	sshrl.u32 s16, $0x3;
	s20 =	sadd.s32 s19, s6  }
0x18: {  	s10 =	sshrl.u32 @p0 s11, $0x3;
	s14 =	simm.s32 $0x400;
	[dreg:$0x8] =	wrdreg s22  }
0x19: {  	s16 =	simm.s32 $0x800;
	s17 =	simm.s32 $0x1000;
	[dreg:$0x9] =	wrdreg s23  }
0x1a: {  	s19 =	simm.s32 $0x2000;
	s22 =	simm.s32 $0x2800;
	[dreg:$0xc] =	wrdreg s26  }
0x1b: {  	s23 =	simm.s32 $0x3000;
	s25 =	simm.s32 $0x380;
	[dreg:$0xf] =	wrdreg s2  }
0x1c: {  	s26 =	simm.s32 $0x1;
	s0 =	sadd.s32 $0x2DD20, s0;
	[dreg:$0x6] =	wrdreg s20  }
0x1d: {  	s2 =	sshll.u32 @!p0 s15, $0x6;
	s15 =	simm.s32 $0x80;
	[dreg:$0xb] =	wrdreg s25  }
0x1e: {  	s20 =	simm.s32 $0x200;
	s25 =	simm.s32 $0x4000;
	[dreg:$0x12] =	wrdreg s10  }
0x1f: {  	[dreg:$0x10] =	wrdreg s0;
	s0 =	sadd.s32 s18, s6;
	s11 =	sor.u32 @!p0 $0x1C05, s2  }
0x20: {  	s18 =	simm.s32 $0x1800;
	s2 =	simm.s32 $0x780;
	[dreg:$0x5] =	wrdreg s0  }
0x21: {  	s6 =	simm.s32 $0x4;
	s0 =	simm.s32 $0x700;
	[dreg:$0x13] =	wrdreg s11  }
.LBB2_1:
0x22: {  	s8 =	simm.s32 @p0 $0x1FC5;
	s9 =	rddreg [dreg:$0xe]  }
0x23: {  	[spmem:s10], [sflag:s8] =	dma.local @p0 [hbm:s9], $0x3020  }
0x24: {  	s8 =	simm.s32 @p0 $0x5  }
0x25: {  	_ =	swait.ge @p0 [sflag:s8], $0x3020  }
0x26: {  	[sflag:s8] =	ssyncset.done @p0 $0x0  }
0x27: {  	[sflag:s8] =	ssyncadd.s32 @p0 $0xFFFFCFE0;
	s8 =	rddreg [dreg:$0xd]  }
0x28: {  	[spmem:s12], [sflag:s11] =	dma.local @!p0 [hbm:s8], $0x30E0  }
0x29: {  	s8 =	simm.s32 @!p0 $0x5  }
0x2a: {  	_ =	swait.ge @!p0 [sflag:s8], $0x30E0  }
0x2b: {  	p1 =	por $0x1, $0x1;
	[sflag:s8] =	ssyncset.done @!p0 $0x0  }
0x2c: {  	p1 =	por p1, p1;
	[sflag:s8] =	ssyncadd.s32 @!p0 $0xFFFFCF20  }
0x2d: {  	s8 =	simm.s32 @!p1 $0x3;
	[bflag:$0x0] =	sbarrier.arrive $0xFFFF  }
0x2e: {  	_ =	swait.ge @!p1 [sflag:s8], $0x800  }
0x2f: {  	[sflag:s8] =	ssyncset.done @!p1 $0x0  }
0x30: {  	[sflag:s8] =	ssyncadd.s32 @!p1 $0xFFFFF800  }
0x31: {  	_ =	swait.ge @!p1 [sflag:s8], $0x800  }
0x32: {  	[sflag:s8] =	ssyncset.done @!p1 $0x0  }
0x33: {  	[sflag:s8] =	ssyncadd.s32 @!p1 $0xFFFFF800  }
0x34: {  	_ =	swait.ge @!p1 [sflag:s8], $0x800  }
0x35: {  	[sflag:s8] =	ssyncset.done @!p1 $0x0  }
0x36: {  	[sflag:s8] =	ssyncadd.s32 @!p1 $0xFFFFF800  }
0x37: {  	_ =	swait.ge @!p1 [sflag:s8], $0x800  }
0x38: {  	s12 =	rddreg [dreg:$0x6];
	[sflag:s8] =	ssyncset.done @!p1 $0x0  }
0x39: {  	[sflag:s8] =	ssyncadd.s32 @!p1 $0xFFFFF800;
	s9 =	sadd.s32 $0x0, s12  }
0x3a: {  	[tilespmem:s3], [sflag:$0x5] =	stream.linear.gather [hbm4b:s9+s3], $0x200, $0x38;
	[tilespmem:$0x1CEA8] =	vst v63  }
0x3b: {  	_ =	swait.ge [sflag:s13], $0x200  }
0x3c: {  	s10 =	rddreg [dreg:$0x5];
	[sflag:s13] =	ssyncset.done $0x0  }
0x3d: {  	[sflag:s13] =	ssyncadd.s32 $0xFFFFFE00;
	s8 =	sadd.s32 $0x0, s10  }
0x3e: {  	[tilespmem:s14], [sflag:$0x5] =	stream.linear.gather [hbm4b:s8+s3], $0x200, $0x38;
	[tilespmem:$0x1CEA8] =	vst v63  }
0x3f: {  	_ =	swait.ge [sflag:s13], $0x200  }
0x40: {  	[sflag:s13] =	ssyncset.done $0x0  }
0x41: {  	[sflag:s13] =	ssyncadd.s32 $0xFFFFFE00  }
0x42: {  	[tilespmem:s16], [sflag:$0x1] =	stream.indirect.gather [hbm4b:s4+s15], $0x10, s3, s15, $0xb8;
	[tilespmem:$0x1CEA8] =	vst v63  }
0x43: {  	_ = 	snop  }
0x44: {  	[tilespmem:s17], [sflag:$0x1] =	stream.indirect.gather [hbm4b:s4+s15], $0x10, s15, s15, $0xb8;
	[tilespmem:$0x1CEA8] =	vst v63  }
0x45: {  	s11 =	rddreg [dreg:$0x7]  }
0x46: {  	[tilespmem:s18], [sflag:$0x1] =	stream.indirect.gather [hbm4b:s4+s15], $0x10, s11, s15, $0xb8;
	[tilespmem:$0x1CEA8] =	vst v63  }
0x47: {  	s8 =	simm.s32 @!p1 $0x4;
	s12 =	rddreg [dreg:$0x8]  }
0x48: {  	[tilespmem:s19], [sflag:$0x1] =	stream.indirect.gather [hbm4b:s4+s15], $0x10, s12, s15, $0xb8;
	[tilespmem:$0x1CEA8] =	vst v63  }
0x49: {  	_ =	swait.ge @!p1 [sflag:s8], $0x800  }
0x4a: {  	[sflag:s8] =	ssyncset.done @!p1 $0x0  }
0x4b: {  	[sflag:s8] =	ssyncadd.s32 @!p1 $0xFFFFF800  }
0x4c: {  	_ =	swait.ge @!p1 [sflag:s8], $0x800  }
0x4d: {  	[sflag:s8] =	ssyncset.done @!p1 $0x0  }
0x4e: {  	[sflag:s8] =	ssyncadd.s32 @!p1 $0xFFFFF800  }
0x4f: {  	_ =	swait.ge @!p1 [sflag:s8], $0x800  }
0x50: {  	[sflag:s8] =	ssyncset.done @!p1 $0x0  }
0x51: {  	[sflag:s8] =	ssyncadd.s32 @!p1 $0xFFFFF800  }
0x52: {  	_ =	swait.ge @!p1 [sflag:s8], $0x800  }
0x53: {  	s10 =	rddreg [dreg:$0x4]  }
0x54: {  	[sflag:s8] =	ssyncset.done @!p1 $0x0;
	s9 =	sadd.s32 $0x0, s10  }
0x55: {  	[sflag:s8] =	ssyncadd.s32 @!p1 $0xFFFFF800;
	s11 =	sadd.s32 $0x40, s9  }
0x56: {  	[tilespmem:s20], [sflag:$0x5] =	stream.linear.gather [hbm4b:s11+s3], $0x200, $0x38;
	[tilespmem:$0x1CEA8] =	vst v63  }
0x57: {  	_ =	swait.ge [sflag:s13], $0x200  }
0x58: {  	[sflag:s13] =	ssyncset.done $0x0  }
0x59: {  	s12 =	sadd.s32 $0x62040, s9;
	[sflag:s13] =	ssyncadd.s32 $0xFFFFFE00  }
0x5a: {  	[tilespmem:s21], [sflag:$0x5] =	stream.linear.gather [hbm4b:s12+s3], $0x200, $0x38;
	[tilespmem:$0x1CEA8] =	vst v63  }
0x5b: {  	_ =	swait.ge [sflag:s13], $0x200  }
0x5c: {  	[sflag:s13] =	ssyncset.done $0x0  }
0x5d: {  	[sflag:s13] =	ssyncadd.s32 $0xFFFFFE00  }
0x5e: {  	[tilespmem:s22], [sflag:$0x2] =	stream.indirect.gather [hbm4b:s4+s15], $0x10, s20, s15, $0xb8;
	[tilespmem:$0x1CEA8] =	vst v63  }
0x5f: {  	s9 =	rddreg [dreg:$0x9]  }
0x60: {  	[tilespmem:s23], [sflag:$0x2] =	stream.indirect.gather [hbm4b:s4+s15], $0x10, s9, s15, $0xb8;
	[tilespmem:$0x1CEA8] =	vst v63  }
0x61: {  	s10 =	rddreg [dreg:$0xa]  }
0x62: {  	[tilespmem:s24], [sflag:$0x2] =	stream.indirect.gather [hbm4b:s4+s15], $0x10, s10, s15, $0xb8;
	[tilespmem:$0x1CEA8] =	vst v63  }
0x63: {  	s11 =	rddreg [dreg:$0xb]  }
0x64: {  	[tilespmem:s25], [sflag:$0x2] =	stream.indirect.gather [hbm4b:s4+s15], $0x10, s11, s15, $0xb8;
	[tilespmem:$0x1CEA8] =	vst v63  }
0x65: {  	_ =	swait.ge [sflag:s26], $0x800  }
0x66: {  	[sflag:s26] =	ssyncset.done $0x0  }
0x67: {  	[sflag:s26] =	ssyncadd.s32 $0xFFFFF800  }
0x68: {  	_ =	swait.ge [sflag:s26], $0x800  }
0x69: {  	[sflag:s26] =	ssyncset.done $0x0  }
0x6a: {  	[sflag:s26] =	ssyncadd.s32 $0xFFFFF800  }
0x6b: {  	_ =	swait.ge [sflag:s26], $0x800  }
0x6c: {  	[sflag:s26] =	ssyncset.done $0x0  }
0x6d: {  	[sflag:s26] =	ssyncadd.s32 $0xFFFFF800  }
0x6e: {  	_ =	swait.ge [sflag:s26], $0x800  }
0x6f: {  	[sflag:s26] =	ssyncset.done $0x0  }
0x70: {  	[sflag:s26] =	ssyncadd.s32 $0xFFFFF800  }
0x71: {  	[spmem:s1] =	stream.indirect.scatter.add.f32 [tilespmem:s16], [sflag:$0x3], $0x10, s14, s15, $0xb8;
	[tilespmem:$0x1CEA8] =	vst v63  }
0x72: {  	s12 =	rddreg [dreg:$0xc]  }
0x73: {  	[spmem:s1] =	stream.indirect.scatter.add.f32 [tilespmem:s17], [sflag:$0x3], $0x10, s12, s15, $0xb8;
	[tilespmem:$0x1CEA8] =	vst v63  }
0x74: {  	_ = 	snop  }
0x75: {  	[spmem:s1] =	stream.indirect.scatter.add.f32 [tilespmem:s18], [sflag:$0x3], $0x10, s28, s15, $0xb8;
	[tilespmem:$0x1CEA8] =	vst v63  }
0x76: {  	_ = 	snop  }
0x77: {  	[spmem:s1] =	stream.indirect.scatter.add.f32 [tilespmem:s19], [sflag:$0x3], $0x10, s29, s15, $0xb8;
	[tilespmem:$0x1CEA8] =	vst v63  }
0x78: {  	_ =	swait.ge [sflag:s30], $0x800  }
0x79: {  	[sflag:s30] =	ssyncset.done $0x0  }
0x7a: {  	[sflag:s30] =	ssyncadd.s32 $0xFFFFF800  }
0x7b: {  	_ =	swait.ge [sflag:s30], $0x800  }
0x7c: {  	[sflag:s30] =	ssyncset.done $0x0  }
0x7d: {  	[sflag:s30] =	ssyncadd.s32 $0xFFFFF800  }
0x7e: {  	_ =	swait.ge [sflag:s30], $0x800  }
0x7f: {  	[sflag:s30] =	ssyncset.done $0x0  }
0x80: {  	[sflag:s30] =	ssyncadd.s32 $0xFFFFF800  }
0x81: {  	_ =	swait.ge [sflag:s30], $0x800  }
0x82: {  	[sflag:s30] =	ssyncset.done $0x0  }
0x83: {  	[sflag:s30] =	ssyncadd.s32 $0xFFFFF800  }
0x84: {  	[spmem:s1] =	stream.indirect.scatter.add.f32 [tilespmem:s22], [sflag:$0x4], $0x10, s21, s15, $0xb8;
	[tilespmem:$0x1CEA8] =	vst v63  }
0x85: {  	p6 =	por $0x0, $0x0  }
0x86: {  	[spmem:s1] =	stream.indirect.scatter.add.f32 [tilespmem:s23], [sflag:$0x4], $0x10, s31, s15, $0xb8;
	[tilespmem:$0x1CEA8] =	vst v63  }
0x87: {  	s8 =	simm.s32 $0x80;
	p1 =	por p6, p6;
	s9 =	simm.s32 $0x100  }
0x88: {  	[spmem:s1] =	stream.indirect.scatter.add.f32 [tilespmem:s24], [sflag:$0x4], $0x10, s0, s15, $0xb8;
	[tilespmem:$0x1CEA8] =	vst v63  }
.LBB2_2:
0x89: {  	[spmem:s1] =	stream.indirect.scatter.add.f32 [tilespmem:s25], [sflag:$0x4], $0x10, s2, s15, $0xb8;
	[tilespmem:$0x1CEA8] =	vst v63  }
0x8a: {  	s11 =	simm.s32 @!p1 $0x3  }
0x8b: {  	_ =	swait.ge @!p1 [sflag:s11], $0x800  }
0x8c: {  	[sflag:s11] =	ssyncset.done @!p1 $0x0  }
0x8d: {  	[sflag:s11] =	ssyncadd.s32 @!p1 $0xFFFFF800  }
0x8e: {  	_ =	swait.ge @!p1 [sflag:s11], $0x800  }
0x8f: {  	[sflag:s11] =	ssyncset.done @!p1 $0x0  }
0x90: {  	[sflag:s11] =	ssyncadd.s32 @!p1 $0xFFFFF800  }
0x91: {  	_ =	swait.ge @!p1 [sflag:s11], $0x800  }
0x92: {  	[sflag:s11] =	ssyncset.done @!p1 $0x0  }
0x93: {  	[sflag:s11] =	ssyncadd.s32 @!p1 $0xFFFFF800  }
0x94: {  	_ =	swait.ge @!p1 [sflag:s11], $0x800  }
0x95: {  	[sflag:s11] =	ssyncset.done @!p1 $0x0;
	s12 =	rddreg [dreg:$0x6]  }
0x96: {  	[sflag:s11] =	ssyncadd.s32 @!p1 $0xFFFFF800;
	s12 =	sadd.s32 s8, s12  }
0x97: {  	[tilespmem:s3], [sflag:$0x5] =	stream.linear.gather [hbm4b:s12+s3], $0x200, $0x38;
	[tilespmem:$0x1CEA8] =	vst v63  }
0x98: {  	_ =	swait.ge [sflag:s13], $0x200  }
0x99: {  	s12 =	rddreg [dreg:$0x5];
	[sflag:s13] =	ssyncset.done $0x0  }
0x9a: {  	[sflag:s13] =	ssyncadd.s32 $0xFFFFFE00;
	s11 =	sadd.s32 s8, s12  }
0x9b: {  	[tilespmem:s14], [sflag:$0x5] =	stream.linear.gather [hbm4b:s11+s3], $0x200, $0x38;
	[tilespmem:$0x1CEA8] =	vst v63  }
0x9c: {  	_ =	swait.ge [sflag:s13], $0x200  }
0x9d: {  	[sflag:s13] =	ssyncset.done $0x0  }
0x9e: {  	[sflag:s13] =	ssyncadd.s32 $0xFFFFFE00  }
0x9f: {  	[tilespmem:s16], [sflag:$0x1] =	stream.indirect.gather [hbm4b:s4+s15], $0x10, s3, s15, $0xb8;
	[tilespmem:$0x1CEA8] =	vst v63  }
0xa0: {  	_ = 	snop  }
0xa1: {  	[tilespmem:s17], [sflag:$0x1] =	stream.indirect.gather [hbm4b:s4+s15], $0x10, s15, s15, $0xb8;
	[tilespmem:$0x1CEA8] =	vst v63  }
0xa2: {  	s11 =	rddreg [dreg:$0x7]  }
0xa3: {  	[tilespmem:s18], [sflag:$0x1] =	stream.indirect.gather [hbm4b:s4+s15], $0x10, s11, s15, $0xb8;
	[tilespmem:$0x1CEA8] =	vst v63  }
0xa4: {  	s12 =	rddreg [dreg:$0x8];
	s11 =	simm.s32 @!p1 $0x4  }
0xa5: {  	[tilespmem:s19], [sflag:$0x1] =	stream.indirect.gather [hbm4b:s4+s15], $0x10, s12, s15, $0xb8;
	[tilespmem:$0x1CEA8] =	vst v63  }
0xa6: {  	_ =	swait.ge @!p1 [sflag:s11], $0x800  }
0xa7: {  	[sflag:s11] =	ssyncset.done @!p1 $0x0  }
0xa8: {  	[sflag:s11] =	ssyncadd.s32 @!p1 $0xFFFFF800  }
0xa9: {  	_ =	swait.ge @!p1 [sflag:s11], $0x800  }
0xaa: {  	[sflag:s11] =	ssyncset.done @!p1 $0x0  }
0xab: {  	[sflag:s11] =	ssyncadd.s32 @!p1 $0xFFFFF800  }
0xac: {  	_ =	swait.ge @!p1 [sflag:s11], $0x800  }
0xad: {  	[sflag:s11] =	ssyncset.done @!p1 $0x0  }
0xae: {  	[sflag:s11] =	ssyncadd.s32 @!p1 $0xFFFFF800  }
0xaf: {  	_ =	swait.ge @!p1 [sflag:s11], $0x800  }
0xb0: {  	s12 =	rddreg [dreg:$0x4]  }
0xb1: {  	[sflag:s11] =	ssyncset.done @!p1 $0x0;
	s12 =	sadd.s32 s8, s12  }
0xb2: {  	[sflag:s11] =	ssyncadd.s32 @!p1 $0xFFFFF800;
	s11 =	sadd.s32 $0x40, s12  }
0xb3: {  	[tilespmem:s20], [sflag:$0x5] =	stream.linear.gather [hbm4b:s11+s3], $0x200, $0x38;
	[tilespmem:$0x1CEA8] =	vst v63  }
0xb4: {  	_ =	swait.ge [sflag:s13], $0x200  }
0xb5: {  	[sflag:s13] =	ssyncset.done $0x0  }
0xb6: {  	s11 =	sadd.s32 $0x62040, s12;
	[sflag:s13] =	ssyncadd.s32 $0xFFFFFE00  }
0xb7: {  	[tilespmem:s21], [sflag:$0x5] =	stream.linear.gather [hbm4b:s11+s3], $0x200, $0x38;
	[tilespmem:$0x1CEA8] =	vst v63  }
0xb8: {  	_ =	swait.ge [sflag:s13], $0x200  }
0xb9: {  	[sflag:s13] =	ssyncset.done $0x0  }
0xba: {  	[sflag:s13] =	ssyncadd.s32 $0xFFFFFE00  }
0xbb: {  	[tilespmem:s22], [sflag:$0x2] =	stream.indirect.gather [hbm4b:s4+s15], $0x10, s20, s15, $0xb8;
	[tilespmem:$0x1CEA8] =	vst v63  }
0xbc: {  	s12 =	rddreg [dreg:$0x9]  }
0xbd: {  	[tilespmem:s23], [sflag:$0x2] =	stream.indirect.gather [hbm4b:s4+s15], $0x10, s12, s15, $0xb8;
	[tilespmem:$0x1CEA8] =	vst v63  }
0xbe: {  	s11 =	rddreg [dreg:$0xa]  }
0xbf: {  	[tilespmem:s24], [sflag:$0x2] =	stream.indirect.gather [hbm4b:s4+s15], $0x10, s11, s15, $0xb8;
	[tilespmem:$0x1CEA8] =	vst v63  }
0xc0: {  	s12 =	rddreg [dreg:$0xb]  }
0xc1: {  	[tilespmem:s25], [sflag:$0x2] =	stream.indirect.gather [hbm4b:s4+s15], $0x10, s12, s15, $0xb8;
	[tilespmem:$0x1CEA8] =	vst v63  }
0xc2: {  	_ =	swait.ge [sflag:s26], $0x800  }
0xc3: {  	[sflag:s26] =	ssyncset.done $0x0  }
0xc4: {  	[sflag:s26] =	ssyncadd.s32 $0xFFFFF800  }
0xc5: {  	_ =	swait.ge [sflag:s26], $0x800  }
0xc6: {  	[sflag:s26] =	ssyncset.done $0x0  }
0xc7: {  	[sflag:s26] =	ssyncadd.s32 $0xFFFFF800  }
0xc8: {  	_ =	swait.ge [sflag:s26], $0x800  }
0xc9: {  	[sflag:s26] =	ssyncset.done $0x0  }
0xca: {  	[sflag:s26] =	ssyncadd.s32 $0xFFFFF800  }
0xcb: {  	_ =	swait.ge [sflag:s26], $0x800  }
0xcc: {  	[sflag:s26] =	ssyncset.done $0x0  }
0xcd: {  	[sflag:s26] =	ssyncadd.s32 $0xFFFFF800  }
0xce: {  	[spmem:s1] =	stream.indirect.scatter.add.f32 [tilespmem:s16], [sflag:$0x3], $0x10, s14, s15, $0xb8;
	[tilespmem:$0x1CEA8] =	vst v63  }
0xcf: {  	s12 =	rddreg [dreg:$0xc]  }
0xd0: {  	[spmem:s1] =	stream.indirect.scatter.add.f32 [tilespmem:s17], [sflag:$0x3], $0x10, s12, s15, $0xb8;
	[tilespmem:$0x1CEA8] =	vst v63  }
0xd1: {  	_ = 	snop  }
0xd2: {  	[spmem:s1] =	stream.indirect.scatter.add.f32 [tilespmem:s18], [sflag:$0x3], $0x10, s28, s15, $0xb8;
	[tilespmem:$0x1CEA8] =	vst v63  }
0xd3: {  	_ = 	snop  }
0xd4: {  	[spmem:s1] =	stream.indirect.scatter.add.f32 [tilespmem:s19], [sflag:$0x3], $0x10, s29, s15, $0xb8;
	[tilespmem:$0x1CEA8] =	vst v63  }
0xd5: {  	_ =	swait.ge [sflag:s30], $0x800  }
0xd6: {  	[sflag:s30] =	ssyncset.done $0x0  }
0xd7: {  	[sflag:s30] =	ssyncadd.s32 $0xFFFFF800  }
0xd8: {  	_ =	swait.ge [sflag:s30], $0x800  }
0xd9: {  	[sflag:s30] =	ssyncset.done $0x0  }
0xda: {  	[sflag:s30] =	ssyncadd.s32 $0xFFFFF800  }
0xdb: {  	_ =	swait.ge [sflag:s30], $0x800  }
0xdc: {  	[sflag:s30] =	ssyncset.done $0x0  }
0xdd: {  	[sflag:s30] =	ssyncadd.s32 $0xFFFFF800  }
0xde: {  	_ =	swait.ge [sflag:s30], $0x800  }
0xdf: {  	s10 =	smov.u32 s9;
	s9 =	sadd.s32 $0x80, s9;
	[sflag:s30] =	ssyncset.done $0x0  }
0xe0: {  	p2 =	sne.s32 s9, $0x1880;
	[sflag:s30] =	ssyncadd.s32 $0xFFFFF800  }
0xe1: {  	[spmem:s1] =	stream.indirect.scatter.add.f32 [tilespmem:s22], [sflag:$0x4], $0x10, s21, s15, $0xb8;
	[tilespmem:$0x1CEA8] =	vst v63  }
.Ltmp0:
0xe2: {  	_ = 	snop;
	(pc) =	sbr.rel @p2 .LBB2_2-.Ltmp0, $4  }
0xe3: {  	p3 =	seq.s32 s10, $0x0  }
0xe4: {  	[spmem:s1] =	stream.indirect.scatter.add.f32 [tilespmem:s23], [sflag:$0x4], $0x10, s31, s15, $0xb8;
	[tilespmem:$0x1CEA8] =	vst v63  }
0xe5: {  	s8 =	smov.u32 s10;
	p1 =	por p3, p3  }
0xe6: {  	[spmem:s1] =	stream.indirect.scatter.add.f32 [tilespmem:s24], [sflag:$0x4], $0x10, s0, s15, $0xb8;
	[tilespmem:$0x1CEA8] =	vst v63  }
0xe7: {  	[spmem:s1] =	stream.indirect.scatter.add.f32 [tilespmem:s25], [sflag:$0x4], $0x10, s2, s15, $0xb8;
	[tilespmem:$0x1CEA8] =	vst v63  }
0xe8: {  	s9 =	simm.s32 @!p1 $0x3  }
0xe9: {  	_ =	swait.ge @!p1 [sflag:s9], $0x800  }
0xea: {  	[sflag:s9] =	ssyncset.done @!p1 $0x0  }
0xeb: {  	[sflag:s9] =	ssyncadd.s32 @!p1 $0xFFFFF800  }
0xec: {  	_ =	swait.ge @!p1 [sflag:s9], $0x800  }
0xed: {  	[sflag:s9] =	ssyncset.done @!p1 $0x0  }
0xee: {  	[sflag:s9] =	ssyncadd.s32 @!p1 $0xFFFFF800  }
0xef: {  	_ =	swait.ge @!p1 [sflag:s9], $0x800  }
0xf0: {  	[sflag:s9] =	ssyncset.done @!p1 $0x0  }
0xf1: {  	[sflag:s9] =	ssyncadd.s32 @!p1 $0xFFFFF800  }
0xf2: {  	_ =	swait.ge @!p1 [sflag:s9], $0x800  }
0xf3: {  	s10 =	rddreg [dreg:$0x6];
	[sflag:s9] =	ssyncset.done @!p1 $0x0  }
0xf4: {  	[sflag:s9] =	ssyncadd.s32 @!p1 $0xFFFFF800;
	s11 =	sadd.s32 s8, s10  }
0xf5: {  	[tilespmem:s3], [sflag:$0x5] =	stream.linear.gather [hbm4b:s11+s3], $0x200, $0x38;
	[tilespmem:$0x1CEA8] =	vst v63  }
0xf6: {  	_ =	swait.ge [sflag:s13], $0x200  }
0xf7: {  	s12 =	rddreg [dreg:$0x5];
	[sflag:s13] =	ssyncset.done $0x0  }
0xf8: {  	[sflag:s13] =	ssyncadd.s32 $0xFFFFFE00;
	s9 =	sadd.s32 s8, s12  }
0xf9: {  	[tilespmem:s14], [sflag:$0x5] =	stream.linear.gather [hbm4b:s9+s3], $0x200, $0x38;
	[tilespmem:$0x1CEA8] =	vst v63  }
0xfa: {  	_ =	swait.ge [sflag:s13], $0x200  }
0xfb: {  	[sflag:s13] =	ssyncset.done $0x0  }
0xfc: {  	[sflag:s13] =	ssyncadd.s32 $0xFFFFFE00  }
0xfd: {  	[tilespmem:s16], [sflag:$0x1] =	stream.indirect.gather [hbm4b:s4+s15], $0x10, s3, s15, $0xb8;
	[tilespmem:$0x1CEA8] =	vst v63  }
0xfe: {  	_ = 	snop  }
0xff: {  	[tilespmem:s17], [sflag:$0x1] =	stream.indirect.gather [hbm4b:s4+s15], $0x10, s15, s15, $0xb8;
	[tilespmem:$0x1CEA8] =	vst v63  }
0x100: {  	s10 =	rddreg [dreg:$0x7]  }
0x101: {  	[tilespmem:s18], [sflag:$0x1] =	stream.indirect.gather [hbm4b:s4+s15], $0x10, s10, s15, $0xb8;
	[tilespmem:$0x1CEA8] =	vst v63  }
0x102: {  	s9 =	simm.s32 @!p1 $0x4;
	s11 =	rddreg [dreg:$0x8]  }
0x103: {  	[tilespmem:s19], [sflag:$0x1] =	stream.indirect.gather [hbm4b:s4+s15], $0x10, s11, s15, $0xb8;
	[tilespmem:$0x1CEA8] =	vst v63  }
0x104: {  	_ =	swait.ge @!p1 [sflag:s9], $0x800  }
0x105: {  	[sflag:s9] =	ssyncset.done @!p1 $0x0  }
0x106: {  	[sflag:s9] =	ssyncadd.s32 @!p1 $0xFFFFF800  }
0x107: {  	_ =	swait.ge @!p1 [sflag:s9], $0x800  }
0x108: {  	[sflag:s9] =	ssyncset.done @!p1 $0x0  }
0x109: {  	[sflag:s9] =	ssyncadd.s32 @!p1 $0xFFFFF800  }
0x10a: {  	_ =	swait.ge @!p1 [sflag:s9], $0x800  }
0x10b: {  	[sflag:s9] =	ssyncset.done @!p1 $0x0  }
0x10c: {  	[sflag:s9] =	ssyncadd.s32 @!p1 $0xFFFFF800  }
0x10d: {  	_ =	swait.ge @!p1 [sflag:s9], $0x800  }
0x10e: {  	s12 =	rddreg [dreg:$0x4]  }
0x10f: {  	[sflag:s9] =	ssyncset.done @!p1 $0x0;
	s11 =	sadd.s32 s8, s12  }
0x110: {  	[sflag:s9] =	ssyncadd.s32 @!p1 $0xFFFFF800;
	s12 =	sadd.s32 $0x40, s11  }
0x111: {  	[tilespmem:s20], [sflag:$0x5] =	stream.linear.gather [hbm4b:s12+s3], $0x200, $0x38;
	[tilespmem:$0x1CEA8] =	vst v63  }
0x112: {  	_ =	swait.ge [sflag:s13], $0x200  }
0x113: {  	[sflag:s13] =	ssyncset.done $0x0  }
0x114: {  	s8 =	sadd.s32 $0x62040, s11;
	[sflag:s13] =	ssyncadd.s32 $0xFFFFFE00  }
0x115: {  	[tilespmem:s21], [sflag:$0x5] =	stream.linear.gather [hbm4b:s8+s3], $0x200, $0x38;
	[tilespmem:$0x1CEA8] =	vst v63  }
0x116: {  	_ =	swait.ge [sflag:s13], $0x200  }
0x117: {  	[sflag:s13] =	ssyncset.done $0x0  }
0x118: {  	[sflag:s13] =	ssyncadd.s32 $0xFFFFFE00  }
0x119: {  	[tilespmem:s22], [sflag:$0x2] =	stream.indirect.gather [hbm4b:s4+s15], $0x10, s20, s15, $0xb8;
	[tilespmem:$0x1CEA8] =	vst v63  }
0x11a: {  	s9 =	rddreg [dreg:$0x9]  }
0x11b: {  	[tilespmem:s23], [sflag:$0x2] =	stream.indirect.gather [hbm4b:s4+s15], $0x10, s9, s15, $0xb8;
	[tilespmem:$0x1CEA8] =	vst v63  }
0x11c: {  	s10 =	rddreg [dreg:$0xa]  }
0x11d: {  	[tilespmem:s24], [sflag:$0x2] =	stream.indirect.gather [hbm4b:s4+s15], $0x10, s10, s15, $0xb8;
	[tilespmem:$0x1CEA8] =	vst v63  }
0x11e: {  	s11 =	rddreg [dreg:$0xb]  }
0x11f: {  	[tilespmem:s25], [sflag:$0x2] =	stream.indirect.gather [hbm4b:s4+s15], $0x10, s11, s15, $0xb8;
	[tilespmem:$0x1CEA8] =	vst v63  }
0x120: {  	_ =	swait.ge [sflag:s26], $0x800  }
0x121: {  	[sflag:s26] =	ssyncset.done $0x0  }
0x122: {  	[sflag:s26] =	ssyncadd.s32 $0xFFFFF800  }
0x123: {  	_ =	swait.ge [sflag:s26], $0x800  }
0x124: {  	[sflag:s26] =	ssyncset.done $0x0  }
0x125: {  	[sflag:s26] =	ssyncadd.s32 $0xFFFFF800  }
0x126: {  	_ =	swait.ge [sflag:s26], $0x800  }
0x127: {  	[sflag:s26] =	ssyncset.done $0x0  }
0x128: {  	[sflag:s26] =	ssyncadd.s32 $0xFFFFF800  }
0x129: {  	_ =	swait.ge [sflag:s26], $0x800  }
0x12a: {  	[sflag:s26] =	ssyncset.done $0x0  }
0x12b: {  	[sflag:s26] =	ssyncadd.s32 $0xFFFFF800  }
0x12c: {  	[spmem:s1] =	stream.indirect.scatter.add.f32 [tilespmem:s16], [sflag:$0x3], $0x10, s14, s15, $0xb8;
	[tilespmem:$0x1CEA8] =	vst v63  }
0x12d: {  	s12 =	rddreg [dreg:$0xc]  }
0x12e: {  	[spmem:s1] =	stream.indirect.scatter.add.f32 [tilespmem:s17], [sflag:$0x3], $0x10, s12, s15, $0xb8;
	[tilespmem:$0x1CEA8] =	vst v63  }
0x12f: {  	_ = 	snop  }
0x130: {  	[spmem:s1] =	stream.indirect.scatter.add.f32 [tilespmem:s18], [sflag:$0x3], $0x10, s28, s15, $0xb8;
	[tilespmem:$0x1CEA8] =	vst v63  }
0x131: {  	_ = 	snop  }
0x132: {  	[spmem:s1] =	stream.indirect.scatter.add.f32 [tilespmem:s19], [sflag:$0x3], $0x10, s29, s15, $0xb8;
	[tilespmem:$0x1CEA8] =	vst v63  }
0x133: {  	_ =	swait.ge [sflag:s30], $0x800  }
0x134: {  	[sflag:s30] =	ssyncset.done $0x0  }
0x135: {  	[sflag:s30] =	ssyncadd.s32 $0xFFFFF800  }
0x136: {  	_ =	swait.ge [sflag:s30], $0x800  }
0x137: {  	[sflag:s30] =	ssyncset.done $0x0  }
0x138: {  	[sflag:s30] =	ssyncadd.s32 $0xFFFFF800  }
0x139: {  	_ =	swait.ge [sflag:s30], $0x800  }
0x13a: {  	[sflag:s30] =	ssyncset.done $0x0  }
0x13b: {  	[sflag:s30] =	ssyncadd.s32 $0xFFFFF800  }
0x13c: {  	_ =	swait.ge [sflag:s30], $0x800  }
0x13d: {  	[sflag:s30] =	ssyncset.done $0x0  }
0x13e: {  	[sflag:s30] =	ssyncadd.s32 $0xFFFFF800  }
0x13f: {  	[spmem:s1] =	stream.indirect.scatter.add.f32 [tilespmem:s22], [sflag:$0x4], $0x10, s21, s15, $0xb8;
	[tilespmem:$0x1CEA8] =	vst v63  }
0x140: {  	_ = 	snop  }
0x141: {  	[spmem:s1] =	stream.indirect.scatter.add.f32 [tilespmem:s23], [sflag:$0x4], $0x10, s31, s15, $0xb8;
	[tilespmem:$0x1CEA8] =	vst v63  }
0x142: {  	_ = 	snop  }
0x143: {  	[spmem:s1] =	stream.indirect.scatter.add.f32 [tilespmem:s24], [sflag:$0x4], $0x10, s0, s15, $0xb8;
	[tilespmem:$0x1CEA8] =	vst v63  }
0x144: {  	_ = 	snop  }
0x145: {  	[spmem:s1] =	stream.indirect.scatter.add.f32 [tilespmem:s25], [sflag:$0x4], $0x10, s2, s15, $0xb8;
	[tilespmem:$0x1CEA8] =	vst v63  }
0x146: {  	_ =	swait.ge [sflag:s5], $0x800  }
0x147: {  	[sflag:s5] =	ssyncset.done $0x0  }
0x148: {  	[sflag:s5] =	ssyncadd.s32 $0xFFFFF800  }
0x149: {  	_ =	swait.ge [sflag:s5], $0x800  }
0x14a: {  	[sflag:s5] =	ssyncset.done $0x0  }
0x14b: {  	[sflag:s5] =	ssyncadd.s32 $0xFFFFF800  }
0x14c: {  	_ =	swait.ge [sflag:s5], $0x800  }
0x14d: {  	[sflag:s5] =	ssyncset.done $0x0  }
0x14e: {  	[sflag:s5] =	ssyncadd.s32 $0xFFFFF800  }
0x14f: {  	_ =	swait.ge [sflag:s5], $0x800  }
0x150: {  	[sflag:s5] =	ssyncset.done $0x0  }
0x151: {  	[sflag:s5] =	ssyncadd.s32 $0xFFFFF800  }
0x152: {  	_ =	swait.ge [sflag:s6], $0x800  }
0x153: {  	[sflag:s6] =	ssyncset.done $0x0  }
0x154: {  	[sflag:s6] =	ssyncadd.s32 $0xFFFFF800  }
0x155: {  	_ =	swait.ge [sflag:s6], $0x800  }
0x156: {  	[sflag:s6] =	ssyncset.done $0x0  }
0x157: {  	[sflag:s6] =	ssyncadd.s32 $0xFFFFF800  }
0x158: {  	_ =	swait.ge [sflag:s6], $0x800  }
0x159: {  	[sflag:s6] =	ssyncset.done $0x0  }
0x15a: {  	[sflag:s6] =	ssyncadd.s32 $0xFFFFF800  }
0x15b: {  	_ =	swait.ge [sflag:s6], $0x800  }
0x15c: {  	[sflag:s6] =	ssyncset.done $0x0  }
0x15d: {  	[sflag:s6] =	ssyncadd.s32 $0xFFFFF800  }
0x15e: {  	[bflag:$0x0] =	sbarrier.arrive $0xFFFF  }
0x15f: {  	s9 =	rddreg [dreg:$0x10]  }
0x160: {  	s8 =	simm.s32 @p0 $0x1FC5;
	s10 =	rddreg [dreg:$0x12]  }
0x161: {  	[hbm:s9], [sflag:s8] =	dma.local @p0 [spmem:s10], $0x3020  }
0x162: {  	s8 =	simm.s32 @p0 $0x5  }
0x163: {  	_ =	swait.ge @p0 [sflag:s8], $0x3020  }
0x164: {  	s11 =	rddreg [dreg:$0x13]  }
0x165: {  	[sflag:s8] =	ssyncset.done @p0 $0x0;
	s12 =	rddreg [dreg:$0x14]  }
0x166: {  	[sflag:s8] =	ssyncadd.s32 @p0 $0xFFFFCFE0;
	s8 =	rddreg [dreg:$0xf]  }
0x167: {  	[hbm:s8], [sflag:s11] =	dma.local @!p0 [spmem:s12], $0x30E0  }
0x168: {  	s8 =	simm.s32 @!p0 $0x5  }
0x169: {  	_ =	swait.ge @!p0 [sflag:s8], $0x30E0  }
0x16a: {  	s7 =	sadd.s32 $0x1, s7;
	s9 =	rddreg [dreg:$0x11]  }
0x16b: {  	p1 =	sne.s32 s7, s9  }
.Ltmp1:
0x16c: {  	_ = 	snop;
	(pc) =	sbr.rel @p1 .LBB2_1-.Ltmp1, $3  }
0x16d: {  	_ =	sdelay $0x1  }
0x16e: {  	[sflag:s8] =	ssyncset.done @!p0 $0x0  }
0x16f: {  	[sflag:s8] =	ssyncadd.s32 @!p0 $0xFFFFCF20  }
0x170: {  	_ =	sfence.sel $0x180000  }
0x171: {  	[bflag:$0x0] =	sbarrier.arrive $0xFFFF  }
0x172: {  	_ =	strace $0x9000004D  }
0x173: {  	s0 =	stileid.u32;
	[bflag:$0x2] =	sbarrier.arrive $0xFFFF  }
0x174: {  	p0 =	sne.s32 s0, $0x0;
	s0 =	rddreg [dreg:$0x3]  }
0x175: {  	s0 =	sadd.s32 @!p0 $0x100000, s0  }
0x176: {  	[sflag:s0] =	ssyncadd.tile.s32 @!p0 $0x1;
	_ =	shalt  }
.Lfunc_end2:
_tile_overlayer_lowered:
.L_overlay_start_2:
0x177: {  	(tag) =	ssettag $0x2  }
0x178: {  	s0 =	rddreg [dreg:$0x0];
	s2 =	stileid.u32  }
0x179: {  	s1 =	rddreg [dreg:$0x1];
	p0 =	sne.s32 s2, $0x0  }
0x17a: {  	s3 =	rddreg [dreg:$0x2];
	[bflag:$0x3] =	sbarrier.arrive $0xFFFF;
	s2 =	simm.s32 @!p0 $0x1C05  }
0x17b: {  	[timem:s3], [sflag:s2] =	dma.local @!p0 [hbm:s0], s1  }
0x17c: {  	s0 =	simm.s32 @!p0 $0x5  }
0x17d: {  	_ =	swait.ge @!p0 [sflag:s0], s1  }
0x17e: {  	s1 =	ssub.s32 @!p0 $0x0, s1;
	[sflag:s0] =	ssyncset.done @!p0 $0x0  }
0x17f: {  	[sflag:s0] =	ssyncadd.s32 @!p0 s1  }
0x180: {  	[bflag:$0x3] =	sbarrier.arrive $0xFFFF  }
0x181: {  	_ =	shalt  }

</sc_bundles>
